<compile_context>
chip_gen: v7x
topology: tpu7x:2x2x1
jax: 0.10.2.dev20260603
libtpu: 0.0.44.dev20260713+nightly
codegen_flags: <defaults>
</compile_context>

<pallas_src>
import jax
import jax.numpy as jnp
from jax import lax
from jax.experimental import pallas as pl
from jax.experimental.pallas import tpu as pltpu
from jax.experimental.pallas import tpu_sc as plsc

N = 10000
E = 320000
D = 128
OUT = 128
TAU = 2.0
GAMMA = -0.1
ZETA = 1.1

NC = 2
NS = 16
NW = NC * NS
EW = E // NW
CH = 25
NCH = EW // CH
G = 16
NG = NCH // G
NB = 4
RT = 624
ZR = 8

ROWS = 1000
GRID = N // ROWS

_f32 = jnp.float32


def _gate(logit):
    s = jax.nn.sigmoid(logit / TAU)
    return jnp.clip(s * (ZETA - GAMMA) + GAMMA, 0.0, 1.0)


def _dot(a, b):
    return lax.dot_general(a, b, (((1,), (0,)), ((), ())),
                           precision=lax.Precision.HIGHEST,
                           preferred_element_type=_f32)


def _vib_body(x_ref, eps_ref, tl_ref, cl_ref, muW_ref, mub_ref, lvW_ref,
              lvb_ref, z_ref, kl_ref):
    i = pl.program_id(0)
    g = _gate(cl_ref[...]) * _gate(tl_ref[...])
    h = x_ref[...] * g
    mu = _dot(h, muW_ref[...]) + mub_ref[...]
    lv = jnp.clip(_dot(h, lvW_ref[...]) + lvb_ref[...], -10.0, 10.0)
    elv = jnp.exp(lv)
    z_ref[...] = mu + eps_ref[...] * jnp.exp(0.5 * lv)
    part = jnp.sum(elv + mu * mu - 1.0 - lv) * (0.5 / N)

    @pl.when(i == 0)
    def _():
        kl_ref[...] = jnp.zeros((1, 1), _f32)

    kl_ref[...] += jnp.reshape(part, (1, 1))


def _vib_call(x, eps, tl, cl, muW, mub, lvW, lvb):
    full = lambda s: pl.BlockSpec(s, lambda i: (0,) * len(s))
    return pl.pallas_call(
        _vib_body,
        grid=(GRID,),
        in_specs=[
            pl.BlockSpec((ROWS, D), lambda i: (i, 0)),
            pl.BlockSpec((ROWS, D), lambda i: (i, 0)),
            full((1, 1)), full((1, D)), full((D, D)), full((1, D)),
            full((D, D)), full((1, D)),
        ],
        out_specs=[
            pl.BlockSpec((ROWS, D), lambda i: (i, 0)),
            pl.BlockSpec((1, 1), lambda i: (0, 0)),
        ],
        out_shape=[
            jax.ShapeDtypeStruct((N, D), _f32),
            jax.ShapeDtypeStruct((1, 1), _f32),
        ],
    )(x, eps, tl, cl, muW, mub, lvW, lvb)


def _sc_body(table, src2d, dst2d, msg_out,
             sg0, dg0, sg1, dg1, rows0, rows1, rows2, rows3, zb, acc,
             semi0, semi1, sem0, sem1, sem2, sem3):
    cid = lax.axis_index("c")
    sid = lax.axis_index("s")
    wid = cid * NS + sid
    row0 = sid * RT
    base = wid * NCH

    @pl.loop(0, ZR)
    def _(r):
        @pl.loop(0, D // 16)
        def _(c):
            zb[r, pl.ds(c * 16, 16)] = jnp.zeros((16,), _f32)

    @pl.loop(0, RT // ZR)
    def _(r):
        pltpu.sync_copy(zb, acc.at[pl.ds(row0 + r * ZR, ZR)])

    @pl.when(sid == NS - 1)
    def _():
        @pl.loop(RT // ZR, RT // ZR + 2)
        def _(r):
            pltpu.sync_copy(zb, acc.at[pl.ds(row0 + r * ZR, ZR)])

    plsc.subcore_barrier()

    bufs = (rows0, rows1, rows2, rows3)
    sems = (sem0, sem1, sem2, sem3)

    def idx_load(grp, sg, dg, sem):
        off = pl.multiple_of(base + grp * G, 8)
        pltpu.async_copy(src2d.at[pl.ds(off, G)], sg, sem)
        pltpu.async_copy(dst2d.at[pl.ds(off, G)], dg, sem)

    def idx_wait(grp, sg, dg, sem):
        off = pl.multiple_of(base + grp * G, 8)
        pltpu.make_async_copy(src2d.at[pl.ds(off, G)], sg, sem).wait()
        pltpu.make_async_copy(dst2d.at[pl.ds(off, G)], dg, sem).wait()

    def gather(sg, jj, par):
        pltpu.async_copy(table.at[sg.at[jj]], bufs[par], sems[par])

    def gather_wait(sg, jj, par):
        pltpu.make_async_copy(table.at[sg.at[jj]], bufs[par],
                              sems[par]).wait()

    def group_body(g, sgc, dgc, semic, sgn, dgn, semin):
        for jj in range(G):
            par = jj % NB
            gather_wait(sgc, jj, par)
            pltpu.sync_copy(bufs[par], acc.at[dgc.at[jj]], add=True)
            if jj == G - 3:
                @pl.when(g < NG - 1)
                def _():
                    idx_wait(g + 1, sgn, dgn, semin)
            if jj < G - 3:
                gather(sgc, jj + 3, (jj + 3) % NB)
            else:
                @pl.when(g < NG - 1)
                def _():
                    gather(sgn, jj + 3 - G, (jj + 3) % NB)

        @pl.when(g + 2 < NG)
        def _():
            idx_load(g + 2, sgc, dgc, semic)

    off0 = pl.multiple_of(base, 8)
    pltpu.sync_copy(src2d.at[pl.ds(off0, G)], sg0)
    pltpu.sync_copy(dst2d.at[pl.ds(off0, G)], dg0)
    idx_load(1, sg1, dg1, semi1)
    gather(sg0, 0, 0)
    gather(sg0, 1, 1)
    gather(sg0, 2, 2)

    @pl.loop(0, NG)
    def _(g):
        @pl.when(g % 2 == 0)
        def _():
            group_body(g, sg0, dg0, semi0, sg1, dg1, semi1)

        @pl.when(g % 2 == 1)
        def _():
            group_body(g, sg1, dg1, semi1, sg0, dg0, semi0)

    plsc.subcore_barrier()

    pltpu.sync_copy(acc.at[pl.ds(row0, RT)], msg_out.at[cid, pl.ds(row0, RT)])

    @pl.when(sid == NS - 1)
    def _():
        pltpu.sync_copy(acc.at[pl.ds(N - 16, 16)],
                        msg_out.at[cid, pl.ds(N - 16, 16)])


def _mesh():
    return plsc.VectorSubcoreMesh(core_axis_name="c", subcore_axis_name="s",
                                  num_cores=NC, num_subcores=NS)


def _sc_call(table, src2d, dst2d):
    f = pl.kernel(
        _sc_body,
        out_type=[jax.ShapeDtypeStruct((NC, N, D), _f32)],
        mesh=_mesh(),
        scratch_types=[
            pltpu.VMEM((G, CH), jnp.int32),
            pltpu.VMEM((G, CH), jnp.int32),
            pltpu.VMEM((G, CH), jnp.int32),
            pltpu.VMEM((G, CH), jnp.int32),
            pltpu.VMEM((CH, D), _f32),
            pltpu.VMEM((CH, D), _f32),
            pltpu.VMEM((CH, D), _f32),
            pltpu.VMEM((CH, D), _f32),
            pltpu.VMEM((ZR, D), _f32),
            pltpu.VMEM_SHARED((N, D), _f32),
            pltpu.SemaphoreType.DMA,
            pltpu.SemaphoreType.DMA,
            pltpu.SemaphoreType.DMA,
            pltpu.SemaphoreType.DMA,
            pltpu.SemaphoreType.DMA,
            pltpu.SemaphoreType.DMA,
        ],
    )
    return f(table, src2d, dst2d)[0]


def _deg_body(dst1d, deg_out, dgf, degv):
    cid = lax.axis_index("c")
    sid = lax.axis_index("s")
    wid = cid * NS + sid

    @pl.loop(0, N // 16)
    def _(i):
        degv[pl.ds(i * 16, 16)] = jnp.zeros((16,), _f32)

    @pl.loop(0, NG)
    def _(g):
        off = pl.multiple_of(wid * EW + g * G * CH, 8)
        pltpu.sync_copy(dst1d.at[pl.ds(off, G * CH)], dgf)

        @pl.loop(0, G * CH // 16)
        def _(i):
            v = dgf[pl.ds(i * 16, 16)]
            plsc.addupdate_scatter(degv, [v], jnp.ones((16,), _f32))

    pltpu.sync_copy(degv, deg_out.at[wid])


def _deg_call(dst1d):
    import dataclasses as _dc
    cp = pltpu.CompilerParams()
    if "needs_layout_passes" in pltpu.CompilerParams.__dataclass_fields__:
        cp = _dc.replace(cp, needs_layout_passes=False)
    f = pl.kernel(
        _deg_body,
        out_type=[jax.ShapeDtypeStruct((NW, N), _f32)],
        mesh=_mesh(),
        compiler_params=cp,
        scratch_types=[
            pltpu.VMEM((G * CH,), jnp.int32),
            pltpu.VMEM((N,), _f32),
        ],
    )
    return f(dst1d)[0]


def _inv_deg(dg_block):
    deg = jnp.clip(jnp.sum(dg_block, axis=1, keepdims=True), 1.0, None)
    return 1.0 / deg


def _l1_body(z_ref, mp_ref, dg_ref, ws_ref, wn_ref, h1_ref):
    mp = mp_ref[...]
    msg = (mp[0] + mp[1]) * _inv_deg(dg_ref[...])
    h1_ref[...] = jnp.maximum(
        _dot(z_ref[...], ws_ref[...]) + _dot(msg, wn_ref[...]), 0.0)


def _l1_call(z, mp, dg, ws, wn):
    full = lambda s: pl.BlockSpec(s, lambda i: (0,) * len(s))
    return pl.pallas_call(
        _l1_body,
        grid=(GRID,),
        in_specs=[
            pl.BlockSpec((ROWS, D), lambda i: (i, 0)),
            pl.BlockSpec((NC, ROWS, D), lambda i: (0, i, 0)),
            pl.BlockSpec((ROWS, NW), lambda i: (i, 0)),
            full((D, D)), full((D, D)),
        ],
        out_specs=pl.BlockSpec((ROWS, D), lambda i: (i, 0)),
        out_shape=jax.ShapeDtypeStruct((N, D), _f32),
    )(z, mp, dg, ws, wn)


def _l2_body(h1_ref, mp_ref, dg_ref, ws_ref, wn_ref, wh_ref, bh_ref,
             out_ref):
    mp = mp_ref[...]
    msg = (mp[0] + mp[1]) * _inv_deg(dg_ref[...])
    h2 = _dot(h1_ref[...], ws_ref[...]) + _dot(msg, wn_ref[...])
    out_ref[...] = _dot(h2, wh_ref[...]) + bh_ref[...]


def _l2_call(h1, mp, dg, ws, wn, wh, bh):
    full = lambda s: pl.BlockSpec(s, lambda i: (0,) * len(s))
    return pl.pallas_call(
        _l2_body,
        grid=(GRID,),
        in_specs=[
            pl.BlockSpec((ROWS, D), lambda i: (i, 0)),
            pl.BlockSpec((NC, ROWS, D), lambda i: (0, i, 0)),
            pl.BlockSpec((ROWS, NW), lambda i: (i, 0)),
            full((D, D)), full((D, D)), full((D, OUT)), full((1, OUT)),
        ],
        out_specs=pl.BlockSpec((ROWS, OUT), lambda i: (i, 0)),
        out_shape=jax.ShapeDtypeStruct((N, OUT), _f32),
    )(h1, mp, dg, ws, wn, wh, bh)


def kernel(x, edge_index, type_logit, col_logit, vib_mu_W, vib_mu_b,
           vib_lv_W, vib_lv_b, vib_eps, W_self1, W_neigh1, W_self2,
           W_neigh2, W_head, b_head):
    src2d = edge_index[0].reshape(NW * NCH, CH)
    dst1d = edge_index[1]
    dst2d = dst1d.reshape(NW * NCH, CH)
    z, kl11 = _vib_call(x, vib_eps, type_logit.reshape(1, 1),
                        col_logit.reshape(1, D), vib_mu_W,
                        vib_mu_b.reshape(1, D), vib_lv_W,
                        vib_lv_b.reshape(1, D))
    degp = _deg_call(dst1d)
    msg1p = _sc_call(z, src2d, dst2d)
    degT = degp.T
    h1 = _l1_call(z, msg1p, degT, W_self1, W_neigh1)
    msg2p = _sc_call(h1, src2d, dst2d)
    out = _l2_call(h1, msg2p, degT, W_self2, W_neigh2, W_head,
                   b_head.reshape(1, OUT))
    return (out, kl11[0, 0])

# --- scband reference (transcript-rebuilt; emitter-appended) ---
"""Pipeline reference for scband-model-69415261438660 (READ-ONLY COPY).

The authoritative reference and input builder live on the scoring server;
editing this copy changes nothing except your own understanding.
"""

import jax, jax.numpy as jnp
import numpy as np

N = 10000
E = 320000
D = 128
OUT = 128
TAU = 2.0
GAMMA = -0.1
ZETA = 1.1


def setup_inputs(seed: int = 0) -> dict:
    key = jax.random.key(seed)
    ks = jax.random.split(key, 12)
    x = jax.random.normal(ks[0], (N, D), dtype=jnp.float32)
    edge_index = jax.random.randint(ks[1], (2, E), 0, N, dtype=jnp.int32)
    # L0Gate parameters (init_logit=2.0)
    type_logit = jnp.full((1,), 2.0, dtype=jnp.float32)
    col_logit = jnp.full((D,), 2.0, dtype=jnp.float32)
    # TypeVIB params: mu weights/bias zero-init, logvar weight zero, bias -2.0
    vib_mu_W = jnp.zeros((D, D), dtype=jnp.float32)
    vib_mu_b = jnp.zeros((D,), dtype=jnp.float32)
    vib_lv_W = jnp.zeros((D, D), dtype=jnp.float32)
    vib_lv_b = jnp.full((D,), -2.0, dtype=jnp.float32)
    vib_eps = jax.random.normal(ks[2], (N, D), dtype=jnp.float32)
    scale = 1.0 / np.sqrt(D)
    W_self1 = jax.random.normal(ks[3], (D, D), dtype=jnp.float32) * scale
    W_neigh1 = jax.random.normal(ks[4], (D, D), dtype=jnp.float32) * scale
    W_self2 = jax.random.normal(ks[5], (D, D), dtype=jnp.float32) * scale
    W_neigh2 = jax.random.normal(ks[6], (D, D), dtype=jnp.float32) * scale
    W_head = jax.random.normal(ks[7], (D, OUT), dtype=jnp.float32) * scale
    b_head = jnp.zeros((OUT,), dtype=jnp.float32)
    return {"x": x, "edge_index": edge_index, "type_logit": type_logit,
            "col_logit": col_logit, "vib_mu_W": vib_mu_W, "vib_mu_b": vib_mu_b,
            "vib_lv_W": vib_lv_W, "vib_lv_b": vib_lv_b, "vib_eps": vib_eps,
            "W_self1": W_self1, "W_neigh1": W_neigh1,
            "W_self2": W_self2, "W_neigh2": W_neigh2,
            "W_head": W_head, "b_head": b_head}


def _hard_concrete_eval(logit):
    # L0Gate.forward (eval branch): sigmoid(logit/tau) stretched and clamped
    s = jax.nn.sigmoid(logit / TAU)
    return jnp.clip(s * (ZETA - GAMMA) + GAMMA, 0.0, 1.0)


def reference(x, edge_index, type_logit, col_logit, vib_mu_W, vib_mu_b,
              vib_lv_W, vib_lv_b, vib_eps, W_self1, W_neigh1, W_self2,
              W_neigh2, W_head, b_head):
    # type gate + column gate applied to encoded node features
    g_t = _hard_concrete_eval(type_logit)  # [1]
    g_c = _hard_concrete_eval(col_logit)   # [D]
    h = x * g_c[None, :] * g_t[0]
    # TypeVIB reparameterization
    mu = h @ vib_mu_W + vib_mu_b
    logv = jnp.clip(h @ vib_lv_W + vib_lv_b, -10.0, 10.0)
    std = jnp.exp(0.5 * logv)
    z = mu + vib_eps * std
    kl = 0.5 * jnp.mean(jnp.sum(jnp.exp(logv) + mu * mu - 1.0 - logv, axis=-1))
    # 2-layer GraphSAGE with mean aggregation (gather + scatter-add)
    src = edge_index[0]
    dst = edge_index[1]
    ones = jnp.ones((E,), dtype=jnp.float32)
    deg = jnp.clip(jax.ops.segment_sum(ones, dst, num_segments=N), 1.0, None)
    msg1 = jax.ops.segment_sum(z[src], dst, num_segments=N) / deg[:, None]
    h1 = jax.nn.relu(z @ W_self1 + msg1 @ W_neigh1)
    msg2 = jax.ops.segment_sum(h1[src], dst, num_segments=N) / deg[:, None]
    h2 = h1 @ W_self2 + msg2 @ W_neigh2
    # MLP head (num_layers=1)
    out = h2 @ W_head + b_head
    return (out, kl)

if __name__ == "__main__":
    import jax
    _d = setup_inputs()
    print(jax.jit(kernel)(*tuple(_d.values())))

</pallas_src>

<mosaic_0001>
#map = affine_map<(d0, d1) -> (0, 0)>
#map1 = affine_map<(d0, d1) -> (0, 0, 0)>
module attributes {stable_mosaic.version = 14 : i64} {
  func.func @_sc_body(%arg0: i32, %arg1: i32, %arg2: memref<10000x128xf32, #tpu.memory_space<hbm>>, %arg3: memref<12800x25xi32, #tpu.memory_space<hbm>>, %arg4: memref<12800x25xi32, #tpu.memory_space<hbm>>, %arg5: memref<2x10000x128xf32, #tpu.memory_space<hbm>>, %arg6: memref<16x25xi32, #tpu.memory_space<vmem>>, %arg7: memref<16x25xi32, #tpu.memory_space<vmem>>, %arg8: memref<16x25xi32, #tpu.memory_space<vmem>>, %arg9: memref<16x25xi32, #tpu.memory_space<vmem>>, %arg10: memref<25x128xf32, #tpu.memory_space<vmem>>, %arg11: memref<25x128xf32, #tpu.memory_space<vmem>>, %arg12: memref<25x128xf32, #tpu.memory_space<vmem>>, %arg13: memref<25x128xf32, #tpu.memory_space<vmem>>, %arg14: memref<8x128xf32, #tpu.memory_space<vmem>>, %arg15: memref<10000x128xf32, #tpu.memory_space<vmem_shared>>, %arg16: memref<!tpu.dma_semaphore, #tpu.memory_space<semaphore_mem>>, %arg17: memref<!tpu.dma_semaphore, #tpu.memory_space<semaphore_mem>>, %arg18: memref<!tpu.dma_semaphore, #tpu.memory_space<semaphore_mem>>, %arg19: memref<!tpu.dma_semaphore, #tpu.memory_space<semaphore_mem>>, %arg20: memref<!tpu.dma_semaphore, #tpu.memory_space<semaphore_mem>>, %arg21: memref<!tpu.dma_semaphore, #tpu.memory_space<semaphore_mem>>) attributes {dimension_semantics = [#tpu.dimension_semantics<core_parallel>, #tpu.dimension_semantics<subcore_parallel>], iteration_bounds = array<i64: 2, 16>, scalar_prefetch = 0 : i64, scratch_operands = 16 : i64, tpu.core_type = #tpu.core_type<sc_vector_subcore>, window_params = [{transform_indices = #map}, {transform_indices = #map}, {transform_indices = #map}, {transform_indices = #map1}]} {
    %mul3A = arith.constant 16 : i32
    %mul3A_0 = arith.muli %arg0, %mul3A : i32
    %add3A = arith.addi %mul3A_0, %arg1 : i32
    %mul3A_1 = arith.constant 624 : i32
    %mul3A_2 = arith.muli %arg1, %mul3A_1 : i32
    %mul3A_3 = arith.constant 400 : i32
    %mul3A_4 = arith.muli %add3A, %mul3A_3 : i32
    %scan3A = arith.constant 0 : i32
    %scan3A_5 = arith.constant 8 : i32
    %scan3A_6 = arith.addi %scan3A, %scan3A_5 : i32
    %scan3A_7 = arith.constant 1 : i32
    scf.for %scan3A_58 = %scan3A to %scan3A_6 step %scan3A_7  : i32 {
      %mul3A_59 = arith.constant 1 : i32
      %mul3A_60 = arith.muli %scan3A_58, %mul3A_59 : i32
      %add3A_61 = arith.constant 0 : i32
      %add3A_62 = arith.addi %add3A_61, %mul3A_60 : i32
      %scan3A_63 = arith.constant 0 : i32
      %scan3A_64 = arith.constant 8 : i32
      %scan3A_65 = arith.addi %scan3A_63, %scan3A_64 : i32
      %scan3A_66 = arith.constant 1 : i32
      scf.for %scan3A_68 = %scan3A_63 to %scan3A_65 step %scan3A_66  : i32 {
        %mul3A_69 = arith.constant 1 : i32
        %mul3A_70 = arith.muli %scan3A_68, %mul3A_69 : i32
        %add3A_71 = arith.constant 0 : i32
        %add3A_72 = arith.addi %add3A_71, %mul3A_70 : i32
        %broadcast_in_dim3A = arith.constant 0.000000e+00 : f32
        %broadcast_in_dim3A_73 = vector.broadcast %broadcast_in_dim3A : f32 to vector<16xf32>
        %mul3A_74 = arith.constant 16 : i32
        %mul3A_75 = arith.muli %add3A_72, %mul3A_74 : i32
        %swap3A = arith.index_cast %add3A_62 : i32 to index
        %swap3A_76 = arith.index_cast %mul3A_75 : i32 to index
        %swap3A_77 = tpu.vector_load %arg14[%swap3A, %swap3A_76] {strides = array<i32>} : memref<8x128xf32, #tpu.memory_space<vmem>>, vector<1x16xf32>,
        %swap3A_78 = vector.shape_cast %swap3A_77 : vector<1x16xf32> to vector<16xf32>
        %swap3A_79 = vector.shape_cast %broadcast_in_dim3A_73 : vector<16xf32> to vector<1x16xf32>
        tpu.vector_store %arg14[%swap3A, %swap3A_76], %swap3A_79 {strides = array<i32>} : memref<8x128xf32, #tpu.memory_space<vmem>>, vector<1x16xf32>,
      }
      %scan3A_67 = arith.constant 8 : i32
    }
    %scan3A_8 = arith.constant 8 : i32
    %scan3A_9 = arith.constant 0 : i32
    %scan3A_10 = arith.constant 78 : i32
    %scan3A_11 = arith.addi %scan3A_9, %scan3A_10 : i32
    %scan3A_12 = arith.constant 1 : i32
    scf.for %scan3A_58 = %scan3A_9 to %scan3A_11 step %scan3A_12  : i32 {
      %mul3A_59 = arith.constant 1 : i32
      %mul3A_60 = arith.muli %scan3A_58, %mul3A_59 : i32
      %add3A_61 = arith.constant 0 : i32
      %add3A_62 = arith.addi %add3A_61, %mul3A_60 : i32
      %mul3A_63 = arith.constant 8 : i32
      %mul3A_64 = arith.muli %add3A_62, %mul3A_63 : i32
      %add3A_65 = arith.addi %mul3A_2, %mul3A_64 : i32
      "tpu.region"() ({
        %run_scoped3A = tpu.sem_alloc : memref<!tpu.dma_semaphore, #tpu.memory_space<semaphore_mem>>
        %dma_start3A_66 = arith.constant 0 : i32
        %dma_start3A_67 = tpu.memref_slice %arg15[%add3A_65, %dma_start3A_66] : memref<10000x128xf32, #tpu.memory_space<vmem_shared>> -> memref<8x128xf32, #tpu.memory_space<vmem_shared>>
        %dma_start3A_68 = arith.constant 0 : i32
        %dma_start3A_69 = tpu.memref_slice %arg15[%add3A_65, %dma_start3A_68] : memref<10000x128xf32, #tpu.memory_space<vmem_shared>> -> memref<8x128xf32, #tpu.memory_space<vmem_shared>>
        tpu.enqueue_dma source(%arg14 : memref<8x128xf32, #tpu.memory_space<vmem>>) target(%dma_start3A_69 : memref<8x128xf32, #tpu.memory_space<vmem_shared>>) target_semaphore(%run_scoped3A : memref<!tpu.dma_semaphore, #tpu.memory_space<semaphore_mem>>)
        %dma_wait3A = arith.constant 0 : i32
        %dma_wait3A_70 = tpu.memref_slice %arg15[%add3A_65, %dma_wait3A] : memref<10000x128xf32, #tpu.memory_space<vmem_shared>> -> memref<8x128xf32, #tpu.memory_space<vmem_shared>>
        %dma_wait3A_71 = arith.constant 0 : i32
        %dma_wait3A_72 = tpu.memref_slice %arg15[%add3A_65, %dma_wait3A_71] : memref<10000x128xf32, #tpu.memory_space<vmem_shared>> -> memref<8x128xf32, #tpu.memory_space<vmem_shared>>
        tpu.wait_dma2 semaphore(%run_scoped3A : memref<!tpu.dma_semaphore, #tpu.memory_space<semaphore_mem>>) src(%arg14 : memref<8x128xf32, #tpu.memory_space<vmem>>) dst(%dma_wait3A_72 : memref<8x128xf32, #tpu.memory_space<vmem_shared>>)
        tpu.yield
      }) : () -> ()
    }
    %scan3A_13 = arith.constant 78 : i32
    %eq3A = arith.constant 15 : i32
    %eq3A_14 = arith.cmpi eq, %arg1, %eq3A : i32
    %convert_element_type3A = arith.extui %eq3A_14 : i1 to i32
    %cond3A = arith.constant 0 : i32
    %cond3A_15 = arith.cmpi ne, %convert_element_type3A, %cond3A : i32
    scf.if %cond3A_15 {
      %scan3A_58 = arith.constant 0 : i32
      %scan3A_59 = arith.constant 2 : i32
      %scan3A_60 = arith.addi %scan3A_58, %scan3A_59 : i32
      %scan3A_61 = arith.constant 1 : i32
      scf.for %scan3A_63 = %scan3A_58 to %scan3A_60 step %scan3A_61  : i32 {
        %mul3A_64 = arith.constant 1 : i32
        %mul3A_65 = arith.muli %scan3A_63, %mul3A_64 : i32
        %add3A_66 = arith.constant 78 : i32
        %add3A_67 = arith.addi %add3A_66, %mul3A_65 : i32
        %mul3A_68 = arith.constant 8 : i32
        %mul3A_69 = arith.muli %add3A_67, %mul3A_68 : i32
        %add3A_70 = arith.addi %mul3A_2, %mul3A_69 : i32
        "tpu.region"() ({
          %run_scoped3A = tpu.sem_alloc : memref<!tpu.dma_semaphore, #tpu.memory_space<semaphore_mem>>
          %dma_start3A_71 = arith.constant 0 : i32
          %dma_start3A_72 = tpu.memref_slice %arg15[%add3A_70, %dma_start3A_71] : memref<10000x128xf32, #tpu.memory_space<vmem_shared>> -> memref<8x128xf32, #tpu.memory_space<vmem_shared>>
          %dma_start3A_73 = arith.constant 0 : i32
          %dma_start3A_74 = tpu.memref_slice %arg15[%add3A_70, %dma_start3A_73] : memref<10000x128xf32, #tpu.memory_space<vmem_shared>> -> memref<8x128xf32, #tpu.memory_space<vmem_shared>>
          tpu.enqueue_dma source(%arg14 : memref<8x128xf32, #tpu.memory_space<vmem>>) target(%dma_start3A_74 : memref<8x128xf32, #tpu.memory_space<vmem_shared>>) target_semaphore(%run_scoped3A : memref<!tpu.dma_semaphore, #tpu.memory_space<semaphore_mem>>)
          %dma_wait3A = arith.constant 0 : i32
          %dma_wait3A_75 = tpu.memref_slice %arg15[%add3A_70, %dma_wait3A] : memref<10000x128xf32, #tpu.memory_space<vmem_shared>> -> memref<8x128xf32, #tpu.memory_space<vmem_shared>>
          %dma_wait3A_76 = arith.constant 0 : i32
          %dma_wait3A_77 = tpu.memref_slice %arg15[%add3A_70, %dma_wait3A_76] : memref<10000x128xf32, #tpu.memory_space<vmem_shared>> -> memref<8x128xf32, #tpu.memory_space<vmem_shared>>
          tpu.wait_dma2 semaphore(%run_scoped3A : memref<!tpu.dma_semaphore, #tpu.memory_space<semaphore_mem>>) src(%arg14 : memref<8x128xf32, #tpu.memory_space<vmem>>) dst(%dma_wait3A_77 : memref<8x128xf32, #tpu.memory_space<vmem_shared>>)
          tpu.yield
        }) : () -> ()
      }
      %scan3A_62 = arith.constant 2 : i32
    } else {
    }
    %barrier3A = arith.constant 0 : index
    tpu.barrier barrier_id(%barrier3A)
    %multiple_of3A = tpu.assume_multiple %mul3A_4, 8 : i32
    "tpu.region"() ({
      %run_scoped3A = tpu.sem_alloc : memref<!tpu.dma_semaphore, #tpu.memory_space<semaphore_mem>>
      %dma_start3A_58 = arith.constant 0 : i32
      %dma_start3A_59 = tpu.memref_slice %arg3[%multiple_of3A, %dma_start3A_58] : memref<12800x25xi32, #tpu.memory_space<hbm>> -> memref<16x25xi32, #tpu.memory_space<hbm>>
      %dma_start3A_60 = arith.constant 0 : i32
      %dma_start3A_61 = tpu.memref_slice %arg3[%multiple_of3A, %dma_start3A_60] : memref<12800x25xi32, #tpu.memory_space<hbm>> -> memref<16x25xi32, #tpu.memory_space<hbm>>
      tpu.enqueue_dma source(%dma_start3A_61 : memref<16x25xi32, #tpu.memory_space<hbm>>) target(%arg6 : memref<16x25xi32, #tpu.memory_space<vmem>>) target_semaphore(%run_scoped3A : memref<!tpu.dma_semaphore, #tpu.memory_space<semaphore_mem>>)
      %dma_wait3A = arith.constant 0 : i32
      %dma_wait3A_62 = tpu.memref_slice %arg3[%multiple_of3A, %dma_wait3A] : memref<12800x25xi32, #tpu.memory_space<hbm>> -> memref<16x25xi32, #tpu.memory_space<hbm>>
      %dma_wait3A_63 = arith.constant 0 : i32
      %dma_wait3A_64 = tpu.memref_slice %arg3[%multiple_of3A, %dma_wait3A_63] : memref<12800x25xi32, #tpu.memory_space<hbm>> -> memref<16x25xi32, #tpu.memory_space<hbm>>
      tpu.wait_dma2 semaphore(%run_scoped3A : memref<!tpu.dma_semaphore, #tpu.memory_space<semaphore_mem>>) src(%dma_wait3A_64 : memref<16x25xi32, #tpu.memory_space<hbm>>) dst(%arg6 : memref<16x25xi32, #tpu.memory_space<vmem>>)
      tpu.yield
    }) : () -> ()
    "tpu.region"() ({
      %run_scoped3A = tpu.sem_alloc : memref<!tpu.dma_semaphore, #tpu.memory_space<semaphore_mem>>
      %dma_start3A_58 = arith.constant 0 : i32
      %dma_start3A_59 = tpu.memref_slice %arg4[%multiple_of3A, %dma_start3A_58] : memref<12800x25xi32, #tpu.memory_space<hbm>> -> memref<16x25xi32, #tpu.memory_space<hbm>>
      %dma_start3A_60 = arith.constant 0 : i32
      %dma_start3A_61 = tpu.memref_slice %arg4[%multiple_of3A, %dma_start3A_60] : memref<12800x25xi32, #tpu.memory_space<hbm>> -> memref<16x25xi32, #tpu.memory_space<hbm>>
      tpu.enqueue_dma source(%dma_start3A_61 : memref<16x25xi32, #tpu.memory_space<hbm>>) target(%arg7 : memref<16x25xi32, #tpu.memory_space<vmem>>) target_semaphore(%run_scoped3A : memref<!tpu.dma_semaphore, #tpu.memory_space<semaphore_mem>>)
      %dma_wait3A = arith.constant 0 : i32
      %dma_wait3A_62 = tpu.memref_slice %arg4[%multiple_of3A, %dma_wait3A] : memref<12800x25xi32, #tpu.memory_space<hbm>> -> memref<16x25xi32, #tpu.memory_space<hbm>>
      %dma_wait3A_63 = arith.constant 0 : i32
      %dma_wait3A_64 = tpu.memref_slice %arg4[%multiple_of3A, %dma_wait3A_63] : memref<12800x25xi32, #tpu.memory_space<hbm>> -> memref<16x25xi32, #tpu.memory_space<hbm>>
      tpu.wait_dma2 semaphore(%run_scoped3A : memref<!tpu.dma_semaphore, #tpu.memory_space<semaphore_mem>>) src(%dma_wait3A_64 : memref<16x25xi32, #tpu.memory_space<hbm>>) dst(%arg7 : memref<16x25xi32, #tpu.memory_space<vmem>>)
      tpu.yield
    }) : () -> ()
    %add3A_16 = arith.constant 16 : i32
    %add3A_17 = arith.addi %mul3A_4, %add3A_16 : i32
    %multiple_of3A_18 = tpu.assume_multiple %add3A_17, 8 : i32
    %dma_start3A = arith.constant 0 : i32
    %dma_start3A_19 = tpu.memref_slice %arg3[%multiple_of3A_18, %dma_start3A] : memref<12800x25xi32, #tpu.memory_space<hbm>> -> memref<16x25xi32, #tpu.memory_space<hbm>>
    %dma_start3A_20 = arith.constant 0 : i32
    %dma_start3A_21 = tpu.memref_slice %arg3[%multiple_of3A_18, %dma_start3A_20] : memref<12800x25xi32, #tpu.memory_space<hbm>> -> memref<16x25xi32, #tpu.memory_space<hbm>>
    tpu.enqueue_dma source(%dma_start3A_21 : memref<16x25xi32, #tpu.memory_space<hbm>>) target(%arg8 : memref<16x25xi32, #tpu.memory_space<vmem>>) target_semaphore(%arg17 : memref<!tpu.dma_semaphore, #tpu.memory_space<semaphore_mem>>)
    %dma_start3A_22 = arith.constant 0 : i32
    %dma_start3A_23 = tpu.memref_slice %arg4[%multiple_of3A_18, %dma_start3A_22] : memref<12800x25xi32, #tpu.memory_space<hbm>> -> memref<16x25xi32, #tpu.memory_space<hbm>>
    %dma_start3A_24 = arith.constant 0 : i32
    %dma_start3A_25 = tpu.memref_slice %arg4[%multiple_of3A_18, %dma_start3A_24] : memref<12800x25xi32, #tpu.memory_space<hbm>> -> memref<16x25xi32, #tpu.memory_space<hbm>>
    tpu.enqueue_dma source(%dma_start3A_25 : memref<16x25xi32, #tpu.memory_space<hbm>>) target(%arg9 : memref<16x25xi32, #tpu.memory_space<vmem>>) target_semaphore(%arg17 : memref<!tpu.dma_semaphore, #tpu.memory_space<semaphore_mem>>)
    %dma_start3A_26 = arith.constant 0 : i32
    %dma_start3A_27 = arith.constant 0 : i32
    %dma_start3A_28 = tpu.memref_slice %arg6[%dma_start3A_26, %dma_start3A_27] : memref<16x25xi32, #tpu.memory_space<vmem>> -> memref<1x25xi32, #tpu.memory_space<vmem>>
    %dma_start3A_29 = tpu.memref_squeeze %dma_start3A_28 : memref<1x25xi32, #tpu.memory_space<vmem>> -> memref<25xi32, #tpu.memory_space<vmem>>
    %dma_start3A_30 = arith.constant 0 : i32
    %dma_start3A_31 = arith.constant 0 : i32
    %dma_start3A_32 = tpu.memref_slice %arg2[%dma_start3A_30, %dma_start3A_31] : memref<10000x128xf32, #tpu.memory_space<hbm>> -> memref<10000x128xf32, #tpu.memory_space<hbm>>
    tpu.enqueue_indirect_dma source(%dma_start3A_32 : memref<10000x128xf32, #tpu.memory_space<hbm>>) target(%arg10 : memref<25x128xf32, #tpu.memory_space<vmem>>) offsets(%dma_start3A_29 : memref<25xi32, #tpu.memory_space<vmem>>) semaphore(%arg18 : memref<!tpu.dma_semaphore, #tpu.memory_space<semaphore_mem>>)
    %dma_start3A_33 = arith.constant 1 : i32
    %dma_start3A_34 = arith.constant 0 : i32
    %dma_start3A_35 = tpu.memref_slice %arg6[%dma_start3A_33, %dma_start3A_34] : memref<16x25xi32, #tpu.memory_space<vmem>> -> memref<1x25xi32, #tpu.memory_space<vmem>>
    %dma_start3A_36 = tpu.memref_squeeze %dma_start3A_35 : memref<1x25xi32, #tpu.memory_space<vmem>> -> memref<25xi32, #tpu.memory_space<vmem>>
    %dma_start3A_37 = arith.constant 0 : i32
    %dma_start3A_38 = arith.constant 0 : i32
    %dma_start3A_39 = tpu.memref_slice %arg2[%dma_start3A_37, %dma_start3A_38] : memref<10000x128xf32, #tpu.memory_space<hbm>> -> memref<10000x128xf32, #tpu.memory_space<hbm>>
    tpu.enqueue_indirect_dma source(%dma_start3A_39 : memref<10000x128xf32, #tpu.memory_space<hbm>>) target(%arg11 : memref<25x128xf32, #tpu.memory_space<vmem>>) offsets(%dma_start3A_36 : memref<25xi32, #tpu.memory_space<vmem>>) semaphore(%arg19 : memref<!tpu.dma_semaphore, #tpu.memory_space<semaphore_mem>>)
    %dma_start3A_40 = arith.constant 2 : i32
    %dma_start3A_41 = arith.constant 0 : i32
    %dma_start3A_42 = tpu.memref_slice %arg6[%dma_start3A_40, %dma_start3A_41] : memref<16x25xi32, #tpu.memory_space<vmem>> -> memref<1x25xi32, #tpu.memory_space<vmem>>
    %dma_start3A_43 = tpu.memref_squeeze %dma_start3A_42 : memref<1x25xi32, #tpu.memory_space<vmem>> -> memref<25xi32, #tpu.memory_space<vmem>>
    %dma_start3A_44 = arith.constant 0 : i32
    %dma_start3A_45 = arith.constant 0 : i32
    %dma_start3A_46 = tpu.memref_slice %arg2[%dma_start3A_44, %dma_start3A_45] : memref<10000x128xf32, #tpu.memory_space<hbm>> -> memref<10000x128xf32, #tpu.memory_space<hbm>>
    tpu.enqueue_indirect_dma source(%dma_start3A_46 : memref<10000x128xf32, #tpu.memory_space<hbm>>) target(%arg12 : memref<25x128xf32, #tpu.memory_space<vmem>>) offsets(%dma_start3A_43 : memref<25xi32, #tpu.memory_space<vmem>>) semaphore(%arg20 : memref<!tpu.dma_semaphore, #tpu.memory_space<semaphore_mem>>)
    %scan3A_47 = arith.constant 0 : i32
    %scan3A_48 = arith.constant 25 : i32
    %scan3A_49 = arith.addi %scan3A_47, %scan3A_48 : i32
    %scan3A_50 = arith.constant 1 : i32
    scf.for %scan3A_58 = %scan3A_47 to %scan3A_49 step %scan3A_50  : i32 {
      %mul3A_59 = arith.constant 1 : i32
      %mul3A_60 = arith.muli %scan3A_58, %mul3A_59 : i32
      %add3A_61 = arith.constant 0 : i32
      %add3A_62 = arith.addi %add3A_61, %mul3A_60 : i32
      %jit3A = arith.constant 2 : i32
      %eq3A_63 = arith.constant 0 : i32
      %eq3A_64 = arith.cmpi eq, %jit3A, %eq3A_63 : i32
      %jit3A_65 = arith.constant 1 : i32
      %select_n3A = arith.select %eq3A_64, %jit3A_65, %jit3A : i32
      %rem3A = arith.remsi %add3A_62, %select_n3A : i32
      %ne3A = arith.constant 0 : i32
      %ne3A_66 = arith.cmpi ne, %rem3A, %ne3A : i32
      %lt3A = arith.constant 0 : i32
      %lt3A_67 = arith.cmpi slt, %rem3A, %lt3A : i32
      %lt3A_68 = arith.constant 0 : i32
      %lt3A_69 = arith.cmpi slt, %select_n3A, %lt3A_68 : i32
      %ne3A_70 = arith.xori %lt3A_67, %lt3A_69 : i1
      %and3A = arith.andi %ne3A_70, %ne3A_66 : i1
      %add3A_71 = arith.addi %rem3A, %select_n3A : i32
      %select_n3A_72 = arith.select %and3A, %add3A_71, %rem3A : i32
      %eq3A_73 = arith.constant 0 : i32
      %eq3A_74 = arith.cmpi eq, %select_n3A_72, %eq3A_73 : i32
      %convert_element_type3A_75 = arith.extui %eq3A_74 : i1 to i32
      %cond3A_76 = arith.constant 0 : i32
      %cond3A_77 = arith.cmpi ne, %convert_element_type3A_75, %cond3A_76 : i32
      scf.if %cond3A_77 {
        %dma_wait3A = arith.constant 0 : i32
        %dma_wait3A_99 = arith.constant 0 : i32
        %dma_wait3A_100 = tpu.memref_slice %arg6[%dma_wait3A, %dma_wait3A_99] : memref<16x25xi32, #tpu.memory_space<vmem>> -> memref<1x25xi32, #tpu.memory_space<vmem>>
        %dma_wait3A_101 = tpu.memref_squeeze %dma_wait3A_100 : memref<1x25xi32, #tpu.memory_space<vmem>> -> memref<25xi32, #tpu.memory_space<vmem>>
        %dma_wait3A_102 = arith.constant 0 : i32
        %dma_wait3A_103 = arith.constant 0 : i32
        %dma_wait3A_104 = tpu.memref_slice %arg2[%dma_wait3A_102, %dma_wait3A_103] : memref<10000x128xf32, #tpu.memory_space<hbm>> -> memref<10000x128xf32, #tpu.memory_space<hbm>>
        tpu.wait_indirect_dma semaphore(%arg18 : memref<!tpu.dma_semaphore, #tpu.memory_space<semaphore_mem>>) src(%dma_wait3A_104 : memref<10000x128xf32, #tpu.memory_space<hbm>>) dst(%arg10 : memref<25x128xf32, #tpu.memory_space<vmem>>)
        %run_scoped3A = arith.constant 0 : i32
        "tpu.region"() ({
          %run_scoped3A_343 = tpu.sem_alloc : memref<!tpu.dma_semaphore, #tpu.memory_space<semaphore_mem>>
          %dma_start3A_344 = arith.constant 0 : i32
          %dma_start3A_345 = tpu.memref_slice %arg7[%run_scoped3A, %dma_start3A_344] : memref<16x25xi32, #tpu.memory_space<vmem>> -> memref<1x25xi32, #tpu.memory_space<vmem>>
          %dma_start3A_346 = tpu.memref_squeeze %dma_start3A_345 : memref<1x25xi32, #tpu.memory_space<vmem>> -> memref<25xi32, #tpu.memory_space<vmem>>
          %dma_start3A_347 = arith.constant 0 : i32
          %dma_start3A_348 = arith.constant 0 : i32
          %dma_start3A_349 = tpu.memref_slice %arg15[%dma_start3A_347, %dma_start3A_348] : memref<10000x128xf32, #tpu.memory_space<vmem_shared>> -> memref<10000x128xf32, #tpu.memory_space<vmem_shared>>
          tpu.enqueue_indirect_dma source(%arg10 : memref<25x128xf32, #tpu.memory_space<vmem>>) target(%dma_start3A_349 : memref<10000x128xf32, #tpu.memory_space<vmem_shared>>) offsets(%dma_start3A_346 : memref<25xi32, #tpu.memory_space<vmem>>) semaphore(%run_scoped3A_343 : memref<!tpu.dma_semaphore, #tpu.memory_space<semaphore_mem>>) {add = true}
          %dma_wait3A_350 = arith.constant 0 : i32
          %dma_wait3A_351 = tpu.memref_slice %arg7[%run_scoped3A, %dma_wait3A_350] : memref<16x25xi32, #tpu.memory_space<vmem>> -> memref<1x25xi32, #tpu.memory_space<vmem>>
          %dma_wait3A_352 = tpu.memref_squeeze %dma_wait3A_351 : memref<1x25xi32, #tpu.memory_space<vmem>> -> memref<25xi32, #tpu.memory_space<vmem>>
          %dma_wait3A_353 = arith.constant 0 : i32
          %dma_wait3A_354 = arith.constant 0 : i32
          %dma_wait3A_355 = tpu.memref_slice %arg15[%dma_wait3A_353, %dma_wait3A_354] : memref<10000x128xf32, #tpu.memory_space<vmem_shared>> -> memref<10000x128xf32, #tpu.memory_space<vmem_shared>>
          tpu.wait_indirect_dma semaphore(%run_scoped3A_343 : memref<!tpu.dma_semaphore, #tpu.memory_space<semaphore_mem>>) src(%arg10 : memref<25x128xf32, #tpu.memory_space<vmem>>) dst(%dma_wait3A_355 : memref<10000x128xf32, #tpu.memory_space<vmem_shared>>)
          tpu.yield
        }) : () -> ()
        %dma_start3A_105 = arith.constant 3 : i32
        %dma_start3A_106 = arith.constant 0 : i32
        %dma_start3A_107 = tpu.memref_slice %arg6[%dma_start3A_105, %dma_start3A_106] : memref<16x25xi32, #tpu.memory_space<vmem>> -> memref<1x25xi32, #tpu.memory_space<vmem>>
        %dma_start3A_108 = tpu.memref_squeeze %dma_start3A_107 : memref<1x25xi32, #tpu.memory_space<vmem>> -> memref<25xi32, #tpu.memory_space<vmem>>
        %dma_start3A_109 = arith.constant 0 : i32
        %dma_start3A_110 = arith.constant 0 : i32
        %dma_start3A_111 = tpu.memref_slice %arg2[%dma_start3A_109, %dma_start3A_110] : memref<10000x128xf32, #tpu.memory_space<hbm>> -> memref<10000x128xf32, #tpu.memory_space<hbm>>
        tpu.enqueue_indirect_dma source(%dma_start3A_111 : memref<10000x128xf32, #tpu.memory_space<hbm>>) target(%arg13 : memref<25x128xf32, #tpu.memory_space<vmem>>) offsets(%dma_start3A_108 : memref<25xi32, #tpu.memory_space<vmem>>) semaphore(%arg21 : memref<!tpu.dma_semaphore, #tpu.memory_space<semaphore_mem>>)
        %dma_wait3A_112 = arith.constant 1 : i32
        %dma_wait3A_113 = arith.constant 0 : i32
        %dma_wait3A_114 = tpu.memref_slice %arg6[%dma_wait3A_112, %dma_wait3A_113] : memref<16x25xi32, #tpu.memory_space<vmem>> -> memref<1x25xi32, #tpu.memory_space<vmem>>
        %dma_wait3A_115 = tpu.memref_squeeze %dma_wait3A_114 : memref<1x25xi32, #tpu.memory_space<vmem>> -> memref<25xi32, #tpu.memory_space<vmem>>
        %dma_wait3A_116 = arith.constant 0 : i32
        %dma_wait3A_117 = arith.constant 0 : i32
        %dma_wait3A_118 = tpu.memref_slice %arg2[%dma_wait3A_116, %dma_wait3A_117] : memref<10000x128xf32, #tpu.memory_space<hbm>> -> memref<10000x128xf32, #tpu.memory_space<hbm>>
        tpu.wait_indirect_dma semaphore(%arg19 : memref<!tpu.dma_semaphore, #tpu.memory_space<semaphore_mem>>) src(%dma_wait3A_118 : memref<10000x128xf32, #tpu.memory_space<hbm>>) dst(%arg11 : memref<25x128xf32, #tpu.memory_space<vmem>>)
        %run_scoped3A_119 = arith.constant 1 : i32
        "tpu.region"() ({
          %run_scoped3A_343 = tpu.sem_alloc : memref<!tpu.dma_semaphore, #tpu.memory_space<semaphore_mem>>
          %dma_start3A_344 = arith.constant 0 : i32
          %dma_start3A_345 = tpu.memref_slice %arg7[%run_scoped3A_119, %dma_start3A_344] : memref<16x25xi32, #tpu.memory_space<vmem>> -> memref<1x25xi32, #tpu.memory_space<vmem>>
          %dma_start3A_346 = tpu.memref_squeeze %dma_start3A_345 : memref<1x25xi32, #tpu.memory_space<vmem>> -> memref<25xi32, #tpu.memory_space<vmem>>
          %dma_start3A_347 = arith.constant 0 : i32
          %dma_start3A_348 = arith.constant 0 : i32
          %dma_start3A_349 = tpu.memref_slice %arg15[%dma_start3A_347, %dma_start3A_348] : memref<10000x128xf32, #tpu.memory_space<vmem_shared>> -> memref<10000x128xf32, #tpu.memory_space<vmem_shared>>
          tpu.enqueue_indirect_dma source(%arg11 : memref<25x128xf32, #tpu.memory_space<vmem>>) target(%dma_start3A_349 : memref<10000x128xf32, #tpu.memory_space<vmem_shared>>) offsets(%dma_start3A_346 : memref<25xi32, #tpu.memory_space<vmem>>) semaphore(%run_scoped3A_343 : memref<!tpu.dma_semaphore, #tpu.memory_space<semaphore_mem>>) {add = true}
          %dma_wait3A_350 = arith.constant 0 : i32
          %dma_wait3A_351 = tpu.memref_slice %arg7[%run_scoped3A_119, %dma_wait3A_350] : memref<16x25xi32, #tpu.memory_space<vmem>> -> memref<1x25xi32, #tpu.memory_space<vmem>>
          %dma_wait3A_352 = tpu.memref_squeeze %dma_wait3A_351 : memref<1x25xi32, #tpu.memory_space<vmem>> -> memref<25xi32, #tpu.memory_space<vmem>>
          %dma_wait3A_353 = arith.constant 0 : i32
          %dma_wait3A_354 = arith.constant 0 : i32
          %dma_wait3A_355 = tpu.memref_slice %arg15[%dma_wait3A_353, %dma_wait3A_354] : memref<10000x128xf32, #tpu.memory_space<vmem_shared>> -> memref<10000x128xf32, #tpu.memory_space<vmem_shared>>
          tpu.wait_indirect_dma semaphore(%run_scoped3A_343 : memref<!tpu.dma_semaphore, #tpu.memory_space<semaphore_mem>>) src(%arg11 : memref<25x128xf32, #tpu.memory_space<vmem>>) dst(%dma_wait3A_355 : memref<10000x128xf32, #tpu.memory_space<vmem_shared>>)
          tpu.yield
        }) : () -> ()
        %dma_start3A_120 = arith.constant 4 : i32
        %dma_start3A_121 = arith.constant 0 : i32
        %dma_start3A_122 = tpu.memref_slice %arg6[%dma_start3A_120, %dma_start3A_121] : memref<16x25xi32, #tpu.memory_space<vmem>> -> memref<1x25xi32, #tpu.memory_space<vmem>>
        %dma_start3A_123 = tpu.memref_squeeze %dma_start3A_122 : memref<1x25xi32, #tpu.memory_space<vmem>> -> memref<25xi32, #tpu.memory_space<vmem>>
        %dma_start3A_124 = arith.constant 0 : i32
        %dma_start3A_125 = arith.constant 0 : i32
        %dma_start3A_126 = tpu.memref_slice %arg2[%dma_start3A_124, %dma_start3A_125] : memref<10000x128xf32, #tpu.memory_space<hbm>> -> memref<10000x128xf32, #tpu.memory_space<hbm>>
        tpu.enqueue_indirect_dma source(%dma_start3A_126 : memref<10000x128xf32, #tpu.memory_space<hbm>>) target(%arg10 : memref<25x128xf32, #tpu.memory_space<vmem>>) offsets(%dma_start3A_123 : memref<25xi32, #tpu.memory_space<vmem>>) semaphore(%arg18 : memref<!tpu.dma_semaphore, #tpu.memory_space<semaphore_mem>>)
        %dma_wait3A_127 = arith.constant 2 : i32
        %dma_wait3A_128 = arith.constant 0 : i32
        %dma_wait3A_129 = tpu.memref_slice %arg6[%dma_wait3A_127, %dma_wait3A_128] : memref<16x25xi32, #tpu.memory_space<vmem>> -> memref<1x25xi32, #tpu.memory_space<vmem>>
        %dma_wait3A_130 = tpu.memref_squeeze %dma_wait3A_129 : memref<1x25xi32, #tpu.memory_space<vmem>> -> memref<25xi32, #tpu.memory_space<vmem>>
        %dma_wait3A_131 = arith.constant 0 : i32
        %dma_wait3A_132 = arith.constant 0 : i32
        %dma_wait3A_133 = tpu.memref_slice %arg2[%dma_wait3A_131, %dma_wait3A_132] : memref<10000x128xf32, #tpu.memory_space<hbm>> -> memref<10000x128xf32, #tpu.memory_space<hbm>>
        tpu.wait_indirect_dma semaphore(%arg20 : memref<!tpu.dma_semaphore, #tpu.memory_space<semaphore_mem>>) src(%dma_wait3A_133 : memref<10000x128xf32, #tpu.memory_space<hbm>>) dst(%arg12 : memref<25x128xf32, #tpu.memory_space<vmem>>)
        %run_scoped3A_134 = arith.constant 2 : i32
        "tpu.region"() ({
          %run_scoped3A_343 = tpu.sem_alloc : memref<!tpu.dma_semaphore, #tpu.memory_space<semaphore_mem>>
          %dma_start3A_344 = arith.constant 0 : i32
          %dma_start3A_345 = tpu.memref_slice %arg7[%run_scoped3A_134, %dma_start3A_344] : memref<16x25xi32, #tpu.memory_space<vmem>> -> memref<1x25xi32, #tpu.memory_space<vmem>>
          %dma_start3A_346 = tpu.memref_squeeze %dma_start3A_345 : memref<1x25xi32, #tpu.memory_space<vmem>> -> memref<25xi32, #tpu.memory_space<vmem>>
          %dma_start3A_347 = arith.constant 0 : i32
          %dma_start3A_348 = arith.constant 0 : i32
          %dma_start3A_349 = tpu.memref_slice %arg15[%dma_start3A_347, %dma_start3A_348] : memref<10000x128xf32, #tpu.memory_space<vmem_shared>> -> memref<10000x128xf32, #tpu.memory_space<vmem_shared>>
          tpu.enqueue_indirect_dma source(%arg12 : memref<25x128xf32, #tpu.memory_space<vmem>>) target(%dma_start3A_349 : memref<10000x128xf32, #tpu.memory_space<vmem_shared>>) offsets(%dma_start3A_346 : memref<25xi32, #tpu.memory_space<vmem>>) semaphore(%run_scoped3A_343 : memref<!tpu.dma_semaphore, #tpu.memory_space<semaphore_mem>>) {add = true}
          %dma_wait3A_350 = arith.constant 0 : i32
          %dma_wait3A_351 = tpu.memref_slice %arg7[%run_scoped3A_134, %dma_wait3A_350] : memref<16x25xi32, #tpu.memory_space<vmem>> -> memref<1x25xi32, #tpu.memory_space<vmem>>
          %dma_wait3A_352 = tpu.memref_squeeze %dma_wait3A_351 : memref<1x25xi32, #tpu.memory_space<vmem>> -> memref<25xi32, #tpu.memory_space<vmem>>
          %dma_wait3A_353 = arith.constant 0 : i32
          %dma_wait3A_354 = arith.constant 0 : i32
          %dma_wait3A_355 = tpu.memref_slice %arg15[%dma_wait3A_353, %dma_wait3A_354] : memref<10000x128xf32, #tpu.memory_space<vmem_shared>> -> memref<10000x128xf32, #tpu.memory_space<vmem_shared>>
          tpu.wait_indirect_dma semaphore(%run_scoped3A_343 : memref<!tpu.dma_semaphore, #tpu.memory_space<semaphore_mem>>) src(%arg12 : memref<25x128xf32, #tpu.memory_space<vmem>>) dst(%dma_wait3A_355 : memref<10000x128xf32, #tpu.memory_space<vmem_shared>>)
          tpu.yield
        }) : () -> ()
        %dma_start3A_135 = arith.constant 5 : i32
        %dma_start3A_136 = arith.constant 0 : i32
        %dma_start3A_137 = tpu.memref_slice %arg6[%dma_start3A_135, %dma_start3A_136] : memref<16x25xi32, #tpu.memory_space<vmem>> -> memref<1x25xi32, #tpu.memory_space<vmem>>
        %dma_start3A_138 = tpu.memref_squeeze %dma_start3A_137 : memref<1x25xi32, #tpu.memory_space<vmem>> -> memref<25xi32, #tpu.memory_space<vmem>>
        %dma_start3A_139 = arith.constant 0 : i32
        %dma_start3A_140 = arith.constant 0 : i32
        %dma_start3A_141 = tpu.memref_slice %arg2[%dma_start3A_139, %dma_start3A_140] : memref<10000x128xf32, #tpu.memory_space<hbm>> -> memref<10000x128xf32, #tpu.memory_space<hbm>>
        tpu.enqueue_indirect_dma source(%dma_start3A_141 : memref<10000x128xf32, #tpu.memory_space<hbm>>) target(%arg11 : memref<25x128xf32, #tpu.memory_space<vmem>>) offsets(%dma_start3A_138 : memref<25xi32, #tpu.memory_space<vmem>>) semaphore(%arg19 : memref<!tpu.dma_semaphore, #tpu.memory_space<semaphore_mem>>)
        %dma_wait3A_142 = arith.constant 3 : i32
        %dma_wait3A_143 = arith.constant 0 : i32
        %dma_wait3A_144 = tpu.memref_slice %arg6[%dma_wait3A_142, %dma_wait3A_143] : memref<16x25xi32, #tpu.memory_space<vmem>> -> memref<1x25xi32, #tpu.memory_space<vmem>>
        %dma_wait3A_145 = tpu.memref_squeeze %dma_wait3A_144 : memref<1x25xi32, #tpu.memory_space<vmem>> -> memref<25xi32, #tpu.memory_space<vmem>>
        %dma_wait3A_146 = arith.constant 0 : i32
        %dma_wait3A_147 = arith.constant 0 : i32
        %dma_wait3A_148 = tpu.memref_slice %arg2[%dma_wait3A_146, %dma_wait3A_147] : memref<10000x128xf32, #tpu.memory_space<hbm>> -> memref<10000x128xf32, #tpu.memory_space<hbm>>
        tpu.wait_indirect_dma semaphore(%arg21 : memref<!tpu.dma_semaphore, #tpu.memory_space<semaphore_mem>>) src(%dma_wait3A_148 : memref<10000x128xf32, #tpu.memory_space<hbm>>) dst(%arg13 : memref<25x128xf32, #tpu.memory_space<vmem>>)
        %run_scoped3A_149 = arith.constant 3 : i32
        "tpu.region"() ({
          %run_scoped3A_343 = tpu.sem_alloc : memref<!tpu.dma_semaphore, #tpu.memory_space<semaphore_mem>>
          %dma_start3A_344 = arith.constant 0 : i32
          %dma_start3A_345 = tpu.memref_slice %arg7[%run_scoped3A_149, %dma_start3A_344] : memref<16x25xi32, #tpu.memory_space<vmem>> -> memref<1x25xi32, #tpu.memory_space<vmem>>
          %dma_start3A_346 = tpu.memref_squeeze %dma_start3A_345 : memref<1x25xi32, #tpu.memory_space<vmem>> -> memref<25xi32, #tpu.memory_space<vmem>>
          %dma_start3A_347 = arith.constant 0 : i32
          %dma_start3A_348 = arith.constant 0 : i32
          %dma_start3A_349 = tpu.memref_slice %arg15[%dma_start3A_347, %dma_start3A_348] : memref<10000x128xf32, #tpu.memory_space<vmem_shared>> -> memref<10000x128xf32, #tpu.memory_space<vmem_shared>>
          tpu.enqueue_indirect_dma source(%arg13 : memref<25x128xf32, #tpu.memory_space<vmem>>) target(%dma_start3A_349 : memref<10000x128xf32, #tpu.memory_space<vmem_shared>>) offsets(%dma_start3A_346 : memref<25xi32, #tpu.memory_space<vmem>>) semaphore(%run_scoped3A_343 : memref<!tpu.dma_semaphore, #tpu.memory_space<semaphore_mem>>) {add = true}
          %dma_wait3A_350 = arith.constant 0 : i32
          %dma_wait3A_351 = tpu.memref_slice %arg7[%run_scoped3A_149, %dma_wait3A_350] : memref<16x25xi32, #tpu.memory_space<vmem>> -> memref<1x25xi32, #tpu.memory_space<vmem>>
          %dma_wait3A_352 = tpu.memref_squeeze %dma_wait3A_351 : memref<1x25xi32, #tpu.memory_space<vmem>> -> memref<25xi32, #tpu.memory_space<vmem>>
          %dma_wait3A_353 = arith.constant 0 : i32
          %dma_wait3A_354 = arith.constant 0 : i32
          %dma_wait3A_355 = tpu.memref_slice %arg15[%dma_wait3A_353, %dma_wait3A_354] : memref<10000x128xf32, #tpu.memory_space<vmem_shared>> -> memref<10000x128xf32, #tpu.memory_space<vmem_shared>>
          tpu.wait_indirect_dma semaphore(%run_scoped3A_343 : memref<!tpu.dma_semaphore, #tpu.memory_space<semaphore_mem>>) src(%arg13 : memref<25x128xf32, #tpu.memory_space<vmem>>) dst(%dma_wait3A_355 : memref<10000x128xf32, #tpu.memory_space<vmem_shared>>)
          tpu.yield
        }) : () -> ()
        %dma_start3A_150 = arith.constant 6 : i32
        %dma_start3A_151 = arith.constant 0 : i32
        %dma_start3A_152 = tpu.memref_slice %arg6[%dma_start3A_150, %dma_start3A_151] : memref<16x25xi32, #tpu.memory_space<vmem>> -> memref<1x25xi32, #tpu.memory_space<vmem>>
        %dma_start3A_153 = tpu.memref_squeeze %dma_start3A_152 : memref<1x25xi32, #tpu.memory_space<vmem>> -> memref<25xi32, #tpu.memory_space<vmem>>
        %dma_start3A_154 = arith.constant 0 : i32
        %dma_start3A_155 = arith.constant 0 : i32
        %dma_start3A_156 = tpu.memref_slice %arg2[%dma_start3A_154, %dma_start3A_155] : memref<10000x128xf32, #tpu.memory_space<hbm>> -> memref<10000x128xf32, #tpu.memory_space<hbm>>
        tpu.enqueue_indirect_dma source(%dma_start3A_156 : memref<10000x128xf32, #tpu.memory_space<hbm>>) target(%arg12 : memref<25x128xf32, #tpu.memory_space<vmem>>) offsets(%dma_start3A_153 : memref<25xi32, #tpu.memory_space<vmem>>) semaphore(%arg20 : memref<!tpu.dma_semaphore, #tpu.memory_space<semaphore_mem>>)
        %dma_wait3A_157 = arith.constant 4 : i32
        %dma_wait3A_158 = arith.constant 0 : i32
        %dma_wait3A_159 = tpu.memref_slice %arg6[%dma_wait3A_157, %dma_wait3A_158] : memref<16x25xi32, #tpu.memory_space<vmem>> -> memref<1x25xi32, #tpu.memory_space<vmem>>
        %dma_wait3A_160 = tpu.memref_squeeze %dma_wait3A_159 : memref<1x25xi32, #tpu.memory_space<vmem>> -> memref<25xi32, #tpu.memory_space<vmem>>
        %dma_wait3A_161 = arith.constant 0 : i32
        %dma_wait3A_162 = arith.constant 0 : i32
        %dma_wait3A_163 = tpu.memref_slice %arg2[%dma_wait3A_161, %dma_wait3A_162] : memref<10000x128xf32, #tpu.memory_space<hbm>> -> memref<10000x128xf32, #tpu.memory_space<hbm>>
        tpu.wait_indirect_dma semaphore(%arg18 : memref<!tpu.dma_semaphore, #tpu.memory_space<semaphore_mem>>) src(%dma_wait3A_163 : memref<10000x128xf32, #tpu.memory_space<hbm>>) dst(%arg10 : memref<25x128xf32, #tpu.memory_space<vmem>>)
        %run_scoped3A_164 = arith.constant 4 : i32
        "tpu.region"() ({
          %run_scoped3A_343 = tpu.sem_alloc : memref<!tpu.dma_semaphore, #tpu.memory_space<semaphore_mem>>
          %dma_start3A_344 = arith.constant 0 : i32
          %dma_start3A_345 = tpu.memref_slice %arg7[%run_scoped3A_164, %dma_start3A_344] : memref<16x25xi32, #tpu.memory_space<vmem>> -> memref<1x25xi32, #tpu.memory_space<vmem>>
          %dma_start3A_346 = tpu.memref_squeeze %dma_start3A_345 : memref<1x25xi32, #tpu.memory_space<vmem>> -> memref<25xi32, #tpu.memory_space<vmem>>
          %dma_start3A_347 = arith.constant 0 : i32
          %dma_start3A_348 = arith.constant 0 : i32
          %dma_start3A_349 = tpu.memref_slice %arg15[%dma_start3A_347, %dma_start3A_348] : memref<10000x128xf32, #tpu.memory_space<vmem_shared>> -> memref<10000x128xf32, #tpu.memory_space<vmem_shared>>
          tpu.enqueue_indirect_dma source(%arg10 : memref<25x128xf32, #tpu.memory_space<vmem>>) target(%dma_start3A_349 : memref<10000x128xf32, #tpu.memory_space<vmem_shared>>) offsets(%dma_start3A_346 : memref<25xi32, #tpu.memory_space<vmem>>) semaphore(%run_scoped3A_343 : memref<!tpu.dma_semaphore, #tpu.memory_space<semaphore_mem>>) {add = true}
          %dma_wait3A_350 = arith.constant 0 : i32
          %dma_wait3A_351 = tpu.memref_slice %arg7[%run_scoped3A_164, %dma_wait3A_350] : memref<16x25xi32, #tpu.memory_space<vmem>> -> memref<1x25xi32, #tpu.memory_space<vmem>>
          %dma_wait3A_352 = tpu.memref_squeeze %dma_wait3A_351 : memref<1x25xi32, #tpu.memory_space<vmem>> -> memref<25xi32, #tpu.memory_space<vmem>>
          %dma_wait3A_353 = arith.constant 0 : i32
          %dma_wait3A_354 = arith.constant 0 : i32
          %dma_wait3A_355 = tpu.memref_slice %arg15[%dma_wait3A_353, %dma_wait3A_354] : memref<10000x128xf32, #tpu.memory_space<vmem_shared>> -> memref<10000x128xf32, #tpu.memory_space<vmem_shared>>
          tpu.wait_indirect_dma semaphore(%run_scoped3A_343 : memref<!tpu.dma_semaphore, #tpu.memory_space<semaphore_mem>>) src(%arg10 : memref<25x128xf32, #tpu.memory_space<vmem>>) dst(%dma_wait3A_355 : memref<10000x128xf32, #tpu.memory_space<vmem_shared>>)
          tpu.yield
        }) : () -> ()
        %dma_start3A_165 = arith.constant 7 : i32
        %dma_start3A_166 = arith.constant 0 : i32
        %dma_start3A_167 = tpu.memref_slice %arg6[%dma_start3A_165, %dma_start3A_166] : memref<16x25xi32, #tpu.memory_space<vmem>> -> memref<1x25xi32, #tpu.memory_space<vmem>>
        %dma_start3A_168 = tpu.memref_squeeze %dma_start3A_167 : memref<1x25xi32, #tpu.memory_space<vmem>> -> memref<25xi32, #tpu.memory_space<vmem>>
        %dma_start3A_169 = arith.constant 0 : i32
        %dma_start3A_170 = arith.constant 0 : i32
        %dma_start3A_171 = tpu.memref_slice %arg2[%dma_start3A_169, %dma_start3A_170] : memref<10000x128xf32, #tpu.memory_space<hbm>> -> memref<10000x128xf32, #tpu.memory_space<hbm>>
        tpu.enqueue_indirect_dma source(%dma_start3A_171 : memref<10000x128xf32, #tpu.memory_space<hbm>>) target(%arg13 : memref<25x128xf32, #tpu.memory_space<vmem>>) offsets(%dma_start3A_168 : memref<25xi32, #tpu.memory_space<vmem>>) semaphore(%arg21 : memref<!tpu.dma_semaphore, #tpu.memory_space<semaphore_mem>>)
        %dma_wait3A_172 = arith.constant 5 : i32
        %dma_wait3A_173 = arith.constant 0 : i32
        %dma_wait3A_174 = tpu.memref_slice %arg6[%dma_wait3A_172, %dma_wait3A_173] : memref<16x25xi32, #tpu.memory_space<vmem>> -> memref<1x25xi32, #tpu.memory_space<vmem>>
        %dma_wait3A_175 = tpu.memref_squeeze %dma_wait3A_174 : memref<1x25xi32, #tpu.memory_space<vmem>> -> memref<25xi32, #tpu.memory_space<vmem>>
        %dma_wait3A_176 = arith.constant 0 : i32
        %dma_wait3A_177 = arith.constant 0 : i32
        %dma_wait3A_178 = tpu.memref_slice %arg2[%dma_wait3A_176, %dma_wait3A_177] : memref<10000x128xf32, #tpu.memory_space<hbm>> -> memref<10000x128xf32, #tpu.memory_space<hbm>>
        tpu.wait_indirect_dma semaphore(%arg19 : memref<!tpu.dma_semaphore, #tpu.memory_space<semaphore_mem>>) src(%dma_wait3A_178 : memref<10000x128xf32, #tpu.memory_space<hbm>>) dst(%arg11 : memref<25x128xf32, #tpu.memory_space<vmem>>)
        %run_scoped3A_179 = arith.constant 5 : i32
        "tpu.region"() ({
          %run_scoped3A_343 = tpu.sem_alloc : memref<!tpu.dma_semaphore, #tpu.memory_space<semaphore_mem>>
          %dma_start3A_344 = arith.constant 0 : i32
          %dma_start3A_345 = tpu.memref_slice %arg7[%run_scoped3A_179, %dma_start3A_344] : memref<16x25xi32, #tpu.memory_space<vmem>> -> memref<1x25xi32, #tpu.memory_space<vmem>>
          %dma_start3A_346 = tpu.memref_squeeze %dma_start3A_345 : memref<1x25xi32, #tpu.memory_space<vmem>> -> memref<25xi32, #tpu.memory_space<vmem>>
          %dma_start3A_347 = arith.constant 0 : i32
          %dma_start3A_348 = arith.constant 0 : i32
          %dma_start3A_349 = tpu.memref_slice %arg15[%dma_start3A_347, %dma_start3A_348] : memref<10000x128xf32, #tpu.memory_space<vmem_shared>> -> memref<10000x128xf32, #tpu.memory_space<vmem_shared>>
          tpu.enqueue_indirect_dma source(%arg11 : memref<25x128xf32, #tpu.memory_space<vmem>>) target(%dma_start3A_349 : memref<10000x128xf32, #tpu.memory_space<vmem_shared>>) offsets(%dma_start3A_346 : memref<25xi32, #tpu.memory_space<vmem>>) semaphore(%run_scoped3A_343 : memref<!tpu.dma_semaphore, #tpu.memory_space<semaphore_mem>>) {add = true}
          %dma_wait3A_350 = arith.constant 0 : i32
          %dma_wait3A_351 = tpu.memref_slice %arg7[%run_scoped3A_179, %dma_wait3A_350] : memref<16x25xi32, #tpu.memory_space<vmem>> -> memref<1x25xi32, #tpu.memory_space<vmem>>
          %dma_wait3A_352 = tpu.memref_squeeze %dma_wait3A_351 : memref<1x25xi32, #tpu.memory_space<vmem>> -> memref<25xi32, #tpu.memory_space<vmem>>
          %dma_wait3A_353 = arith.constant 0 : i32
          %dma_wait3A_354 = arith.constant 0 : i32
          %dma_wait3A_355 = tpu.memref_slice %arg15[%dma_wait3A_353, %dma_wait3A_354] : memref<10000x128xf32, #tpu.memory_space<vmem_shared>> -> memref<10000x128xf32, #tpu.memory_space<vmem_shared>>
          tpu.wait_indirect_dma semaphore(%run_scoped3A_343 : memref<!tpu.dma_semaphore, #tpu.memory_space<semaphore_mem>>) src(%arg11 : memref<25x128xf32, #tpu.memory_space<vmem>>) dst(%dma_wait3A_355 : memref<10000x128xf32, #tpu.memory_space<vmem_shared>>)
          tpu.yield
        }) : () -> ()
        %dma_start3A_180 = arith.constant 8 : i32
        %dma_start3A_181 = arith.constant 0 : i32
        %dma_start3A_182 = tpu.memref_slice %arg6[%dma_start3A_180, %dma_start3A_181] : memref<16x25xi32, #tpu.memory_space<vmem>> -> memref<1x25xi32, #tpu.memory_space<vmem>>
        %dma_start3A_183 = tpu.memref_squeeze %dma_start3A_182 : memref<1x25xi32, #tpu.memory_space<vmem>> -> memref<25xi32, #tpu.memory_space<vmem>>
        %dma_start3A_184 = arith.constant 0 : i32
        %dma_start3A_185 = arith.constant 0 : i32
        %dma_start3A_186 = tpu.memref_slice %arg2[%dma_start3A_184, %dma_start3A_185] : memref<10000x128xf32, #tpu.memory_space<hbm>> -> memref<10000x128xf32, #tpu.memory_space<hbm>>
        tpu.enqueue_indirect_dma source(%dma_start3A_186 : memref<10000x128xf32, #tpu.memory_space<hbm>>) target(%arg10 : memref<25x128xf32, #tpu.memory_space<vmem>>) offsets(%dma_start3A_183 : memref<25xi32, #tpu.memory_space<vmem>>) semaphore(%arg18 : memref<!tpu.dma_semaphore, #tpu.memory_space<semaphore_mem>>)
        %dma_wait3A_187 = arith.constant 6 : i32
        %dma_wait3A_188 = arith.constant 0 : i32
        %dma_wait3A_189 = tpu.memref_slice %arg6[%dma_wait3A_187, %dma_wait3A_188] : memref<16x25xi32, #tpu.memory_space<vmem>> -> memref<1x25xi32, #tpu.memory_space<vmem>>
        %dma_wait3A_190 = tpu.memref_squeeze %dma_wait3A_189 : memref<1x25xi32, #tpu.memory_space<vmem>> -> memref<25xi32, #tpu.memory_space<vmem>>
        %dma_wait3A_191 = arith.constant 0 : i32
        %dma_wait3A_192 = arith.constant 0 : i32
        %dma_wait3A_193 = tpu.memref_slice %arg2[%dma_wait3A_191, %dma_wait3A_192] : memref<10000x128xf32, #tpu.memory_space<hbm>> -> memref<10000x128xf32, #tpu.memory_space<hbm>>
        tpu.wait_indirect_dma semaphore(%arg20 : memref<!tpu.dma_semaphore, #tpu.memory_space<semaphore_mem>>) src(%dma_wait3A_193 : memref<10000x128xf32, #tpu.memory_space<hbm>>) dst(%arg12 : memref<25x128xf32, #tpu.memory_space<vmem>>)
        %run_scoped3A_194 = arith.constant 6 : i32
        "tpu.region"() ({
          %run_scoped3A_343 = tpu.sem_alloc : memref<!tpu.dma_semaphore, #tpu.memory_space<semaphore_mem>>
          %dma_start3A_344 = arith.constant 0 : i32
          %dma_start3A_345 = tpu.memref_slice %arg7[%run_scoped3A_194, %dma_start3A_344] : memref<16x25xi32, #tpu.memory_space<vmem>> -> memref<1x25xi32, #tpu.memory_space<vmem>>
          %dma_start3A_346 = tpu.memref_squeeze %dma_start3A_345 : memref<1x25xi32, #tpu.memory_space<vmem>> -> memref<25xi32, #tpu.memory_space<vmem>>
          %dma_start3A_347 = arith.constant 0 : i32
          %dma_start3A_348 = arith.constant 0 : i32
          %dma_start3A_349 = tpu.memref_slice %arg15[%dma_start3A_347, %dma_start3A_348] : memref<10000x128xf32, #tpu.memory_space<vmem_shared>> -> memref<10000x128xf32, #tpu.memory_space<vmem_shared>>
          tpu.enqueue_indirect_dma source(%arg12 : memref<25x128xf32, #tpu.memory_space<vmem>>) target(%dma_start3A_349 : memref<10000x128xf32, #tpu.memory_space<vmem_shared>>) offsets(%dma_start3A_346 : memref<25xi32, #tpu.memory_space<vmem>>) semaphore(%run_scoped3A_343 : memref<!tpu.dma_semaphore, #tpu.memory_space<semaphore_mem>>) {add = true}
          %dma_wait3A_350 = arith.constant 0 : i32
          %dma_wait3A_351 = tpu.memref_slice %arg7[%run_scoped3A_194, %dma_wait3A_350] : memref<16x25xi32, #tpu.memory_space<vmem>> -> memref<1x25xi32, #tpu.memory_space<vmem>>
          %dma_wait3A_352 = tpu.memref_squeeze %dma_wait3A_351 : memref<1x25xi32, #tpu.memory_space<vmem>> -> memref<25xi32, #tpu.memory_space<vmem>>
          %dma_wait3A_353 = arith.constant 0 : i32
          %dma_wait3A_354 = arith.constant 0 : i32
          %dma_wait3A_355 = tpu.memref_slice %arg15[%dma_wait3A_353, %dma_wait3A_354] : memref<10000x128xf32, #tpu.memory_space<vmem_shared>> -> memref<10000x128xf32, #tpu.memory_space<vmem_shared>>
          tpu.wait_indirect_dma semaphore(%run_scoped3A_343 : memref<!tpu.dma_semaphore, #tpu.memory_space<semaphore_mem>>) src(%arg12 : memref<25x128xf32, #tpu.memory_space<vmem>>) dst(%dma_wait3A_355 : memref<10000x128xf32, #tpu.memory_space<vmem_shared>>)
          tpu.yield
        }) : () -> ()
        %dma_start3A_195 = arith.constant 9 : i32
        %dma_start3A_196 = arith.constant 0 : i32
        %dma_start3A_197 = tpu.memref_slice %arg6[%dma_start3A_195, %dma_start3A_196] : memref<16x25xi32, #tpu.memory_space<vmem>> -> memref<1x25xi32, #tpu.memory_space<vmem>>
        %dma_start3A_198 = tpu.memref_squeeze %dma_start3A_197 : memref<1x25xi32, #tpu.memory_space<vmem>> -> memref<25xi32, #tpu.memory_space<vmem>>
        %dma_start3A_199 = arith.constant 0 : i32
        %dma_start3A_200 = arith.constant 0 : i32
        %dma_start3A_201 = tpu.memref_slice %arg2[%dma_start3A_199, %dma_start3A_200] : memref<10000x128xf32, #tpu.memory_space<hbm>> -> memref<10000x128xf32, #tpu.memory_space<hbm>>
        tpu.enqueue_indirect_dma source(%dma_start3A_201 : memref<10000x128xf32, #tpu.memory_space<hbm>>) target(%arg11 : memref<25x128xf32, #tpu.memory_space<vmem>>) offsets(%dma_start3A_198 : memref<25xi32, #tpu.memory_space<vmem>>) semaphore(%arg19 : memref<!tpu.dma_semaphore, #tpu.memory_space<semaphore_mem>>)
        %dma_wait3A_202 = arith.constant 7 : i32
        %dma_wait3A_203 = arith.constant 0 : i32
        %dma_wait3A_204 = tpu.memref_slice %arg6[%dma_wait3A_202, %dma_wait3A_203] : memref<16x25xi32, #tpu.memory_space<vmem>> -> memref<1x25xi32, #tpu.memory_space<vmem>>
        %dma_wait3A_205 = tpu.memref_squeeze %dma_wait3A_204 : memref<1x25xi32, #tpu.memory_space<vmem>> -> memref<25xi32, #tpu.memory_space<vmem>>
        %dma_wait3A_206 = arith.constant 0 : i32
        %dma_wait3A_207 = arith.constant 0 : i32
        %dma_wait3A_208 = tpu.memref_slice %arg2[%dma_wait3A_206, %dma_wait3A_207] : memref<10000x128xf32, #tpu.memory_space<hbm>> -> memref<10000x128xf32, #tpu.memory_space<hbm>>
        tpu.wait_indirect_dma semaphore(%arg21 : memref<!tpu.dma_semaphore, #tpu.memory_space<semaphore_mem>>) src(%dma_wait3A_208 : memref<10000x128xf32, #tpu.memory_space<hbm>>) dst(%arg13 : memref<25x128xf32, #tpu.memory_space<vmem>>)
        %run_scoped3A_209 = arith.constant 7 : i32
        "tpu.region"() ({
          %run_scoped3A_343 = tpu.sem_alloc : memref<!tpu.dma_semaphore, #tpu.memory_space<semaphore_mem>>
          %dma_start3A_344 = arith.constant 0 : i32
          %dma_start3A_345 = tpu.memref_slice %arg7[%run_scoped3A_209, %dma_start3A_344] : memref<16x25xi32, #tpu.memory_space<vmem>> -> memref<1x25xi32, #tpu.memory_space<vmem>>
          %dma_start3A_346 = tpu.memref_squeeze %dma_start3A_345 : memref<1x25xi32, #tpu.memory_space<vmem>> -> memref<25xi32, #tpu.memory_space<vmem>>
          %dma_start3A_347 = arith.constant 0 : i32
          %dma_start3A_348 = arith.constant 0 : i32
          %dma_start3A_349 = tpu.memref_slice %arg15[%dma_start3A_347, %dma_start3A_348] : memref<10000x128xf32, #tpu.memory_space<vmem_shared>> -> memref<10000x128xf32, #tpu.memory_space<vmem_shared>>
          tpu.enqueue_indirect_dma source(%arg13 : memref<25x128xf32, #tpu.memory_space<vmem>>) target(%dma_start3A_349 : memref<10000x128xf32, #tpu.memory_space<vmem_shared>>) offsets(%dma_start3A_346 : memref<25xi32, #tpu.memory_space<vmem>>) semaphore(%run_scoped3A_343 : memref<!tpu.dma_semaphore, #tpu.memory_space<semaphore_mem>>) {add = true}
          %dma_wait3A_350 = arith.constant 0 : i32
          %dma_wait3A_351 = tpu.memref_slice %arg7[%run_scoped3A_209, %dma_wait3A_350] : memref<16x25xi32, #tpu.memory_space<vmem>> -> memref<1x25xi32, #tpu.memory_space<vmem>>
          %dma_wait3A_352 = tpu.memref_squeeze %dma_wait3A_351 : memref<1x25xi32, #tpu.memory_space<vmem>> -> memref<25xi32, #tpu.memory_space<vmem>>
          %dma_wait3A_353 = arith.constant 0 : i32
          %dma_wait3A_354 = arith.constant 0 : i32
          %dma_wait3A_355 = tpu.memref_slice %arg15[%dma_wait3A_353, %dma_wait3A_354] : memref<10000x128xf32, #tpu.memory_space<vmem_shared>> -> memref<10000x128xf32, #tpu.memory_space<vmem_shared>>
          tpu.wait_indirect_dma semaphore(%run_scoped3A_343 : memref<!tpu.dma_semaphore, #tpu.memory_space<semaphore_mem>>) src(%arg13 : memref<25x128xf32, #tpu.memory_space<vmem>>) dst(%dma_wait3A_355 : memref<10000x128xf32, #tpu.memory_space<vmem_shared>>)
          tpu.yield
        }) : () -> ()
        %dma_start3A_210 = arith.constant 10 : i32
        %dma_start3A_211 = arith.constant 0 : i32
        %dma_start3A_212 = tpu.memref_slice %arg6[%dma_start3A_210, %dma_start3A_211] : memref<16x25xi32, #tpu.memory_space<vmem>> -> memref<1x25xi32, #tpu.memory_space<vmem>>
        %dma_start3A_213 = tpu.memref_squeeze %dma_start3A_212 : memref<1x25xi32, #tpu.memory_space<vmem>> -> memref<25xi32, #tpu.memory_space<vmem>>
        %dma_start3A_214 = arith.constant 0 : i32
        %dma_start3A_215 = arith.constant 0 : i32
        %dma_start3A_216 = tpu.memref_slice %arg2[%dma_start3A_214, %dma_start3A_215] : memref<10000x128xf32, #tpu.memory_space<hbm>> -> memref<10000x128xf32, #tpu.memory_space<hbm>>
        tpu.enqueue_indirect_dma source(%dma_start3A_216 : memref<10000x128xf32, #tpu.memory_space<hbm>>) target(%arg12 : memref<25x128xf32, #tpu.memory_space<vmem>>) offsets(%dma_start3A_213 : memref<25xi32, #tpu.memory_space<vmem>>) semaphore(%arg20 : memref<!tpu.dma_semaphore, #tpu.memory_space<semaphore_mem>>)
        %dma_wait3A_217 = arith.constant 8 : i32
        %dma_wait3A_218 = arith.constant 0 : i32
        %dma_wait3A_219 = tpu.memref_slice %arg6[%dma_wait3A_217, %dma_wait3A_218] : memref<16x25xi32, #tpu.memory_space<vmem>> -> memref<1x25xi32, #tpu.memory_space<vmem>>
        %dma_wait3A_220 = tpu.memref_squeeze %dma_wait3A_219 : memref<1x25xi32, #tpu.memory_space<vmem>> -> memref<25xi32, #tpu.memory_space<vmem>>
        %dma_wait3A_221 = arith.constant 0 : i32
        %dma_wait3A_222 = arith.constant 0 : i32
        %dma_wait3A_223 = tpu.memref_slice %arg2[%dma_wait3A_221, %dma_wait3A_222] : memref<10000x128xf32, #tpu.memory_space<hbm>> -> memref<10000x128xf32, #tpu.memory_space<hbm>>
        tpu.wait_indirect_dma semaphore(%arg18 : memref<!tpu.dma_semaphore, #tpu.memory_space<semaphore_mem>>) src(%dma_wait3A_223 : memref<10000x128xf32, #tpu.memory_space<hbm>>) dst(%arg10 : memref<25x128xf32, #tpu.memory_space<vmem>>)
        %run_scoped3A_224 = arith.constant 8 : i32
        "tpu.region"() ({
          %run_scoped3A_343 = tpu.sem_alloc : memref<!tpu.dma_semaphore, #tpu.memory_space<semaphore_mem>>
          %dma_start3A_344 = arith.constant 0 : i32
          %dma_start3A_345 = tpu.memref_slice %arg7[%run_scoped3A_224, %dma_start3A_344] : memref<16x25xi32, #tpu.memory_space<vmem>> -> memref<1x25xi32, #tpu.memory_space<vmem>>
          %dma_start3A_346 = tpu.memref_squeeze %dma_start3A_345 : memref<1x25xi32, #tpu.memory_space<vmem>> -> memref<25xi32, #tpu.memory_space<vmem>>
          %dma_start3A_347 = arith.constant 0 : i32
          %dma_start3A_348 = arith.constant 0 : i32
          %dma_start3A_349 = tpu.memref_slice %arg15[%dma_start3A_347, %dma_start3A_348] : memref<10000x128xf32, #tpu.memory_space<vmem_shared>> -> memref<10000x128xf32, #tpu.memory_space<vmem_shared>>
          tpu.enqueue_indirect_dma source(%arg10 : memref<25x128xf32, #tpu.memory_space<vmem>>) target(%dma_start3A_349 : memref<10000x128xf32, #tpu.memory_space<vmem_shared>>) offsets(%dma_start3A_346 : memref<25xi32, #tpu.memory_space<vmem>>) semaphore(%run_scoped3A_343 : memref<!tpu.dma_semaphore, #tpu.memory_space<semaphore_mem>>) {add = true}
          %dma_wait3A_350 = arith.constant 0 : i32
          %dma_wait3A_351 = tpu.memref_slice %arg7[%run_scoped3A_224, %dma_wait3A_350] : memref<16x25xi32, #tpu.memory_space<vmem>> -> memref<1x25xi32, #tpu.memory_space<vmem>>
          %dma_wait3A_352 = tpu.memref_squeeze %dma_wait3A_351 : memref<1x25xi32, #tpu.memory_space<vmem>> -> memref<25xi32, #tpu.memory_space<vmem>>
          %dma_wait3A_353 = arith.constant 0 : i32
          %dma_wait3A_354 = arith.constant 0 : i32
          %dma_wait3A_355 = tpu.memref_slice %arg15[%dma_wait3A_353, %dma_wait3A_354] : memref<10000x128xf32, #tpu.memory_space<vmem_shared>> -> memref<10000x128xf32, #tpu.memory_space<vmem_shared>>
          tpu.wait_indirect_dma semaphore(%run_scoped3A_343 : memref<!tpu.dma_semaphore, #tpu.memory_space<semaphore_mem>>) src(%arg10 : memref<25x128xf32, #tpu.memory_space<vmem>>) dst(%dma_wait3A_355 : memref<10000x128xf32, #tpu.memory_space<vmem_shared>>)
          tpu.yield
        }) : () -> ()
        %dma_start3A_225 = arith.constant 11 : i32
        %dma_start3A_226 = arith.constant 0 : i32
        %dma_start3A_227 = tpu.memref_slice %arg6[%dma_start3A_225, %dma_start3A_226] : memref<16x25xi32, #tpu.memory_space<vmem>> -> memref<1x25xi32, #tpu.memory_space<vmem>>
        %dma_start3A_228 = tpu.memref_squeeze %dma_start3A_227 : memref<1x25xi32, #tpu.memory_space<vmem>> -> memref<25xi32, #tpu.memory_space<vmem>>
        %dma_start3A_229 = arith.constant 0 : i32
        %dma_start3A_230 = arith.constant 0 : i32
        %dma_start3A_231 = tpu.memref_slice %arg2[%dma_start3A_229, %dma_start3A_230] : memref<10000x128xf32, #tpu.memory_space<hbm>> -> memref<10000x128xf32, #tpu.memory_space<hbm>>
        tpu.enqueue_indirect_dma source(%dma_start3A_231 : memref<10000x128xf32, #tpu.memory_space<hbm>>) target(%arg13 : memref<25x128xf32, #tpu.memory_space<vmem>>) offsets(%dma_start3A_228 : memref<25xi32, #tpu.memory_space<vmem>>) semaphore(%arg21 : memref<!tpu.dma_semaphore, #tpu.memory_space<semaphore_mem>>)
        %dma_wait3A_232 = arith.constant 9 : i32
        %dma_wait3A_233 = arith.constant 0 : i32
        %dma_wait3A_234 = tpu.memref_slice %arg6[%dma_wait3A_232, %dma_wait3A_233] : memref<16x25xi32, #tpu.memory_space<vmem>> -> memref<1x25xi32, #tpu.memory_space<vmem>>
        %dma_wait3A_235 = tpu.memref_squeeze %dma_wait3A_234 : memref<1x25xi32, #tpu.memory_space<vmem>> -> memref<25xi32, #tpu.memory_space<vmem>>
        %dma_wait3A_236 = arith.constant 0 : i32
        %dma_wait3A_237 = arith.constant 0 : i32
        %dma_wait3A_238 = tpu.memref_slice %arg2[%dma_wait3A_236, %dma_wait3A_237] : memref<10000x128xf32, #tpu.memory_space<hbm>> -> memref<10000x128xf32, #tpu.memory_space<hbm>>
        tpu.wait_indirect_dma semaphore(%arg19 : memref<!tpu.dma_semaphore, #tpu.memory_space<semaphore_mem>>) src(%dma_wait3A_238 : memref<10000x128xf32, #tpu.memory_space<hbm>>) dst(%arg11 : memref<25x128xf32, #tpu.memory_space<vmem>>)
        %run_scoped3A_239 = arith.constant 9 : i32
        "tpu.region"() ({
          %run_scoped3A_343 = tpu.sem_alloc : memref<!tpu.dma_semaphore, #tpu.memory_space<semaphore_mem>>
          %dma_start3A_344 = arith.constant 0 : i32
          %dma_start3A_345 = tpu.memref_slice %arg7[%run_scoped3A_239, %dma_start3A_344] : memref<16x25xi32, #tpu.memory_space<vmem>> -> memref<1x25xi32, #tpu.memory_space<vmem>>
          %dma_start3A_346 = tpu.memref_squeeze %dma_start3A_345 : memref<1x25xi32, #tpu.memory_space<vmem>> -> memref<25xi32, #tpu.memory_space<vmem>>
          %dma_start3A_347 = arith.constant 0 : i32
          %dma_start3A_348 = arith.constant 0 : i32
          %dma_start3A_349 = tpu.memref_slice %arg15[%dma_start3A_347, %dma_start3A_348] : memref<10000x128xf32, #tpu.memory_space<vmem_shared>> -> memref<10000x128xf32, #tpu.memory_space<vmem_shared>>
          tpu.enqueue_indirect_dma source(%arg11 : memref<25x128xf32, #tpu.memory_space<vmem>>) target(%dma_start3A_349 : memref<10000x128xf32, #tpu.memory_space<vmem_shared>>) offsets(%dma_start3A_346 : memref<25xi32, #tpu.memory_space<vmem>>) semaphore(%run_scoped3A_343 : memref<!tpu.dma_semaphore, #tpu.memory_space<semaphore_mem>>) {add = true}
          %dma_wait3A_350 = arith.constant 0 : i32
          %dma_wait3A_351 = tpu.memref_slice %arg7[%run_scoped3A_239, %dma_wait3A_350] : memref<16x25xi32, #tpu.memory_space<vmem>> -> memref<1x25xi32, #tpu.memory_space<vmem>>
          %dma_wait3A_352 = tpu.memref_squeeze %dma_wait3A_351 : memref<1x25xi32, #tpu.memory_space<vmem>> -> memref<25xi32, #tpu.memory_space<vmem>>
          %dma_wait3A_353 = arith.constant 0 : i32
          %dma_wait3A_354 = arith.constant 0 : i32
          %dma_wait3A_355 = tpu.memref_slice %arg15[%dma_wait3A_353, %dma_wait3A_354] : memref<10000x128xf32, #tpu.memory_space<vmem_shared>> -> memref<10000x128xf32, #tpu.memory_space<vmem_shared>>
          tpu.wait_indirect_dma semaphore(%run_scoped3A_343 : memref<!tpu.dma_semaphore, #tpu.memory_space<semaphore_mem>>) src(%arg11 : memref<25x128xf32, #tpu.memory_space<vmem>>) dst(%dma_wait3A_355 : memref<10000x128xf32, #tpu.memory_space<vmem_shared>>)
          tpu.yield
        }) : () -> ()
        %dma_start3A_240 = arith.constant 12 : i32
        %dma_start3A_241 = arith.constant 0 : i32
        %dma_start3A_242 = tpu.memref_slice %arg6[%dma_start3A_240, %dma_start3A_241] : memref<16x25xi32, #tpu.memory_space<vmem>> -> memref<1x25xi32, #tpu.memory_space<vmem>>
        %dma_start3A_243 = tpu.memref_squeeze %dma_start3A_242 : memref<1x25xi32, #tpu.memory_space<vmem>> -> memref<25xi32, #tpu.memory_space<vmem>>
        %dma_start3A_244 = arith.constant 0 : i32
        %dma_start3A_245 = arith.constant 0 : i32
        %dma_start3A_246 = tpu.memref_slice %arg2[%dma_start3A_244, %dma_start3A_245] : memref<10000x128xf32, #tpu.memory_space<hbm>> -> memref<10000x128xf32, #tpu.memory_space<hbm>>
        tpu.enqueue_indirect_dma source(%dma_start3A_246 : memref<10000x128xf32, #tpu.memory_space<hbm>>) target(%arg10 : memref<25x128xf32, #tpu.memory_space<vmem>>) offsets(%dma_start3A_243 : memref<25xi32, #tpu.memory_space<vmem>>) semaphore(%arg18 : memref<!tpu.dma_semaphore, #tpu.memory_space<semaphore_mem>>)
        %dma_wait3A_247 = arith.constant 10 : i32
        %dma_wait3A_248 = arith.constant 0 : i32
        %dma_wait3A_249 = tpu.memref_slice %arg6[%dma_wait3A_247, %dma_wait3A_248] : memref<16x25xi32, #tpu.memory_space<vmem>> -> memref<1x25xi32, #tpu.memory_space<vmem>>
        %dma_wait3A_250 = tpu.memref_squeeze %dma_wait3A_249 : memref<1x25xi32, #tpu.memory_space<vmem>> -> memref<25xi32, #tpu.memory_space<vmem>>
        %dma_wait3A_251 = arith.constant 0 : i32
        %dma_wait3A_252 = arith.constant 0 : i32
        %dma_wait3A_253 = tpu.memref_slice %arg2[%dma_wait3A_251, %dma_wait3A_252] : memref<10000x128xf32, #tpu.memory_space<hbm>> -> memref<10000x128xf32, #tpu.memory_space<hbm>>
        tpu.wait_indirect_dma semaphore(%arg20 : memref<!tpu.dma_semaphore, #tpu.memory_space<semaphore_mem>>) src(%dma_wait3A_253 : memref<10000x128xf32, #tpu.memory_space<hbm>>) dst(%arg12 : memref<25x128xf32, #tpu.memory_space<vmem>>)
        %run_scoped3A_254 = arith.constant 10 : i32
        "tpu.region"() ({
          %run_scoped3A_343 = tpu.sem_alloc : memref<!tpu.dma_semaphore, #tpu.memory_space<semaphore_mem>>
          %dma_start3A_344 = arith.constant 0 : i32
          %dma_start3A_345 = tpu.memref_slice %arg7[%run_scoped3A_254, %dma_start3A_344] : memref<16x25xi32, #tpu.memory_space<vmem>> -> memref<1x25xi32, #tpu.memory_space<vmem>>
          %dma_start3A_346 = tpu.memref_squeeze %dma_start3A_345 : memref<1x25xi32, #tpu.memory_space<vmem>> -> memref<25xi32, #tpu.memory_space<vmem>>
          %dma_start3A_347 = arith.constant 0 : i32
          %dma_start3A_348 = arith.constant 0 : i32
          %dma_start3A_349 = tpu.memref_slice %arg15[%dma_start3A_347, %dma_start3A_348] : memref<10000x128xf32, #tpu.memory_space<vmem_shared>> -> memref<10000x128xf32, #tpu.memory_space<vmem_shared>>
          tpu.enqueue_indirect_dma source(%arg12 : memref<25x128xf32, #tpu.memory_space<vmem>>) target(%dma_start3A_349 : memref<10000x128xf32, #tpu.memory_space<vmem_shared>>) offsets(%dma_start3A_346 : memref<25xi32, #tpu.memory_space<vmem>>) semaphore(%run_scoped3A_343 : memref<!tpu.dma_semaphore, #tpu.memory_space<semaphore_mem>>) {add = true}
          %dma_wait3A_350 = arith.constant 0 : i32
          %dma_wait3A_351 = tpu.memref_slice %arg7[%run_scoped3A_254, %dma_wait3A_350] : memref<16x25xi32, #tpu.memory_space<vmem>> -> memref<1x25xi32, #tpu.memory_space<vmem>>
          %dma_wait3A_352 = tpu.memref_squeeze %dma_wait3A_351 : memref<1x25xi32, #tpu.memory_space<vmem>> -> memref<25xi32, #tpu.memory_space<vmem>>
          %dma_wait3A_353 = arith.constant 0 : i32
          %dma_wait3A_354 = arith.constant 0 : i32
          %dma_wait3A_355 = tpu.memref_slice %arg15[%dma_wait3A_353, %dma_wait3A_354] : memref<10000x128xf32, #tpu.memory_space<vmem_shared>> -> memref<10000x128xf32, #tpu.memory_space<vmem_shared>>
          tpu.wait_indirect_dma semaphore(%run_scoped3A_343 : memref<!tpu.dma_semaphore, #tpu.memory_space<semaphore_mem>>) src(%arg12 : memref<25x128xf32, #tpu.memory_space<vmem>>) dst(%dma_wait3A_355 : memref<10000x128xf32, #tpu.memory_space<vmem_shared>>)
          tpu.yield
        }) : () -> ()
        %dma_start3A_255 = arith.constant 13 : i32
        %dma_start3A_256 = arith.constant 0 : i32
        %dma_start3A_257 = tpu.memref_slice %arg6[%dma_start3A_255, %dma_start3A_256] : memref<16x25xi32, #tpu.memory_space<vmem>> -> memref<1x25xi32, #tpu.memory_space<vmem>>
        %dma_start3A_258 = tpu.memref_squeeze %dma_start3A_257 : memref<1x25xi32, #tpu.memory_space<vmem>> -> memref<25xi32, #tpu.memory_space<vmem>>
        %dma_start3A_259 = arith.constant 0 : i32
        %dma_start3A_260 = arith.constant 0 : i32
        %dma_start3A_261 = tpu.memref_slice %arg2[%dma_start3A_259, %dma_start3A_260] : memref<10000x128xf32, #tpu.memory_space<hbm>> -> memref<10000x128xf32, #tpu.memory_space<hbm>>
        tpu.enqueue_indirect_dma source(%dma_start3A_261 : memref<10000x128xf32, #tpu.memory_space<hbm>>) target(%arg11 : memref<25x128xf32, #tpu.memory_space<vmem>>) offsets(%dma_start3A_258 : memref<25xi32, #tpu.memory_space<vmem>>) semaphore(%arg19 : memref<!tpu.dma_semaphore, #tpu.memory_space<semaphore_mem>>)
        %dma_wait3A_262 = arith.constant 11 : i32
        %dma_wait3A_263 = arith.constant 0 : i32
        %dma_wait3A_264 = tpu.memref_slice %arg6[%dma_wait3A_262, %dma_wait3A_263] : memref<16x25xi32, #tpu.memory_space<vmem>> -> memref<1x25xi32, #tpu.memory_space<vmem>>
        %dma_wait3A_265 = tpu.memref_squeeze %dma_wait3A_264 : memref<1x25xi32, #tpu.memory_space<vmem>> -> memref<25xi32, #tpu.memory_space<vmem>>
        %dma_wait3A_266 = arith.constant 0 : i32
        %dma_wait3A_267 = arith.constant 0 : i32
        %dma_wait3A_268 = tpu.memref_slice %arg2[%dma_wait3A_266, %dma_wait3A_267] : memref<10000x128xf32, #tpu.memory_space<hbm>> -> memref<10000x128xf32, #tpu.memory_space<hbm>>
        tpu.wait_indirect_dma semaphore(%arg21 : memref<!tpu.dma_semaphore, #tpu.memory_space<semaphore_mem>>) src(%dma_wait3A_268 : memref<10000x128xf32, #tpu.memory_space<hbm>>) dst(%arg13 : memref<25x128xf32, #tpu.memory_space<vmem>>)
        %run_scoped3A_269 = arith.constant 11 : i32
        "tpu.region"() ({
          %run_scoped3A_343 = tpu.sem_alloc : memref<!tpu.dma_semaphore, #tpu.memory_space<semaphore_mem>>
          %dma_start3A_344 = arith.constant 0 : i32
          %dma_start3A_345 = tpu.memref_slice %arg7[%run_scoped3A_269, %dma_start3A_344] : memref<16x25xi32, #tpu.memory_space<vmem>> -> memref<1x25xi32, #tpu.memory_space<vmem>>
          %dma_start3A_346 = tpu.memref_squeeze %dma_start3A_345 : memref<1x25xi32, #tpu.memory_space<vmem>> -> memref<25xi32, #tpu.memory_space<vmem>>
          %dma_start3A_347 = arith.constant 0 : i32
          %dma_start3A_348 = arith.constant 0 : i32
          %dma_start3A_349 = tpu.memref_slice %arg15[%dma_start3A_347, %dma_start3A_348] : memref<10000x128xf32, #tpu.memory_space<vmem_shared>> -> memref<10000x128xf32, #tpu.memory_space<vmem_shared>>
          tpu.enqueue_indirect_dma source(%arg13 : memref<25x128xf32, #tpu.memory_space<vmem>>) target(%dma_start3A_349 : memref<10000x128xf32, #tpu.memory_space<vmem_shared>>) offsets(%dma_start3A_346 : memref<25xi32, #tpu.memory_space<vmem>>) semaphore(%run_scoped3A_343 : memref<!tpu.dma_semaphore, #tpu.memory_space<semaphore_mem>>) {add = true}
          %dma_wait3A_350 = arith.constant 0 : i32
          %dma_wait3A_351 = tpu.memref_slice %arg7[%run_scoped3A_269, %dma_wait3A_350] : memref<16x25xi32, #tpu.memory_space<vmem>> -> memref<1x25xi32, #tpu.memory_space<vmem>>
          %dma_wait3A_352 = tpu.memref_squeeze %dma_wait3A_351 : memref<1x25xi32, #tpu.memory_space<vmem>> -> memref<25xi32, #tpu.memory_space<vmem>>
          %dma_wait3A_353 = arith.constant 0 : i32
          %dma_wait3A_354 = arith.constant 0 : i32
          %dma_wait3A_355 = tpu.memref_slice %arg15[%dma_wait3A_353, %dma_wait3A_354] : memref<10000x128xf32, #tpu.memory_space<vmem_shared>> -> memref<10000x128xf32, #tpu.memory_space<vmem_shared>>
          tpu.wait_indirect_dma semaphore(%run_scoped3A_343 : memref<!tpu.dma_semaphore, #tpu.memory_space<semaphore_mem>>) src(%arg13 : memref<25x128xf32, #tpu.memory_space<vmem>>) dst(%dma_wait3A_355 : memref<10000x128xf32, #tpu.memory_space<vmem_shared>>)
          tpu.yield
        }) : () -> ()
        %dma_start3A_270 = arith.constant 14 : i32
        %dma_start3A_271 = arith.constant 0 : i32
        %dma_start3A_272 = tpu.memref_slice %arg6[%dma_start3A_270, %dma_start3A_271] : memref<16x25xi32, #tpu.memory_space<vmem>> -> memref<1x25xi32, #tpu.memory_space<vmem>>
        %dma_start3A_273 = tpu.memref_squeeze %dma_start3A_272 : memref<1x25xi32, #tpu.memory_space<vmem>> -> memref<25xi32, #tpu.memory_space<vmem>>
        %dma_start3A_274 = arith.constant 0 : i32
        %dma_start3A_275 = arith.constant 0 : i32
        %dma_start3A_276 = tpu.memref_slice %arg2[%dma_start3A_274, %dma_start3A_275] : memref<10000x128xf32, #tpu.memory_space<hbm>> -> memref<10000x128xf32, #tpu.memory_space<hbm>>
        tpu.enqueue_indirect_dma source(%dma_start3A_276 : memref<10000x128xf32, #tpu.memory_space<hbm>>) target(%arg12 : memref<25x128xf32, #tpu.memory_space<vmem>>) offsets(%dma_start3A_273 : memref<25xi32, #tpu.memory_space<vmem>>) semaphore(%arg20 : memref<!tpu.dma_semaphore, #tpu.memory_space<semaphore_mem>>)
        %dma_wait3A_277 = arith.constant 12 : i32
        %dma_wait3A_278 = arith.constant 0 : i32
        %dma_wait3A_279 = tpu.memref_slice %arg6[%dma_wait3A_277, %dma_wait3A_278] : memref<16x25xi32, #tpu.memory_space<vmem>> -> memref<1x25xi32, #tpu.memory_space<vmem>>
        %dma_wait3A_280 = tpu.memref_squeeze %dma_wait3A_279 : memref<1x25xi32, #tpu.memory_space<vmem>> -> memref<25xi32, #tpu.memory_space<vmem>>
        %dma_wait3A_281 = arith.constant 0 : i32
        %dma_wait3A_282 = arith.constant 0 : i32
        %dma_wait3A_283 = tpu.memref_slice %arg2[%dma_wait3A_281, %dma_wait3A_282] : memref<10000x128xf32, #tpu.memory_space<hbm>> -> memref<10000x128xf32, #tpu.memory_space<hbm>>
        tpu.wait_indirect_dma semaphore(%arg18 : memref<!tpu.dma_semaphore, #tpu.memory_space<semaphore_mem>>) src(%dma_wait3A_283 : memref<10000x128xf32, #tpu.memory_space<hbm>>) dst(%arg10 : memref<25x128xf32, #tpu.memory_space<vmem>>)
        %run_scoped3A_284 = arith.constant 12 : i32
        "tpu.region"() ({
          %run_scoped3A_343 = tpu.sem_alloc : memref<!tpu.dma_semaphore, #tpu.memory_space<semaphore_mem>>
          %dma_start3A_344 = arith.constant 0 : i32
          %dma_start3A_345 = tpu.memref_slice %arg7[%run_scoped3A_284, %dma_start3A_344] : memref<16x25xi32, #tpu.memory_space<vmem>> -> memref<1x25xi32, #tpu.memory_space<vmem>>
          %dma_start3A_346 = tpu.memref_squeeze %dma_start3A_345 : memref<1x25xi32, #tpu.memory_space<vmem>> -> memref<25xi32, #tpu.memory_space<vmem>>
          %dma_start3A_347 = arith.constant 0 : i32
          %dma_start3A_348 = arith.constant 0 : i32
          %dma_start3A_349 = tpu.memref_slice %arg15[%dma_start3A_347, %dma_start3A_348] : memref<10000x128xf32, #tpu.memory_space<vmem_shared>> -> memref<10000x128xf32, #tpu.memory_space<vmem_shared>>
          tpu.enqueue_indirect_dma source(%arg10 : memref<25x128xf32, #tpu.memory_space<vmem>>) target(%dma_start3A_349 : memref<10000x128xf32, #tpu.memory_space<vmem_shared>>) offsets(%dma_start3A_346 : memref<25xi32, #tpu.memory_space<vmem>>) semaphore(%run_scoped3A_343 : memref<!tpu.dma_semaphore, #tpu.memory_space<semaphore_mem>>) {add = true}
          %dma_wait3A_350 = arith.constant 0 : i32
          %dma_wait3A_351 = tpu.memref_slice %arg7[%run_scoped3A_284, %dma_wait3A_350] : memref<16x25xi32, #tpu.memory_space<vmem>> -> memref<1x25xi32, #tpu.memory_space<vmem>>
          %dma_wait3A_352 = tpu.memref_squeeze %dma_wait3A_351 : memref<1x25xi32, #tpu.memory_space<vmem>> -> memref<25xi32, #tpu.memory_space<vmem>>
          %dma_wait3A_353 = arith.constant 0 : i32
          %dma_wait3A_354 = arith.constant 0 : i32
          %dma_wait3A_355 = tpu.memref_slice %arg15[%dma_wait3A_353, %dma_wait3A_354] : memref<10000x128xf32, #tpu.memory_space<vmem_shared>> -> memref<10000x128xf32, #tpu.memory_space<vmem_shared>>
          tpu.wait_indirect_dma semaphore(%run_scoped3A_343 : memref<!tpu.dma_semaphore, #tpu.memory_space<semaphore_mem>>) src(%arg10 : memref<25x128xf32, #tpu.memory_space<vmem>>) dst(%dma_wait3A_355 : memref<10000x128xf32, #tpu.memory_space<vmem_shared>>)
          tpu.yield
        }) : () -> ()
        %dma_start3A_285 = arith.constant 15 : i32
        %dma_start3A_286 = arith.constant 0 : i32
        %dma_start3A_287 = tpu.memref_slice %arg6[%dma_start3A_285, %dma_start3A_286] : memref<16x25xi32, #tpu.memory_space<vmem>> -> memref<1x25xi32, #tpu.memory_space<vmem>>
        %dma_start3A_288 = tpu.memref_squeeze %dma_start3A_287 : memref<1x25xi32, #tpu.memory_space<vmem>> -> memref<25xi32, #tpu.memory_space<vmem>>
        %dma_start3A_289 = arith.constant 0 : i32
        %dma_start3A_290 = arith.constant 0 : i32
        %dma_start3A_291 = tpu.memref_slice %arg2[%dma_start3A_289, %dma_start3A_290] : memref<10000x128xf32, #tpu.memory_space<hbm>> -> memref<10000x128xf32, #tpu.memory_space<hbm>>
        tpu.enqueue_indirect_dma source(%dma_start3A_291 : memref<10000x128xf32, #tpu.memory_space<hbm>>) target(%arg13 : memref<25x128xf32, #tpu.memory_space<vmem>>) offsets(%dma_start3A_288 : memref<25xi32, #tpu.memory_space<vmem>>) semaphore(%arg21 : memref<!tpu.dma_semaphore, #tpu.memory_space<semaphore_mem>>)
        %dma_wait3A_292 = arith.constant 13 : i32
        %dma_wait3A_293 = arith.constant 0 : i32
        %dma_wait3A_294 = tpu.memref_slice %arg6[%dma_wait3A_292, %dma_wait3A_293] : memref<16x25xi32, #tpu.memory_space<vmem>> -> memref<1x25xi32, #tpu.memory_space<vmem>>
        %dma_wait3A_295 = tpu.memref_squeeze %dma_wait3A_294 : memref<1x25xi32, #tpu.memory_space<vmem>> -> memref<25xi32, #tpu.memory_space<vmem>>
        %dma_wait3A_296 = arith.constant 0 : i32
        %dma_wait3A_297 = arith.constant 0 : i32
        %dma_wait3A_298 = tpu.memref_slice %arg2[%dma_wait3A_296, %dma_wait3A_297] : memref<10000x128xf32, #tpu.memory_space<hbm>> -> memref<10000x128xf32, #tpu.memory_space<hbm>>
        tpu.wait_indirect_dma semaphore(%arg19 : memref<!tpu.dma_semaphore, #tpu.memory_space<semaphore_mem>>) src(%dma_wait3A_298 : memref<10000x128xf32, #tpu.memory_space<hbm>>) dst(%arg11 : memref<25x128xf32, #tpu.memory_space<vmem>>)
        %run_scoped3A_299 = arith.constant 13 : i32
        "tpu.region"() ({
          %run_scoped3A_343 = tpu.sem_alloc : memref<!tpu.dma_semaphore, #tpu.memory_space<semaphore_mem>>
          %dma_start3A_344 = arith.constant 0 : i32
          %dma_start3A_345 = tpu.memref_slice %arg7[%run_scoped3A_299, %dma_start3A_344] : memref<16x25xi32, #tpu.memory_space<vmem>> -> memref<1x25xi32, #tpu.memory_space<vmem>>
          %dma_start3A_346 = tpu.memref_squeeze %dma_start3A_345 : memref<1x25xi32, #tpu.memory_space<vmem>> -> memref<25xi32, #tpu.memory_space<vmem>>
          %dma_start3A_347 = arith.constant 0 : i32
          %dma_start3A_348 = arith.constant 0 : i32
          %dma_start3A_349 = tpu.memref_slice %arg15[%dma_start3A_347, %dma_start3A_348] : memref<10000x128xf32, #tpu.memory_space<vmem_shared>> -> memref<10000x128xf32, #tpu.memory_space<vmem_shared>>
          tpu.enqueue_indirect_dma source(%arg11 : memref<25x128xf32, #tpu.memory_space<vmem>>) target(%dma_start3A_349 : memref<10000x128xf32, #tpu.memory_space<vmem_shared>>) offsets(%dma_start3A_346 : memref<25xi32, #tpu.memory_space<vmem>>) semaphore(%run_scoped3A_343 : memref<!tpu.dma_semaphore, #tpu.memory_space<semaphore_mem>>) {add = true}
          %dma_wait3A_350 = arith.constant 0 : i32
          %dma_wait3A_351 = tpu.memref_slice %arg7[%run_scoped3A_299, %dma_wait3A_350] : memref<16x25xi32, #tpu.memory_space<vmem>> -> memref<1x25xi32, #tpu.memory_space<vmem>>
          %dma_wait3A_352 = tpu.memref_squeeze %dma_wait3A_351 : memref<1x25xi32, #tpu.memory_space<vmem>> -> memref<25xi32, #tpu.memory_space<vmem>>
          %dma_wait3A_353 = arith.constant 0 : i32
          %dma_wait3A_354 = arith.constant 0 : i32
          %dma_wait3A_355 = tpu.memref_slice %arg15[%dma_wait3A_353, %dma_wait3A_354] : memref<10000x128xf32, #tpu.memory_space<vmem_shared>> -> memref<10000x128xf32, #tpu.memory_space<vmem_shared>>
          tpu.wait_indirect_dma semaphore(%run_scoped3A_343 : memref<!tpu.dma_semaphore, #tpu.memory_space<semaphore_mem>>) src(%arg11 : memref<25x128xf32, #tpu.memory_space<vmem>>) dst(%dma_wait3A_355 : memref<10000x128xf32, #tpu.memory_space<vmem_shared>>)
          tpu.yield
        }) : () -> ()
        %lt3A_300 = arith.constant 24 : i32
        %lt3A_301 = arith.cmpi slt, %add3A_62, %lt3A_300 : i32
        %convert_element_type3A_302 = arith.extui %lt3A_301 : i1 to i32
        %cond3A_303 = arith.constant 0 : i32
        %cond3A_304 = arith.cmpi ne, %convert_element_type3A_302, %cond3A_303 : i32
        scf.if %cond3A_304 {
          %add3A_343 = arith.constant 1 : i32
          %add3A_344 = arith.addi %add3A_62, %add3A_343 : i32
          %mul3A_345 = arith.constant 16 : i32
          %mul3A_346 = arith.muli %add3A_344, %mul3A_345 : i32
          %add3A_347 = arith.addi %mul3A_4, %mul3A_346 : i32
          %multiple_of3A_348 = tpu.assume_multiple %add3A_347, 8 : i32
          %dma_wait3A_349 = arith.constant 0 : i32
          %dma_wait3A_350 = tpu.memref_slice %arg3[%multiple_of3A_348, %dma_wait3A_349] : memref<12800x25xi32, #tpu.memory_space<hbm>> -> memref<16x25xi32, #tpu.memory_space<hbm>>
          %dma_wait3A_351 = arith.constant 0 : i32
          %dma_wait3A_352 = tpu.memref_slice %arg3[%multiple_of3A_348, %dma_wait3A_351] : memref<12800x25xi32, #tpu.memory_space<hbm>> -> memref<16x25xi32, #tpu.memory_space<hbm>>
          tpu.wait_dma2 semaphore(%arg17 : memref<!tpu.dma_semaphore, #tpu.memory_space<semaphore_mem>>) src(%dma_wait3A_352 : memref<16x25xi32, #tpu.memory_space<hbm>>) dst(%arg8 : memref<16x25xi32, #tpu.memory_space<vmem>>)
          %dma_wait3A_353 = arith.constant 0 : i32
          %dma_wait3A_354 = tpu.memref_slice %arg4[%multiple_of3A_348, %dma_wait3A_353] : memref<12800x25xi32, #tpu.memory_space<hbm>> -> memref<16x25xi32, #tpu.memory_space<hbm>>
          %dma_wait3A_355 = arith.constant 0 : i32
          %dma_wait3A_356 = tpu.memref_slice %arg4[%multiple_of3A_348, %dma_wait3A_355] : memref<12800x25xi32, #tpu.memory_space<hbm>> -> memref<16x25xi32, #tpu.memory_space<hbm>>
          tpu.wait_dma2 semaphore(%arg17 : memref<!tpu.dma_semaphore, #tpu.memory_space<semaphore_mem>>) src(%dma_wait3A_356 : memref<16x25xi32, #tpu.memory_space<hbm>>) dst(%arg9 : memref<16x25xi32, #tpu.memory_space<vmem>>)
        } else {
        }
        %lt3A_305 = arith.constant 24 : i32
        %lt3A_306 = arith.cmpi slt, %add3A_62, %lt3A_305 : i32
        %convert_element_type3A_307 = arith.extui %lt3A_306 : i1 to i32
        %cond3A_308 = arith.constant 0 : i32
        %cond3A_309 = arith.cmpi ne, %convert_element_type3A_307, %cond3A_308 : i32
        scf.if %cond3A_309 {
          %dma_start3A_343 = arith.constant 0 : i32
          %dma_start3A_344 = arith.constant 0 : i32
          %dma_start3A_345 = tpu.memref_slice %arg8[%dma_start3A_343, %dma_start3A_344] : memref<16x25xi32, #tpu.memory_space<vmem>> -> memref<1x25xi32, #tpu.memory_space<vmem>>
          %dma_start3A_346 = tpu.memref_squeeze %dma_start3A_345 : memref<1x25xi32, #tpu.memory_space<vmem>> -> memref<25xi32, #tpu.memory_space<vmem>>
          %dma_start3A_347 = arith.constant 0 : i32
          %dma_start3A_348 = arith.constant 0 : i32
          %dma_start3A_349 = tpu.memref_slice %arg2[%dma_start3A_347, %dma_start3A_348] : memref<10000x128xf32, #tpu.memory_space<hbm>> -> memref<10000x128xf32, #tpu.memory_space<hbm>>
          tpu.enqueue_indirect_dma source(%dma_start3A_349 : memref<10000x128xf32, #tpu.memory_space<hbm>>) target(%arg10 : memref<25x128xf32, #tpu.memory_space<vmem>>) offsets(%dma_start3A_346 : memref<25xi32, #tpu.memory_space<vmem>>) semaphore(%arg18 : memref<!tpu.dma_semaphore, #tpu.memory_space<semaphore_mem>>)
        } else {
        }
        %dma_wait3A_310 = arith.constant 14 : i32
        %dma_wait3A_311 = arith.constant 0 : i32
        %dma_wait3A_312 = tpu.memref_slice %arg6[%dma_wait3A_310, %dma_wait3A_311] : memref<16x25xi32, #tpu.memory_space<vmem>> -> memref<1x25xi32, #tpu.memory_space<vmem>>
        %dma_wait3A_313 = tpu.memref_squeeze %dma_wait3A_312 : memref<1x25xi32, #tpu.memory_space<vmem>> -> memref<25xi32, #tpu.memory_space<vmem>>
        %dma_wait3A_314 = arith.constant 0 : i32
        %dma_wait3A_315 = arith.constant 0 : i32
        %dma_wait3A_316 = tpu.memref_slice %arg2[%dma_wait3A_314, %dma_wait3A_315] : memref<10000x128xf32, #tpu.memory_space<hbm>> -> memref<10000x128xf32, #tpu.memory_space<hbm>>
        tpu.wait_indirect_dma semaphore(%arg20 : memref<!tpu.dma_semaphore, #tpu.memory_space<semaphore_mem>>) src(%dma_wait3A_316 : memref<10000x128xf32, #tpu.memory_space<hbm>>) dst(%arg12 : memref<25x128xf32, #tpu.memory_space<vmem>>)
        %run_scoped3A_317 = arith.constant 14 : i32
        "tpu.region"() ({
          %run_scoped3A_343 = tpu.sem_alloc : memref<!tpu.dma_semaphore, #tpu.memory_space<semaphore_mem>>
          %dma_start3A_344 = arith.constant 0 : i32
          %dma_start3A_345 = tpu.memref_slice %arg7[%run_scoped3A_317, %dma_start3A_344] : memref<16x25xi32, #tpu.memory_space<vmem>> -> memref<1x25xi32, #tpu.memory_space<vmem>>
          %dma_start3A_346 = tpu.memref_squeeze %dma_start3A_345 : memref<1x25xi32, #tpu.memory_space<vmem>> -> memref<25xi32, #tpu.memory_space<vmem>>
          %dma_start3A_347 = arith.constant 0 : i32
          %dma_start3A_348 = arith.constant 0 : i32
          %dma_start3A_349 = tpu.memref_slice %arg15[%dma_start3A_347, %dma_start3A_348] : memref<10000x128xf32, #tpu.memory_space<vmem_shared>> -> memref<10000x128xf32, #tpu.memory_space<vmem_shared>>
          tpu.enqueue_indirect_dma source(%arg12 : memref<25x128xf32, #tpu.memory_space<vmem>>) target(%dma_start3A_349 : memref<10000x128xf32, #tpu.memory_space<vmem_shared>>) offsets(%dma_start3A_346 : memref<25xi32, #tpu.memory_space<vmem>>) semaphore(%run_scoped3A_343 : memref<!tpu.dma_semaphore, #tpu.memory_space<semaphore_mem>>) {add = true}
          %dma_wait3A_350 = arith.constant 0 : i32
          %dma_wait3A_351 = tpu.memref_slice %arg7[%run_scoped3A_317, %dma_wait3A_350] : memref<16x25xi32, #tpu.memory_space<vmem>> -> memref<1x25xi32, #tpu.memory_space<vmem>>
          %dma_wait3A_352 = tpu.memref_squeeze %dma_wait3A_351 : memref<1x25xi32, #tpu.memory_space<vmem>> -> memref<25xi32, #tpu.memory_space<vmem>>
          %dma_wait3A_353 = arith.constant 0 : i32
          %dma_wait3A_354 = arith.constant 0 : i32
          %dma_wait3A_355 = tpu.memref_slice %arg15[%dma_wait3A_353, %dma_wait3A_354] : memref<10000x128xf32, #tpu.memory_space<vmem_shared>> -> memref<10000x128xf32, #tpu.memory_space<vmem_shared>>
          tpu.wait_indirect_dma semaphore(%run_scoped3A_343 : memref<!tpu.dma_semaphore, #tpu.memory_space<semaphore_mem>>) src(%arg12 : memref<25x128xf32, #tpu.memory_space<vmem>>) dst(%dma_wait3A_355 : memref<10000x128xf32, #tpu.memory_space<vmem_shared>>)
          tpu.yield
        }) : () -> ()
        %lt3A_318 = arith.constant 24 : i32
        %lt3A_319 = arith.cmpi slt, %add3A_62, %lt3A_318 : i32
        %convert_element_type3A_320 = arith.extui %lt3A_319 : i1 to i32
        %cond3A_321 = arith.constant 0 : i32
        %cond3A_322 = arith.cmpi ne, %convert_element_type3A_320, %cond3A_321 : i32
        scf.if %cond3A_322 {
          %dma_start3A_343 = arith.constant 1 : i32
          %dma_start3A_344 = arith.constant 0 : i32
          %dma_start3A_345 = tpu.memref_slice %arg8[%dma_start3A_343, %dma_start3A_344] : memref<16x25xi32, #tpu.memory_space<vmem>> -> memref<1x25xi32, #tpu.memory_space<vmem>>
          %dma_start3A_346 = tpu.memref_squeeze %dma_start3A_345 : memref<1x25xi32, #tpu.memory_space<vmem>> -> memref<25xi32, #tpu.memory_space<vmem>>
          %dma_start3A_347 = arith.constant 0 : i32
          %dma_start3A_348 = arith.constant 0 : i32
          %dma_start3A_349 = tpu.memref_slice %arg2[%dma_start3A_347, %dma_start3A_348] : memref<10000x128xf32, #tpu.memory_space<hbm>> -> memref<10000x128xf32, #tpu.memory_space<hbm>>
          tpu.enqueue_indirect_dma source(%dma_start3A_349 : memref<10000x128xf32, #tpu.memory_space<hbm>>) target(%arg11 : memref<25x128xf32, #tpu.memory_space<vmem>>) offsets(%dma_start3A_346 : memref<25xi32, #tpu.memory_space<vmem>>) semaphore(%arg19 : memref<!tpu.dma_semaphore, #tpu.memory_space<semaphore_mem>>)
        } else {
        }
        %dma_wait3A_323 = arith.constant 15 : i32
        %dma_wait3A_324 = arith.constant 0 : i32
        %dma_wait3A_325 = tpu.memref_slice %arg6[%dma_wait3A_323, %dma_wait3A_324] : memref<16x25xi32, #tpu.memory_space<vmem>> -> memref<1x25xi32, #tpu.memory_space<vmem>>
        %dma_wait3A_326 = tpu.memref_squeeze %dma_wait3A_325 : memref<1x25xi32, #tpu.memory_space<vmem>> -> memref<25xi32, #tpu.memory_space<vmem>>
        %dma_wait3A_327 = arith.constant 0 : i32
        %dma_wait3A_328 = arith.constant 0 : i32
        %dma_wait3A_329 = tpu.memref_slice %arg2[%dma_wait3A_327, %dma_wait3A_328] : memref<10000x128xf32, #tpu.memory_space<hbm>> -> memref<10000x128xf32, #tpu.memory_space<hbm>>
        tpu.wait_indirect_dma semaphore(%arg21 : memref<!tpu.dma_semaphore, #tpu.memory_space<semaphore_mem>>) src(%dma_wait3A_329 : memref<10000x128xf32, #tpu.memory_space<hbm>>) dst(%arg13 : memref<25x128xf32, #tpu.memory_space<vmem>>)
        %run_scoped3A_330 = arith.constant 15 : i32
        "tpu.region"() ({
          %run_scoped3A_343 = tpu.sem_alloc : memref<!tpu.dma_semaphore, #tpu.memory_space<semaphore_mem>>
          %dma_start3A_344 = arith.constant 0 : i32
          %dma_start3A_345 = tpu.memref_slice %arg7[%run_scoped3A_330, %dma_start3A_344] : memref<16x25xi32, #tpu.memory_space<vmem>> -> memref<1x25xi32, #tpu.memory_space<vmem>>
          %dma_start3A_346 = tpu.memref_squeeze %dma_start3A_345 : memref<1x25xi32, #tpu.memory_space<vmem>> -> memref<25xi32, #tpu.memory_space<vmem>>
          %dma_start3A_347 = arith.constant 0 : i32
          %dma_start3A_348 = arith.constant 0 : i32
          %dma_start3A_349 = tpu.memref_slice %arg15[%dma_start3A_347, %dma_start3A_348] : memref<10000x128xf32, #tpu.memory_space<vmem_shared>> -> memref<10000x128xf32, #tpu.memory_space<vmem_shared>>
          tpu.enqueue_indirect_dma source(%arg13 : memref<25x128xf32, #tpu.memory_space<vmem>>) target(%dma_start3A_349 : memref<10000x128xf32, #tpu.memory_space<vmem_shared>>) offsets(%dma_start3A_346 : memref<25xi32, #tpu.memory_space<vmem>>) semaphore(%run_scoped3A_343 : memref<!tpu.dma_semaphore, #tpu.memory_space<semaphore_mem>>) {add = true}
          %dma_wait3A_350 = arith.constant 0 : i32
          %dma_wait3A_351 = tpu.memref_slice %arg7[%run_scoped3A_330, %dma_wait3A_350] : memref<16x25xi32, #tpu.memory_space<vmem>> -> memref<1x25xi32, #tpu.memory_space<vmem>>
          %dma_wait3A_352 = tpu.memref_squeeze %dma_wait3A_351 : memref<1x25xi32, #tpu.memory_space<vmem>> -> memref<25xi32, #tpu.memory_space<vmem>>
          %dma_wait3A_353 = arith.constant 0 : i32
          %dma_wait3A_354 = arith.constant 0 : i32
          %dma_wait3A_355 = tpu.memref_slice %arg15[%dma_wait3A_353, %dma_wait3A_354] : memref<10000x128xf32, #tpu.memory_space<vmem_shared>> -> memref<10000x128xf32, #tpu.memory_space<vmem_shared>>
          tpu.wait_indirect_dma semaphore(%run_scoped3A_343 : memref<!tpu.dma_semaphore, #tpu.memory_space<semaphore_mem>>) src(%arg13 : memref<25x128xf32, #tpu.memory_space<vmem>>) dst(%dma_wait3A_355 : memref<10000x128xf32, #tpu.memory_space<vmem_shared>>)
          tpu.yield
        }) : () -> ()
        %lt3A_331 = arith.constant 24 : i32
        %lt3A_332 = arith.cmpi slt, %add3A_62, %lt3A_331 : i32
        %convert_element_type3A_333 = arith.extui %lt3A_332 : i1 to i32
        %cond3A_334 = arith.constant 0 : i32
        %cond3A_335 = arith.cmpi ne, %convert_element_type3A_333, %cond3A_334 : i32
        scf.if %cond3A_335 {
          %dma_start3A_343 = arith.constant 2 : i32
          %dma_start3A_344 = arith.constant 0 : i32
          %dma_start3A_345 = tpu.memref_slice %arg8[%dma_start3A_343, %dma_start3A_344] : memref<16x25xi32, #tpu.memory_space<vmem>> -> memref<1x25xi32, #tpu.memory_space<vmem>>
          %dma_start3A_346 = tpu.memref_squeeze %dma_start3A_345 : memref<1x25xi32, #tpu.memory_space<vmem>> -> memref<25xi32, #tpu.memory_space<vmem>>
          %dma_start3A_347 = arith.constant 0 : i32
          %dma_start3A_348 = arith.constant 0 : i32
          %dma_start3A_349 = tpu.memref_slice %arg2[%dma_start3A_347, %dma_start3A_348] : memref<10000x128xf32, #tpu.memory_space<hbm>> -> memref<10000x128xf32, #tpu.memory_space<hbm>>
          tpu.enqueue_indirect_dma source(%dma_start3A_349 : memref<10000x128xf32, #tpu.memory_space<hbm>>) target(%arg12 : memref<25x128xf32, #tpu.memory_space<vmem>>) offsets(%dma_start3A_346 : memref<25xi32, #tpu.memory_space<vmem>>) semaphore(%arg20 : memref<!tpu.dma_semaphore, #tpu.memory_space<semaphore_mem>>)
        } else {
        }
        %add3A_336 = arith.constant 2 : i32
        %add3A_337 = arith.addi %add3A_62, %add3A_336 : i32
        %lt3A_338 = arith.constant 25 : i32
        %lt3A_339 = arith.cmpi slt, %add3A_337, %lt3A_338 : i32
        %convert_element_type3A_340 = arith.extui %lt3A_339 : i1 to i32
        %cond3A_341 = arith.constant 0 : i32
        %cond3A_342 = arith.cmpi ne, %convert_element_type3A_340, %cond3A_341 : i32
        scf.if %cond3A_342 {
          %add3A_343 = arith.constant 2 : i32
          %add3A_344 = arith.addi %add3A_62, %add3A_343 : i32
          %mul3A_345 = arith.constant 16 : i32
          %mul3A_346 = arith.muli %add3A_344, %mul3A_345 : i32
          %add3A_347 = arith.addi %mul3A_4, %mul3A_346 : i32
          %multiple_of3A_348 = tpu.assume_multiple %add3A_347, 8 : i32
          %dma_start3A_349 = arith.constant 0 : i32
          %dma_start3A_350 = tpu.memref_slice %arg3[%multiple_of3A_348, %dma_start3A_349] : memref<12800x25xi32, #tpu.memory_space<hbm>> -> memref<16x25xi32, #tpu.memory_space<hbm>>
          %dma_start3A_351 = arith.constant 0 : i32
          %dma_start3A_352 = tpu.memref_slice %arg3[%multiple_of3A_348, %dma_start3A_351] : memref<12800x25xi32, #tpu.memory_space<hbm>> -> memref<16x25xi32, #tpu.memory_space<hbm>>
          tpu.enqueue_dma source(%dma_start3A_352 : memref<16x25xi32, #tpu.memory_space<hbm>>) target(%arg6 : memref<16x25xi32, #tpu.memory_space<vmem>>) target_semaphore(%arg16 : memref<!tpu.dma_semaphore, #tpu.memory_space<semaphore_mem>>)
          %dma_start3A_353 = arith.constant 0 : i32
          %dma_start3A_354 = tpu.memref_slice %arg4[%multiple_of3A_348, %dma_start3A_353] : memref<12800x25xi32, #tpu.memory_space<hbm>> -> memref<16x25xi32, #tpu.memory_space<hbm>>
          %dma_start3A_355 = arith.constant 0 : i32
          %dma_start3A_356 = tpu.memref_slice %arg4[%multiple_of3A_348, %dma_start3A_355] : memref<12800x25xi32, #tpu.memory_space<hbm>> -> memref<16x25xi32, #tpu.memory_space<hbm>>
          tpu.enqueue_dma source(%dma_start3A_356 : memref<16x25xi32, #tpu.memory_space<hbm>>) target(%arg7 : memref<16x25xi32, #tpu.memory_space<vmem>>) target_semaphore(%arg16 : memref<!tpu.dma_semaphore, #tpu.memory_space<semaphore_mem>>)
        } else {
        }
      } else {
      }
      %jit3A_78 = arith.constant 2 : i32
      %eq3A_79 = arith.constant 0 : i32
      %eq3A_80 = arith.cmpi eq, %jit3A_78, %eq3A_79 : i32
      %jit3A_81 = arith.constant 1 : i32
      %select_n3A_82 = arith.select %eq3A_80, %jit3A_81, %jit3A_78 : i32
      %rem3A_83 = arith.remsi %add3A_62, %select_n3A_82 : i32
      %ne3A_84 = arith.constant 0 : i32
      %ne3A_85 = arith.cmpi ne, %rem3A_83, %ne3A_84 : i32
      %lt3A_86 = arith.constant 0 : i32
      %lt3A_87 = arith.cmpi slt, %rem3A_83, %lt3A_86 : i32
      %lt3A_88 = arith.constant 0 : i32
      %lt3A_89 = arith.cmpi slt, %select_n3A_82, %lt3A_88 : i32
      %ne3A_90 = arith.xori %lt3A_87, %lt3A_89 : i1
      %and3A_91 = arith.andi %ne3A_90, %ne3A_85 : i1
      %add3A_92 = arith.addi %rem3A_83, %select_n3A_82 : i32
      %select_n3A_93 = arith.select %and3A_91, %add3A_92, %rem3A_83 : i32
      %eq3A_94 = arith.constant 1 : i32
      %eq3A_95 = arith.cmpi eq, %select_n3A_93, %eq3A_94 : i32
      %convert_element_type3A_96 = arith.extui %eq3A_95 : i1 to i32
      %cond3A_97 = arith.constant 0 : i32
      %cond3A_98 = arith.cmpi ne, %convert_element_type3A_96, %cond3A_97 : i32
      scf.if %cond3A_98 {
        %dma_wait3A = arith.constant 0 : i32
        %dma_wait3A_99 = arith.constant 0 : i32
        %dma_wait3A_100 = tpu.memref_slice %arg8[%dma_wait3A, %dma_wait3A_99] : memref<16x25xi32, #tpu.memory_space<vmem>> -> memref<1x25xi32, #tpu.memory_space<vmem>>
        %dma_wait3A_101 = tpu.memref_squeeze %dma_wait3A_100 : memref<1x25xi32, #tpu.memory_space<vmem>> -> memref<25xi32, #tpu.memory_space<vmem>>
        %dma_wait3A_102 = arith.constant 0 : i32
        %dma_wait3A_103 = arith.constant 0 : i32
        %dma_wait3A_104 = tpu.memref_slice %arg2[%dma_wait3A_102, %dma_wait3A_103] : memref<10000x128xf32, #tpu.memory_space<hbm>> -> memref<10000x128xf32, #tpu.memory_space<hbm>>
        tpu.wait_indirect_dma semaphore(%arg18 : memref<!tpu.dma_semaphore, #tpu.memory_space<semaphore_mem>>) src(%dma_wait3A_104 : memref<10000x128xf32, #tpu.memory_space<hbm>>) dst(%arg10 : memref<25x128xf32, #tpu.memory_space<vmem>>)
        %run_scoped3A = arith.constant 0 : i32
        "tpu.region"() ({
          %run_scoped3A_343 = tpu.sem_alloc : memref<!tpu.dma_semaphore, #tpu.memory_space<semaphore_mem>>
          %dma_start3A_344 = arith.constant 0 : i32
          %dma_start3A_345 = tpu.memref_slice %arg9[%run_scoped3A, %dma_start3A_344] : memref<16x25xi32, #tpu.memory_space<vmem>> -> memref<1x25xi32, #tpu.memory_space<vmem>>
          %dma_start3A_346 = tpu.memref_squeeze %dma_start3A_345 : memref<1x25xi32, #tpu.memory_space<vmem>> -> memref<25xi32, #tpu.memory_space<vmem>>
          %dma_start3A_347 = arith.constant 0 : i32
          %dma_start3A_348 = arith.constant 0 : i32
          %dma_start3A_349 = tpu.memref_slice %arg15[%dma_start3A_347, %dma_start3A_348] : memref<10000x128xf32, #tpu.memory_space<vmem_shared>> -> memref<10000x128xf32, #tpu.memory_space<vmem_shared>>
          tpu.enqueue_indirect_dma source(%arg10 : memref<25x128xf32, #tpu.memory_space<vmem>>) target(%dma_start3A_349 : memref<10000x128xf32, #tpu.memory_space<vmem_shared>>) offsets(%dma_start3A_346 : memref<25xi32, #tpu.memory_space<vmem>>) semaphore(%run_scoped3A_343 : memref<!tpu.dma_semaphore, #tpu.memory_space<semaphore_mem>>) {add = true}
          %dma_wait3A_350 = arith.constant 0 : i32
          %dma_wait3A_351 = tpu.memref_slice %arg9[%run_scoped3A, %dma_wait3A_350] : memref<16x25xi32, #tpu.memory_space<vmem>> -> memref<1x25xi32, #tpu.memory_space<vmem>>
          %dma_wait3A_352 = tpu.memref_squeeze %dma_wait3A_351 : memref<1x25xi32, #tpu.memory_space<vmem>> -> memref<25xi32, #tpu.memory_space<vmem>>
          %dma_wait3A_353 = arith.constant 0 : i32
          %dma_wait3A_354 = arith.constant 0 : i32
          %dma_wait3A_355 = tpu.memref_slice %arg15[%dma_wait3A_353, %dma_wait3A_354] : memref<10000x128xf32, #tpu.memory_space<vmem_shared>> -> memref<10000x128xf32, #tpu.memory_space<vmem_shared>>
          tpu.wait_indirect_dma semaphore(%run_scoped3A_343 : memref<!tpu.dma_semaphore, #tpu.memory_space<semaphore_mem>>) src(%arg10 : memref<25x128xf32, #tpu.memory_space<vmem>>) dst(%dma_wait3A_355 : memref<10000x128xf32, #tpu.memory_space<vmem_shared>>)
          tpu.yield
        }) : () -> ()
        %dma_start3A_105 = arith.constant 3 : i32
        %dma_start3A_106 = arith.constant 0 : i32
        %dma_start3A_107 = tpu.memref_slice %arg8[%dma_start3A_105, %dma_start3A_106] : memref<16x25xi32, #tpu.memory_space<vmem>> -> memref<1x25xi32, #tpu.memory_space<vmem>>
        %dma_start3A_108 = tpu.memref_squeeze %dma_start3A_107 : memref<1x25xi32, #tpu.memory_space<vmem>> -> memref<25xi32, #tpu.memory_space<vmem>>
        %dma_start3A_109 = arith.constant 0 : i32
        %dma_start3A_110 = arith.constant 0 : i32
        %dma_start3A_111 = tpu.memref_slice %arg2[%dma_start3A_109, %dma_start3A_110] : memref<10000x128xf32, #tpu.memory_space<hbm>> -> memref<10000x128xf32, #tpu.memory_space<hbm>>
        tpu.enqueue_indirect_dma source(%dma_start3A_111 : memref<10000x128xf32, #tpu.memory_space<hbm>>) target(%arg13 : memref<25x128xf32, #tpu.memory_space<vmem>>) offsets(%dma_start3A_108 : memref<25xi32, #tpu.memory_space<vmem>>) semaphore(%arg21 : memref<!tpu.dma_semaphore, #tpu.memory_space<semaphore_mem>>)
        %dma_wait3A_112 = arith.constant 1 : i32
        %dma_wait3A_113 = arith.constant 0 : i32
        %dma_wait3A_114 = tpu.memref_slice %arg8[%dma_wait3A_112, %dma_wait3A_113] : memref<16x25xi32, #tpu.memory_space<vmem>> -> memref<1x25xi32, #tpu.memory_space<vmem>>
        %dma_wait3A_115 = tpu.memref_squeeze %dma_wait3A_114 : memref<1x25xi32, #tpu.memory_space<vmem>> -> memref<25xi32, #tpu.memory_space<vmem>>
        %dma_wait3A_116 = arith.constant 0 : i32
        %dma_wait3A_117 = arith.constant 0 : i32
        %dma_wait3A_118 = tpu.memref_slice %arg2[%dma_wait3A_116, %dma_wait3A_117] : memref<10000x128xf32, #tpu.memory_space<hbm>> -> memref<10000x128xf32, #tpu.memory_space<hbm>>
        tpu.wait_indirect_dma semaphore(%arg19 : memref<!tpu.dma_semaphore, #tpu.memory_space<semaphore_mem>>) src(%dma_wait3A_118 : memref<10000x128xf32, #tpu.memory_space<hbm>>) dst(%arg11 : memref<25x128xf32, #tpu.memory_space<vmem>>)
        %run_scoped3A_119 = arith.constant 1 : i32
        "tpu.region"() ({
          %run_scoped3A_343 = tpu.sem_alloc : memref<!tpu.dma_semaphore, #tpu.memory_space<semaphore_mem>>
          %dma_start3A_344 = arith.constant 0 : i32
          %dma_start3A_345 = tpu.memref_slice %arg9[%run_scoped3A_119, %dma_start3A_344] : memref<16x25xi32, #tpu.memory_space<vmem>> -> memref<1x25xi32, #tpu.memory_space<vmem>>
          %dma_start3A_346 = tpu.memref_squeeze %dma_start3A_345 : memref<1x25xi32, #tpu.memory_space<vmem>> -> memref<25xi32, #tpu.memory_space<vmem>>
          %dma_start3A_347 = arith.constant 0 : i32
          %dma_start3A_348 = arith.constant 0 : i32
          %dma_start3A_349 = tpu.memref_slice %arg15[%dma_start3A_347, %dma_start3A_348] : memref<10000x128xf32, #tpu.memory_space<vmem_shared>> -> memref<10000x128xf32, #tpu.memory_space<vmem_shared>>
          tpu.enqueue_indirect_dma source(%arg11 : memref<25x128xf32, #tpu.memory_space<vmem>>) target(%dma_start3A_349 : memref<10000x128xf32, #tpu.memory_space<vmem_shared>>) offsets(%dma_start3A_346 : memref<25xi32, #tpu.memory_space<vmem>>) semaphore(%run_scoped3A_343 : memref<!tpu.dma_semaphore, #tpu.memory_space<semaphore_mem>>) {add = true}
          %dma_wait3A_350 = arith.constant 0 : i32
          %dma_wait3A_351 = tpu.memref_slice %arg9[%run_scoped3A_119, %dma_wait3A_350] : memref<16x25xi32, #tpu.memory_space<vmem>> -> memref<1x25xi32, #tpu.memory_space<vmem>>
          %dma_wait3A_352 = tpu.memref_squeeze %dma_wait3A_351 : memref<1x25xi32, #tpu.memory_space<vmem>> -> memref<25xi32, #tpu.memory_space<vmem>>
          %dma_wait3A_353 = arith.constant 0 : i32
          %dma_wait3A_354 = arith.constant 0 : i32
          %dma_wait3A_355 = tpu.memref_slice %arg15[%dma_wait3A_353, %dma_wait3A_354] : memref<10000x128xf32, #tpu.memory_space<vmem_shared>> -> memref<10000x128xf32, #tpu.memory_space<vmem_shared>>
          tpu.wait_indirect_dma semaphore(%run_scoped3A_343 : memref<!tpu.dma_semaphore, #tpu.memory_space<semaphore_mem>>) src(%arg11 : memref<25x128xf32, #tpu.memory_space<vmem>>) dst(%dma_wait3A_355 : memref<10000x128xf32, #tpu.memory_space<vmem_shared>>)
          tpu.yield
        }) : () -> ()
        %dma_start3A_120 = arith.constant 4 : i32
        %dma_start3A_121 = arith.constant 0 : i32
        %dma_start3A_122 = tpu.memref_slice %arg8[%dma_start3A_120, %dma_start3A_121] : memref<16x25xi32, #tpu.memory_space<vmem>> -> memref<1x25xi32, #tpu.memory_space<vmem>>
        %dma_start3A_123 = tpu.memref_squeeze %dma_start3A_122 : memref<1x25xi32, #tpu.memory_space<vmem>> -> memref<25xi32, #tpu.memory_space<vmem>>
        %dma_start3A_124 = arith.constant 0 : i32
        %dma_start3A_125 = arith.constant 0 : i32
        %dma_start3A_126 = tpu.memref_slice %arg2[%dma_start3A_124, %dma_start3A_125] : memref<10000x128xf32, #tpu.memory_space<hbm>> -> memref<10000x128xf32, #tpu.memory_space<hbm>>
        tpu.enqueue_indirect_dma source(%dma_start3A_126 : memref<10000x128xf32, #tpu.memory_space<hbm>>) target(%arg10 : memref<25x128xf32, #tpu.memory_space<vmem>>) offsets(%dma_start3A_123 : memref<25xi32, #tpu.memory_space<vmem>>) semaphore(%arg18 : memref<!tpu.dma_semaphore, #tpu.memory_space<semaphore_mem>>)
        %dma_wait3A_127 = arith.constant 2 : i32
        %dma_wait3A_128 = arith.constant 0 : i32
        %dma_wait3A_129 = tpu.memref_slice %arg8[%dma_wait3A_127, %dma_wait3A_128] : memref<16x25xi32, #tpu.memory_space<vmem>> -> memref<1x25xi32, #tpu.memory_space<vmem>>
        %dma_wait3A_130 = tpu.memref_squeeze %dma_wait3A_129 : memref<1x25xi32, #tpu.memory_space<vmem>> -> memref<25xi32, #tpu.memory_space<vmem>>
        %dma_wait3A_131 = arith.constant 0 : i32
        %dma_wait3A_132 = arith.constant 0 : i32
        %dma_wait3A_133 = tpu.memref_slice %arg2[%dma_wait3A_131, %dma_wait3A_132] : memref<10000x128xf32, #tpu.memory_space<hbm>> -> memref<10000x128xf32, #tpu.memory_space<hbm>>
        tpu.wait_indirect_dma semaphore(%arg20 : memref<!tpu.dma_semaphore, #tpu.memory_space<semaphore_mem>>) src(%dma_wait3A_133 : memref<10000x128xf32, #tpu.memory_space<hbm>>) dst(%arg12 : memref<25x128xf32, #tpu.memory_space<vmem>>)
        %run_scoped3A_134 = arith.constant 2 : i32
        "tpu.region"() ({
          %run_scoped3A_343 = tpu.sem_alloc : memref<!tpu.dma_semaphore, #tpu.memory_space<semaphore_mem>>
          %dma_start3A_344 = arith.constant 0 : i32
          %dma_start3A_345 = tpu.memref_slice %arg9[%run_scoped3A_134, %dma_start3A_344] : memref<16x25xi32, #tpu.memory_space<vmem>> -> memref<1x25xi32, #tpu.memory_space<vmem>>
          %dma_start3A_346 = tpu.memref_squeeze %dma_start3A_345 : memref<1x25xi32, #tpu.memory_space<vmem>> -> memref<25xi32, #tpu.memory_space<vmem>>
          %dma_start3A_347 = arith.constant 0 : i32
          %dma_start3A_348 = arith.constant 0 : i32
          %dma_start3A_349 = tpu.memref_slice %arg15[%dma_start3A_347, %dma_start3A_348] : memref<10000x128xf32, #tpu.memory_space<vmem_shared>> -> memref<10000x128xf32, #tpu.memory_space<vmem_shared>>
          tpu.enqueue_indirect_dma source(%arg12 : memref<25x128xf32, #tpu.memory_space<vmem>>) target(%dma_start3A_349 : memref<10000x128xf32, #tpu.memory_space<vmem_shared>>) offsets(%dma_start3A_346 : memref<25xi32, #tpu.memory_space<vmem>>) semaphore(%run_scoped3A_343 : memref<!tpu.dma_semaphore, #tpu.memory_space<semaphore_mem>>) {add = true}
          %dma_wait3A_350 = arith.constant 0 : i32
          %dma_wait3A_351 = tpu.memref_slice %arg9[%run_scoped3A_134, %dma_wait3A_350] : memref<16x25xi32, #tpu.memory_space<vmem>> -> memref<1x25xi32, #tpu.memory_space<vmem>>
          %dma_wait3A_352 = tpu.memref_squeeze %dma_wait3A_351 : memref<1x25xi32, #tpu.memory_space<vmem>> -> memref<25xi32, #tpu.memory_space<vmem>>
          %dma_wait3A_353 = arith.constant 0 : i32
          %dma_wait3A_354 = arith.constant 0 : i32
          %dma_wait3A_355 = tpu.memref_slice %arg15[%dma_wait3A_353, %dma_wait3A_354] : memref<10000x128xf32, #tpu.memory_space<vmem_shared>> -> memref<10000x128xf32, #tpu.memory_space<vmem_shared>>
          tpu.wait_indirect_dma semaphore(%run_scoped3A_343 : memref<!tpu.dma_semaphore, #tpu.memory_space<semaphore_mem>>) src(%arg12 : memref<25x128xf32, #tpu.memory_space<vmem>>) dst(%dma_wait3A_355 : memref<10000x128xf32, #tpu.memory_space<vmem_shared>>)
          tpu.yield
        }) : () -> ()
        %dma_start3A_135 = arith.constant 5 : i32
        %dma_start3A_136 = arith.constant 0 : i32
        %dma_start3A_137 = tpu.memref_slice %arg8[%dma_start3A_135, %dma_start3A_136] : memref<16x25xi32, #tpu.memory_space<vmem>> -> memref<1x25xi32, #tpu.memory_space<vmem>>
        %dma_start3A_138 = tpu.memref_squeeze %dma_start3A_137 : memref<1x25xi32, #tpu.memory_space<vmem>> -> memref<25xi32, #tpu.memory_space<vmem>>
        %dma_start3A_139 = arith.constant 0 : i32
        %dma_start3A_140 = arith.constant 0 : i32
        %dma_start3A_141 = tpu.memref_slice %arg2[%dma_start3A_139, %dma_start3A_140] : memref<10000x128xf32, #tpu.memory_space<hbm>> -> memref<10000x128xf32, #tpu.memory_space<hbm>>
        tpu.enqueue_indirect_dma source(%dma_start3A_141 : memref<10000x128xf32, #tpu.memory_space<hbm>>) target(%arg11 : memref<25x128xf32, #tpu.memory_space<vmem>>) offsets(%dma_start3A_138 : memref<25xi32, #tpu.memory_space<vmem>>) semaphore(%arg19 : memref<!tpu.dma_semaphore, #tpu.memory_space<semaphore_mem>>)
        %dma_wait3A_142 = arith.constant 3 : i32
        %dma_wait3A_143 = arith.constant 0 : i32
        %dma_wait3A_144 = tpu.memref_slice %arg8[%dma_wait3A_142, %dma_wait3A_143] : memref<16x25xi32, #tpu.memory_space<vmem>> -> memref<1x25xi32, #tpu.memory_space<vmem>>
        %dma_wait3A_145 = tpu.memref_squeeze %dma_wait3A_144 : memref<1x25xi32, #tpu.memory_space<vmem>> -> memref<25xi32, #tpu.memory_space<vmem>>
        %dma_wait3A_146 = arith.constant 0 : i32
        %dma_wait3A_147 = arith.constant 0 : i32
        %dma_wait3A_148 = tpu.memref_slice %arg2[%dma_wait3A_146, %dma_wait3A_147] : memref<10000x128xf32, #tpu.memory_space<hbm>> -> memref<10000x128xf32, #tpu.memory_space<hbm>>
        tpu.wait_indirect_dma semaphore(%arg21 : memref<!tpu.dma_semaphore, #tpu.memory_space<semaphore_mem>>) src(%dma_wait3A_148 : memref<10000x128xf32, #tpu.memory_space<hbm>>) dst(%arg13 : memref<25x128xf32, #tpu.memory_space<vmem>>)
        %run_scoped3A_149 = arith.constant 3 : i32
        "tpu.region"() ({
          %run_scoped3A_343 = tpu.sem_alloc : memref<!tpu.dma_semaphore, #tpu.memory_space<semaphore_mem>>
          %dma_start3A_344 = arith.constant 0 : i32
          %dma_start3A_345 = tpu.memref_slice %arg9[%run_scoped3A_149, %dma_start3A_344] : memref<16x25xi32, #tpu.memory_space<vmem>> -> memref<1x25xi32, #tpu.memory_space<vmem>>
          %dma_start3A_346 = tpu.memref_squeeze %dma_start3A_345 : memref<1x25xi32, #tpu.memory_space<vmem>> -> memref<25xi32, #tpu.memory_space<vmem>>
          %dma_start3A_347 = arith.constant 0 : i32
          %dma_start3A_348 = arith.constant 0 : i32
          %dma_start3A_349 = tpu.memref_slice %arg15[%dma_start3A_347, %dma_start3A_348] : memref<10000x128xf32, #tpu.memory_space<vmem_shared>> -> memref<10000x128xf32, #tpu.memory_space<vmem_shared>>
          tpu.enqueue_indirect_dma source(%arg13 : memref<25x128xf32, #tpu.memory_space<vmem>>) target(%dma_start3A_349 : memref<10000x128xf32, #tpu.memory_space<vmem_shared>>) offsets(%dma_start3A_346 : memref<25xi32, #tpu.memory_space<vmem>>) semaphore(%run_scoped3A_343 : memref<!tpu.dma_semaphore, #tpu.memory_space<semaphore_mem>>) {add = true}
          %dma_wait3A_350 = arith.constant 0 : i32
          %dma_wait3A_351 = tpu.memref_slice %arg9[%run_scoped3A_149, %dma_wait3A_350] : memref<16x25xi32, #tpu.memory_space<vmem>> -> memref<1x25xi32, #tpu.memory_space<vmem>>
          %dma_wait3A_352 = tpu.memref_squeeze %dma_wait3A_351 : memref<1x25xi32, #tpu.memory_space<vmem>> -> memref<25xi32, #tpu.memory_space<vmem>>
          %dma_wait3A_353 = arith.constant 0 : i32
          %dma_wait3A_354 = arith.constant 0 : i32
          %dma_wait3A_355 = tpu.memref_slice %arg15[%dma_wait3A_353, %dma_wait3A_354] : memref<10000x128xf32, #tpu.memory_space<vmem_shared>> -> memref<10000x128xf32, #tpu.memory_space<vmem_shared>>
          tpu.wait_indirect_dma semaphore(%run_scoped3A_343 : memref<!tpu.dma_semaphore, #tpu.memory_space<semaphore_mem>>) src(%arg13 : memref<25x128xf32, #tpu.memory_space<vmem>>) dst(%dma_wait3A_355 : memref<10000x128xf32, #tpu.memory_space<vmem_shared>>)
          tpu.yield
        }) : () -> ()
        %dma_start3A_150 = arith.constant 6 : i32
        %dma_start3A_151 = arith.constant 0 : i32
        %dma_start3A_152 = tpu.memref_slice %arg8[%dma_start3A_150, %dma_start3A_151] : memref<16x25xi32, #tpu.memory_space<vmem>> -> memref<1x25xi32, #tpu.memory_space<vmem>>
        %dma_start3A_153 = tpu.memref_squeeze %dma_start3A_152 : memref<1x25xi32, #tpu.memory_space<vmem>> -> memref<25xi32, #tpu.memory_space<vmem>>
        %dma_start3A_154 = arith.constant 0 : i32
        %dma_start3A_155 = arith.constant 0 : i32
        %dma_start3A_156 = tpu.memref_slice %arg2[%dma_start3A_154, %dma_start3A_155] : memref<10000x128xf32, #tpu.memory_space<hbm>> -> memref<10000x128xf32, #tpu.memory_space<hbm>>
        tpu.enqueue_indirect_dma source(%dma_start3A_156 : memref<10000x128xf32, #tpu.memory_space<hbm>>) target(%arg12 : memref<25x128xf32, #tpu.memory_space<vmem>>) offsets(%dma_start3A_153 : memref<25xi32, #tpu.memory_space<vmem>>) semaphore(%arg20 : memref<!tpu.dma_semaphore, #tpu.memory_space<semaphore_mem>>)
        %dma_wait3A_157 = arith.constant 4 : i32
        %dma_wait3A_158 = arith.constant 0 : i32
        %dma_wait3A_159 = tpu.memref_slice %arg8[%dma_wait3A_157, %dma_wait3A_158] : memref<16x25xi32, #tpu.memory_space<vmem>> -> memref<1x25xi32, #tpu.memory_space<vmem>>
        %dma_wait3A_160 = tpu.memref_squeeze %dma_wait3A_159 : memref<1x25xi32, #tpu.memory_space<vmem>> -> memref<25xi32, #tpu.memory_space<vmem>>
        %dma_wait3A_161 = arith.constant 0 : i32
        %dma_wait3A_162 = arith.constant 0 : i32
        %dma_wait3A_163 = tpu.memref_slice %arg2[%dma_wait3A_161, %dma_wait3A_162] : memref<10000x128xf32, #tpu.memory_space<hbm>> -> memref<10000x128xf32, #tpu.memory_space<hbm>>
        tpu.wait_indirect_dma semaphore(%arg18 : memref<!tpu.dma_semaphore, #tpu.memory_space<semaphore_mem>>) src(%dma_wait3A_163 : memref<10000x128xf32, #tpu.memory_space<hbm>>) dst(%arg10 : memref<25x128xf32, #tpu.memory_space<vmem>>)
        %run_scoped3A_164 = arith.constant 4 : i32
        "tpu.region"() ({
          %run_scoped3A_343 = tpu.sem_alloc : memref<!tpu.dma_semaphore, #tpu.memory_space<semaphore_mem>>
          %dma_start3A_344 = arith.constant 0 : i32
          %dma_start3A_345 = tpu.memref_slice %arg9[%run_scoped3A_164, %dma_start3A_344] : memref<16x25xi32, #tpu.memory_space<vmem>> -> memref<1x25xi32, #tpu.memory_space<vmem>>
          %dma_start3A_346 = tpu.memref_squeeze %dma_start3A_345 : memref<1x25xi32, #tpu.memory_space<vmem>> -> memref<25xi32, #tpu.memory_space<vmem>>
          %dma_start3A_347 = arith.constant 0 : i32
          %dma_start3A_348 = arith.constant 0 : i32
          %dma_start3A_349 = tpu.memref_slice %arg15[%dma_start3A_347, %dma_start3A_348] : memref<10000x128xf32, #tpu.memory_space<vmem_shared>> -> memref<10000x128xf32, #tpu.memory_space<vmem_shared>>
          tpu.enqueue_indirect_dma source(%arg10 : memref<25x128xf32, #tpu.memory_space<vmem>>) target(%dma_start3A_349 : memref<10000x128xf32, #tpu.memory_space<vmem_shared>>) offsets(%dma_start3A_346 : memref<25xi32, #tpu.memory_space<vmem>>) semaphore(%run_scoped3A_343 : memref<!tpu.dma_semaphore, #tpu.memory_space<semaphore_mem>>) {add = true}
          %dma_wait3A_350 = arith.constant 0 : i32
          %dma_wait3A_351 = tpu.memref_slice %arg9[%run_scoped3A_164, %dma_wait3A_350] : memref<16x25xi32, #tpu.memory_space<vmem>> -> memref<1x25xi32, #tpu.memory_space<vmem>>
          %dma_wait3A_352 = tpu.memref_squeeze %dma_wait3A_351 : memref<1x25xi32, #tpu.memory_space<vmem>> -> memref<25xi32, #tpu.memory_space<vmem>>
          %dma_wait3A_353 = arith.constant 0 : i32
          %dma_wait3A_354 = arith.constant 0 : i32
          %dma_wait3A_355 = tpu.memref_slice %arg15[%dma_wait3A_353, %dma_wait3A_354] : memref<10000x128xf32, #tpu.memory_space<vmem_shared>> -> memref<10000x128xf32, #tpu.memory_space<vmem_shared>>
          tpu.wait_indirect_dma semaphore(%run_scoped3A_343 : memref<!tpu.dma_semaphore, #tpu.memory_space<semaphore_mem>>) src(%arg10 : memref<25x128xf32, #tpu.memory_space<vmem>>) dst(%dma_wait3A_355 : memref<10000x128xf32, #tpu.memory_space<vmem_shared>>)
          tpu.yield
        }) : () -> ()
        %dma_start3A_165 = arith.constant 7 : i32
        %dma_start3A_166 = arith.constant 0 : i32
        %dma_start3A_167 = tpu.memref_slice %arg8[%dma_start3A_165, %dma_start3A_166] : memref<16x25xi32, #tpu.memory_space<vmem>> -> memref<1x25xi32, #tpu.memory_space<vmem>>
        %dma_start3A_168 = tpu.memref_squeeze %dma_start3A_167 : memref<1x25xi32, #tpu.memory_space<vmem>> -> memref<25xi32, #tpu.memory_space<vmem>>
        %dma_start3A_169 = arith.constant 0 : i32
        %dma_start3A_170 = arith.constant 0 : i32
        %dma_start3A_171 = tpu.memref_slice %arg2[%dma_start3A_169, %dma_start3A_170] : memref<10000x128xf32, #tpu.memory_space<hbm>> -> memref<10000x128xf32, #tpu.memory_space<hbm>>
        tpu.enqueue_indirect_dma source(%dma_start3A_171 : memref<10000x128xf32, #tpu.memory_space<hbm>>) target(%arg13 : memref<25x128xf32, #tpu.memory_space<vmem>>) offsets(%dma_start3A_168 : memref<25xi32, #tpu.memory_space<vmem>>) semaphore(%arg21 : memref<!tpu.dma_semaphore, #tpu.memory_space<semaphore_mem>>)
        %dma_wait3A_172 = arith.constant 5 : i32
        %dma_wait3A_173 = arith.constant 0 : i32
        %dma_wait3A_174 = tpu.memref_slice %arg8[%dma_wait3A_172, %dma_wait3A_173] : memref<16x25xi32, #tpu.memory_space<vmem>> -> memref<1x25xi32, #tpu.memory_space<vmem>>
        %dma_wait3A_175 = tpu.memref_squeeze %dma_wait3A_174 : memref<1x25xi32, #tpu.memory_space<vmem>> -> memref<25xi32, #tpu.memory_space<vmem>>
        %dma_wait3A_176 = arith.constant 0 : i32
        %dma_wait3A_177 = arith.constant 0 : i32
        %dma_wait3A_178 = tpu.memref_slice %arg2[%dma_wait3A_176, %dma_wait3A_177] : memref<10000x128xf32, #tpu.memory_space<hbm>> -> memref<10000x128xf32, #tpu.memory_space<hbm>>
        tpu.wait_indirect_dma semaphore(%arg19 : memref<!tpu.dma_semaphore, #tpu.memory_space<semaphore_mem>>) src(%dma_wait3A_178 : memref<10000x128xf32, #tpu.memory_space<hbm>>) dst(%arg11 : memref<25x128xf32, #tpu.memory_space<vmem>>)
        %run_scoped3A_179 = arith.constant 5 : i32
        "tpu.region"() ({
          %run_scoped3A_343 = tpu.sem_alloc : memref<!tpu.dma_semaphore, #tpu.memory_space<semaphore_mem>>
          %dma_start3A_344 = arith.constant 0 : i32
          %dma_start3A_345 = tpu.memref_slice %arg9[%run_scoped3A_179, %dma_start3A_344] : memref<16x25xi32, #tpu.memory_space<vmem>> -> memref<1x25xi32, #tpu.memory_space<vmem>>
          %dma_start3A_346 = tpu.memref_squeeze %dma_start3A_345 : memref<1x25xi32, #tpu.memory_space<vmem>> -> memref<25xi32, #tpu.memory_space<vmem>>
          %dma_start3A_347 = arith.constant 0 : i32
          %dma_start3A_348 = arith.constant 0 : i32
          %dma_start3A_349 = tpu.memref_slice %arg15[%dma_start3A_347, %dma_start3A_348] : memref<10000x128xf32, #tpu.memory_space<vmem_shared>> -> memref<10000x128xf32, #tpu.memory_space<vmem_shared>>
          tpu.enqueue_indirect_dma source(%arg11 : memref<25x128xf32, #tpu.memory_space<vmem>>) target(%dma_start3A_349 : memref<10000x128xf32, #tpu.memory_space<vmem_shared>>) offsets(%dma_start3A_346 : memref<25xi32, #tpu.memory_space<vmem>>) semaphore(%run_scoped3A_343 : memref<!tpu.dma_semaphore, #tpu.memory_space<semaphore_mem>>) {add = true}
          %dma_wait3A_350 = arith.constant 0 : i32
          %dma_wait3A_351 = tpu.memref_slice %arg9[%run_scoped3A_179, %dma_wait3A_350] : memref<16x25xi32, #tpu.memory_space<vmem>> -> memref<1x25xi32, #tpu.memory_space<vmem>>
          %dma_wait3A_352 = tpu.memref_squeeze %dma_wait3A_351 : memref<1x25xi32, #tpu.memory_space<vmem>> -> memref<25xi32, #tpu.memory_space<vmem>>
          %dma_wait3A_353 = arith.constant 0 : i32
          %dma_wait3A_354 = arith.constant 0 : i32
          %dma_wait3A_355 = tpu.memref_slice %arg15[%dma_wait3A_353, %dma_wait3A_354] : memref<10000x128xf32, #tpu.memory_space<vmem_shared>> -> memref<10000x128xf32, #tpu.memory_space<vmem_shared>>
          tpu.wait_indirect_dma semaphore(%run_scoped3A_343 : memref<!tpu.dma_semaphore, #tpu.memory_space<semaphore_mem>>) src(%arg11 : memref<25x128xf32, #tpu.memory_space<vmem>>) dst(%dma_wait3A_355 : memref<10000x128xf32, #tpu.memory_space<vmem_shared>>)
          tpu.yield
        }) : () -> ()
        %dma_start3A_180 = arith.constant 8 : i32
        %dma_start3A_181 = arith.constant 0 : i32
        %dma_start3A_182 = tpu.memref_slice %arg8[%dma_start3A_180, %dma_start3A_181] : memref<16x25xi32, #tpu.memory_space<vmem>> -> memref<1x25xi32, #tpu.memory_space<vmem>>
        %dma_start3A_183 = tpu.memref_squeeze %dma_start3A_182 : memref<1x25xi32, #tpu.memory_space<vmem>> -> memref<25xi32, #tpu.memory_space<vmem>>
        %dma_start3A_184 = arith.constant 0 : i32
        %dma_start3A_185 = arith.constant 0 : i32
        %dma_start3A_186 = tpu.memref_slice %arg2[%dma_start3A_184, %dma_start3A_185] : memref<10000x128xf32, #tpu.memory_space<hbm>> -> memref<10000x128xf32, #tpu.memory_space<hbm>>
        tpu.enqueue_indirect_dma source(%dma_start3A_186 : memref<10000x128xf32, #tpu.memory_space<hbm>>) target(%arg10 : memref<25x128xf32, #tpu.memory_space<vmem>>) offsets(%dma_start3A_183 : memref<25xi32, #tpu.memory_space<vmem>>) semaphore(%arg18 : memref<!tpu.dma_semaphore, #tpu.memory_space<semaphore_mem>>)
        %dma_wait3A_187 = arith.constant 6 : i32
        %dma_wait3A_188 = arith.constant 0 : i32
        %dma_wait3A_189 = tpu.memref_slice %arg8[%dma_wait3A_187, %dma_wait3A_188] : memref<16x25xi32, #tpu.memory_space<vmem>> -> memref<1x25xi32, #tpu.memory_space<vmem>>
        %dma_wait3A_190 = tpu.memref_squeeze %dma_wait3A_189 : memref<1x25xi32, #tpu.memory_space<vmem>> -> memref<25xi32, #tpu.memory_space<vmem>>
        %dma_wait3A_191 = arith.constant 0 : i32
        %dma_wait3A_192 = arith.constant 0 : i32
        %dma_wait3A_193 = tpu.memref_slice %arg2[%dma_wait3A_191, %dma_wait3A_192] : memref<10000x128xf32, #tpu.memory_space<hbm>> -> memref<10000x128xf32, #tpu.memory_space<hbm>>
        tpu.wait_indirect_dma semaphore(%arg20 : memref<!tpu.dma_semaphore, #tpu.memory_space<semaphore_mem>>) src(%dma_wait3A_193 : memref<10000x128xf32, #tpu.memory_space<hbm>>) dst(%arg12 : memref<25x128xf32, #tpu.memory_space<vmem>>)
        %run_scoped3A_194 = arith.constant 6 : i32
        "tpu.region"() ({
          %run_scoped3A_343 = tpu.sem_alloc : memref<!tpu.dma_semaphore, #tpu.memory_space<semaphore_mem>>
          %dma_start3A_344 = arith.constant 0 : i32
          %dma_start3A_345 = tpu.memref_slice %arg9[%run_scoped3A_194, %dma_start3A_344] : memref<16x25xi32, #tpu.memory_space<vmem>> -> memref<1x25xi32, #tpu.memory_space<vmem>>
          %dma_start3A_346 = tpu.memref_squeeze %dma_start3A_345 : memref<1x25xi32, #tpu.memory_space<vmem>> -> memref<25xi32, #tpu.memory_space<vmem>>
          %dma_start3A_347 = arith.constant 0 : i32
          %dma_start3A_348 = arith.constant 0 : i32
          %dma_start3A_349 = tpu.memref_slice %arg15[%dma_start3A_347, %dma_start3A_348] : memref<10000x128xf32, #tpu.memory_space<vmem_shared>> -> memref<10000x128xf32, #tpu.memory_space<vmem_shared>>
          tpu.enqueue_indirect_dma source(%arg12 : memref<25x128xf32, #tpu.memory_space<vmem>>) target(%dma_start3A_349 : memref<10000x128xf32, #tpu.memory_space<vmem_shared>>) offsets(%dma_start3A_346 : memref<25xi32, #tpu.memory_space<vmem>>) semaphore(%run_scoped3A_343 : memref<!tpu.dma_semaphore, #tpu.memory_space<semaphore_mem>>) {add = true}
          %dma_wait3A_350 = arith.constant 0 : i32
          %dma_wait3A_351 = tpu.memref_slice %arg9[%run_scoped3A_194, %dma_wait3A_350] : memref<16x25xi32, #tpu.memory_space<vmem>> -> memref<1x25xi32, #tpu.memory_space<vmem>>
          %dma_wait3A_352 = tpu.memref_squeeze %dma_wait3A_351 : memref<1x25xi32, #tpu.memory_space<vmem>> -> memref<25xi32, #tpu.memory_space<vmem>>
          %dma_wait3A_353 = arith.constant 0 : i32
          %dma_wait3A_354 = arith.constant 0 : i32
          %dma_wait3A_355 = tpu.memref_slice %arg15[%dma_wait3A_353, %dma_wait3A_354] : memref<10000x128xf32, #tpu.memory_space<vmem_shared>> -> memref<10000x128xf32, #tpu.memory_space<vmem_shared>>
          tpu.wait_indirect_dma semaphore(%run_scoped3A_343 : memref<!tpu.dma_semaphore, #tpu.memory_space<semaphore_mem>>) src(%arg12 : memref<25x128xf32, #tpu.memory_space<vmem>>) dst(%dma_wait3A_355 : memref<10000x128xf32, #tpu.memory_space<vmem_shared>>)
          tpu.yield
        }) : () -> ()
        %dma_start3A_195 = arith.constant 9 : i32
        %dma_start3A_196 = arith.constant 0 : i32
        %dma_start3A_197 = tpu.memref_slice %arg8[%dma_start3A_195, %dma_start3A_196] : memref<16x25xi32, #tpu.memory_space<vmem>> -> memref<1x25xi32, #tpu.memory_space<vmem>>
        %dma_start3A_198 = tpu.memref_squeeze %dma_start3A_197 : memref<1x25xi32, #tpu.memory_space<vmem>> -> memref<25xi32, #tpu.memory_space<vmem>>
        %dma_start3A_199 = arith.constant 0 : i32
        %dma_start3A_200 = arith.constant 0 : i32
        %dma_start3A_201 = tpu.memref_slice %arg2[%dma_start3A_199, %dma_start3A_200] : memref<10000x128xf32, #tpu.memory_space<hbm>> -> memref<10000x128xf32, #tpu.memory_space<hbm>>
        tpu.enqueue_indirect_dma source(%dma_start3A_201 : memref<10000x128xf32, #tpu.memory_space<hbm>>) target(%arg11 : memref<25x128xf32, #tpu.memory_space<vmem>>) offsets(%dma_start3A_198 : memref<25xi32, #tpu.memory_space<vmem>>) semaphore(%arg19 : memref<!tpu.dma_semaphore, #tpu.memory_space<semaphore_mem>>)
        %dma_wait3A_202 = arith.constant 7 : i32
        %dma_wait3A_203 = arith.constant 0 : i32
        %dma_wait3A_204 = tpu.memref_slice %arg8[%dma_wait3A_202, %dma_wait3A_203] : memref<16x25xi32, #tpu.memory_space<vmem>> -> memref<1x25xi32, #tpu.memory_space<vmem>>
        %dma_wait3A_205 = tpu.memref_squeeze %dma_wait3A_204 : memref<1x25xi32, #tpu.memory_space<vmem>> -> memref<25xi32, #tpu.memory_space<vmem>>
        %dma_wait3A_206 = arith.constant 0 : i32
        %dma_wait3A_207 = arith.constant 0 : i32
        %dma_wait3A_208 = tpu.memref_slice %arg2[%dma_wait3A_206, %dma_wait3A_207] : memref<10000x128xf32, #tpu.memory_space<hbm>> -> memref<10000x128xf32, #tpu.memory_space<hbm>>
        tpu.wait_indirect_dma semaphore(%arg21 : memref<!tpu.dma_semaphore, #tpu.memory_space<semaphore_mem>>) src(%dma_wait3A_208 : memref<10000x128xf32, #tpu.memory_space<hbm>>) dst(%arg13 : memref<25x128xf32, #tpu.memory_space<vmem>>)
        %run_scoped3A_209 = arith.constant 7 : i32
        "tpu.region"() ({
          %run_scoped3A_343 = tpu.sem_alloc : memref<!tpu.dma_semaphore, #tpu.memory_space<semaphore_mem>>
          %dma_start3A_344 = arith.constant 0 : i32
          %dma_start3A_345 = tpu.memref_slice %arg9[%run_scoped3A_209, %dma_start3A_344] : memref<16x25xi32, #tpu.memory_space<vmem>> -> memref<1x25xi32, #tpu.memory_space<vmem>>
          %dma_start3A_346 = tpu.memref_squeeze %dma_start3A_345 : memref<1x25xi32, #tpu.memory_space<vmem>> -> memref<25xi32, #tpu.memory_space<vmem>>
          %dma_start3A_347 = arith.constant 0 : i32
          %dma_start3A_348 = arith.constant 0 : i32
          %dma_start3A_349 = tpu.memref_slice %arg15[%dma_start3A_347, %dma_start3A_348] : memref<10000x128xf32, #tpu.memory_space<vmem_shared>> -> memref<10000x128xf32, #tpu.memory_space<vmem_shared>>
          tpu.enqueue_indirect_dma source(%arg13 : memref<25x128xf32, #tpu.memory_space<vmem>>) target(%dma_start3A_349 : memref<10000x128xf32, #tpu.memory_space<vmem_shared>>) offsets(%dma_start3A_346 : memref<25xi32, #tpu.memory_space<vmem>>) semaphore(%run_scoped3A_343 : memref<!tpu.dma_semaphore, #tpu.memory_space<semaphore_mem>>) {add = true}
          %dma_wait3A_350 = arith.constant 0 : i32
          %dma_wait3A_351 = tpu.memref_slice %arg9[%run_scoped3A_209, %dma_wait3A_350] : memref<16x25xi32, #tpu.memory_space<vmem>> -> memref<1x25xi32, #tpu.memory_space<vmem>>
          %dma_wait3A_352 = tpu.memref_squeeze %dma_wait3A_351 : memref<1x25xi32, #tpu.memory_space<vmem>> -> memref<25xi32, #tpu.memory_space<vmem>>
          %dma_wait3A_353 = arith.constant 0 : i32
          %dma_wait3A_354 = arith.constant 0 : i32
          %dma_wait3A_355 = tpu.memref_slice %arg15[%dma_wait3A_353, %dma_wait3A_354] : memref<10000x128xf32, #tpu.memory_space<vmem_shared>> -> memref<10000x128xf32, #tpu.memory_space<vmem_shared>>
          tpu.wait_indirect_dma semaphore(%run_scoped3A_343 : memref<!tpu.dma_semaphore, #tpu.memory_space<semaphore_mem>>) src(%arg13 : memref<25x128xf32, #tpu.memory_space<vmem>>) dst(%dma_wait3A_355 : memref<10000x128xf32, #tpu.memory_space<vmem_shared>>)
          tpu.yield
        }) : () -> ()
        %dma_start3A_210 = arith.constant 10 : i32
        %dma_start3A_211 = arith.constant 0 : i32
        %dma_start3A_212 = tpu.memref_slice %arg8[%dma_start3A_210, %dma_start3A_211] : memref<16x25xi32, #tpu.memory_space<vmem>> -> memref<1x25xi32, #tpu.memory_space<vmem>>
        %dma_start3A_213 = tpu.memref_squeeze %dma_start3A_212 : memref<1x25xi32, #tpu.memory_space<vmem>> -> memref<25xi32, #tpu.memory_space<vmem>>
        %dma_start3A_214 = arith.constant 0 : i32
        %dma_start3A_215 = arith.constant 0 : i32
        %dma_start3A_216 = tpu.memref_slice %arg2[%dma_start3A_214, %dma_start3A_215] : memref<10000x128xf32, #tpu.memory_space<hbm>> -> memref<10000x128xf32, #tpu.memory_space<hbm>>
        tpu.enqueue_indirect_dma source(%dma_start3A_216 : memref<10000x128xf32, #tpu.memory_space<hbm>>) target(%arg12 : memref<25x128xf32, #tpu.memory_space<vmem>>) offsets(%dma_start3A_213 : memref<25xi32, #tpu.memory_space<vmem>>) semaphore(%arg20 : memref<!tpu.dma_semaphore, #tpu.memory_space<semaphore_mem>>)
        %dma_wait3A_217 = arith.constant 8 : i32
        %dma_wait3A_218 = arith.constant 0 : i32
        %dma_wait3A_219 = tpu.memref_slice %arg8[%dma_wait3A_217, %dma_wait3A_218] : memref<16x25xi32, #tpu.memory_space<vmem>> -> memref<1x25xi32, #tpu.memory_space<vmem>>
        %dma_wait3A_220 = tpu.memref_squeeze %dma_wait3A_219 : memref<1x25xi32, #tpu.memory_space<vmem>> -> memref<25xi32, #tpu.memory_space<vmem>>
        %dma_wait3A_221 = arith.constant 0 : i32
        %dma_wait3A_222 = arith.constant 0 : i32
        %dma_wait3A_223 = tpu.memref_slice %arg2[%dma_wait3A_221, %dma_wait3A_222] : memref<10000x128xf32, #tpu.memory_space<hbm>> -> memref<10000x128xf32, #tpu.memory_space<hbm>>
        tpu.wait_indirect_dma semaphore(%arg18 : memref<!tpu.dma_semaphore, #tpu.memory_space<semaphore_mem>>) src(%dma_wait3A_223 : memref<10000x128xf32, #tpu.memory_space<hbm>>) dst(%arg10 : memref<25x128xf32, #tpu.memory_space<vmem>>)
        %run_scoped3A_224 = arith.constant 8 : i32
        "tpu.region"() ({
          %run_scoped3A_343 = tpu.sem_alloc : memref<!tpu.dma_semaphore, #tpu.memory_space<semaphore_mem>>
          %dma_start3A_344 = arith.constant 0 : i32
          %dma_start3A_345 = tpu.memref_slice %arg9[%run_scoped3A_224, %dma_start3A_344] : memref<16x25xi32, #tpu.memory_space<vmem>> -> memref<1x25xi32, #tpu.memory_space<vmem>>
          %dma_start3A_346 = tpu.memref_squeeze %dma_start3A_345 : memref<1x25xi32, #tpu.memory_space<vmem>> -> memref<25xi32, #tpu.memory_space<vmem>>
          %dma_start3A_347 = arith.constant 0 : i32
          %dma_start3A_348 = arith.constant 0 : i32
          %dma_start3A_349 = tpu.memref_slice %arg15[%dma_start3A_347, %dma_start3A_348] : memref<10000x128xf32, #tpu.memory_space<vmem_shared>> -> memref<10000x128xf32, #tpu.memory_space<vmem_shared>>
          tpu.enqueue_indirect_dma source(%arg10 : memref<25x128xf32, #tpu.memory_space<vmem>>) target(%dma_start3A_349 : memref<10000x128xf32, #tpu.memory_space<vmem_shared>>) offsets(%dma_start3A_346 : memref<25xi32, #tpu.memory_space<vmem>>) semaphore(%run_scoped3A_343 : memref<!tpu.dma_semaphore, #tpu.memory_space<semaphore_mem>>) {add = true}
          %dma_wait3A_350 = arith.constant 0 : i32
          %dma_wait3A_351 = tpu.memref_slice %arg9[%run_scoped3A_224, %dma_wait3A_350] : memref<16x25xi32, #tpu.memory_space<vmem>> -> memref<1x25xi32, #tpu.memory_space<vmem>>
          %dma_wait3A_352 = tpu.memref_squeeze %dma_wait3A_351 : memref<1x25xi32, #tpu.memory_space<vmem>> -> memref<25xi32, #tpu.memory_space<vmem>>
          %dma_wait3A_353 = arith.constant 0 : i32
          %dma_wait3A_354 = arith.constant 0 : i32
          %dma_wait3A_355 = tpu.memref_slice %arg15[%dma_wait3A_353, %dma_wait3A_354] : memref<10000x128xf32, #tpu.memory_space<vmem_shared>> -> memref<10000x128xf32, #tpu.memory_space<vmem_shared>>
          tpu.wait_indirect_dma semaphore(%run_scoped3A_343 : memref<!tpu.dma_semaphore, #tpu.memory_space<semaphore_mem>>) src(%arg10 : memref<25x128xf32, #tpu.memory_space<vmem>>) dst(%dma_wait3A_355 : memref<10000x128xf32, #tpu.memory_space<vmem_shared>>)
          tpu.yield
        }) : () -> ()
        %dma_start3A_225 = arith.constant 11 : i32
        %dma_start3A_226 = arith.constant 0 : i32
        %dma_start3A_227 = tpu.memref_slice %arg8[%dma_start3A_225, %dma_start3A_226] : memref<16x25xi32, #tpu.memory_space<vmem>> -> memref<1x25xi32, #tpu.memory_space<vmem>>
        %dma_start3A_228 = tpu.memref_squeeze %dma_start3A_227 : memref<1x25xi32, #tpu.memory_space<vmem>> -> memref<25xi32, #tpu.memory_space<vmem>>
        %dma_start3A_229 = arith.constant 0 : i32
        %dma_start3A_230 = arith.constant 0 : i32
        %dma_start3A_231 = tpu.memref_slice %arg2[%dma_start3A_229, %dma_start3A_230] : memref<10000x128xf32, #tpu.memory_space<hbm>> -> memref<10000x128xf32, #tpu.memory_space<hbm>>
        tpu.enqueue_indirect_dma source(%dma_start3A_231 : memref<10000x128xf32, #tpu.memory_space<hbm>>) target(%arg13 : memref<25x128xf32, #tpu.memory_space<vmem>>) offsets(%dma_start3A_228 : memref<25xi32, #tpu.memory_space<vmem>>) semaphore(%arg21 : memref<!tpu.dma_semaphore, #tpu.memory_space<semaphore_mem>>)
        %dma_wait3A_232 = arith.constant 9 : i32
        %dma_wait3A_233 = arith.constant 0 : i32
        %dma_wait3A_234 = tpu.memref_slice %arg8[%dma_wait3A_232, %dma_wait3A_233] : memref<16x25xi32, #tpu.memory_space<vmem>> -> memref<1x25xi32, #tpu.memory_space<vmem>>
        %dma_wait3A_235 = tpu.memref_squeeze %dma_wait3A_234 : memref<1x25xi32, #tpu.memory_space<vmem>> -> memref<25xi32, #tpu.memory_space<vmem>>
        %dma_wait3A_236 = arith.constant 0 : i32
        %dma_wait3A_237 = arith.constant 0 : i32
        %dma_wait3A_238 = tpu.memref_slice %arg2[%dma_wait3A_236, %dma_wait3A_237] : memref<10000x128xf32, #tpu.memory_space<hbm>> -> memref<10000x128xf32, #tpu.memory_space<hbm>>
        tpu.wait_indirect_dma semaphore(%arg19 : memref<!tpu.dma_semaphore, #tpu.memory_space<semaphore_mem>>) src(%dma_wait3A_238 : memref<10000x128xf32, #tpu.memory_space<hbm>>) dst(%arg11 : memref<25x128xf32, #tpu.memory_space<vmem>>)
        %run_scoped3A_239 = arith.constant 9 : i32
        "tpu.region"() ({
          %run_scoped3A_343 = tpu.sem_alloc : memref<!tpu.dma_semaphore, #tpu.memory_space<semaphore_mem>>
          %dma_start3A_344 = arith.constant 0 : i32
          %dma_start3A_345 = tpu.memref_slice %arg9[%run_scoped3A_239, %dma_start3A_344] : memref<16x25xi32, #tpu.memory_space<vmem>> -> memref<1x25xi32, #tpu.memory_space<vmem>>
          %dma_start3A_346 = tpu.memref_squeeze %dma_start3A_345 : memref<1x25xi32, #tpu.memory_space<vmem>> -> memref<25xi32, #tpu.memory_space<vmem>>
          %dma_start3A_347 = arith.constant 0 : i32
          %dma_start3A_348 = arith.constant 0 : i32
          %dma_start3A_349 = tpu.memref_slice %arg15[%dma_start3A_347, %dma_start3A_348] : memref<10000x128xf32, #tpu.memory_space<vmem_shared>> -> memref<10000x128xf32, #tpu.memory_space<vmem_shared>>
          tpu.enqueue_indirect_dma source(%arg11 : memref<25x128xf32, #tpu.memory_space<vmem>>) target(%dma_start3A_349 : memref<10000x128xf32, #tpu.memory_space<vmem_shared>>) offsets(%dma_start3A_346 : memref<25xi32, #tpu.memory_space<vmem>>) semaphore(%run_scoped3A_343 : memref<!tpu.dma_semaphore, #tpu.memory_space<semaphore_mem>>) {add = true}
          %dma_wait3A_350 = arith.constant 0 : i32
          %dma_wait3A_351 = tpu.memref_slice %arg9[%run_scoped3A_239, %dma_wait3A_350] : memref<16x25xi32, #tpu.memory_space<vmem>> -> memref<1x25xi32, #tpu.memory_space<vmem>>
          %dma_wait3A_352 = tpu.memref_squeeze %dma_wait3A_351 : memref<1x25xi32, #tpu.memory_space<vmem>> -> memref<25xi32, #tpu.memory_space<vmem>>
          %dma_wait3A_353 = arith.constant 0 : i32
          %dma_wait3A_354 = arith.constant 0 : i32
          %dma_wait3A_355 = tpu.memref_slice %arg15[%dma_wait3A_353, %dma_wait3A_354] : memref<10000x128xf32, #tpu.memory_space<vmem_shared>> -> memref<10000x128xf32, #tpu.memory_space<vmem_shared>>
          tpu.wait_indirect_dma semaphore(%run_scoped3A_343 : memref<!tpu.dma_semaphore, #tpu.memory_space<semaphore_mem>>) src(%arg11 : memref<25x128xf32, #tpu.memory_space<vmem>>) dst(%dma_wait3A_355 : memref<10000x128xf32, #tpu.memory_space<vmem_shared>>)
          tpu.yield
        }) : () -> ()
        %dma_start3A_240 = arith.constant 12 : i32
        %dma_start3A_241 = arith.constant 0 : i32
        %dma_start3A_242 = tpu.memref_slice %arg8[%dma_start3A_240, %dma_start3A_241] : memref<16x25xi32, #tpu.memory_space<vmem>> -> memref<1x25xi32, #tpu.memory_space<vmem>>
        %dma_start3A_243 = tpu.memref_squeeze %dma_start3A_242 : memref<1x25xi32, #tpu.memory_space<vmem>> -> memref<25xi32, #tpu.memory_space<vmem>>
        %dma_start3A_244 = arith.constant 0 : i32
        %dma_start3A_245 = arith.constant 0 : i32
        %dma_start3A_246 = tpu.memref_slice %arg2[%dma_start3A_244, %dma_start3A_245] : memref<10000x128xf32, #tpu.memory_space<hbm>> -> memref<10000x128xf32, #tpu.memory_space<hbm>>
        tpu.enqueue_indirect_dma source(%dma_start3A_246 : memref<10000x128xf32, #tpu.memory_space<hbm>>) target(%arg10 : memref<25x128xf32, #tpu.memory_space<vmem>>) offsets(%dma_start3A_243 : memref<25xi32, #tpu.memory_space<vmem>>) semaphore(%arg18 : memref<!tpu.dma_semaphore, #tpu.memory_space<semaphore_mem>>)
        %dma_wait3A_247 = arith.constant 10 : i32
        %dma_wait3A_248 = arith.constant 0 : i32
        %dma_wait3A_249 = tpu.memref_slice %arg8[%dma_wait3A_247, %dma_wait3A_248] : memref<16x25xi32, #tpu.memory_space<vmem>> -> memref<1x25xi32, #tpu.memory_space<vmem>>
        %dma_wait3A_250 = tpu.memref_squeeze %dma_wait3A_249 : memref<1x25xi32, #tpu.memory_space<vmem>> -> memref<25xi32, #tpu.memory_space<vmem>>
        %dma_wait3A_251 = arith.constant 0 : i32
        %dma_wait3A_252 = arith.constant 0 : i32
        %dma_wait3A_253 = tpu.memref_slice %arg2[%dma_wait3A_251, %dma_wait3A_252] : memref<10000x128xf32, #tpu.memory_space<hbm>> -> memref<10000x128xf32, #tpu.memory_space<hbm>>
        tpu.wait_indirect_dma semaphore(%arg20 : memref<!tpu.dma_semaphore, #tpu.memory_space<semaphore_mem>>) src(%dma_wait3A_253 : memref<10000x128xf32, #tpu.memory_space<hbm>>) dst(%arg12 : memref<25x128xf32, #tpu.memory_space<vmem>>)
        %run_scoped3A_254 = arith.constant 10 : i32
        "tpu.region"() ({
          %run_scoped3A_343 = tpu.sem_alloc : memref<!tpu.dma_semaphore, #tpu.memory_space<semaphore_mem>>
          %dma_start3A_344 = arith.constant 0 : i32
          %dma_start3A_345 = tpu.memref_slice %arg9[%run_scoped3A_254, %dma_start3A_344] : memref<16x25xi32, #tpu.memory_space<vmem>> -> memref<1x25xi32, #tpu.memory_space<vmem>>
          %dma_start3A_346 = tpu.memref_squeeze %dma_start3A_345 : memref<1x25xi32, #tpu.memory_space<vmem>> -> memref<25xi32, #tpu.memory_space<vmem>>
          %dma_start3A_347 = arith.constant 0 : i32
          %dma_start3A_348 = arith.constant 0 : i32
          %dma_start3A_349 = tpu.memref_slice %arg15[%dma_start3A_347, %dma_start3A_348] : memref<10000x128xf32, #tpu.memory_space<vmem_shared>> -> memref<10000x128xf32, #tpu.memory_space<vmem_shared>>
          tpu.enqueue_indirect_dma source(%arg12 : memref<25x128xf32, #tpu.memory_space<vmem>>) target(%dma_start3A_349 : memref<10000x128xf32, #tpu.memory_space<vmem_shared>>) offsets(%dma_start3A_346 : memref<25xi32, #tpu.memory_space<vmem>>) semaphore(%run_scoped3A_343 : memref<!tpu.dma_semaphore, #tpu.memory_space<semaphore_mem>>) {add = true}
          %dma_wait3A_350 = arith.constant 0 : i32
          %dma_wait3A_351 = tpu.memref_slice %arg9[%run_scoped3A_254, %dma_wait3A_350] : memref<16x25xi32, #tpu.memory_space<vmem>> -> memref<1x25xi32, #tpu.memory_space<vmem>>
          %dma_wait3A_352 = tpu.memref_squeeze %dma_wait3A_351 : memref<1x25xi32, #tpu.memory_space<vmem>> -> memref<25xi32, #tpu.memory_space<vmem>>
          %dma_wait3A_353 = arith.constant 0 : i32
          %dma_wait3A_354 = arith.constant 0 : i32
          %dma_wait3A_355 = tpu.memref_slice %arg15[%dma_wait3A_353, %dma_wait3A_354] : memref<10000x128xf32, #tpu.memory_space<vmem_shared>> -> memref<10000x128xf32, #tpu.memory_space<vmem_shared>>
          tpu.wait_indirect_dma semaphore(%run_scoped3A_343 : memref<!tpu.dma_semaphore, #tpu.memory_space<semaphore_mem>>) src(%arg12 : memref<25x128xf32, #tpu.memory_space<vmem>>) dst(%dma_wait3A_355 : memref<10000x128xf32, #tpu.memory_space<vmem_shared>>)
          tpu.yield
        }) : () -> ()
        %dma_start3A_255 = arith.constant 13 : i32
        %dma_start3A_256 = arith.constant 0 : i32
        %dma_start3A_257 = tpu.memref_slice %arg8[%dma_start3A_255, %dma_start3A_256] : memref<16x25xi32, #tpu.memory_space<vmem>> -> memref<1x25xi32, #tpu.memory_space<vmem>>
        %dma_start3A_258 = tpu.memref_squeeze %dma_start3A_257 : memref<1x25xi32, #tpu.memory_space<vmem>> -> memref<25xi32, #tpu.memory_space<vmem>>
        %dma_start3A_259 = arith.constant 0 : i32
        %dma_start3A_260 = arith.constant 0 : i32
        %dma_start3A_261 = tpu.memref_slice %arg2[%dma_start3A_259, %dma_start3A_260] : memref<10000x128xf32, #tpu.memory_space<hbm>> -> memref<10000x128xf32, #tpu.memory_space<hbm>>
        tpu.enqueue_indirect_dma source(%dma_start3A_261 : memref<10000x128xf32, #tpu.memory_space<hbm>>) target(%arg11 : memref<25x128xf32, #tpu.memory_space<vmem>>) offsets(%dma_start3A_258 : memref<25xi32, #tpu.memory_space<vmem>>) semaphore(%arg19 : memref<!tpu.dma_semaphore, #tpu.memory_space<semaphore_mem>>)
        %dma_wait3A_262 = arith.constant 11 : i32
        %dma_wait3A_263 = arith.constant 0 : i32
        %dma_wait3A_264 = tpu.memref_slice %arg8[%dma_wait3A_262, %dma_wait3A_263] : memref<16x25xi32, #tpu.memory_space<vmem>> -> memref<1x25xi32, #tpu.memory_space<vmem>>
        %dma_wait3A_265 = tpu.memref_squeeze %dma_wait3A_264 : memref<1x25xi32, #tpu.memory_space<vmem>> -> memref<25xi32, #tpu.memory_space<vmem>>
        %dma_wait3A_266 = arith.constant 0 : i32
        %dma_wait3A_267 = arith.constant 0 : i32
        %dma_wait3A_268 = tpu.memref_slice %arg2[%dma_wait3A_266, %dma_wait3A_267] : memref<10000x128xf32, #tpu.memory_space<hbm>> -> memref<10000x128xf32, #tpu.memory_space<hbm>>
        tpu.wait_indirect_dma semaphore(%arg21 : memref<!tpu.dma_semaphore, #tpu.memory_space<semaphore_mem>>) src(%dma_wait3A_268 : memref<10000x128xf32, #tpu.memory_space<hbm>>) dst(%arg13 : memref<25x128xf32, #tpu.memory_space<vmem>>)
        %run_scoped3A_269 = arith.constant 11 : i32
        "tpu.region"() ({
          %run_scoped3A_343 = tpu.sem_alloc : memref<!tpu.dma_semaphore, #tpu.memory_space<semaphore_mem>>
          %dma_start3A_344 = arith.constant 0 : i32
          %dma_start3A_345 = tpu.memref_slice %arg9[%run_scoped3A_269, %dma_start3A_344] : memref<16x25xi32, #tpu.memory_space<vmem>> -> memref<1x25xi32, #tpu.memory_space<vmem>>
          %dma_start3A_346 = tpu.memref_squeeze %dma_start3A_345 : memref<1x25xi32, #tpu.memory_space<vmem>> -> memref<25xi32, #tpu.memory_space<vmem>>
          %dma_start3A_347 = arith.constant 0 : i32
          %dma_start3A_348 = arith.constant 0 : i32
          %dma_start3A_349 = tpu.memref_slice %arg15[%dma_start3A_347, %dma_start3A_348] : memref<10000x128xf32, #tpu.memory_space<vmem_shared>> -> memref<10000x128xf32, #tpu.memory_space<vmem_shared>>
          tpu.enqueue_indirect_dma source(%arg13 : memref<25x128xf32, #tpu.memory_space<vmem>>) target(%dma_start3A_349 : memref<10000x128xf32, #tpu.memory_space<vmem_shared>>) offsets(%dma_start3A_346 : memref<25xi32, #tpu.memory_space<vmem>>) semaphore(%run_scoped3A_343 : memref<!tpu.dma_semaphore, #tpu.memory_space<semaphore_mem>>) {add = true}
          %dma_wait3A_350 = arith.constant 0 : i32
          %dma_wait3A_351 = tpu.memref_slice %arg9[%run_scoped3A_269, %dma_wait3A_350] : memref<16x25xi32, #tpu.memory_space<vmem>> -> memref<1x25xi32, #tpu.memory_space<vmem>>
          %dma_wait3A_352 = tpu.memref_squeeze %dma_wait3A_351 : memref<1x25xi32, #tpu.memory_space<vmem>> -> memref<25xi32, #tpu.memory_space<vmem>>
          %dma_wait3A_353 = arith.constant 0 : i32
          %dma_wait3A_354 = arith.constant 0 : i32
          %dma_wait3A_355 = tpu.memref_slice %arg15[%dma_wait3A_353, %dma_wait3A_354] : memref<10000x128xf32, #tpu.memory_space<vmem_shared>> -> memref<10000x128xf32, #tpu.memory_space<vmem_shared>>
          tpu.wait_indirect_dma semaphore(%run_scoped3A_343 : memref<!tpu.dma_semaphore, #tpu.memory_space<semaphore_mem>>) src(%arg13 : memref<25x128xf32, #tpu.memory_space<vmem>>) dst(%dma_wait3A_355 : memref<10000x128xf32, #tpu.memory_space<vmem_shared>>)
          tpu.yield
        }) : () -> ()
        %dma_start3A_270 = arith.constant 14 : i32
        %dma_start3A_271 = arith.constant 0 : i32
        %dma_start3A_272 = tpu.memref_slice %arg8[%dma_start3A_270, %dma_start3A_271] : memref<16x25xi32, #tpu.memory_space<vmem>> -> memref<1x25xi32, #tpu.memory_space<vmem>>
        %dma_start3A_273 = tpu.memref_squeeze %dma_start3A_272 : memref<1x25xi32, #tpu.memory_space<vmem>> -> memref<25xi32, #tpu.memory_space<vmem>>
        %dma_start3A_274 = arith.constant 0 : i32
        %dma_start3A_275 = arith.constant 0 : i32
        %dma_start3A_276 = tpu.memref_slice %arg2[%dma_start3A_274, %dma_start3A_275] : memref<10000x128xf32, #tpu.memory_space<hbm>> -> memref<10000x128xf32, #tpu.memory_space<hbm>>
        tpu.enqueue_indirect_dma source(%dma_start3A_276 : memref<10000x128xf32, #tpu.memory_space<hbm>>) target(%arg12 : memref<25x128xf32, #tpu.memory_space<vmem>>) offsets(%dma_start3A_273 : memref<25xi32, #tpu.memory_space<vmem>>) semaphore(%arg20 : memref<!tpu.dma_semaphore, #tpu.memory_space<semaphore_mem>>)
        %dma_wait3A_277 = arith.constant 12 : i32
        %dma_wait3A_278 = arith.constant 0 : i32
        %dma_wait3A_279 = tpu.memref_slice %arg8[%dma_wait3A_277, %dma_wait3A_278] : memref<16x25xi32, #tpu.memory_space<vmem>> -> memref<1x25xi32, #tpu.memory_space<vmem>>
        %dma_wait3A_280 = tpu.memref_squeeze %dma_wait3A_279 : memref<1x25xi32, #tpu.memory_space<vmem>> -> memref<25xi32, #tpu.memory_space<vmem>>
        %dma_wait3A_281 = arith.constant 0 : i32
        %dma_wait3A_282 = arith.constant 0 : i32
        %dma_wait3A_283 = tpu.memref_slice %arg2[%dma_wait3A_281, %dma_wait3A_282] : memref<10000x128xf32, #tpu.memory_space<hbm>> -> memref<10000x128xf32, #tpu.memory_space<hbm>>
        tpu.wait_indirect_dma semaphore(%arg18 : memref<!tpu.dma_semaphore, #tpu.memory_space<semaphore_mem>>) src(%dma_wait3A_283 : memref<10000x128xf32, #tpu.memory_space<hbm>>) dst(%arg10 : memref<25x128xf32, #tpu.memory_space<vmem>>)
        %run_scoped3A_284 = arith.constant 12 : i32
        "tpu.region"() ({
          %run_scoped3A_343 = tpu.sem_alloc : memref<!tpu.dma_semaphore, #tpu.memory_space<semaphore_mem>>
          %dma_start3A_344 = arith.constant 0 : i32
          %dma_start3A_345 = tpu.memref_slice %arg9[%run_scoped3A_284, %dma_start3A_344] : memref<16x25xi32, #tpu.memory_space<vmem>> -> memref<1x25xi32, #tpu.memory_space<vmem>>
          %dma_start3A_346 = tpu.memref_squeeze %dma_start3A_345 : memref<1x25xi32, #tpu.memory_space<vmem>> -> memref<25xi32, #tpu.memory_space<vmem>>
          %dma_start3A_347 = arith.constant 0 : i32
          %dma_start3A_348 = arith.constant 0 : i32
          %dma_start3A_349 = tpu.memref_slice %arg15[%dma_start3A_347, %dma_start3A_348] : memref<10000x128xf32, #tpu.memory_space<vmem_shared>> -> memref<10000x128xf32, #tpu.memory_space<vmem_shared>>
          tpu.enqueue_indirect_dma source(%arg10 : memref<25x128xf32, #tpu.memory_space<vmem>>) target(%dma_start3A_349 : memref<10000x128xf32, #tpu.memory_space<vmem_shared>>) offsets(%dma_start3A_346 : memref<25xi32, #tpu.memory_space<vmem>>) semaphore(%run_scoped3A_343 : memref<!tpu.dma_semaphore, #tpu.memory_space<semaphore_mem>>) {add = true}
          %dma_wait3A_350 = arith.constant 0 : i32
          %dma_wait3A_351 = tpu.memref_slice %arg9[%run_scoped3A_284, %dma_wait3A_350] : memref<16x25xi32, #tpu.memory_space<vmem>> -> memref<1x25xi32, #tpu.memory_space<vmem>>
          %dma_wait3A_352 = tpu.memref_squeeze %dma_wait3A_351 : memref<1x25xi32, #tpu.memory_space<vmem>> -> memref<25xi32, #tpu.memory_space<vmem>>
          %dma_wait3A_353 = arith.constant 0 : i32
          %dma_wait3A_354 = arith.constant 0 : i32
          %dma_wait3A_355 = tpu.memref_slice %arg15[%dma_wait3A_353, %dma_wait3A_354] : memref<10000x128xf32, #tpu.memory_space<vmem_shared>> -> memref<10000x128xf32, #tpu.memory_space<vmem_shared>>
          tpu.wait_indirect_dma semaphore(%run_scoped3A_343 : memref<!tpu.dma_semaphore, #tpu.memory_space<semaphore_mem>>) src(%arg10 : memref<25x128xf32, #tpu.memory_space<vmem>>) dst(%dma_wait3A_355 : memref<10000x128xf32, #tpu.memory_space<vmem_shared>>)
          tpu.yield
        }) : () -> ()
        %dma_start3A_285 = arith.constant 15 : i32
        %dma_start3A_286 = arith.constant 0 : i32
        %dma_start3A_287 = tpu.memref_slice %arg8[%dma_start3A_285, %dma_start3A_286] : memref<16x25xi32, #tpu.memory_space<vmem>> -> memref<1x25xi32, #tpu.memory_space<vmem>>
        %dma_start3A_288 = tpu.memref_squeeze %dma_start3A_287 : memref<1x25xi32, #tpu.memory_space<vmem>> -> memref<25xi32, #tpu.memory_space<vmem>>
        %dma_start3A_289 = arith.constant 0 : i32
        %dma_start3A_290 = arith.constant 0 : i32
        %dma_start3A_291 = tpu.memref_slice %arg2[%dma_start3A_289, %dma_start3A_290] : memref<10000x128xf32, #tpu.memory_space<hbm>> -> memref<10000x128xf32, #tpu.memory_space<hbm>>
        tpu.enqueue_indirect_dma source(%dma_start3A_291 : memref<10000x128xf32, #tpu.memory_space<hbm>>) target(%arg13 : memref<25x128xf32, #tpu.memory_space<vmem>>) offsets(%dma_start3A_288 : memref<25xi32, #tpu.memory_space<vmem>>) semaphore(%arg21 : memref<!tpu.dma_semaphore, #tpu.memory_space<semaphore_mem>>)
        %dma_wait3A_292 = arith.constant 13 : i32
        %dma_wait3A_293 = arith.constant 0 : i32
        %dma_wait3A_294 = tpu.memref_slice %arg8[%dma_wait3A_292, %dma_wait3A_293] : memref<16x25xi32, #tpu.memory_space<vmem>> -> memref<1x25xi32, #tpu.memory_space<vmem>>
        %dma_wait3A_295 = tpu.memref_squeeze %dma_wait3A_294 : memref<1x25xi32, #tpu.memory_space<vmem>> -> memref<25xi32, #tpu.memory_space<vmem>>
        %dma_wait3A_296 = arith.constant 0 : i32
        %dma_wait3A_297 = arith.constant 0 : i32
        %dma_wait3A_298 = tpu.memref_slice %arg2[%dma_wait3A_296, %dma_wait3A_297] : memref<10000x128xf32, #tpu.memory_space<hbm>> -> memref<10000x128xf32, #tpu.memory_space<hbm>>
        tpu.wait_indirect_dma semaphore(%arg19 : memref<!tpu.dma_semaphore, #tpu.memory_space<semaphore_mem>>) src(%dma_wait3A_298 : memref<10000x128xf32, #tpu.memory_space<hbm>>) dst(%arg11 : memref<25x128xf32, #tpu.memory_space<vmem>>)
        %run_scoped3A_299 = arith.constant 13 : i32
        "tpu.region"() ({
          %run_scoped3A_343 = tpu.sem_alloc : memref<!tpu.dma_semaphore, #tpu.memory_space<semaphore_mem>>
          %dma_start3A_344 = arith.constant 0 : i32
          %dma_start3A_345 = tpu.memref_slice %arg9[%run_scoped3A_299, %dma_start3A_344] : memref<16x25xi32, #tpu.memory_space<vmem>> -> memref<1x25xi32, #tpu.memory_space<vmem>>
          %dma_start3A_346 = tpu.memref_squeeze %dma_start3A_345 : memref<1x25xi32, #tpu.memory_space<vmem>> -> memref<25xi32, #tpu.memory_space<vmem>>
          %dma_start3A_347 = arith.constant 0 : i32
          %dma_start3A_348 = arith.constant 0 : i32
          %dma_start3A_349 = tpu.memref_slice %arg15[%dma_start3A_347, %dma_start3A_348] : memref<10000x128xf32, #tpu.memory_space<vmem_shared>> -> memref<10000x128xf32, #tpu.memory_space<vmem_shared>>
          tpu.enqueue_indirect_dma source(%arg11 : memref<25x128xf32, #tpu.memory_space<vmem>>) target(%dma_start3A_349 : memref<10000x128xf32, #tpu.memory_space<vmem_shared>>) offsets(%dma_start3A_346 : memref<25xi32, #tpu.memory_space<vmem>>) semaphore(%run_scoped3A_343 : memref<!tpu.dma_semaphore, #tpu.memory_space<semaphore_mem>>) {add = true}
          %dma_wait3A_350 = arith.constant 0 : i32
          %dma_wait3A_351 = tpu.memref_slice %arg9[%run_scoped3A_299, %dma_wait3A_350] : memref<16x25xi32, #tpu.memory_space<vmem>> -> memref<1x25xi32, #tpu.memory_space<vmem>>
          %dma_wait3A_352 = tpu.memref_squeeze %dma_wait3A_351 : memref<1x25xi32, #tpu.memory_space<vmem>> -> memref<25xi32, #tpu.memory_space<vmem>>
          %dma_wait3A_353 = arith.constant 0 : i32
          %dma_wait3A_354 = arith.constant 0 : i32
          %dma_wait3A_355 = tpu.memref_slice %arg15[%dma_wait3A_353, %dma_wait3A_354] : memref<10000x128xf32, #tpu.memory_space<vmem_shared>> -> memref<10000x128xf32, #tpu.memory_space<vmem_shared>>
          tpu.wait_indirect_dma semaphore(%run_scoped3A_343 : memref<!tpu.dma_semaphore, #tpu.memory_space<semaphore_mem>>) src(%arg11 : memref<25x128xf32, #tpu.memory_space<vmem>>) dst(%dma_wait3A_355 : memref<10000x128xf32, #tpu.memory_space<vmem_shared>>)
          tpu.yield
        }) : () -> ()
        %lt3A_300 = arith.constant 24 : i32
        %lt3A_301 = arith.cmpi slt, %add3A_62, %lt3A_300 : i32
        %convert_element_type3A_302 = arith.extui %lt3A_301 : i1 to i32
        %cond3A_303 = arith.constant 0 : i32
        %cond3A_304 = arith.cmpi ne, %convert_element_type3A_302, %cond3A_303 : i32
        scf.if %cond3A_304 {
          %add3A_343 = arith.constant 1 : i32
          %add3A_344 = arith.addi %add3A_62, %add3A_343 : i32
          %mul3A_345 = arith.constant 16 : i32
          %mul3A_346 = arith.muli %add3A_344, %mul3A_345 : i32
          %add3A_347 = arith.addi %mul3A_4, %mul3A_346 : i32
          %multiple_of3A_348 = tpu.assume_multiple %add3A_347, 8 : i32
          %dma_wait3A_349 = arith.constant 0 : i32
          %dma_wait3A_350 = tpu.memref_slice %arg3[%multiple_of3A_348, %dma_wait3A_349] : memref<12800x25xi32, #tpu.memory_space<hbm>> -> memref<16x25xi32, #tpu.memory_space<hbm>>
          %dma_wait3A_351 = arith.constant 0 : i32
          %dma_wait3A_352 = tpu.memref_slice %arg3[%multiple_of3A_348, %dma_wait3A_351] : memref<12800x25xi32, #tpu.memory_space<hbm>> -> memref<16x25xi32, #tpu.memory_space<hbm>>
          tpu.wait_dma2 semaphore(%arg16 : memref<!tpu.dma_semaphore, #tpu.memory_space<semaphore_mem>>) src(%dma_wait3A_352 : memref<16x25xi32, #tpu.memory_space<hbm>>) dst(%arg6 : memref<16x25xi32, #tpu.memory_space<vmem>>)
          %dma_wait3A_353 = arith.constant 0 : i32
          %dma_wait3A_354 = tpu.memref_slice %arg4[%multiple_of3A_348, %dma_wait3A_353] : memref<12800x25xi32, #tpu.memory_space<hbm>> -> memref<16x25xi32, #tpu.memory_space<hbm>>
          %dma_wait3A_355 = arith.constant 0 : i32
          %dma_wait3A_356 = tpu.memref_slice %arg4[%multiple_of3A_348, %dma_wait3A_355] : memref<12800x25xi32, #tpu.memory_space<hbm>> -> memref<16x25xi32, #tpu.memory_space<hbm>>
          tpu.wait_dma2 semaphore(%arg16 : memref<!tpu.dma_semaphore, #tpu.memory_space<semaphore_mem>>) src(%dma_wait3A_356 : memref<16x25xi32, #tpu.memory_space<hbm>>) dst(%arg7 : memref<16x25xi32, #tpu.memory_space<vmem>>)
        } else {
        }
        %lt3A_305 = arith.constant 24 : i32
        %lt3A_306 = arith.cmpi slt, %add3A_62, %lt3A_305 : i32
        %convert_element_type3A_307 = arith.extui %lt3A_306 : i1 to i32
        %cond3A_308 = arith.constant 0 : i32
        %cond3A_309 = arith.cmpi ne, %convert_element_type3A_307, %cond3A_308 : i32
        scf.if %cond3A_309 {
          %dma_start3A_343 = arith.constant 0 : i32
          %dma_start3A_344 = arith.constant 0 : i32
          %dma_start3A_345 = tpu.memref_slice %arg6[%dma_start3A_343, %dma_start3A_344] : memref<16x25xi32, #tpu.memory_space<vmem>> -> memref<1x25xi32, #tpu.memory_space<vmem>>
          %dma_start3A_346 = tpu.memref_squeeze %dma_start3A_345 : memref<1x25xi32, #tpu.memory_space<vmem>> -> memref<25xi32, #tpu.memory_space<vmem>>
          %dma_start3A_347 = arith.constant 0 : i32
          %dma_start3A_348 = arith.constant 0 : i32
          %dma_start3A_349 = tpu.memref_slice %arg2[%dma_start3A_347, %dma_start3A_348] : memref<10000x128xf32, #tpu.memory_space<hbm>> -> memref<10000x128xf32, #tpu.memory_space<hbm>>
          tpu.enqueue_indirect_dma source(%dma_start3A_349 : memref<10000x128xf32, #tpu.memory_space<hbm>>) target(%arg10 : memref<25x128xf32, #tpu.memory_space<vmem>>) offsets(%dma_start3A_346 : memref<25xi32, #tpu.memory_space<vmem>>) semaphore(%arg18 : memref<!tpu.dma_semaphore, #tpu.memory_space<semaphore_mem>>)
        } else {
        }
        %dma_wait3A_310 = arith.constant 14 : i32
        %dma_wait3A_311 = arith.constant 0 : i32
        %dma_wait3A_312 = tpu.memref_slice %arg8[%dma_wait3A_310, %dma_wait3A_311] : memref<16x25xi32, #tpu.memory_space<vmem>> -> memref<1x25xi32, #tpu.memory_space<vmem>>
        %dma_wait3A_313 = tpu.memref_squeeze %dma_wait3A_312 : memref<1x25xi32, #tpu.memory_space<vmem>> -> memref<25xi32, #tpu.memory_space<vmem>>
        %dma_wait3A_314 = arith.constant 0 : i32
        %dma_wait3A_315 = arith.constant 0 : i32
        %dma_wait3A_316 = tpu.memref_slice %arg2[%dma_wait3A_314, %dma_wait3A_315] : memref<10000x128xf32, #tpu.memory_space<hbm>> -> memref<10000x128xf32, #tpu.memory_space<hbm>>
        tpu.wait_indirect_dma semaphore(%arg20 : memref<!tpu.dma_semaphore, #tpu.memory_space<semaphore_mem>>) src(%dma_wait3A_316 : memref<10000x128xf32, #tpu.memory_space<hbm>>) dst(%arg12 : memref<25x128xf32, #tpu.memory_space<vmem>>)
        %run_scoped3A_317 = arith.constant 14 : i32
        "tpu.region"() ({
          %run_scoped3A_343 = tpu.sem_alloc : memref<!tpu.dma_semaphore, #tpu.memory_space<semaphore_mem>>
          %dma_start3A_344 = arith.constant 0 : i32
          %dma_start3A_345 = tpu.memref_slice %arg9[%run_scoped3A_317, %dma_start3A_344] : memref<16x25xi32, #tpu.memory_space<vmem>> -> memref<1x25xi32, #tpu.memory_space<vmem>>
          %dma_start3A_346 = tpu.memref_squeeze %dma_start3A_345 : memref<1x25xi32, #tpu.memory_space<vmem>> -> memref<25xi32, #tpu.memory_space<vmem>>
          %dma_start3A_347 = arith.constant 0 : i32
          %dma_start3A_348 = arith.constant 0 : i32
          %dma_start3A_349 = tpu.memref_slice %arg15[%dma_start3A_347, %dma_start3A_348] : memref<10000x128xf32, #tpu.memory_space<vmem_shared>> -> memref<10000x128xf32, #tpu.memory_space<vmem_shared>>
          tpu.enqueue_indirect_dma source(%arg12 : memref<25x128xf32, #tpu.memory_space<vmem>>) target(%dma_start3A_349 : memref<10000x128xf32, #tpu.memory_space<vmem_shared>>) offsets(%dma_start3A_346 : memref<25xi32, #tpu.memory_space<vmem>>) semaphore(%run_scoped3A_343 : memref<!tpu.dma_semaphore, #tpu.memory_space<semaphore_mem>>) {add = true}
          %dma_wait3A_350 = arith.constant 0 : i32
          %dma_wait3A_351 = tpu.memref_slice %arg9[%run_scoped3A_317, %dma_wait3A_350] : memref<16x25xi32, #tpu.memory_space<vmem>> -> memref<1x25xi32, #tpu.memory_space<vmem>>
          %dma_wait3A_352 = tpu.memref_squeeze %dma_wait3A_351 : memref<1x25xi32, #tpu.memory_space<vmem>> -> memref<25xi32, #tpu.memory_space<vmem>>
          %dma_wait3A_353 = arith.constant 0 : i32
          %dma_wait3A_354 = arith.constant 0 : i32
          %dma_wait3A_355 = tpu.memref_slice %arg15[%dma_wait3A_353, %dma_wait3A_354] : memref<10000x128xf32, #tpu.memory_space<vmem_shared>> -> memref<10000x128xf32, #tpu.memory_space<vmem_shared>>
          tpu.wait_indirect_dma semaphore(%run_scoped3A_343 : memref<!tpu.dma_semaphore, #tpu.memory_space<semaphore_mem>>) src(%arg12 : memref<25x128xf32, #tpu.memory_space<vmem>>) dst(%dma_wait3A_355 : memref<10000x128xf32, #tpu.memory_space<vmem_shared>>)
          tpu.yield
        }) : () -> ()
        %lt3A_318 = arith.constant 24 : i32
        %lt3A_319 = arith.cmpi slt, %add3A_62, %lt3A_318 : i32
        %convert_element_type3A_320 = arith.extui %lt3A_319 : i1 to i32
        %cond3A_321 = arith.constant 0 : i32
        %cond3A_322 = arith.cmpi ne, %convert_element_type3A_320, %cond3A_321 : i32
        scf.if %cond3A_322 {
          %dma_start3A_343 = arith.constant 1 : i32
          %dma_start3A_344 = arith.constant 0 : i32
          %dma_start3A_345 = tpu.memref_slice %arg6[%dma_start3A_343, %dma_start3A_344] : memref<16x25xi32, #tpu.memory_space<vmem>> -> memref<1x25xi32, #tpu.memory_space<vmem>>
          %dma_start3A_346 = tpu.memref_squeeze %dma_start3A_345 : memref<1x25xi32, #tpu.memory_space<vmem>> -> memref<25xi32, #tpu.memory_space<vmem>>
          %dma_start3A_347 = arith.constant 0 : i32
          %dma_start3A_348 = arith.constant 0 : i32
          %dma_start3A_349 = tpu.memref_slice %arg2[%dma_start3A_347, %dma_start3A_348] : memref<10000x128xf32, #tpu.memory_space<hbm>> -> memref<10000x128xf32, #tpu.memory_space<hbm>>
          tpu.enqueue_indirect_dma source(%dma_start3A_349 : memref<10000x128xf32, #tpu.memory_space<hbm>>) target(%arg11 : memref<25x128xf32, #tpu.memory_space<vmem>>) offsets(%dma_start3A_346 : memref<25xi32, #tpu.memory_space<vmem>>) semaphore(%arg19 : memref<!tpu.dma_semaphore, #tpu.memory_space<semaphore_mem>>)
        } else {
        }
        %dma_wait3A_323 = arith.constant 15 : i32
        %dma_wait3A_324 = arith.constant 0 : i32
        %dma_wait3A_325 = tpu.memref_slice %arg8[%dma_wait3A_323, %dma_wait3A_324] : memref<16x25xi32, #tpu.memory_space<vmem>> -> memref<1x25xi32, #tpu.memory_space<vmem>>
        %dma_wait3A_326 = tpu.memref_squeeze %dma_wait3A_325 : memref<1x25xi32, #tpu.memory_space<vmem>> -> memref<25xi32, #tpu.memory_space<vmem>>
        %dma_wait3A_327 = arith.constant 0 : i32
        %dma_wait3A_328 = arith.constant 0 : i32
        %dma_wait3A_329 = tpu.memref_slice %arg2[%dma_wait3A_327, %dma_wait3A_328] : memref<10000x128xf32, #tpu.memory_space<hbm>> -> memref<10000x128xf32, #tpu.memory_space<hbm>>
        tpu.wait_indirect_dma semaphore(%arg21 : memref<!tpu.dma_semaphore, #tpu.memory_space<semaphore_mem>>) src(%dma_wait3A_329 : memref<10000x128xf32, #tpu.memory_space<hbm>>) dst(%arg13 : memref<25x128xf32, #tpu.memory_space<vmem>>)
        %run_scoped3A_330 = arith.constant 15 : i32
        "tpu.region"() ({
          %run_scoped3A_343 = tpu.sem_alloc : memref<!tpu.dma_semaphore, #tpu.memory_space<semaphore_mem>>
          %dma_start3A_344 = arith.constant 0 : i32
          %dma_start3A_345 = tpu.memref_slice %arg9[%run_scoped3A_330, %dma_start3A_344] : memref<16x25xi32, #tpu.memory_space<vmem>> -> memref<1x25xi32, #tpu.memory_space<vmem>>
          %dma_start3A_346 = tpu.memref_squeeze %dma_start3A_345 : memref<1x25xi32, #tpu.memory_space<vmem>> -> memref<25xi32, #tpu.memory_space<vmem>>
          %dma_start3A_347 = arith.constant 0 : i32
          %dma_start3A_348 = arith.constant 0 : i32
          %dma_start3A_349 = tpu.memref_slice %arg15[%dma_start3A_347, %dma_start3A_348] : memref<10000x128xf32, #tpu.memory_space<vmem_shared>> -> memref<10000x128xf32, #tpu.memory_space<vmem_shared>>
          tpu.enqueue_indirect_dma source(%arg13 : memref<25x128xf32, #tpu.memory_space<vmem>>) target(%dma_start3A_349 : memref<10000x128xf32, #tpu.memory_space<vmem_shared>>) offsets(%dma_start3A_346 : memref<25xi32, #tpu.memory_space<vmem>>) semaphore(%run_scoped3A_343 : memref<!tpu.dma_semaphore, #tpu.memory_space<semaphore_mem>>) {add = true}
          %dma_wait3A_350 = arith.constant 0 : i32
          %dma_wait3A_351 = tpu.memref_slice %arg9[%run_scoped3A_330, %dma_wait3A_350] : memref<16x25xi32, #tpu.memory_space<vmem>> -> memref<1x25xi32, #tpu.memory_space<vmem>>
          %dma_wait3A_352 = tpu.memref_squeeze %dma_wait3A_351 : memref<1x25xi32, #tpu.memory_space<vmem>> -> memref<25xi32, #tpu.memory_space<vmem>>
          %dma_wait3A_353 = arith.constant 0 : i32
          %dma_wait3A_354 = arith.constant 0 : i32
          %dma_wait3A_355 = tpu.memref_slice %arg15[%dma_wait3A_353, %dma_wait3A_354] : memref<10000x128xf32, #tpu.memory_space<vmem_shared>> -> memref<10000x128xf32, #tpu.memory_space<vmem_shared>>
          tpu.wait_indirect_dma semaphore(%run_scoped3A_343 : memref<!tpu.dma_semaphore, #tpu.memory_space<semaphore_mem>>) src(%arg13 : memref<25x128xf32, #tpu.memory_space<vmem>>) dst(%dma_wait3A_355 : memref<10000x128xf32, #tpu.memory_space<vmem_shared>>)
          tpu.yield
        }) : () -> ()
        %lt3A_331 = arith.constant 24 : i32
        %lt3A_332 = arith.cmpi slt, %add3A_62, %lt3A_331 : i32
        %convert_element_type3A_333 = arith.extui %lt3A_332 : i1 to i32
        %cond3A_334 = arith.constant 0 : i32
        %cond3A_335 = arith.cmpi ne, %convert_element_type3A_333, %cond3A_334 : i32
        scf.if %cond3A_335 {
          %dma_start3A_343 = arith.constant 2 : i32
          %dma_start3A_344 = arith.constant 0 : i32
          %dma_start3A_345 = tpu.memref_slice %arg6[%dma_start3A_343, %dma_start3A_344] : memref<16x25xi32, #tpu.memory_space<vmem>> -> memref<1x25xi32, #tpu.memory_space<vmem>>
          %dma_start3A_346 = tpu.memref_squeeze %dma_start3A_345 : memref<1x25xi32, #tpu.memory_space<vmem>> -> memref<25xi32, #tpu.memory_space<vmem>>
          %dma_start3A_347 = arith.constant 0 : i32
          %dma_start3A_348 = arith.constant 0 : i32
          %dma_start3A_349 = tpu.memref_slice %arg2[%dma_start3A_347, %dma_start3A_348] : memref<10000x128xf32, #tpu.memory_space<hbm>> -> memref<10000x128xf32, #tpu.memory_space<hbm>>
          tpu.enqueue_indirect_dma source(%dma_start3A_349 : memref<10000x128xf32, #tpu.memory_space<hbm>>) target(%arg12 : memref<25x128xf32, #tpu.memory_space<vmem>>) offsets(%dma_start3A_346 : memref<25xi32, #tpu.memory_space<vmem>>) semaphore(%arg20 : memref<!tpu.dma_semaphore, #tpu.memory_space<semaphore_mem>>)
        } else {
        }
        %add3A_336 = arith.constant 2 : i32
        %add3A_337 = arith.addi %add3A_62, %add3A_336 : i32
        %lt3A_338 = arith.constant 25 : i32
        %lt3A_339 = arith.cmpi slt, %add3A_337, %lt3A_338 : i32
        %convert_element_type3A_340 = arith.extui %lt3A_339 : i1 to i32
        %cond3A_341 = arith.constant 0 : i32
        %cond3A_342 = arith.cmpi ne, %convert_element_type3A_340, %cond3A_341 : i32
        scf.if %cond3A_342 {
          %add3A_343 = arith.constant 2 : i32
          %add3A_344 = arith.addi %add3A_62, %add3A_343 : i32
          %mul3A_345 = arith.constant 16 : i32
          %mul3A_346 = arith.muli %add3A_344, %mul3A_345 : i32
          %add3A_347 = arith.addi %mul3A_4, %mul3A_346 : i32
          %multiple_of3A_348 = tpu.assume_multiple %add3A_347, 8 : i32
          %dma_start3A_349 = arith.constant 0 : i32
          %dma_start3A_350 = tpu.memref_slice %arg3[%multiple_of3A_348, %dma_start3A_349] : memref<12800x25xi32, #tpu.memory_space<hbm>> -> memref<16x25xi32, #tpu.memory_space<hbm>>
          %dma_start3A_351 = arith.constant 0 : i32
          %dma_start3A_352 = tpu.memref_slice %arg3[%multiple_of3A_348, %dma_start3A_351] : memref<12800x25xi32, #tpu.memory_space<hbm>> -> memref<16x25xi32, #tpu.memory_space<hbm>>
          tpu.enqueue_dma source(%dma_start3A_352 : memref<16x25xi32, #tpu.memory_space<hbm>>) target(%arg8 : memref<16x25xi32, #tpu.memory_space<vmem>>) target_semaphore(%arg17 : memref<!tpu.dma_semaphore, #tpu.memory_space<semaphore_mem>>)
          %dma_start3A_353 = arith.constant 0 : i32
          %dma_start3A_354 = tpu.memref_slice %arg4[%multiple_of3A_348, %dma_start3A_353] : memref<12800x25xi32, #tpu.memory_space<hbm>> -> memref<16x25xi32, #tpu.memory_space<hbm>>
          %dma_start3A_355 = arith.constant 0 : i32
          %dma_start3A_356 = tpu.memref_slice %arg4[%multiple_of3A_348, %dma_start3A_355] : memref<12800x25xi32, #tpu.memory_space<hbm>> -> memref<16x25xi32, #tpu.memory_space<hbm>>
          tpu.enqueue_dma source(%dma_start3A_356 : memref<16x25xi32, #tpu.memory_space<hbm>>) target(%arg9 : memref<16x25xi32, #tpu.memory_space<vmem>>) target_semaphore(%arg17 : memref<!tpu.dma_semaphore, #tpu.memory_space<semaphore_mem>>)
        } else {
        }
      } else {
      }
    }
    %scan3A_51 = arith.constant 25 : i32
    %barrier3A_52 = arith.constant 0 : index
    tpu.barrier barrier_id(%barrier3A_52)
    "tpu.region"() ({
      %run_scoped3A = tpu.sem_alloc : memref<!tpu.dma_semaphore, #tpu.memory_space<semaphore_mem>>
      %dma_start3A_58 = arith.constant 0 : i32
      %dma_start3A_59 = tpu.memref_slice %arg5[%arg0, %mul3A_2, %dma_start3A_58] : memref<2x10000x128xf32, #tpu.memory_space<hbm>> -> memref<1x624x128xf32, #tpu.memory_space<hbm>>
      %dma_start3A_60 = tpu.memref_squeeze %dma_start3A_59 : memref<1x624x128xf32, #tpu.memory_space<hbm>> -> memref<624x128xf32, #tpu.memory_space<hbm>>
      %dma_start3A_61 = arith.constant 0 : i32
      %dma_start3A_62 = tpu.memref_slice %arg15[%mul3A_2, %dma_start3A_61] : memref<10000x128xf32, #tpu.memory_space<vmem_shared>> -> memref<624x128xf32, #tpu.memory_space<vmem_shared>>
      tpu.enqueue_dma source(%dma_start3A_62 : memref<624x128xf32, #tpu.memory_space<vmem_shared>>) target(%dma_start3A_60 : memref<624x128xf32, #tpu.memory_space<hbm>>) target_semaphore(%run_scoped3A : memref<!tpu.dma_semaphore, #tpu.memory_space<semaphore_mem>>)
      %dma_wait3A = arith.constant 0 : i32
      %dma_wait3A_63 = tpu.memref_slice %arg5[%arg0, %mul3A_2, %dma_wait3A] : memref<2x10000x128xf32, #tpu.memory_space<hbm>> -> memref<1x624x128xf32, #tpu.memory_space<hbm>>
      %dma_wait3A_64 = tpu.memref_squeeze %dma_wait3A_63 : memref<1x624x128xf32, #tpu.memory_space<hbm>> -> memref<624x128xf32, #tpu.memory_space<hbm>>
      %dma_wait3A_65 = arith.constant 0 : i32
      %dma_wait3A_66 = tpu.memref_slice %arg15[%mul3A_2, %dma_wait3A_65] : memref<10000x128xf32, #tpu.memory_space<vmem_shared>> -> memref<624x128xf32, #tpu.memory_space<vmem_shared>>
      tpu.wait_dma2 semaphore(%run_scoped3A : memref<!tpu.dma_semaphore, #tpu.memory_space<semaphore_mem>>) src(%dma_wait3A_66 : memref<624x128xf32, #tpu.memory_space<vmem_shared>>) dst(%dma_wait3A_64 : memref<624x128xf32, #tpu.memory_space<hbm>>)
      tpu.yield
    }) : () -> ()
    %eq3A_53 = arith.constant 15 : i32
    %eq3A_54 = arith.cmpi eq, %arg1, %eq3A_53 : i32
    %convert_element_type3A_55 = arith.extui %eq3A_54 : i1 to i32
    %cond3A_56 = arith.constant 0 : i32
    %cond3A_57 = arith.cmpi ne, %convert_element_type3A_55, %cond3A_56 : i32
    scf.if %cond3A_57 {
      "tpu.region"() ({
        %run_scoped3A = tpu.sem_alloc : memref<!tpu.dma_semaphore, #tpu.memory_space<semaphore_mem>>
        %dma_start3A_58 = arith.constant 9984 : i32
        %dma_start3A_59 = arith.constant 0 : i32
        %dma_start3A_60 = tpu.memref_slice %arg5[%arg0, %dma_start3A_58, %dma_start3A_59] : memref<2x10000x128xf32, #tpu.memory_space<hbm>> -> memref<1x16x128xf32, #tpu.memory_space<hbm>>
        %dma_start3A_61 = tpu.memref_squeeze %dma_start3A_60 : memref<1x16x128xf32, #tpu.memory_space<hbm>> -> memref<16x128xf32, #tpu.memory_space<hbm>>
        %dma_start3A_62 = arith.constant 9984 : i32
        %dma_start3A_63 = arith.constant 0 : i32
        %dma_start3A_64 = tpu.memref_slice %arg15[%dma_start3A_62, %dma_start3A_63] : memref<10000x128xf32, #tpu.memory_space<vmem_shared>> -> memref<16x128xf32, #tpu.memory_space<vmem_shared>>
        tpu.enqueue_dma source(%dma_start3A_64 : memref<16x128xf32, #tpu.memory_space<vmem_shared>>) target(%dma_start3A_61 : memref<16x128xf32, #tpu.memory_space<hbm>>) target_semaphore(%run_scoped3A : memref<!tpu.dma_semaphore, #tpu.memory_space<semaphore_mem>>)
        %dma_wait3A = arith.constant 9984 : i32
        %dma_wait3A_65 = arith.constant 0 : i32
        %dma_wait3A_66 = tpu.memref_slice %arg5[%arg0, %dma_wait3A, %dma_wait3A_65] : memref<2x10000x128xf32, #tpu.memory_space<hbm>> -> memref<1x16x128xf32, #tpu.memory_space<hbm>>
        %dma_wait3A_67 = tpu.memref_squeeze %dma_wait3A_66 : memref<1x16x128xf32, #tpu.memory_space<hbm>> -> memref<16x128xf32, #tpu.memory_space<hbm>>
        %dma_wait3A_68 = arith.constant 9984 : i32
        %dma_wait3A_69 = arith.constant 0 : i32
        %dma_wait3A_70 = tpu.memref_slice %arg15[%dma_wait3A_68, %dma_wait3A_69] : memref<10000x128xf32, #tpu.memory_space<vmem_shared>> -> memref<16x128xf32, #tpu.memory_space<vmem_shared>>
        tpu.wait_dma2 semaphore(%run_scoped3A : memref<!tpu.dma_semaphore, #tpu.memory_space<semaphore_mem>>) src(%dma_wait3A_70 : memref<16x128xf32, #tpu.memory_space<vmem_shared>>) dst(%dma_wait3A_67 : memref<16x128xf32, #tpu.memory_space<hbm>>)
        tpu.yield
      }) : () -> ()
    } else {
    }
    return
  }
}

#map = affine_map<(d0, d1) -> (0)>
#map1 = affine_map<(d0, d1) -> (0, 0)>
module attributes {stable_mosaic.version = 14 : i64} {
  func.func @_deg_body(%arg0: i32, %arg1: i32, %arg2: memref<320000xi32, #tpu.memory_space<hbm>>, %arg3: memref<32x10000xf32, #tpu.memory_space<hbm>>, %arg4: memref<400xi32, #tpu.memory_space<vmem>>, %arg5: memref<10000xf32, #tpu.memory_space<vmem>>) attributes {dimension_semantics = [#tpu.dimension_semantics<core_parallel>, #tpu.dimension_semantics<subcore_parallel>], iteration_bounds = array<i64: 2, 16>, scalar_prefetch = 0 : i64, scratch_operands = 2 : i64, tpu.core_type = #tpu.core_type<sc_vector_subcore>, window_params = [{transform_indices = #map}, {transform_indices = #map1}]} {
    %mul3A = arith.constant 16 : i32
    %mul3A_0 = arith.muli %arg0, %mul3A : i32
    %add3A = arith.addi %mul3A_0, %arg1 : i32
    %scan3A = arith.constant 0 : i32
    %scan3A_1 = arith.constant 625 : i32
    %scan3A_2 = arith.addi %scan3A, %scan3A_1 : i32
    %scan3A_3 = arith.constant 1 : i32
    scf.for %scan3A_10 = %scan3A to %scan3A_2 step %scan3A_3  : i32 {
      %mul3A_11 = arith.constant 1 : i32
      %mul3A_12 = arith.muli %scan3A_10, %mul3A_11 : i32
      %add3A_13 = arith.constant 0 : i32
      %add3A_14 = arith.addi %add3A_13, %mul3A_12 : i32
      %broadcast_in_dim3A = arith.constant 0.000000e+00 : f32
      %broadcast_in_dim3A_15 = vector.broadcast %broadcast_in_dim3A : f32 to vector<16xf32>
      %mul3A_16 = arith.constant 16 : i32
      %mul3A_17 = arith.muli %add3A_14, %mul3A_16 : i32
      %swap3A = arith.index_cast %mul3A_17 : i32 to index
      %swap3A_18 = tpu.vector_load %arg5[%swap3A] {strides = array<i32>} : memref<10000xf32, #tpu.memory_space<vmem>>, vector<16xf32>,
      tpu.vector_store %arg5[%swap3A], %broadcast_in_dim3A_15 {strides = array<i32>} : memref<10000xf32, #tpu.memory_space<vmem>>, vector<16xf32>,
    }
    %scan3A_4 = arith.constant 625 : i32
    %scan3A_5 = arith.constant 0 : i32
    %scan3A_6 = arith.constant 25 : i32
    %scan3A_7 = arith.addi %scan3A_5, %scan3A_6 : i32
    %scan3A_8 = arith.constant 1 : i32
    scf.for %scan3A_10 = %scan3A_5 to %scan3A_7 step %scan3A_8  : i32 {
      %mul3A_11 = arith.constant 1 : i32
      %mul3A_12 = arith.muli %scan3A_10, %mul3A_11 : i32
      %add3A_13 = arith.constant 0 : i32
      %add3A_14 = arith.addi %add3A_13, %mul3A_12 : i32
      %mul3A_15 = arith.constant 10000 : i32
      %mul3A_16 = arith.muli %add3A, %mul3A_15 : i32
      %mul3A_17 = arith.constant 16 : i32
      %mul3A_18 = arith.muli %add3A_14, %mul3A_17 : i32
      %mul3A_19 = arith.constant 25 : i32
      %mul3A_20 = arith.muli %mul3A_18, %mul3A_19 : i32
      %add3A_21 = arith.addi %mul3A_16, %mul3A_20 : i32
      %multiple_of3A = tpu.assume_multiple %add3A_21, 8 : i32
      "tpu.region"() ({
        %run_scoped3A = tpu.sem_alloc : memref<!tpu.dma_semaphore, #tpu.memory_space<semaphore_mem>>
        %dma_start3A = tpu.memref_slice %arg2[%multiple_of3A] : memref<320000xi32, #tpu.memory_space<hbm>> -> memref<400xi32, #tpu.memory_space<hbm>>
        %dma_start3A_27 = tpu.memref_slice %arg2[%multiple_of3A] : memref<320000xi32, #tpu.memory_space<hbm>> -> memref<400xi32, #tpu.memory_space<hbm>>
        tpu.enqueue_dma source(%dma_start3A_27 : memref<400xi32, #tpu.memory_space<hbm>>) target(%arg4 : memref<400xi32, #tpu.memory_space<vmem>>) target_semaphore(%run_scoped3A : memref<!tpu.dma_semaphore, #tpu.memory_space<semaphore_mem>>)
        %dma_wait3A = tpu.memref_slice %arg2[%multiple_of3A] : memref<320000xi32, #tpu.memory_space<hbm>> -> memref<400xi32, #tpu.memory_space<hbm>>
        %dma_wait3A_28 = tpu.memref_slice %arg2[%multiple_of3A] : memref<320000xi32, #tpu.memory_space<hbm>> -> memref<400xi32, #tpu.memory_space<hbm>>
        tpu.wait_dma2 semaphore(%run_scoped3A : memref<!tpu.dma_semaphore, #tpu.memory_space<semaphore_mem>>) src(%dma_wait3A_28 : memref<400xi32, #tpu.memory_space<hbm>>) dst(%arg4 : memref<400xi32, #tpu.memory_space<vmem>>)
        tpu.yield
      }) : () -> ()
      %scan3A_22 = arith.constant 0 : i32
      %scan3A_23 = arith.constant 25 : i32
      %scan3A_24 = arith.addi %scan3A_22, %scan3A_23 : i32
      %scan3A_25 = arith.constant 1 : i32
      scf.for %scan3A_27 = %scan3A_22 to %scan3A_24 step %scan3A_25  : i32 {
        %mul3A_28 = arith.constant 1 : i32
        %mul3A_29 = arith.muli %scan3A_27, %mul3A_28 : i32
        %add3A_30 = arith.constant 0 : i32
        %add3A_31 = arith.addi %add3A_30, %mul3A_29 : i32
        %mul3A_32 = arith.constant 16 : i32
        %mul3A_33 = arith.muli %add3A_31, %mul3A_32 : i32
        %get3A = arith.index_cast %mul3A_33 : i32 to index
        %get3A_34 = tpu.vector_load %arg4[%get3A] {strides = array<i32>} : memref<400xi32, #tpu.memory_space<vmem>>, vector<16xi32>,
        %broadcast_in_dim3A = arith.constant 1.000000e+00 : f32
        %broadcast_in_dim3A_35 = vector.broadcast %broadcast_in_dim3A : f32 to vector<16xf32>
        tpu.vector_store_idx %arg5[%get3A_34], %broadcast_in_dim3A_35 {add = true} : memref<10000xf32, #tpu.memory_space<vmem>>[vector<16xi32>], vector<16xf32>,
      }
      %scan3A_26 = arith.constant 25 : i32
    }
    %scan3A_9 = arith.constant 25 : i32
    "tpu.region"() ({
      %run_scoped3A = tpu.sem_alloc : memref<!tpu.dma_semaphore, #tpu.memory_space<semaphore_mem>>
      %dma_start3A = arith.constant 0 : i32
      %dma_start3A_10 = tpu.memref_slice %arg3[%add3A, %dma_start3A] : memref<32x10000xf32, #tpu.memory_space<hbm>> -> memref<1x10000xf32, #tpu.memory_space<hbm>>
      %dma_start3A_11 = tpu.memref_squeeze %dma_start3A_10 : memref<1x10000xf32, #tpu.memory_space<hbm>> -> memref<10000xf32, #tpu.memory_space<hbm>>
      %dma_start3A_12 = arith.constant 0 : i32
      %dma_start3A_13 = tpu.memref_slice %arg3[%add3A, %dma_start3A_12] : memref<32x10000xf32, #tpu.memory_space<hbm>> -> memref<1x10000xf32, #tpu.memory_space<hbm>>
      %dma_start3A_14 = tpu.memref_squeeze %dma_start3A_13 : memref<1x10000xf32, #tpu.memory_space<hbm>> -> memref<10000xf32, #tpu.memory_space<hbm>>
      tpu.enqueue_dma source(%arg5 : memref<10000xf32, #tpu.memory_space<vmem>>) target(%dma_start3A_14 : memref<10000xf32, #tpu.memory_space<hbm>>) target_semaphore(%run_scoped3A : memref<!tpu.dma_semaphore, #tpu.memory_space<semaphore_mem>>)
      %dma_wait3A = arith.constant 0 : i32
      %dma_wait3A_15 = tpu.memref_slice %arg3[%add3A, %dma_wait3A] : memref<32x10000xf32, #tpu.memory_space<hbm>> -> memref<1x10000xf32, #tpu.memory_space<hbm>>
      %dma_wait3A_16 = tpu.memref_squeeze %dma_wait3A_15 : memref<1x10000xf32, #tpu.memory_space<hbm>> -> memref<10000xf32, #tpu.memory_space<hbm>>
      %dma_wait3A_17 = arith.constant 0 : i32
      %dma_wait3A_18 = tpu.memref_slice %arg3[%add3A, %dma_wait3A_17] : memref<32x10000xf32, #tpu.memory_space<hbm>> -> memref<1x10000xf32, #tpu.memory_space<hbm>>
      %dma_wait3A_19 = tpu.memref_squeeze %dma_wait3A_18 : memref<1x10000xf32, #tpu.memory_space<hbm>> -> memref<10000xf32, #tpu.memory_space<hbm>>
      tpu.wait_dma2 semaphore(%run_scoped3A : memref<!tpu.dma_semaphore, #tpu.memory_space<semaphore_mem>>) src(%arg5 : memref<10000xf32, #tpu.memory_space<vmem>>) dst(%dma_wait3A_19 : memref<10000xf32, #tpu.memory_space<hbm>>)
      tpu.yield
    }) : () -> ()
    return
  }
}

#map = affine_map<(d0, d1) -> (0, 0)>
#map1 = affine_map<(d0, d1) -> (0, 0, 0)>
module attributes {stable_mosaic.version = 14 : i64} {
  func.func @_sc_body(%arg0: i32, %arg1: i32, %arg2: memref<10000x128xf32, #tpu.memory_space<hbm>>, %arg3: memref<12800x25xi32, #tpu.memory_space<hbm>>, %arg4: memref<12800x25xi32, #tpu.memory_space<hbm>>, %arg5: memref<2x10000x128xf32, #tpu.memory_space<hbm>>, %arg6: memref<16x25xi32, #tpu.memory_space<vmem>>, %arg7: memref<16x25xi32, #tpu.memory_space<vmem>>, %arg8: memref<16x25xi32, #tpu.memory_space<vmem>>, %arg9: memref<16x25xi32, #tpu.memory_space<vmem>>, %arg10: memref<25x128xf32, #tpu.memory_space<vmem>>, %arg11: memref<25x128xf32, #tpu.memory_space<vmem>>, %arg12: memref<25x128xf32, #tpu.memory_space<vmem>>, %arg13: memref<25x128xf32, #tpu.memory_space<vmem>>, %arg14: memref<8x128xf32, #tpu.memory_space<vmem>>, %arg15: memref<10000x128xf32, #tpu.memory_space<vmem_shared>>, %arg16: memref<!tpu.dma_semaphore, #tpu.memory_space<semaphore_mem>>, %arg17: memref<!tpu.dma_semaphore, #tpu.memory_space<semaphore_mem>>, %arg18: memref<!tpu.dma_semaphore, #tpu.memory_space<semaphore_mem>>, %arg19: memref<!tpu.dma_semaphore, #tpu.memory_space<semaphore_mem>>, %arg20: memref<!tpu.dma_semaphore, #tpu.memory_space<semaphore_mem>>, %arg21: memref<!tpu.dma_semaphore, #tpu.memory_space<semaphore_mem>>) attributes {dimension_semantics = [#tpu.dimension_semantics<core_parallel>, #tpu.dimension_semantics<subcore_parallel>], iteration_bounds = array<i64: 2, 16>, scalar_prefetch = 0 : i64, scratch_operands = 16 : i64, tpu.core_type = #tpu.core_type<sc_vector_subcore>, window_params = [{transform_indices = #map}, {transform_indices = #map}, {transform_indices = #map}, {transform_indices = #map1}]} {
    %mul3A = arith.constant 16 : i32
    %mul3A_0 = arith.muli %arg0, %mul3A : i32
    %add3A = arith.addi %mul3A_0, %arg1 : i32
    %mul3A_1 = arith.constant 624 : i32
    %mul3A_2 = arith.muli %arg1, %mul3A_1 : i32
    %mul3A_3 = arith.constant 400 : i32
    %mul3A_4 = arith.muli %add3A, %mul3A_3 : i32
    %scan3A = arith.constant 0 : i32
    %scan3A_5 = arith.constant 8 : i32
    %scan3A_6 = arith.addi %scan3A, %scan3A_5 : i32
    %scan3A_7 = arith.constant 1 : i32
    scf.for %scan3A_58 = %scan3A to %scan3A_6 step %scan3A_7  : i32 {
      %mul3A_59 = arith.constant 1 : i32
      %mul3A_60 = arith.muli %scan3A_58, %mul3A_59 : i32
      %add3A_61 = arith.constant 0 : i32
      %add3A_62 = arith.addi %add3A_61, %mul3A_60 : i32
      %scan3A_63 = arith.constant 0 : i32
      %scan3A_64 = arith.constant 8 : i32
      %scan3A_65 = arith.addi %scan3A_63, %scan3A_64 : i32
      %scan3A_66 = arith.constant 1 : i32
      scf.for %scan3A_68 = %scan3A_63 to %scan3A_65 step %scan3A_66  : i32 {
        %mul3A_69 = arith.constant 1 : i32
        %mul3A_70 = arith.muli %scan3A_68, %mul3A_69 : i32
        %add3A_71 = arith.constant 0 : i32
        %add3A_72 = arith.addi %add3A_71, %mul3A_70 : i32
        %broadcast_in_dim3A = arith.constant 0.000000e+00 : f32
        %broadcast_in_dim3A_73 = vector.broadcast %broadcast_in_dim3A : f32 to vector<16xf32>
        %mul3A_74 = arith.constant 16 : i32
        %mul3A_75 = arith.muli %add3A_72, %mul3A_74 : i32
        %swap3A = arith.index_cast %add3A_62 : i32 to index
        %swap3A_76 = arith.index_cast %mul3A_75 : i32 to index
        %swap3A_77 = tpu.vector_load %arg14[%swap3A, %swap3A_76] {strides = array<i32>} : memref<8x128xf32, #tpu.memory_space<vmem>>, vector<1x16xf32>,
        %swap3A_78 = vector.shape_cast %swap3A_77 : vector<1x16xf32> to vector<16xf32>
        %swap3A_79 = vector.shape_cast %broadcast_in_dim3A_73 : vector<16xf32> to vector<1x16xf32>
        tpu.vector_store %arg14[%swap3A, %swap3A_76], %swap3A_79 {strides = array<i32>} : memref<8x128xf32, #tpu.memory_space<vmem>>, vector<1x16xf32>,
      }
      %scan3A_67 = arith.constant 8 : i32
    }
    %scan3A_8 = arith.constant 8 : i32
    %scan3A_9 = arith.constant 0 : i32
    %scan3A_10 = arith.constant 78 : i32
    %scan3A_11 = arith.addi %scan3A_9, %scan3A_10 : i32
    %scan3A_12 = arith.constant 1 : i32
    scf.for %scan3A_58 = %scan3A_9 to %scan3A_11 step %scan3A_12  : i32 {
      %mul3A_59 = arith.constant 1 : i32
      %mul3A_60 = arith.muli %scan3A_58, %mul3A_59 : i32
      %add3A_61 = arith.constant 0 : i32
      %add3A_62 = arith.addi %add3A_61, %mul3A_60 : i32
      %mul3A_63 = arith.constant 8 : i32
      %mul3A_64 = arith.muli %add3A_62, %mul3A_63 : i32
      %add3A_65 = arith.addi %mul3A_2, %mul3A_64 : i32
      "tpu.region"() ({
        %run_scoped3A = tpu.sem_alloc : memref<!tpu.dma_semaphore, #tpu.memory_space<semaphore_mem>>
        %dma_start3A_66 = arith.constant 0 : i32
        %dma_start3A_67 = tpu.memref_slice %arg15[%add3A_65, %dma_start3A_66] : memref<10000x128xf32, #tpu.memory_space<vmem_shared>> -> memref<8x128xf32, #tpu.memory_space<vmem_shared>>
        %dma_start3A_68 = arith.constant 0 : i32
        %dma_start3A_69 = tpu.memref_slice %arg15[%add3A_65, %dma_start3A_68] : memref<10000x128xf32, #tpu.memory_space<vmem_shared>> -> memref<8x128xf32, #tpu.memory_space<vmem_shared>>
        tpu.enqueue_dma source(%arg14 : memref<8x128xf32, #tpu.memory_space<vmem>>) target(%dma_start3A_69 : memref<8x128xf32, #tpu.memory_space<vmem_shared>>) target_semaphore(%run_scoped3A : memref<!tpu.dma_semaphore, #tpu.memory_space<semaphore_mem>>)
        %dma_wait3A = arith.constant 0 : i32
        %dma_wait3A_70 = tpu.memref_slice %arg15[%add3A_65, %dma_wait3A] : memref<10000x128xf32, #tpu.memory_space<vmem_shared>> -> memref<8x128xf32, #tpu.memory_space<vmem_shared>>
        %dma_wait3A_71 = arith.constant 0 : i32
        %dma_wait3A_72 = tpu.memref_slice %arg15[%add3A_65, %dma_wait3A_71] : memref<10000x128xf32, #tpu.memory_space<vmem_shared>> -> memref<8x128xf32, #tpu.memory_space<vmem_shared>>
        tpu.wait_dma2 semaphore(%run_scoped3A : memref<!tpu.dma_semaphore, #tpu.memory_space<semaphore_mem>>) src(%arg14 : memref<8x128xf32, #tpu.memory_space<vmem>>) dst(%dma_wait3A_72 : memref<8x128xf32, #tpu.memory_space<vmem_shared>>)
        tpu.yield
      }) : () -> ()
    }
    %scan3A_13 = arith.constant 78 : i32
    %eq3A = arith.constant 15 : i32
    %eq3A_14 = arith.cmpi eq, %arg1, %eq3A : i32
    %convert_element_type3A = arith.extui %eq3A_14 : i1 to i32
    %cond3A = arith.constant 0 : i32
    %cond3A_15 = arith.cmpi ne, %convert_element_type3A, %cond3A : i32
    scf.if %cond3A_15 {
      %scan3A_58 = arith.constant 0 : i32
      %scan3A_59 = arith.constant 2 : i32
      %scan3A_60 = arith.addi %scan3A_58, %scan3A_59 : i32
      %scan3A_61 = arith.constant 1 : i32
      scf.for %scan3A_63 = %scan3A_58 to %scan3A_60 step %scan3A_61  : i32 {
        %mul3A_64 = arith.constant 1 : i32
        %mul3A_65 = arith.muli %scan3A_63, %mul3A_64 : i32
        %add3A_66 = arith.constant 78 : i32
        %add3A_67 = arith.addi %add3A_66, %mul3A_65 : i32
        %mul3A_68 = arith.constant 8 : i32
        %mul3A_69 = arith.muli %add3A_67, %mul3A_68 : i32
        %add3A_70 = arith.addi %mul3A_2, %mul3A_69 : i32
        "tpu.region"() ({
          %run_scoped3A = tpu.sem_alloc : memref<!tpu.dma_semaphore, #tpu.memory_space<semaphore_mem>>
          %dma_start3A_71 = arith.constant 0 : i32
          %dma_start3A_72 = tpu.memref_slice %arg15[%add3A_70, %dma_start3A_71] : memref<10000x128xf32, #tpu.memory_space<vmem_shared>> -> memref<8x128xf32, #tpu.memory_space<vmem_shared>>
          %dma_start3A_73 = arith.constant 0 : i32
          %dma_start3A_74 = tpu.memref_slice %arg15[%add3A_70, %dma_start3A_73] : memref<10000x128xf32, #tpu.memory_space<vmem_shared>> -> memref<8x128xf32, #tpu.memory_space<vmem_shared>>
          tpu.enqueue_dma source(%arg14 : memref<8x128xf32, #tpu.memory_space<vmem>>) target(%dma_start3A_74 : memref<8x128xf32, #tpu.memory_space<vmem_shared>>) target_semaphore(%run_scoped3A : memref<!tpu.dma_semaphore, #tpu.memory_space<semaphore_mem>>)
          %dma_wait3A = arith.constant 0 : i32
          %dma_wait3A_75 = tpu.memref_slice %arg15[%add3A_70, %dma_wait3A] : memref<10000x128xf32, #tpu.memory_space<vmem_shared>> -> memref<8x128xf32, #tpu.memory_space<vmem_shared>>
          %dma_wait3A_76 = arith.constant 0 : i32
          %dma_wait3A_77 = tpu.memref_slice %arg15[%add3A_70, %dma_wait3A_76] : memref<10000x128xf32, #tpu.memory_space<vmem_shared>> -> memref<8x128xf32, #tpu.memory_space<vmem_shared>>
          tpu.wait_dma2 semaphore(%run_scoped3A : memref<!tpu.dma_semaphore, #tpu.memory_space<semaphore_mem>>) src(%arg14 : memref<8x128xf32, #tpu.memory_space<vmem>>) dst(%dma_wait3A_77 : memref<8x128xf32, #tpu.memory_space<vmem_shared>>)
          tpu.yield
        }) : () -> ()
      }
      %scan3A_62 = arith.constant 2 : i32
    } else {
    }
    %barrier3A = arith.constant 0 : index
    tpu.barrier barrier_id(%barrier3A)
    %multiple_of3A = tpu.assume_multiple %mul3A_4, 8 : i32
    "tpu.region"() ({
      %run_scoped3A = tpu.sem_alloc : memref<!tpu.dma_semaphore, #tpu.memory_space<semaphore_mem>>
      %dma_start3A_58 = arith.constant 0 : i32
      %dma_start3A_59 = tpu.memref_slice %arg3[%multiple_of3A, %dma_start3A_58] : memref<12800x25xi32, #tpu.memory_space<hbm>> -> memref<16x25xi32, #tpu.memory_space<hbm>>
      %dma_start3A_60 = arith.constant 0 : i32
      %dma_start3A_61 = tpu.memref_slice %arg3[%multiple_of3A, %dma_start3A_60] : memref<12800x25xi32, #tpu.memory_space<hbm>> -> memref<16x25xi32, #tpu.memory_space<hbm>>
      tpu.enqueue_dma source(%dma_start3A_61 : memref<16x25xi32, #tpu.memory_space<hbm>>) target(%arg6 : memref<16x25xi32, #tpu.memory_space<vmem>>) target_semaphore(%run_scoped3A : memref<!tpu.dma_semaphore, #tpu.memory_space<semaphore_mem>>)
      %dma_wait3A = arith.constant 0 : i32
      %dma_wait3A_62 = tpu.memref_slice %arg3[%multiple_of3A, %dma_wait3A] : memref<12800x25xi32, #tpu.memory_space<hbm>> -> memref<16x25xi32, #tpu.memory_space<hbm>>
      %dma_wait3A_63 = arith.constant 0 : i32
      %dma_wait3A_64 = tpu.memref_slice %arg3[%multiple_of3A, %dma_wait3A_63] : memref<12800x25xi32, #tpu.memory_space<hbm>> -> memref<16x25xi32, #tpu.memory_space<hbm>>
      tpu.wait_dma2 semaphore(%run_scoped3A : memref<!tpu.dma_semaphore, #tpu.memory_space<semaphore_mem>>) src(%dma_wait3A_64 : memref<16x25xi32, #tpu.memory_space<hbm>>) dst(%arg6 : memref<16x25xi32, #tpu.memory_space<vmem>>)
      tpu.yield
    }) : () -> ()
    "tpu.region"() ({
      %run_scoped3A = tpu.sem_alloc : memref<!tpu.dma_semaphore, #tpu.memory_space<semaphore_mem>>
      %dma_start3A_58 = arith.constant 0 : i32
      %dma_start3A_59 = tpu.memref_slice %arg4[%multiple_of3A, %dma_start3A_58] : memref<12800x25xi32, #tpu.memory_space<hbm>> -> memref<16x25xi32, #tpu.memory_space<hbm>>
      %dma_start3A_60 = arith.constant 0 : i32
      %dma_start3A_61 = tpu.memref_slice %arg4[%multiple_of3A, %dma_start3A_60] : memref<12800x25xi32, #tpu.memory_space<hbm>> -> memref<16x25xi32, #tpu.memory_space<hbm>>
      tpu.enqueue_dma source(%dma_start3A_61 : memref<16x25xi32, #tpu.memory_space<hbm>>) target(%arg7 : memref<16x25xi32, #tpu.memory_space<vmem>>) target_semaphore(%run_scoped3A : memref<!tpu.dma_semaphore, #tpu.memory_space<semaphore_mem>>)
      %dma_wait3A = arith.constant 0 : i32
      %dma_wait3A_62 = tpu.memref_slice %arg4[%multiple_of3A, %dma_wait3A] : memref<12800x25xi32, #tpu.memory_space<hbm>> -> memref<16x25xi32, #tpu.memory_space<hbm>>
      %dma_wait3A_63 = arith.constant 0 : i32
      %dma_wait3A_64 = tpu.memref_slice %arg4[%multiple_of3A, %dma_wait3A_63] : memref<12800x25xi32, #tpu.memory_space<hbm>> -> memref<16x25xi32, #tpu.memory_space<hbm>>
      tpu.wait_dma2 semaphore(%run_scoped3A : memref<!tpu.dma_semaphore, #tpu.memory_space<semaphore_mem>>) src(%dma_wait3A_64 : memref<16x25xi32, #tpu.memory_space<hbm>>) dst(%arg7 : memref<16x25xi32, #tpu.memory_space<vmem>>)
      tpu.yield
    }) : () -> ()
    %add3A_16 = arith.constant 16 : i32
    %add3A_17 = arith.addi %mul3A_4, %add3A_16 : i32
    %multiple_of3A_18 = tpu.assume_multiple %add3A_17, 8 : i32
    %dma_start3A = arith.constant 0 : i32
    %dma_start3A_19 = tpu.memref_slice %arg3[%multiple_of3A_18, %dma_start3A] : memref<12800x25xi32, #tpu.memory_space<hbm>> -> memref<16x25xi32, #tpu.memory_space<hbm>>
    %dma_start3A_20 = arith.constant 0 : i32
    %dma_start3A_21 = tpu.memref_slice %arg3[%multiple_of3A_18, %dma_start3A_20] : memref<12800x25xi32, #tpu.memory_space<hbm>> -> memref<16x25xi32, #tpu.memory_space<hbm>>
    tpu.enqueue_dma source(%dma_start3A_21 : memref<16x25xi32, #tpu.memory_space<hbm>>) target(%arg8 : memref<16x25xi32, #tpu.memory_space<vmem>>) target_semaphore(%arg17 : memref<!tpu.dma_semaphore, #tpu.memory_space<semaphore_mem>>)
    %dma_start3A_22 = arith.constant 0 : i32
    %dma_start3A_23 = tpu.memref_slice %arg4[%multiple_of3A_18, %dma_start3A_22] : memref<12800x25xi32, #tpu.memory_space<hbm>> -> memref<16x25xi32, #tpu.memory_space<hbm>>
    %dma_start3A_24 = arith.constant 0 : i32
    %dma_start3A_25 = tpu.memref_slice %arg4[%multiple_of3A_18, %dma_start3A_24] : memref<12800x25xi32, #tpu.memory_space<hbm>> -> memref<16x25xi32, #tpu.memory_space<hbm>>
    tpu.enqueue_dma source(%dma_start3A_25 : memref<16x25xi32, #tpu.memory_space<hbm>>) target(%arg9 : memref<16x25xi32, #tpu.memory_space<vmem>>) target_semaphore(%arg17 : memref<!tpu.dma_semaphore, #tpu.memory_space<semaphore_mem>>)
    %dma_start3A_26 = arith.constant 0 : i32
    %dma_start3A_27 = arith.constant 0 : i32
    %dma_start3A_28 = tpu.memref_slice %arg6[%dma_start3A_26, %dma_start3A_27] : memref<16x25xi32, #tpu.memory_space<vmem>> -> memref<1x25xi32, #tpu.memory_space<vmem>>
    %dma_start3A_29 = tpu.memref_squeeze %dma_start3A_28 : memref<1x25xi32, #tpu.memory_space<vmem>> -> memref<25xi32, #tpu.memory_space<vmem>>
    %dma_start3A_30 = arith.constant 0 : i32
    %dma_start3A_31 = arith.constant 0 : i32
    %dma_start3A_32 = tpu.memref_slice %arg2[%dma_start3A_30, %dma_start3A_31] : memref<10000x128xf32, #tpu.memory_space<hbm>> -> memref<10000x128xf32, #tpu.memory_space<hbm>>
    tpu.enqueue_indirect_dma source(%dma_start3A_32 : memref<10000x128xf32, #tpu.memory_space<hbm>>) target(%arg10 : memref<25x128xf32, #tpu.memory_space<vmem>>) offsets(%dma_start3A_29 : memref<25xi32, #tpu.memory_space<vmem>>) semaphore(%arg18 : memref<!tpu.dma_semaphore, #tpu.memory_space<semaphore_mem>>)
    %dma_start3A_33 = arith.constant 1 : i32
    %dma_start3A_34 = arith.constant 0 : i32
    %dma_start3A_35 = tpu.memref_slice %arg6[%dma_start3A_33, %dma_start3A_34] : memref<16x25xi32, #tpu.memory_space<vmem>> -> memref<1x25xi32, #tpu.memory_space<vmem>>
    %dma_start3A_36 = tpu.memref_squeeze %dma_start3A_35 : memref<1x25xi32, #tpu.memory_space<vmem>> -> memref<25xi32, #tpu.memory_space<vmem>>
    %dma_start3A_37 = arith.constant 0 : i32
    %dma_start3A_38 = arith.constant 0 : i32
    %dma_start3A_39 = tpu.memref_slice %arg2[%dma_start3A_37, %dma_start3A_38] : memref<10000x128xf32, #tpu.memory_space<hbm>> -> memref<10000x128xf32, #tpu.memory_space<hbm>>
    tpu.enqueue_indirect_dma source(%dma_start3A_39 : memref<10000x128xf32, #tpu.memory_space<hbm>>) target(%arg11 : memref<25x128xf32, #tpu.memory_space<vmem>>) offsets(%dma_start3A_36 : memref<25xi32, #tpu.memory_space<vmem>>) semaphore(%arg19 : memref<!tpu.dma_semaphore, #tpu.memory_space<semaphore_mem>>)
    %dma_start3A_40 = arith.constant 2 : i32
    %dma_start3A_41 = arith.constant 0 : i32
    %dma_start3A_42 = tpu.memref_slice %arg6[%dma_start3A_40, %dma_start3A_41] : memref<16x25xi32, #tpu.memory_space<vmem>> -> memref<1x25xi32, #tpu.memory_space<vmem>>
    %dma_start3A_43 = tpu.memref_squeeze %dma_start3A_42 : memref<1x25xi32, #tpu.memory_space<vmem>> -> memref<25xi32, #tpu.memory_space<vmem>>
    %dma_start3A_44 = arith.constant 0 : i32
    %dma_start3A_45 = arith.constant 0 : i32
    %dma_start3A_46 = tpu.memref_slice %arg2[%dma_start3A_44, %dma_start3A_45] : memref<10000x128xf32, #tpu.memory_space<hbm>> -> memref<10000x128xf32, #tpu.memory_space<hbm>>
    tpu.enqueue_indirect_dma source(%dma_start3A_46 : memref<10000x128xf32, #tpu.memory_space<hbm>>) target(%arg12 : memref<25x128xf32, #tpu.memory_space<vmem>>) offsets(%dma_start3A_43 : memref<25xi32, #tpu.memory_space<vmem>>) semaphore(%arg20 : memref<!tpu.dma_semaphore, #tpu.memory_space<semaphore_mem>>)
    %scan3A_47 = arith.constant 0 : i32
    %scan3A_48 = arith.constant 25 : i32
    %scan3A_49 = arith.addi %scan3A_47, %scan3A_48 : i32
    %scan3A_50 = arith.constant 1 : i32
    scf.for %scan3A_58 = %scan3A_47 to %scan3A_49 step %scan3A_50  : i32 {
      %mul3A_59 = arith.constant 1 : i32
      %mul3A_60 = arith.muli %scan3A_58, %mul3A_59 : i32
      %add3A_61 = arith.constant 0 : i32
      %add3A_62 = arith.addi %add3A_61, %mul3A_60 : i32
      %jit3A = arith.constant 2 : i32
      %eq3A_63 = arith.constant 0 : i32
      %eq3A_64 = arith.cmpi eq, %jit3A, %eq3A_63 : i32
      %jit3A_65 = arith.constant 1 : i32
      %select_n3A = arith.select %eq3A_64, %jit3A_65, %jit3A : i32
      %rem3A = arith.remsi %add3A_62, %select_n3A : i32
      %ne3A = arith.constant 0 : i32
      %ne3A_66 = arith.cmpi ne, %rem3A, %ne3A : i32
      %lt3A = arith.constant 0 : i32
      %lt3A_67 = arith.cmpi slt, %rem3A, %lt3A : i32
      %lt3A_68 = arith.constant 0 : i32
      %lt3A_69 = arith.cmpi slt, %select_n3A, %lt3A_68 : i32
      %ne3A_70 = arith.xori %lt3A_67, %lt3A_69 : i1
      %and3A = arith.andi %ne3A_70, %ne3A_66 : i1
      %add3A_71 = arith.addi %rem3A, %select_n3A : i32
      %select_n3A_72 = arith.select %and3A, %add3A_71, %rem3A : i32
      %eq3A_73 = arith.constant 0 : i32
      %eq3A_74 = arith.cmpi eq, %select_n3A_72, %eq3A_73 : i32
      %convert_element_type3A_75 = arith.extui %eq3A_74 : i1 to i32
      %cond3A_76 = arith.constant 0 : i32
      %cond3A_77 = arith.cmpi ne, %convert_element_type3A_75, %cond3A_76 : i32
      scf.if %cond3A_77 {
        %dma_wait3A = arith.constant 0 : i32
        %dma_wait3A_99 = arith.constant 0 : i32
        %dma_wait3A_100 = tpu.memref_slice %arg6[%dma_wait3A, %dma_wait3A_99] : memref<16x25xi32, #tpu.memory_space<vmem>> -> memref<1x25xi32, #tpu.memory_space<vmem>>
        %dma_wait3A_101 = tpu.memref_squeeze %dma_wait3A_100 : memref<1x25xi32, #tpu.memory_space<vmem>> -> memref<25xi32, #tpu.memory_space<vmem>>
        %dma_wait3A_102 = arith.constant 0 : i32
        %dma_wait3A_103 = arith.constant 0 : i32
        %dma_wait3A_104 = tpu.memref_slice %arg2[%dma_wait3A_102, %dma_wait3A_103] : memref<10000x128xf32, #tpu.memory_space<hbm>> -> memref<10000x128xf32, #tpu.memory_space<hbm>>
        tpu.wait_indirect_dma semaphore(%arg18 : memref<!tpu.dma_semaphore, #tpu.memory_space<semaphore_mem>>) src(%dma_wait3A_104 : memref<10000x128xf32, #tpu.memory_space<hbm>>) dst(%arg10 : memref<25x128xf32, #tpu.memory_space<vmem>>)
        %run_scoped3A = arith.constant 0 : i32
        "tpu.region"() ({
          %run_scoped3A_343 = tpu.sem_alloc : memref<!tpu.dma_semaphore, #tpu.memory_space<semaphore_mem>>
          %dma_start3A_344 = arith.constant 0 : i32
          %dma_start3A_345 = tpu.memref_slice %arg7[%run_scoped3A, %dma_start3A_344] : memref<16x25xi32, #tpu.memory_space<vmem>> -> memref<1x25xi32, #tpu.memory_space<vmem>>
          %dma_start3A_346 = tpu.memref_squeeze %dma_start3A_345 : memref<1x25xi32, #tpu.memory_space<vmem>> -> memref<25xi32, #tpu.memory_space<vmem>>
          %dma_start3A_347 = arith.constant 0 : i32
          %dma_start3A_348 = arith.constant 0 : i32
          %dma_start3A_349 = tpu.memref_slice %arg15[%dma_start3A_347, %dma_start3A_348] : memref<10000x128xf32, #tpu.memory_space<vmem_shared>> -> memref<10000x128xf32, #tpu.memory_space<vmem_shared>>
          tpu.enqueue_indirect_dma source(%arg10 : memref<25x128xf32, #tpu.memory_space<vmem>>) target(%dma_start3A_349 : memref<10000x128xf32, #tpu.memory_space<vmem_shared>>) offsets(%dma_start3A_346 : memref<25xi32, #tpu.memory_space<vmem>>) semaphore(%run_scoped3A_343 : memref<!tpu.dma_semaphore, #tpu.memory_space<semaphore_mem>>) {add = true}
          %dma_wait3A_350 = arith.constant 0 : i32
          %dma_wait3A_351 = tpu.memref_slice %arg7[%run_scoped3A, %dma_wait3A_350] : memref<16x25xi32, #tpu.memory_space<vmem>> -> memref<1x25xi32, #tpu.memory_space<vmem>>
          %dma_wait3A_352 = tpu.memref_squeeze %dma_wait3A_351 : memref<1x25xi32, #tpu.memory_space<vmem>> -> memref<25xi32, #tpu.memory_space<vmem>>
          %dma_wait3A_353 = arith.constant 0 : i32
          %dma_wait3A_354 = arith.constant 0 : i32
          %dma_wait3A_355 = tpu.memref_slice %arg15[%dma_wait3A_353, %dma_wait3A_354] : memref<10000x128xf32, #tpu.memory_space<vmem_shared>> -> memref<10000x128xf32, #tpu.memory_space<vmem_shared>>
          tpu.wait_indirect_dma semaphore(%run_scoped3A_343 : memref<!tpu.dma_semaphore, #tpu.memory_space<semaphore_mem>>) src(%arg10 : memref<25x128xf32, #tpu.memory_space<vmem>>) dst(%dma_wait3A_355 : memref<10000x128xf32, #tpu.memory_space<vmem_shared>>)
          tpu.yield
        }) : () -> ()
        %dma_start3A_105 = arith.constant 3 : i32
        %dma_start3A_106 = arith.constant 0 : i32
        %dma_start3A_107 = tpu.memref_slice %arg6[%dma_start3A_105, %dma_start3A_106] : memref<16x25xi32, #tpu.memory_space<vmem>> -> memref<1x25xi32, #tpu.memory_space<vmem>>
        %dma_start3A_108 = tpu.memref_squeeze %dma_start3A_107 : memref<1x25xi32, #tpu.memory_space<vmem>> -> memref<25xi32, #tpu.memory_space<vmem>>
        %dma_start3A_109 = arith.constant 0 : i32
        %dma_start3A_110 = arith.constant 0 : i32
        %dma_start3A_111 = tpu.memref_slice %arg2[%dma_start3A_109, %dma_start3A_110] : memref<10000x128xf32, #tpu.memory_space<hbm>> -> memref<10000x128xf32, #tpu.memory_space<hbm>>
        tpu.enqueue_indirect_dma source(%dma_start3A_111 : memref<10000x128xf32, #tpu.memory_space<hbm>>) target(%arg13 : memref<25x128xf32, #tpu.memory_space<vmem>>) offsets(%dma_start3A_108 : memref<25xi32, #tpu.memory_space<vmem>>) semaphore(%arg21 : memref<!tpu.dma_semaphore, #tpu.memory_space<semaphore_mem>>)
        %dma_wait3A_112 = arith.constant 1 : i32
        %dma_wait3A_113 = arith.constant 0 : i32
        %dma_wait3A_114 = tpu.memref_slice %arg6[%dma_wait3A_112, %dma_wait3A_113] : memref<16x25xi32, #tpu.memory_space<vmem>> -> memref<1x25xi32, #tpu.memory_space<vmem>>
        %dma_wait3A_115 = tpu.memref_squeeze %dma_wait3A_114 : memref<1x25xi32, #tpu.memory_space<vmem>> -> memref<25xi32, #tpu.memory_space<vmem>>
        %dma_wait3A_116 = arith.constant 0 : i32
        %dma_wait3A_117 = arith.constant 0 : i32
        %dma_wait3A_118 = tpu.memref_slice %arg2[%dma_wait3A_116, %dma_wait3A_117] : memref<10000x128xf32, #tpu.memory_space<hbm>> -> memref<10000x128xf32, #tpu.memory_space<hbm>>
        tpu.wait_indirect_dma semaphore(%arg19 : memref<!tpu.dma_semaphore, #tpu.memory_space<semaphore_mem>>) src(%dma_wait3A_118 : memref<10000x128xf32, #tpu.memory_space<hbm>>) dst(%arg11 : memref<25x128xf32, #tpu.memory_space<vmem>>)
        %run_scoped3A_119 = arith.constant 1 : i32
        "tpu.region"() ({
          %run_scoped3A_343 = tpu.sem_alloc : memref<!tpu.dma_semaphore, #tpu.memory_space<semaphore_mem>>
          %dma_start3A_344 = arith.constant 0 : i32
          %dma_start3A_345 = tpu.memref_slice %arg7[%run_scoped3A_119, %dma_start3A_344] : memref<16x25xi32, #tpu.memory_space<vmem>> -> memref<1x25xi32, #tpu.memory_space<vmem>>
          %dma_start3A_346 = tpu.memref_squeeze %dma_start3A_345 : memref<1x25xi32, #tpu.memory_space<vmem>> -> memref<25xi32, #tpu.memory_space<vmem>>
          %dma_start3A_347 = arith.constant 0 : i32
          %dma_start3A_348 = arith.constant 0 : i32
          %dma_start3A_349 = tpu.memref_slice %arg15[%dma_start3A_347, %dma_start3A_348] : memref<10000x128xf32, #tpu.memory_space<vmem_shared>> -> memref<10000x128xf32, #tpu.memory_space<vmem_shared>>
          tpu.enqueue_indirect_dma source(%arg11 : memref<25x128xf32, #tpu.memory_space<vmem>>) target(%dma_start3A_349 : memref<10000x128xf32, #tpu.memory_space<vmem_shared>>) offsets(%dma_start3A_346 : memref<25xi32, #tpu.memory_space<vmem>>) semaphore(%run_scoped3A_343 : memref<!tpu.dma_semaphore, #tpu.memory_space<semaphore_mem>>) {add = true}
          %dma_wait3A_350 = arith.constant 0 : i32
          %dma_wait3A_351 = tpu.memref_slice %arg7[%run_scoped3A_119, %dma_wait3A_350] : memref<16x25xi32, #tpu.memory_space<vmem>> -> memref<1x25xi32, #tpu.memory_space<vmem>>
          %dma_wait3A_352 = tpu.memref_squeeze %dma_wait3A_351 : memref<1x25xi32, #tpu.memory_space<vmem>> -> memref<25xi32, #tpu.memory_space<vmem>>
          %dma_wait3A_353 = arith.constant 0 : i32
          %dma_wait3A_354 = arith.constant 0 : i32
          %dma_wait3A_355 = tpu.memref_slice %arg15[%dma_wait3A_353, %dma_wait3A_354] : memref<10000x128xf32, #tpu.memory_space<vmem_shared>> -> memref<10000x128xf32, #tpu.memory_space<vmem_shared>>
          tpu.wait_indirect_dma semaphore(%run_scoped3A_343 : memref<!tpu.dma_semaphore, #tpu.memory_space<semaphore_mem>>) src(%arg11 : memref<25x128xf32, #tpu.memory_space<vmem>>) dst(%dma_wait3A_355 : memref<10000x128xf32, #tpu.memory_space<vmem_shared>>)
          tpu.yield
        }) : () -> ()
        %dma_start3A_120 = arith.constant 4 : i32
        %dma_start3A_121 = arith.constant 0 : i32
        %dma_start3A_122 = tpu.memref_slice %arg6[%dma_start3A_120, %dma_start3A_121] : memref<16x25xi32, #tpu.memory_space<vmem>> -> memref<1x25xi32, #tpu.memory_space<vmem>>
        %dma_start3A_123 = tpu.memref_squeeze %dma_start3A_122 : memref<1x25xi32, #tpu.memory_space<vmem>> -> memref<25xi32, #tpu.memory_space<vmem>>
        %dma_start3A_124 = arith.constant 0 : i32
        %dma_start3A_125 = arith.constant 0 : i32
        %dma_start3A_126 = tpu.memref_slice %arg2[%dma_start3A_124, %dma_start3A_125] : memref<10000x128xf32, #tpu.memory_space<hbm>> -> memref<10000x128xf32, #tpu.memory_space<hbm>>
        tpu.enqueue_indirect_dma source(%dma_start3A_126 : memref<10000x128xf32, #tpu.memory_space<hbm>>) target(%arg10 : memref<25x128xf32, #tpu.memory_space<vmem>>) offsets(%dma_start3A_123 : memref<25xi32, #tpu.memory_space<vmem>>) semaphore(%arg18 : memref<!tpu.dma_semaphore, #tpu.memory_space<semaphore_mem>>)
        %dma_wait3A_127 = arith.constant 2 : i32
        %dma_wait3A_128 = arith.constant 0 : i32
        %dma_wait3A_129 = tpu.memref_slice %arg6[%dma_wait3A_127, %dma_wait3A_128] : memref<16x25xi32, #tpu.memory_space<vmem>> -> memref<1x25xi32, #tpu.memory_space<vmem>>
        %dma_wait3A_130 = tpu.memref_squeeze %dma_wait3A_129 : memref<1x25xi32, #tpu.memory_space<vmem>> -> memref<25xi32, #tpu.memory_space<vmem>>
        %dma_wait3A_131 = arith.constant 0 : i32
        %dma_wait3A_132 = arith.constant 0 : i32
        %dma_wait3A_133 = tpu.memref_slice %arg2[%dma_wait3A_131, %dma_wait3A_132] : memref<10000x128xf32, #tpu.memory_space<hbm>> -> memref<10000x128xf32, #tpu.memory_space<hbm>>
        tpu.wait_indirect_dma semaphore(%arg20 : memref<!tpu.dma_semaphore, #tpu.memory_space<semaphore_mem>>) src(%dma_wait3A_133 : memref<10000x128xf32, #tpu.memory_space<hbm>>) dst(%arg12 : memref<25x128xf32, #tpu.memory_space<vmem>>)
        %run_scoped3A_134 = arith.constant 2 : i32
        "tpu.region"() ({
          %run_scoped3A_343 = tpu.sem_alloc : memref<!tpu.dma_semaphore, #tpu.memory_space<semaphore_mem>>
          %dma_start3A_344 = arith.constant 0 : i32
          %dma_start3A_345 = tpu.memref_slice %arg7[%run_scoped3A_134, %dma_start3A_344] : memref<16x25xi32, #tpu.memory_space<vmem>> -> memref<1x25xi32, #tpu.memory_space<vmem>>
          %dma_start3A_346 = tpu.memref_squeeze %dma_start3A_345 : memref<1x25xi32, #tpu.memory_space<vmem>> -> memref<25xi32, #tpu.memory_space<vmem>>
          %dma_start3A_347 = arith.constant 0 : i32
          %dma_start3A_348 = arith.constant 0 : i32
          %dma_start3A_349 = tpu.memref_slice %arg15[%dma_start3A_347, %dma_start3A_348] : memref<10000x128xf32, #tpu.memory_space<vmem_shared>> -> memref<10000x128xf32, #tpu.memory_space<vmem_shared>>
          tpu.enqueue_indirect_dma source(%arg12 : memref<25x128xf32, #tpu.memory_space<vmem>>) target(%dma_start3A_349 : memref<10000x128xf32, #tpu.memory_space<vmem_shared>>) offsets(%dma_start3A_346 : memref<25xi32, #tpu.memory_space<vmem>>) semaphore(%run_scoped3A_343 : memref<!tpu.dma_semaphore, #tpu.memory_space<semaphore_mem>>) {add = true}
          %dma_wait3A_350 = arith.constant 0 : i32
          %dma_wait3A_351 = tpu.memref_slice %arg7[%run_scoped3A_134, %dma_wait3A_350] : memref<16x25xi32, #tpu.memory_space<vmem>> -> memref<1x25xi32, #tpu.memory_space<vmem>>
          %dma_wait3A_352 = tpu.memref_squeeze %dma_wait3A_351 : memref<1x25xi32, #tpu.memory_space<vmem>> -> memref<25xi32, #tpu.memory_space<vmem>>
          %dma_wait3A_353 = arith.constant 0 : i32
          %dma_wait3A_354 = arith.constant 0 : i32
          %dma_wait3A_355 = tpu.memref_slice %arg15[%dma_wait3A_353, %dma_wait3A_354] : memref<10000x128xf32, #tpu.memory_space<vmem_shared>> -> memref<10000x128xf32, #tpu.memory_space<vmem_shared>>
          tpu.wait_indirect_dma semaphore(%run_scoped3A_343 : memref<!tpu.dma_semaphore, #tpu.memory_space<semaphore_mem>>) src(%arg12 : memref<25x128xf32, #tpu.memory_space<vmem>>) dst(%dma_wait3A_355 : memref<10000x128xf32, #tpu.memory_space<vmem_shared>>)
          tpu.yield
        }) : () -> ()
        %dma_start3A_135 = arith.constant 5 : i32
        %dma_start3A_136 = arith.constant 0 : i32
        %dma_start3A_137 = tpu.memref_slice %arg6[%dma_start3A_135, %dma_start3A_136] : memref<16x25xi32, #tpu.memory_space<vmem>> -> memref<1x25xi32, #tpu.memory_space<vmem>>
        %dma_start3A_138 = tpu.memref_squeeze %dma_start3A_137 : memref<1x25xi32, #tpu.memory_space<vmem>> -> memref<25xi32, #tpu.memory_space<vmem>>
        %dma_start3A_139 = arith.constant 0 : i32
        %dma_start3A_140 = arith.constant 0 : i32
        %dma_start3A_141 = tpu.memref_slice %arg2[%dma_start3A_139, %dma_start3A_140] : memref<10000x128xf32, #tpu.memory_space<hbm>> -> memref<10000x128xf32, #tpu.memory_space<hbm>>
        tpu.enqueue_indirect_dma source(%dma_start3A_141 : memref<10000x128xf32, #tpu.memory_space<hbm>>) target(%arg11 : memref<25x128xf32, #tpu.memory_space<vmem>>) offsets(%dma_start3A_138 : memref<25xi32, #tpu.memory_space<vmem>>) semaphore(%arg19 : memref<!tpu.dma_semaphore, #tpu.memory_space<semaphore_mem>>)
        %dma_wait3A_142 = arith.constant 3 : i32
        %dma_wait3A_143 = arith.constant 0 : i32
        %dma_wait3A_144 = tpu.memref_slice %arg6[%dma_wait3A_142, %dma_wait3A_143] : memref<16x25xi32, #tpu.memory_space<vmem>> -> memref<1x25xi32, #tpu.memory_space<vmem>>
        %dma_wait3A_145 = tpu.memref_squeeze %dma_wait3A_144 : memref<1x25xi32, #tpu.memory_space<vmem>> -> memref<25xi32, #tpu.memory_space<vmem>>
        %dma_wait3A_146 = arith.constant 0 : i32
        %dma_wait3A_147 = arith.constant 0 : i32
        %dma_wait3A_148 = tpu.memref_slice %arg2[%dma_wait3A_146, %dma_wait3A_147] : memref<10000x128xf32, #tpu.memory_space<hbm>> -> memref<10000x128xf32, #tpu.memory_space<hbm>>
        tpu.wait_indirect_dma semaphore(%arg21 : memref<!tpu.dma_semaphore, #tpu.memory_space<semaphore_mem>>) src(%dma_wait3A_148 : memref<10000x128xf32, #tpu.memory_space<hbm>>) dst(%arg13 : memref<25x128xf32, #tpu.memory_space<vmem>>)
        %run_scoped3A_149 = arith.constant 3 : i32
        "tpu.region"() ({
          %run_scoped3A_343 = tpu.sem_alloc : memref<!tpu.dma_semaphore, #tpu.memory_space<semaphore_mem>>
          %dma_start3A_344 = arith.constant 0 : i32
          %dma_start3A_345 = tpu.memref_slice %arg7[%run_scoped3A_149, %dma_start3A_344] : memref<16x25xi32, #tpu.memory_space<vmem>> -> memref<1x25xi32, #tpu.memory_space<vmem>>
          %dma_start3A_346 = tpu.memref_squeeze %dma_start3A_345 : memref<1x25xi32, #tpu.memory_space<vmem>> -> memref<25xi32, #tpu.memory_space<vmem>>
          %dma_start3A_347 = arith.constant 0 : i32
          %dma_start3A_348 = arith.constant 0 : i32
          %dma_start3A_349 = tpu.memref_slice %arg15[%dma_start3A_347, %dma_start3A_348] : memref<10000x128xf32, #tpu.memory_space<vmem_shared>> -> memref<10000x128xf32, #tpu.memory_space<vmem_shared>>
          tpu.enqueue_indirect_dma source(%arg13 : memref<25x128xf32, #tpu.memory_space<vmem>>) target(%dma_start3A_349 : memref<10000x128xf32, #tpu.memory_space<vmem_shared>>) offsets(%dma_start3A_346 : memref<25xi32, #tpu.memory_space<vmem>>) semaphore(%run_scoped3A_343 : memref<!tpu.dma_semaphore, #tpu.memory_space<semaphore_mem>>) {add = true}
          %dma_wait3A_350 = arith.constant 0 : i32
          %dma_wait3A_351 = tpu.memref_slice %arg7[%run_scoped3A_149, %dma_wait3A_350] : memref<16x25xi32, #tpu.memory_space<vmem>> -> memref<1x25xi32, #tpu.memory_space<vmem>>
          %dma_wait3A_352 = tpu.memref_squeeze %dma_wait3A_351 : memref<1x25xi32, #tpu.memory_space<vmem>> -> memref<25xi32, #tpu.memory_space<vmem>>
          %dma_wait3A_353 = arith.constant 0 : i32
          %dma_wait3A_354 = arith.constant 0 : i32
          %dma_wait3A_355 = tpu.memref_slice %arg15[%dma_wait3A_353, %dma_wait3A_354] : memref<10000x128xf32, #tpu.memory_space<vmem_shared>> -> memref<10000x128xf32, #tpu.memory_space<vmem_shared>>
          tpu.wait_indirect_dma semaphore(%run_scoped3A_343 : memref<!tpu.dma_semaphore, #tpu.memory_space<semaphore_mem>>) src(%arg13 : memref<25x128xf32, #tpu.memory_space<vmem>>) dst(%dma_wait3A_355 : memref<10000x128xf32, #tpu.memory_space<vmem_shared>>)
          tpu.yield
        }) : () -> ()
        %dma_start3A_150 = arith.constant 6 : i32
        %dma_start3A_151 = arith.constant 0 : i32
        %dma_start3A_152 = tpu.memref_slice %arg6[%dma_start3A_150, %dma_start3A_151] : memref<16x25xi32, #tpu.memory_space<vmem>> -> memref<1x25xi32, #tpu.memory_space<vmem>>
        %dma_start3A_153 = tpu.memref_squeeze %dma_start3A_152 : memref<1x25xi32, #tpu.memory_space<vmem>> -> memref<25xi32, #tpu.memory_space<vmem>>
        %dma_start3A_154 = arith.constant 0 : i32
        %dma_start3A_155 = arith.constant 0 : i32
        %dma_start3A_156 = tpu.memref_slice %arg2[%dma_start3A_154, %dma_start3A_155] : memref<10000x128xf32, #tpu.memory_space<hbm>> -> memref<10000x128xf32, #tpu.memory_space<hbm>>
        tpu.enqueue_indirect_dma source(%dma_start3A_156 : memref<10000x128xf32, #tpu.memory_space<hbm>>) target(%arg12 : memref<25x128xf32, #tpu.memory_space<vmem>>) offsets(%dma_start3A_153 : memref<25xi32, #tpu.memory_space<vmem>>) semaphore(%arg20 : memref<!tpu.dma_semaphore, #tpu.memory_space<semaphore_mem>>)
        %dma_wait3A_157 = arith.constant 4 : i32
        %dma_wait3A_158 = arith.constant 0 : i32
        %dma_wait3A_159 = tpu.memref_slice %arg6[%dma_wait3A_157, %dma_wait3A_158] : memref<16x25xi32, #tpu.memory_space<vmem>> -> memref<1x25xi32, #tpu.memory_space<vmem>>
        %dma_wait3A_160 = tpu.memref_squeeze %dma_wait3A_159 : memref<1x25xi32, #tpu.memory_space<vmem>> -> memref<25xi32, #tpu.memory_space<vmem>>
        %dma_wait3A_161 = arith.constant 0 : i32
        %dma_wait3A_162 = arith.constant 0 : i32
        %dma_wait3A_163 = tpu.memref_slice %arg2[%dma_wait3A_161, %dma_wait3A_162] : memref<10000x128xf32, #tpu.memory_space<hbm>> -> memref<10000x128xf32, #tpu.memory_space<hbm>>
        tpu.wait_indirect_dma semaphore(%arg18 : memref<!tpu.dma_semaphore, #tpu.memory_space<semaphore_mem>>) src(%dma_wait3A_163 : memref<10000x128xf32, #tpu.memory_space<hbm>>) dst(%arg10 : memref<25x128xf32, #tpu.memory_space<vmem>>)
        %run_scoped3A_164 = arith.constant 4 : i32
        "tpu.region"() ({
          %run_scoped3A_343 = tpu.sem_alloc : memref<!tpu.dma_semaphore, #tpu.memory_space<semaphore_mem>>
          %dma_start3A_344 = arith.constant 0 : i32
          %dma_start3A_345 = tpu.memref_slice %arg7[%run_scoped3A_164, %dma_start3A_344] : memref<16x25xi32, #tpu.memory_space<vmem>> -> memref<1x25xi32, #tpu.memory_space<vmem>>
          %dma_start3A_346 = tpu.memref_squeeze %dma_start3A_345 : memref<1x25xi32, #tpu.memory_space<vmem>> -> memref<25xi32, #tpu.memory_space<vmem>>
          %dma_start3A_347 = arith.constant 0 : i32
          %dma_start3A_348 = arith.constant 0 : i32
          %dma_start3A_349 = tpu.memref_slice %arg15[%dma_start3A_347, %dma_start3A_348] : memref<10000x128xf32, #tpu.memory_space<vmem_shared>> -> memref<10000x128xf32, #tpu.memory_space<vmem_shared>>
          tpu.enqueue_indirect_dma source(%arg10 : memref<25x128xf32, #tpu.memory_space<vmem>>) target(%dma_start3A_349 : memref<10000x128xf32, #tpu.memory_space<vmem_shared>>) offsets(%dma_start3A_346 : memref<25xi32, #tpu.memory_space<vmem>>) semaphore(%run_scoped3A_343 : memref<!tpu.dma_semaphore, #tpu.memory_space<semaphore_mem>>) {add = true}
          %dma_wait3A_350 = arith.constant 0 : i32
          %dma_wait3A_351 = tpu.memref_slice %arg7[%run_scoped3A_164, %dma_wait3A_350] : memref<16x25xi32, #tpu.memory_space<vmem>> -> memref<1x25xi32, #tpu.memory_space<vmem>>
          %dma_wait3A_352 = tpu.memref_squeeze %dma_wait3A_351 : memref<1x25xi32, #tpu.memory_space<vmem>> -> memref<25xi32, #tpu.memory_space<vmem>>
          %dma_wait3A_353 = arith.constant 0 : i32
          %dma_wait3A_354 = arith.constant 0 : i32
          %dma_wait3A_355 = tpu.memref_slice %arg15[%dma_wait3A_353, %dma_wait3A_354] : memref<10000x128xf32, #tpu.memory_space<vmem_shared>> -> memref<10000x128xf32, #tpu.memory_space<vmem_shared>>
          tpu.wait_indirect_dma semaphore(%run_scoped3A_343 : memref<!tpu.dma_semaphore, #tpu.memory_space<semaphore_mem>>) src(%arg10 : memref<25x128xf32, #tpu.memory_space<vmem>>) dst(%dma_wait3A_355 : memref<10000x128xf32, #tpu.memory_space<vmem_shared>>)
          tpu.yield
        }) : () -> ()
        %dma_start3A_165 = arith.constant 7 : i32
        %dma_start3A_166 = arith.constant 0 : i32
        %dma_start3A_167 = tpu.memref_slice %arg6[%dma_start3A_165, %dma_start3A_166] : memref<16x25xi32, #tpu.memory_space<vmem>> -> memref<1x25xi32, #tpu.memory_space<vmem>>
        %dma_start3A_168 = tpu.memref_squeeze %dma_start3A_167 : memref<1x25xi32, #tpu.memory_space<vmem>> -> memref<25xi32, #tpu.memory_space<vmem>>
        %dma_start3A_169 = arith.constant 0 : i32
        %dma_start3A_170 = arith.constant 0 : i32
        %dma_start3A_171 = tpu.memref_slice %arg2[%dma_start3A_169, %dma_start3A_170] : memref<10000x128xf32, #tpu.memory_space<hbm>> -> memref<10000x128xf32, #tpu.memory_space<hbm>>
        tpu.enqueue_indirect_dma source(%dma_start3A_171 : memref<10000x128xf32, #tpu.memory_space<hbm>>) target(%arg13 : memref<25x128xf32, #tpu.memory_space<vmem>>) offsets(%dma_start3A_168 : memref<25xi32, #tpu.memory_space<vmem>>) semaphore(%arg21 : memref<!tpu.dma_semaphore, #tpu.memory_space<semaphore_mem>>)
        %dma_wait3A_172 = arith.constant 5 : i32
        %dma_wait3A_173 = arith.constant 0 : i32
        %dma_wait3A_174 = tpu.memref_slice %arg6[%dma_wait3A_172, %dma_wait3A_173] : memref<16x25xi32, #tpu.memory_space<vmem>> -> memref<1x25xi32, #tpu.memory_space<vmem>>
        %dma_wait3A_175 = tpu.memref_squeeze %dma_wait3A_174 : memref<1x25xi32, #tpu.memory_space<vmem>> -> memref<25xi32, #tpu.memory_space<vmem>>
        %dma_wait3A_176 = arith.constant 0 : i32
        %dma_wait3A_177 = arith.constant 0 : i32
        %dma_wait3A_178 = tpu.memref_slice %arg2[%dma_wait3A_176, %dma_wait3A_177] : memref<10000x128xf32, #tpu.memory_space<hbm>> -> memref<10000x128xf32, #tpu.memory_space<hbm>>
        tpu.wait_indirect_dma semaphore(%arg19 : memref<!tpu.dma_semaphore, #tpu.memory_space<semaphore_mem>>) src(%dma_wait3A_178 : memref<10000x128xf32, #tpu.memory_space<hbm>>) dst(%arg11 : memref<25x128xf32, #tpu.memory_space<vmem>>)
        %run_scoped3A_179 = arith.constant 5 : i32
        "tpu.region"() ({
          %run_scoped3A_343 = tpu.sem_alloc : memref<!tpu.dma_semaphore, #tpu.memory_space<semaphore_mem>>
          %dma_start3A_344 = arith.constant 0 : i32
          %dma_start3A_345 = tpu.memref_slice %arg7[%run_scoped3A_179, %dma_start3A_344] : memref<16x25xi32, #tpu.memory_space<vmem>> -> memref<1x25xi32, #tpu.memory_space<vmem>>
          %dma_start3A_346 = tpu.memref_squeeze %dma_start3A_345 : memref<1x25xi32, #tpu.memory_space<vmem>> -> memref<25xi32, #tpu.memory_space<vmem>>
          %dma_start3A_347 = arith.constant 0 : i32
          %dma_start3A_348 = arith.constant 0 : i32
          %dma_start3A_349 = tpu.memref_slice %arg15[%dma_start3A_347, %dma_start3A_348] : memref<10000x128xf32, #tpu.memory_space<vmem_shared>> -> memref<10000x128xf32, #tpu.memory_space<vmem_shared>>
          tpu.enqueue_indirect_dma source(%arg11 : memref<25x128xf32, #tpu.memory_space<vmem>>) target(%dma_start3A_349 : memref<10000x128xf32, #tpu.memory_space<vmem_shared>>) offsets(%dma_start3A_346 : memref<25xi32, #tpu.memory_space<vmem>>) semaphore(%run_scoped3A_343 : memref<!tpu.dma_semaphore, #tpu.memory_space<semaphore_mem>>) {add = true}
          %dma_wait3A_350 = arith.constant 0 : i32
          %dma_wait3A_351 = tpu.memref_slice %arg7[%run_scoped3A_179, %dma_wait3A_350] : memref<16x25xi32, #tpu.memory_space<vmem>> -> memref<1x25xi32, #tpu.memory_space<vmem>>
          %dma_wait3A_352 = tpu.memref_squeeze %dma_wait3A_351 : memref<1x25xi32, #tpu.memory_space<vmem>> -> memref<25xi32, #tpu.memory_space<vmem>>
          %dma_wait3A_353 = arith.constant 0 : i32
          %dma_wait3A_354 = arith.constant 0 : i32
          %dma_wait3A_355 = tpu.memref_slice %arg15[%dma_wait3A_353, %dma_wait3A_354] : memref<10000x128xf32, #tpu.memory_space<vmem_shared>> -> memref<10000x128xf32, #tpu.memory_space<vmem_shared>>
          tpu.wait_indirect_dma semaphore(%run_scoped3A_343 : memref<!tpu.dma_semaphore, #tpu.memory_space<semaphore_mem>>) src(%arg11 : memref<25x128xf32, #tpu.memory_space<vmem>>) dst(%dma_wait3A_355 : memref<10000x128xf32, #tpu.memory_space<vmem_shared>>)
          tpu.yield
        }) : () -> ()
        %dma_start3A_180 = arith.constant 8 : i32
        %dma_start3A_181 = arith.constant 0 : i32
        %dma_start3A_182 = tpu.memref_slice %arg6[%dma_start3A_180, %dma_start3A_181] : memref<16x25xi32, #tpu.memory_space<vmem>> -> memref<1x25xi32, #tpu.memory_space<vmem>>
        %dma_start3A_183 = tpu.memref_squeeze %dma_start3A_182 : memref<1x25xi32, #tpu.memory_space<vmem>> -> memref<25xi32, #tpu.memory_space<vmem>>
        %dma_start3A_184 = arith.constant 0 : i32
        %dma_start3A_185 = arith.constant 0 : i32
        %dma_start3A_186 = tpu.memref_slice %arg2[%dma_start3A_184, %dma_start3A_185] : memref<10000x128xf32, #tpu.memory_space<hbm>> -> memref<10000x128xf32, #tpu.memory_space<hbm>>
        tpu.enqueue_indirect_dma source(%dma_start3A_186 : memref<10000x128xf32, #tpu.memory_space<hbm>>) target(%arg10 : memref<25x128xf32, #tpu.memory_space<vmem>>) offsets(%dma_start3A_183 : memref<25xi32, #tpu.memory_space<vmem>>) semaphore(%arg18 : memref<!tpu.dma_semaphore, #tpu.memory_space<semaphore_mem>>)
        %dma_wait3A_187 = arith.constant 6 : i32
        %dma_wait3A_188 = arith.constant 0 : i32
        %dma_wait3A_189 = tpu.memref_slice %arg6[%dma_wait3A_187, %dma_wait3A_188] : memref<16x25xi32, #tpu.memory_space<vmem>> -> memref<1x25xi32, #tpu.memory_space<vmem>>
        %dma_wait3A_190 = tpu.memref_squeeze %dma_wait3A_189 : memref<1x25xi32, #tpu.memory_space<vmem>> -> memref<25xi32, #tpu.memory_space<vmem>>
        %dma_wait3A_191 = arith.constant 0 : i32
        %dma_wait3A_192 = arith.constant 0 : i32
        %dma_wait3A_193 = tpu.memref_slice %arg2[%dma_wait3A_191, %dma_wait3A_192] : memref<10000x128xf32, #tpu.memory_space<hbm>> -> memref<10000x128xf32, #tpu.memory_space<hbm>>
        tpu.wait_indirect_dma semaphore(%arg20 : memref<!tpu.dma_semaphore, #tpu.memory_space<semaphore_mem>>) src(%dma_wait3A_193 : memref<10000x128xf32, #tpu.memory_space<hbm>>) dst(%arg12 : memref<25x128xf32, #tpu.memory_space<vmem>>)
        %run_scoped3A_194 = arith.constant 6 : i32
        "tpu.region"() ({
          %run_scoped3A_343 = tpu.sem_alloc : memref<!tpu.dma_semaphore, #tpu.memory_space<semaphore_mem>>
          %dma_start3A_344 = arith.constant 0 : i32
          %dma_start3A_345 = tpu.memref_slice %arg7[%run_scoped3A_194, %dma_start3A_344] : memref<16x25xi32, #tpu.memory_space<vmem>> -> memref<1x25xi32, #tpu.memory_space<vmem>>
          %dma_start3A_346 = tpu.memref_squeeze %dma_start3A_345 : memref<1x25xi32, #tpu.memory_space<vmem>> -> memref<25xi32, #tpu.memory_space<vmem>>
          %dma_start3A_347 = arith.constant 0 : i32
          %dma_start3A_348 = arith.constant 0 : i32
          %dma_start3A_349 = tpu.memref_slice %arg15[%dma_start3A_347, %dma_start3A_348] : memref<10000x128xf32, #tpu.memory_space<vmem_shared>> -> memref<10000x128xf32, #tpu.memory_space<vmem_shared>>
          tpu.enqueue_indirect_dma source(%arg12 : memref<25x128xf32, #tpu.memory_space<vmem>>) target(%dma_start3A_349 : memref<10000x128xf32, #tpu.memory_space<vmem_shared>>) offsets(%dma_start3A_346 : memref<25xi32, #tpu.memory_space<vmem>>) semaphore(%run_scoped3A_343 : memref<!tpu.dma_semaphore, #tpu.memory_space<semaphore_mem>>) {add = true}
          %dma_wait3A_350 = arith.constant 0 : i32
          %dma_wait3A_351 = tpu.memref_slice %arg7[%run_scoped3A_194, %dma_wait3A_350] : memref<16x25xi32, #tpu.memory_space<vmem>> -> memref<1x25xi32, #tpu.memory_space<vmem>>
          %dma_wait3A_352 = tpu.memref_squeeze %dma_wait3A_351 : memref<1x25xi32, #tpu.memory_space<vmem>> -> memref<25xi32, #tpu.memory_space<vmem>>
          %dma_wait3A_353 = arith.constant 0 : i32
          %dma_wait3A_354 = arith.constant 0 : i32
          %dma_wait3A_355 = tpu.memref_slice %arg15[%dma_wait3A_353, %dma_wait3A_354] : memref<10000x128xf32, #tpu.memory_space<vmem_shared>> -> memref<10000x128xf32, #tpu.memory_space<vmem_shared>>
          tpu.wait_indirect_dma semaphore(%run_scoped3A_343 : memref<!tpu.dma_semaphore, #tpu.memory_space<semaphore_mem>>) src(%arg12 : memref<25x128xf32, #tpu.memory_space<vmem>>) dst(%dma_wait3A_355 : memref<10000x128xf32, #tpu.memory_space<vmem_shared>>)
          tpu.yield
        }) : () -> ()
        %dma_start3A_195 = arith.constant 9 : i32
        %dma_start3A_196 = arith.constant 0 : i32
        %dma_start3A_197 = tpu.memref_slice %arg6[%dma_start3A_195, %dma_start3A_196] : memref<16x25xi32, #tpu.memory_space<vmem>> -> memref<1x25xi32, #tpu.memory_space<vmem>>
        %dma_start3A_198 = tpu.memref_squeeze %dma_start3A_197 : memref<1x25xi32, #tpu.memory_space<vmem>> -> memref<25xi32, #tpu.memory_space<vmem>>
        %dma_start3A_199 = arith.constant 0 : i32
        %dma_start3A_200 = arith.constant 0 : i32
        %dma_start3A_201 = tpu.memref_slice %arg2[%dma_start3A_199, %dma_start3A_200] : memref<10000x128xf32, #tpu.memory_space<hbm>> -> memref<10000x128xf32, #tpu.memory_space<hbm>>
        tpu.enqueue_indirect_dma source(%dma_start3A_201 : memref<10000x128xf32, #tpu.memory_space<hbm>>) target(%arg11 : memref<25x128xf32, #tpu.memory_space<vmem>>) offsets(%dma_start3A_198 : memref<25xi32, #tpu.memory_space<vmem>>) semaphore(%arg19 : memref<!tpu.dma_semaphore, #tpu.memory_space<semaphore_mem>>)
        %dma_wait3A_202 = arith.constant 7 : i32
        %dma_wait3A_203 = arith.constant 0 : i32
        %dma_wait3A_204 = tpu.memref_slice %arg6[%dma_wait3A_202, %dma_wait3A_203] : memref<16x25xi32, #tpu.memory_space<vmem>> -> memref<1x25xi32, #tpu.memory_space<vmem>>
        %dma_wait3A_205 = tpu.memref_squeeze %dma_wait3A_204 : memref<1x25xi32, #tpu.memory_space<vmem>> -> memref<25xi32, #tpu.memory_space<vmem>>
        %dma_wait3A_206 = arith.constant 0 : i32
        %dma_wait3A_207 = arith.constant 0 : i32
        %dma_wait3A_208 = tpu.memref_slice %arg2[%dma_wait3A_206, %dma_wait3A_207] : memref<10000x128xf32, #tpu.memory_space<hbm>> -> memref<10000x128xf32, #tpu.memory_space<hbm>>
        tpu.wait_indirect_dma semaphore(%arg21 : memref<!tpu.dma_semaphore, #tpu.memory_space<semaphore_mem>>) src(%dma_wait3A_208 : memref<10000x128xf32, #tpu.memory_space<hbm>>) dst(%arg13 : memref<25x128xf32, #tpu.memory_space<vmem>>)
        %run_scoped3A_209 = arith.constant 7 : i32
        "tpu.region"() ({
          %run_scoped3A_343 = tpu.sem_alloc : memref<!tpu.dma_semaphore, #tpu.memory_space<semaphore_mem>>
          %dma_start3A_344 = arith.constant 0 : i32
          %dma_start3A_345 = tpu.memref_slice %arg7[%run_scoped3A_209, %dma_start3A_344] : memref<16x25xi32, #tpu.memory_space<vmem>> -> memref<1x25xi32, #tpu.memory_space<vmem>>
          %dma_start3A_346 = tpu.memref_squeeze %dma_start3A_345 : memref<1x25xi32, #tpu.memory_space<vmem>> -> memref<25xi32, #tpu.memory_space<vmem>>
          %dma_start3A_347 = arith.constant 0 : i32
          %dma_start3A_348 = arith.constant 0 : i32
          %dma_start3A_349 = tpu.memref_slice %arg15[%dma_start3A_347, %dma_start3A_348] : memref<10000x128xf32, #tpu.memory_space<vmem_shared>> -> memref<10000x128xf32, #tpu.memory_space<vmem_shared>>
          tpu.enqueue_indirect_dma source(%arg13 : memref<25x128xf32, #tpu.memory_space<vmem>>) target(%dma_start3A_349 : memref<10000x128xf32, #tpu.memory_space<vmem_shared>>) offsets(%dma_start3A_346 : memref<25xi32, #tpu.memory_space<vmem>>) semaphore(%run_scoped3A_343 : memref<!tpu.dma_semaphore, #tpu.memory_space<semaphore_mem>>) {add = true}
          %dma_wait3A_350 = arith.constant 0 : i32
          %dma_wait3A_351 = tpu.memref_slice %arg7[%run_scoped3A_209, %dma_wait3A_350] : memref<16x25xi32, #tpu.memory_space<vmem>> -> memref<1x25xi32, #tpu.memory_space<vmem>>
          %dma_wait3A_352 = tpu.memref_squeeze %dma_wait3A_351 : memref<1x25xi32, #tpu.memory_space<vmem>> -> memref<25xi32, #tpu.memory_space<vmem>>
          %dma_wait3A_353 = arith.constant 0 : i32
          %dma_wait3A_354 = arith.constant 0 : i32
          %dma_wait3A_355 = tpu.memref_slice %arg15[%dma_wait3A_353, %dma_wait3A_354] : memref<10000x128xf32, #tpu.memory_space<vmem_shared>> -> memref<10000x128xf32, #tpu.memory_space<vmem_shared>>
          tpu.wait_indirect_dma semaphore(%run_scoped3A_343 : memref<!tpu.dma_semaphore, #tpu.memory_space<semaphore_mem>>) src(%arg13 : memref<25x128xf32, #tpu.memory_space<vmem>>) dst(%dma_wait3A_355 : memref<10000x128xf32, #tpu.memory_space<vmem_shared>>)
          tpu.yield
        }) : () -> ()
        %dma_start3A_210 = arith.constant 10 : i32
        %dma_start3A_211 = arith.constant 0 : i32
        %dma_start3A_212 = tpu.memref_slice %arg6[%dma_start3A_210, %dma_start3A_211] : memref<16x25xi32, #tpu.memory_space<vmem>> -> memref<1x25xi32, #tpu.memory_space<vmem>>
        %dma_start3A_213 = tpu.memref_squeeze %dma_start3A_212 : memref<1x25xi32, #tpu.memory_space<vmem>> -> memref<25xi32, #tpu.memory_space<vmem>>
        %dma_start3A_214 = arith.constant 0 : i32
        %dma_start3A_215 = arith.constant 0 : i32
        %dma_start3A_216 = tpu.memref_slice %arg2[%dma_start3A_214, %dma_start3A_215] : memref<10000x128xf32, #tpu.memory_space<hbm>> -> memref<10000x128xf32, #tpu.memory_space<hbm>>
        tpu.enqueue_indirect_dma source(%dma_start3A_216 : memref<10000x128xf32, #tpu.memory_space<hbm>>) target(%arg12 : memref<25x128xf32, #tpu.memory_space<vmem>>) offsets(%dma_start3A_213 : memref<25xi32, #tpu.memory_space<vmem>>) semaphore(%arg20 : memref<!tpu.dma_semaphore, #tpu.memory_space<semaphore_mem>>)
        %dma_wait3A_217 = arith.constant 8 : i32
        %dma_wait3A_218 = arith.constant 0 : i32
        %dma_wait3A_219 = tpu.memref_slice %arg6[%dma_wait3A_217, %dma_wait3A_218] : memref<16x25xi32, #tpu.memory_space<vmem>> -> memref<1x25xi32, #tpu.memory_space<vmem>>
        %dma_wait3A_220 = tpu.memref_squeeze %dma_wait3A_219 : memref<1x25xi32, #tpu.memory_space<vmem>> -> memref<25xi32, #tpu.memory_space<vmem>>
        %dma_wait3A_221 = arith.constant 0 : i32
        %dma_wait3A_222 = arith.constant 0 : i32
        %dma_wait3A_223 = tpu.memref_slice %arg2[%dma_wait3A_221, %dma_wait3A_222] : memref<10000x128xf32, #tpu.memory_space<hbm>> -> memref<10000x128xf32, #tpu.memory_space<hbm>>
        tpu.wait_indirect_dma semaphore(%arg18 : memref<!tpu.dma_semaphore, #tpu.memory_space<semaphore_mem>>) src(%dma_wait3A_223 : memref<10000x128xf32, #tpu.memory_space<hbm>>) dst(%arg10 : memref<25x128xf32, #tpu.memory_space<vmem>>)
        %run_scoped3A_224 = arith.constant 8 : i32
        "tpu.region"() ({
          %run_scoped3A_343 = tpu.sem_alloc : memref<!tpu.dma_semaphore, #tpu.memory_space<semaphore_mem>>
          %dma_start3A_344 = arith.constant 0 : i32
          %dma_start3A_345 = tpu.memref_slice %arg7[%run_scoped3A_224, %dma_start3A_344] : memref<16x25xi32, #tpu.memory_space<vmem>> -> memref<1x25xi32, #tpu.memory_space<vmem>>
          %dma_start3A_346 = tpu.memref_squeeze %dma_start3A_345 : memref<1x25xi32, #tpu.memory_space<vmem>> -> memref<25xi32, #tpu.memory_space<vmem>>
          %dma_start3A_347 = arith.constant 0 : i32
          %dma_start3A_348 = arith.constant 0 : i32
          %dma_start3A_349 = tpu.memref_slice %arg15[%dma_start3A_347, %dma_start3A_348] : memref<10000x128xf32, #tpu.memory_space<vmem_shared>> -> memref<10000x128xf32, #tpu.memory_space<vmem_shared>>
          tpu.enqueue_indirect_dma source(%arg10 : memref<25x128xf32, #tpu.memory_space<vmem>>) target(%dma_start3A_349 : memref<10000x128xf32, #tpu.memory_space<vmem_shared>>) offsets(%dma_start3A_346 : memref<25xi32, #tpu.memory_space<vmem>>) semaphore(%run_scoped3A_343 : memref<!tpu.dma_semaphore, #tpu.memory_space<semaphore_mem>>) {add = true}
          %dma_wait3A_350 = arith.constant 0 : i32
          %dma_wait3A_351 = tpu.memref_slice %arg7[%run_scoped3A_224, %dma_wait3A_350] : memref<16x25xi32, #tpu.memory_space<vmem>> -> memref<1x25xi32, #tpu.memory_space<vmem>>
          %dma_wait3A_352 = tpu.memref_squeeze %dma_wait3A_351 : memref<1x25xi32, #tpu.memory_space<vmem>> -> memref<25xi32, #tpu.memory_space<vmem>>
          %dma_wait3A_353 = arith.constant 0 : i32
          %dma_wait3A_354 = arith.constant 0 : i32
          %dma_wait3A_355 = tpu.memref_slice %arg15[%dma_wait3A_353, %dma_wait3A_354] : memref<10000x128xf32, #tpu.memory_space<vmem_shared>> -> memref<10000x128xf32, #tpu.memory_space<vmem_shared>>
          tpu.wait_indirect_dma semaphore(%run_scoped3A_343 : memref<!tpu.dma_semaphore, #tpu.memory_space<semaphore_mem>>) src(%arg10 : memref<25x128xf32, #tpu.memory_space<vmem>>) dst(%dma_wait3A_355 : memref<10000x128xf32, #tpu.memory_space<vmem_shared>>)
          tpu.yield
        }) : () -> ()
        %dma_start3A_225 = arith.constant 11 : i32
        %dma_start3A_226 = arith.constant 0 : i32
        %dma_start3A_227 = tpu.memref_slice %arg6[%dma_start3A_225, %dma_start3A_226] : memref<16x25xi32, #tpu.memory_space<vmem>> -> memref<1x25xi32, #tpu.memory_space<vmem>>
        %dma_start3A_228 = tpu.memref_squeeze %dma_start3A_227 : memref<1x25xi32, #tpu.memory_space<vmem>> -> memref<25xi32, #tpu.memory_space<vmem>>
        %dma_start3A_229 = arith.constant 0 : i32
        %dma_start3A_230 = arith.constant 0 : i32
        %dma_start3A_231 = tpu.memref_slice %arg2[%dma_start3A_229, %dma_start3A_230] : memref<10000x128xf32, #tpu.memory_space<hbm>> -> memref<10000x128xf32, #tpu.memory_space<hbm>>
        tpu.enqueue_indirect_dma source(%dma_start3A_231 : memref<10000x128xf32, #tpu.memory_space<hbm>>) target(%arg13 : memref<25x128xf32, #tpu.memory_space<vmem>>) offsets(%dma_start3A_228 : memref<25xi32, #tpu.memory_space<vmem>>) semaphore(%arg21 : memref<!tpu.dma_semaphore, #tpu.memory_space<semaphore_mem>>)
        %dma_wait3A_232 = arith.constant 9 : i32
        %dma_wait3A_233 = arith.constant 0 : i32
        %dma_wait3A_234 = tpu.memref_slice %arg6[%dma_wait3A_232, %dma_wait3A_233] : memref<16x25xi32, #tpu.memory_space<vmem>> -> memref<1x25xi32, #tpu.memory_space<vmem>>
        %dma_wait3A_235 = tpu.memref_squeeze %dma_wait3A_234 : memref<1x25xi32, #tpu.memory_space<vmem>> -> memref<25xi32, #tpu.memory_space<vmem>>
        %dma_wait3A_236 = arith.constant 0 : i32
        %dma_wait3A_237 = arith.constant 0 : i32
        %dma_wait3A_238 = tpu.memref_slice %arg2[%dma_wait3A_236, %dma_wait3A_237] : memref<10000x128xf32, #tpu.memory_space<hbm>> -> memref<10000x128xf32, #tpu.memory_space<hbm>>
        tpu.wait_indirect_dma semaphore(%arg19 : memref<!tpu.dma_semaphore, #tpu.memory_space<semaphore_mem>>) src(%dma_wait3A_238 : memref<10000x128xf32, #tpu.memory_space<hbm>>) dst(%arg11 : memref<25x128xf32, #tpu.memory_space<vmem>>)
        %run_scoped3A_239 = arith.constant 9 : i32
        "tpu.region"() ({
          %run_scoped3A_343 = tpu.sem_alloc : memref<!tpu.dma_semaphore, #tpu.memory_space<semaphore_mem>>
          %dma_start3A_344 = arith.constant 0 : i32
          %dma_start3A_345 = tpu.memref_slice %arg7[%run_scoped3A_239, %dma_start3A_344] : memref<16x25xi32, #tpu.memory_space<vmem>> -> memref<1x25xi32, #tpu.memory_space<vmem>>
          %dma_start3A_346 = tpu.memref_squeeze %dma_start3A_345 : memref<1x25xi32, #tpu.memory_space<vmem>> -> memref<25xi32, #tpu.memory_space<vmem>>
          %dma_start3A_347 = arith.constant 0 : i32
          %dma_start3A_348 = arith.constant 0 : i32
          %dma_start3A_349 = tpu.memref_slice %arg15[%dma_start3A_347, %dma_start3A_348] : memref<10000x128xf32, #tpu.memory_space<vmem_shared>> -> memref<10000x128xf32, #tpu.memory_space<vmem_shared>>
          tpu.enqueue_indirect_dma source(%arg11 : memref<25x128xf32, #tpu.memory_space<vmem>>) target(%dma_start3A_349 : memref<10000x128xf32, #tpu.memory_space<vmem_shared>>) offsets(%dma_start3A_346 : memref<25xi32, #tpu.memory_space<vmem>>) semaphore(%run_scoped3A_343 : memref<!tpu.dma_semaphore, #tpu.memory_space<semaphore_mem>>) {add = true}
          %dma_wait3A_350 = arith.constant 0 : i32
          %dma_wait3A_351 = tpu.memref_slice %arg7[%run_scoped3A_239, %dma_wait3A_350] : memref<16x25xi32, #tpu.memory_space<vmem>> -> memref<1x25xi32, #tpu.memory_space<vmem>>
          %dma_wait3A_352 = tpu.memref_squeeze %dma_wait3A_351 : memref<1x25xi32, #tpu.memory_space<vmem>> -> memref<25xi32, #tpu.memory_space<vmem>>
          %dma_wait3A_353 = arith.constant 0 : i32
          %dma_wait3A_354 = arith.constant 0 : i32
          %dma_wait3A_355 = tpu.memref_slice %arg15[%dma_wait3A_353, %dma_wait3A_354] : memref<10000x128xf32, #tpu.memory_space<vmem_shared>> -> memref<10000x128xf32, #tpu.memory_space<vmem_shared>>
          tpu.wait_indirect_dma semaphore(%run_scoped3A_343 : memref<!tpu.dma_semaphore, #tpu.memory_space<semaphore_mem>>) src(%arg11 : memref<25x128xf32, #tpu.memory_space<vmem>>) dst(%dma_wait3A_355 : memref<10000x128xf32, #tpu.memory_space<vmem_shared>>)
          tpu.yield
        }) : () -> ()
        %dma_start3A_240 = arith.constant 12 : i32
        %dma_start3A_241 = arith.constant 0 : i32
        %dma_start3A_242 = tpu.memref_slice %arg6[%dma_start3A_240, %dma_start3A_241] : memref<16x25xi32, #tpu.memory_space<vmem>> -> memref<1x25xi32, #tpu.memory_space<vmem>>
        %dma_start3A_243 = tpu.memref_squeeze %dma_start3A_242 : memref<1x25xi32, #tpu.memory_space<vmem>> -> memref<25xi32, #tpu.memory_space<vmem>>
        %dma_start3A_244 = arith.constant 0 : i32
        %dma_start3A_245 = arith.constant 0 : i32
        %dma_start3A_246 = tpu.memref_slice %arg2[%dma_start3A_244, %dma_start3A_245] : memref<10000x128xf32, #tpu.memory_space<hbm>> -> memref<10000x128xf32, #tpu.memory_space<hbm>>
        tpu.enqueue_indirect_dma source(%dma_start3A_246 : memref<10000x128xf32, #tpu.memory_space<hbm>>) target(%arg10 : memref<25x128xf32, #tpu.memory_space<vmem>>) offsets(%dma_start3A_243 : memref<25xi32, #tpu.memory_space<vmem>>) semaphore(%arg18 : memref<!tpu.dma_semaphore, #tpu.memory_space<semaphore_mem>>)
        %dma_wait3A_247 = arith.constant 10 : i32
        %dma_wait3A_248 = arith.constant 0 : i32
        %dma_wait3A_249 = tpu.memref_slice %arg6[%dma_wait3A_247, %dma_wait3A_248] : memref<16x25xi32, #tpu.memory_space<vmem>> -> memref<1x25xi32, #tpu.memory_space<vmem>>
        %dma_wait3A_250 = tpu.memref_squeeze %dma_wait3A_249 : memref<1x25xi32, #tpu.memory_space<vmem>> -> memref<25xi32, #tpu.memory_space<vmem>>
        %dma_wait3A_251 = arith.constant 0 : i32
        %dma_wait3A_252 = arith.constant 0 : i32
        %dma_wait3A_253 = tpu.memref_slice %arg2[%dma_wait3A_251, %dma_wait3A_252] : memref<10000x128xf32, #tpu.memory_space<hbm>> -> memref<10000x128xf32, #tpu.memory_space<hbm>>
        tpu.wait_indirect_dma semaphore(%arg20 : memref<!tpu.dma_semaphore, #tpu.memory_space<semaphore_mem>>) src(%dma_wait3A_253 : memref<10000x128xf32, #tpu.memory_space<hbm>>) dst(%arg12 : memref<25x128xf32, #tpu.memory_space<vmem>>)
        %run_scoped3A_254 = arith.constant 10 : i32
        "tpu.region"() ({
          %run_scoped3A_343 = tpu.sem_alloc : memref<!tpu.dma_semaphore, #tpu.memory_space<semaphore_mem>>
          %dma_start3A_344 = arith.constant 0 : i32
          %dma_start3A_345 = tpu.memref_slice %arg7[%run_scoped3A_254, %dma_start3A_344] : memref<16x25xi32, #tpu.memory_space<vmem>> -> memref<1x25xi32, #tpu.memory_space<vmem>>
          %dma_start3A_346 = tpu.memref_squeeze %dma_start3A_345 : memref<1x25xi32, #tpu.memory_space<vmem>> -> memref<25xi32, #tpu.memory_space<vmem>>
          %dma_start3A_347 = arith.constant 0 : i32
          %dma_start3A_348 = arith.constant 0 : i32
          %dma_start3A_349 = tpu.memref_slice %arg15[%dma_start3A_347, %dma_start3A_348] : memref<10000x128xf32, #tpu.memory_space<vmem_shared>> -> memref<10000x128xf32, #tpu.memory_space<vmem_shared>>
          tpu.enqueue_indirect_dma source(%arg12 : memref<25x128xf32, #tpu.memory_space<vmem>>) target(%dma_start3A_349 : memref<10000x128xf32, #tpu.memory_space<vmem_shared>>) offsets(%dma_start3A_346 : memref<25xi32, #tpu.memory_space<vmem>>) semaphore(%run_scoped3A_343 : memref<!tpu.dma_semaphore, #tpu.memory_space<semaphore_mem>>) {add = true}
          %dma_wait3A_350 = arith.constant 0 : i32
          %dma_wait3A_351 = tpu.memref_slice %arg7[%run_scoped3A_254, %dma_wait3A_350] : memref<16x25xi32, #tpu.memory_space<vmem>> -> memref<1x25xi32, #tpu.memory_space<vmem>>
          %dma_wait3A_352 = tpu.memref_squeeze %dma_wait3A_351 : memref<1x25xi32, #tpu.memory_space<vmem>> -> memref<25xi32, #tpu.memory_space<vmem>>
          %dma_wait3A_353 = arith.constant 0 : i32
          %dma_wait3A_354 = arith.constant 0 : i32
          %dma_wait3A_355 = tpu.memref_slice %arg15[%dma_wait3A_353, %dma_wait3A_354] : memref<10000x128xf32, #tpu.memory_space<vmem_shared>> -> memref<10000x128xf32, #tpu.memory_space<vmem_shared>>
          tpu.wait_indirect_dma semaphore(%run_scoped3A_343 : memref<!tpu.dma_semaphore, #tpu.memory_space<semaphore_mem>>) src(%arg12 : memref<25x128xf32, #tpu.memory_space<vmem>>) dst(%dma_wait3A_355 : memref<10000x128xf32, #tpu.memory_space<vmem_shared>>)
          tpu.yield
        }) : () -> ()
        %dma_start3A_255 = arith.constant 13 : i32
        %dma_start3A_256 = arith.constant 0 : i32
        %dma_start3A_257 = tpu.memref_slice %arg6[%dma_start3A_255, %dma_start3A_256] : memref<16x25xi32, #tpu.memory_space<vmem>> -> memref<1x25xi32, #tpu.memory_space<vmem>>
        %dma_start3A_258 = tpu.memref_squeeze %dma_start3A_257 : memref<1x25xi32, #tpu.memory_space<vmem>> -> memref<25xi32, #tpu.memory_space<vmem>>
        %dma_start3A_259 = arith.constant 0 : i32
        %dma_start3A_260 = arith.constant 0 : i32
        %dma_start3A_261 = tpu.memref_slice %arg2[%dma_start3A_259, %dma_start3A_260] : memref<10000x128xf32, #tpu.memory_space<hbm>> -> memref<10000x128xf32, #tpu.memory_space<hbm>>
        tpu.enqueue_indirect_dma source(%dma_start3A_261 : memref<10000x128xf32, #tpu.memory_space<hbm>>) target(%arg11 : memref<25x128xf32, #tpu.memory_space<vmem>>) offsets(%dma_start3A_258 : memref<25xi32, #tpu.memory_space<vmem>>) semaphore(%arg19 : memref<!tpu.dma_semaphore, #tpu.memory_space<semaphore_mem>>)
        %dma_wait3A_262 = arith.constant 11 : i32
        %dma_wait3A_263 = arith.constant 0 : i32
        %dma_wait3A_264 = tpu.memref_slice %arg6[%dma_wait3A_262, %dma_wait3A_263] : memref<16x25xi32, #tpu.memory_space<vmem>> -> memref<1x25xi32, #tpu.memory_space<vmem>>
        %dma_wait3A_265 = tpu.memref_squeeze %dma_wait3A_264 : memref<1x25xi32, #tpu.memory_space<vmem>> -> memref<25xi32, #tpu.memory_space<vmem>>
        %dma_wait3A_266 = arith.constant 0 : i32
        %dma_wait3A_267 = arith.constant 0 : i32
        %dma_wait3A_268 = tpu.memref_slice %arg2[%dma_wait3A_266, %dma_wait3A_267] : memref<10000x128xf32, #tpu.memory_space<hbm>> -> memref<10000x128xf32, #tpu.memory_space<hbm>>
        tpu.wait_indirect_dma semaphore(%arg21 : memref<!tpu.dma_semaphore, #tpu.memory_space<semaphore_mem>>) src(%dma_wait3A_268 : memref<10000x128xf32, #tpu.memory_space<hbm>>) dst(%arg13 : memref<25x128xf32, #tpu.memory_space<vmem>>)
        %run_scoped3A_269 = arith.constant 11 : i32
        "tpu.region"() ({
          %run_scoped3A_343 = tpu.sem_alloc : memref<!tpu.dma_semaphore, #tpu.memory_space<semaphore_mem>>
          %dma_start3A_344 = arith.constant 0 : i32
          %dma_start3A_345 = tpu.memref_slice %arg7[%run_scoped3A_269, %dma_start3A_344] : memref<16x25xi32, #tpu.memory_space<vmem>> -> memref<1x25xi32, #tpu.memory_space<vmem>>
          %dma_start3A_346 = tpu.memref_squeeze %dma_start3A_345 : memref<1x25xi32, #tpu.memory_space<vmem>> -> memref<25xi32, #tpu.memory_space<vmem>>
          %dma_start3A_347 = arith.constant 0 : i32
          %dma_start3A_348 = arith.constant 0 : i32
          %dma_start3A_349 = tpu.memref_slice %arg15[%dma_start3A_347, %dma_start3A_348] : memref<10000x128xf32, #tpu.memory_space<vmem_shared>> -> memref<10000x128xf32, #tpu.memory_space<vmem_shared>>
          tpu.enqueue_indirect_dma source(%arg13 : memref<25x128xf32, #tpu.memory_space<vmem>>) target(%dma_start3A_349 : memref<10000x128xf32, #tpu.memory_space<vmem_shared>>) offsets(%dma_start3A_346 : memref<25xi32, #tpu.memory_space<vmem>>) semaphore(%run_scoped3A_343 : memref<!tpu.dma_semaphore, #tpu.memory_space<semaphore_mem>>) {add = true}
          %dma_wait3A_350 = arith.constant 0 : i32
          %dma_wait3A_351 = tpu.memref_slice %arg7[%run_scoped3A_269, %dma_wait3A_350] : memref<16x25xi32, #tpu.memory_space<vmem>> -> memref<1x25xi32, #tpu.memory_space<vmem>>
          %dma_wait3A_352 = tpu.memref_squeeze %dma_wait3A_351 : memref<1x25xi32, #tpu.memory_space<vmem>> -> memref<25xi32, #tpu.memory_space<vmem>>
          %dma_wait3A_353 = arith.constant 0 : i32
          %dma_wait3A_354 = arith.constant 0 : i32
          %dma_wait3A_355 = tpu.memref_slice %arg15[%dma_wait3A_353, %dma_wait3A_354] : memref<10000x128xf32, #tpu.memory_space<vmem_shared>> -> memref<10000x128xf32, #tpu.memory_space<vmem_shared>>
          tpu.wait_indirect_dma semaphore(%run_scoped3A_343 : memref<!tpu.dma_semaphore, #tpu.memory_space<semaphore_mem>>) src(%arg13 : memref<25x128xf32, #tpu.memory_space<vmem>>) dst(%dma_wait3A_355 : memref<10000x128xf32, #tpu.memory_space<vmem_shared>>)
          tpu.yield
        }) : () -> ()
        %dma_start3A_270 = arith.constant 14 : i32
        %dma_start3A_271 = arith.constant 0 : i32
        %dma_start3A_272 = tpu.memref_slice %arg6[%dma_start3A_270, %dma_start3A_271] : memref<16x25xi32, #tpu.memory_space<vmem>> -> memref<1x25xi32, #tpu.memory_space<vmem>>
        %dma_start3A_273 = tpu.memref_squeeze %dma_start3A_272 : memref<1x25xi32, #tpu.memory_space<vmem>> -> memref<25xi32, #tpu.memory_space<vmem>>
        %dma_start3A_274 = arith.constant 0 : i32
        %dma_start3A_275 = arith.constant 0 : i32
        %dma_start3A_276 = tpu.memref_slice %arg2[%dma_start3A_274, %dma_start3A_275] : memref<10000x128xf32, #tpu.memory_space<hbm>> -> memref<10000x128xf32, #tpu.memory_space<hbm>>
        tpu.enqueue_indirect_dma source(%dma_start3A_276 : memref<10000x128xf32, #tpu.memory_space<hbm>>) target(%arg12 : memref<25x128xf32, #tpu.memory_space<vmem>>) offsets(%dma_start3A_273 : memref<25xi32, #tpu.memory_space<vmem>>) semaphore(%arg20 : memref<!tpu.dma_semaphore, #tpu.memory_space<semaphore_mem>>)
        %dma_wait3A_277 = arith.constant 12 : i32
        %dma_wait3A_278 = arith.constant 0 : i32
        %dma_wait3A_279 = tpu.memref_slice %arg6[%dma_wait3A_277, %dma_wait3A_278] : memref<16x25xi32, #tpu.memory_space<vmem>> -> memref<1x25xi32, #tpu.memory_space<vmem>>
        %dma_wait3A_280 = tpu.memref_squeeze %dma_wait3A_279 : memref<1x25xi32, #tpu.memory_space<vmem>> -> memref<25xi32, #tpu.memory_space<vmem>>
        %dma_wait3A_281 = arith.constant 0 : i32
        %dma_wait3A_282 = arith.constant 0 : i32
        %dma_wait3A_283 = tpu.memref_slice %arg2[%dma_wait3A_281, %dma_wait3A_282] : memref<10000x128xf32, #tpu.memory_space<hbm>> -> memref<10000x128xf32, #tpu.memory_space<hbm>>
        tpu.wait_indirect_dma semaphore(%arg18 : memref<!tpu.dma_semaphore, #tpu.memory_space<semaphore_mem>>) src(%dma_wait3A_283 : memref<10000x128xf32, #tpu.memory_space<hbm>>) dst(%arg10 : memref<25x128xf32, #tpu.memory_space<vmem>>)
        %run_scoped3A_284 = arith.constant 12 : i32
        "tpu.region"() ({
          %run_scoped3A_343 = tpu.sem_alloc : memref<!tpu.dma_semaphore, #tpu.memory_space<semaphore_mem>>
          %dma_start3A_344 = arith.constant 0 : i32
          %dma_start3A_345 = tpu.memref_slice %arg7[%run_scoped3A_284, %dma_start3A_344] : memref<16x25xi32, #tpu.memory_space<vmem>> -> memref<1x25xi32, #tpu.memory_space<vmem>>
          %dma_start3A_346 = tpu.memref_squeeze %dma_start3A_345 : memref<1x25xi32, #tpu.memory_space<vmem>> -> memref<25xi32, #tpu.memory_space<vmem>>
          %dma_start3A_347 = arith.constant 0 : i32
          %dma_start3A_348 = arith.constant 0 : i32
          %dma_start3A_349 = tpu.memref_slice %arg15[%dma_start3A_347, %dma_start3A_348] : memref<10000x128xf32, #tpu.memory_space<vmem_shared>> -> memref<10000x128xf32, #tpu.memory_space<vmem_shared>>
          tpu.enqueue_indirect_dma source(%arg10 : memref<25x128xf32, #tpu.memory_space<vmem>>) target(%dma_start3A_349 : memref<10000x128xf32, #tpu.memory_space<vmem_shared>>) offsets(%dma_start3A_346 : memref<25xi32, #tpu.memory_space<vmem>>) semaphore(%run_scoped3A_343 : memref<!tpu.dma_semaphore, #tpu.memory_space<semaphore_mem>>) {add = true}
          %dma_wait3A_350 = arith.constant 0 : i32
          %dma_wait3A_351 = tpu.memref_slice %arg7[%run_scoped3A_284, %dma_wait3A_350] : memref<16x25xi32, #tpu.memory_space<vmem>> -> memref<1x25xi32, #tpu.memory_space<vmem>>
          %dma_wait3A_352 = tpu.memref_squeeze %dma_wait3A_351 : memref<1x25xi32, #tpu.memory_space<vmem>> -> memref<25xi32, #tpu.memory_space<vmem>>
          %dma_wait3A_353 = arith.constant 0 : i32
          %dma_wait3A_354 = arith.constant 0 : i32
          %dma_wait3A_355 = tpu.memref_slice %arg15[%dma_wait3A_353, %dma_wait3A_354] : memref<10000x128xf32, #tpu.memory_space<vmem_shared>> -> memref<10000x128xf32, #tpu.memory_space<vmem_shared>>
          tpu.wait_indirect_dma semaphore(%run_scoped3A_343 : memref<!tpu.dma_semaphore, #tpu.memory_space<semaphore_mem>>) src(%arg10 : memref<25x128xf32, #tpu.memory_space<vmem>>) dst(%dma_wait3A_355 : memref<10000x128xf32, #tpu.memory_space<vmem_shared>>)
          tpu.yield
        }) : () -> ()
        %dma_start3A_285 = arith.constant 15 : i32
        %dma_start3A_286 = arith.constant 0 : i32
        %dma_start3A_287 = tpu.memref_slice %arg6[%dma_start3A_285, %dma_start3A_286] : memref<16x25xi32, #tpu.memory_space<vmem>> -> memref<1x25xi32, #tpu.memory_space<vmem>>
        %dma_start3A_288 = tpu.memref_squeeze %dma_start3A_287 : memref<1x25xi32, #tpu.memory_space<vmem>> -> memref<25xi32, #tpu.memory_space<vmem>>
        %dma_start3A_289 = arith.constant 0 : i32
        %dma_start3A_290 = arith.constant 0 : i32
        %dma_start3A_291 = tpu.memref_slice %arg2[%dma_start3A_289, %dma_start3A_290] : memref<10000x128xf32, #tpu.memory_space<hbm>> -> memref<10000x128xf32, #tpu.memory_space<hbm>>
        tpu.enqueue_indirect_dma source(%dma_start3A_291 : memref<10000x128xf32, #tpu.memory_space<hbm>>) target(%arg13 : memref<25x128xf32, #tpu.memory_space<vmem>>) offsets(%dma_start3A_288 : memref<25xi32, #tpu.memory_space<vmem>>) semaphore(%arg21 : memref<!tpu.dma_semaphore, #tpu.memory_space<semaphore_mem>>)
        %dma_wait3A_292 = arith.constant 13 : i32
        %dma_wait3A_293 = arith.constant 0 : i32
        %dma_wait3A_294 = tpu.memref_slice %arg6[%dma_wait3A_292, %dma_wait3A_293] : memref<16x25xi32, #tpu.memory_space<vmem>> -> memref<1x25xi32, #tpu.memory_space<vmem>>
        %dma_wait3A_295 = tpu.memref_squeeze %dma_wait3A_294 : memref<1x25xi32, #tpu.memory_space<vmem>> -> memref<25xi32, #tpu.memory_space<vmem>>
        %dma_wait3A_296 = arith.constant 0 : i32
        %dma_wait3A_297 = arith.constant 0 : i32
        %dma_wait3A_298 = tpu.memref_slice %arg2[%dma_wait3A_296, %dma_wait3A_297] : memref<10000x128xf32, #tpu.memory_space<hbm>> -> memref<10000x128xf32, #tpu.memory_space<hbm>>
        tpu.wait_indirect_dma semaphore(%arg19 : memref<!tpu.dma_semaphore, #tpu.memory_space<semaphore_mem>>) src(%dma_wait3A_298 : memref<10000x128xf32, #tpu.memory_space<hbm>>) dst(%arg11 : memref<25x128xf32, #tpu.memory_space<vmem>>)
        %run_scoped3A_299 = arith.constant 13 : i32
        "tpu.region"() ({
          %run_scoped3A_343 = tpu.sem_alloc : memref<!tpu.dma_semaphore, #tpu.memory_space<semaphore_mem>>
          %dma_start3A_344 = arith.constant 0 : i32
          %dma_start3A_345 = tpu.memref_slice %arg7[%run_scoped3A_299, %dma_start3A_344] : memref<16x25xi32, #tpu.memory_space<vmem>> -> memref<1x25xi32, #tpu.memory_space<vmem>>
          %dma_start3A_346 = tpu.memref_squeeze %dma_start3A_345 : memref<1x25xi32, #tpu.memory_space<vmem>> -> memref<25xi32, #tpu.memory_space<vmem>>
          %dma_start3A_347 = arith.constant 0 : i32
          %dma_start3A_348 = arith.constant 0 : i32
          %dma_start3A_349 = tpu.memref_slice %arg15[%dma_start3A_347, %dma_start3A_348] : memref<10000x128xf32, #tpu.memory_space<vmem_shared>> -> memref<10000x128xf32, #tpu.memory_space<vmem_shared>>
          tpu.enqueue_indirect_dma source(%arg11 : memref<25x128xf32, #tpu.memory_space<vmem>>) target(%dma_start3A_349 : memref<10000x128xf32, #tpu.memory_space<vmem_shared>>) offsets(%dma_start3A_346 : memref<25xi32, #tpu.memory_space<vmem>>) semaphore(%run_scoped3A_343 : memref<!tpu.dma_semaphore, #tpu.memory_space<semaphore_mem>>) {add = true}
          %dma_wait3A_350 = arith.constant 0 : i32
          %dma_wait3A_351 = tpu.memref_slice %arg7[%run_scoped3A_299, %dma_wait3A_350] : memref<16x25xi32, #tpu.memory_space<vmem>> -> memref<1x25xi32, #tpu.memory_space<vmem>>
          %dma_wait3A_352 = tpu.memref_squeeze %dma_wait3A_351 : memref<1x25xi32, #tpu.memory_space<vmem>> -> memref<25xi32, #tpu.memory_space<vmem>>
          %dma_wait3A_353 = arith.constant 0 : i32
          %dma_wait3A_354 = arith.constant 0 : i32
          %dma_wait3A_355 = tpu.memref_slice %arg15[%dma_wait3A_353, %dma_wait3A_354] : memref<10000x128xf32, #tpu.memory_space<vmem_shared>> -> memref<10000x128xf32, #tpu.memory_space<vmem_shared>>
          tpu.wait_indirect_dma semaphore(%run_scoped3A_343 : memref<!tpu.dma_semaphore, #tpu.memory_space<semaphore_mem>>) src(%arg11 : memref<25x128xf32, #tpu.memory_space<vmem>>) dst(%dma_wait3A_355 : memref<10000x128xf32, #tpu.memory_space<vmem_shared>>)
          tpu.yield
        }) : () -> ()
        %lt3A_300 = arith.constant 24 : i32
        %lt3A_301 = arith.cmpi slt, %add3A_62, %lt3A_300 : i32
        %convert_element_type3A_302 = arith.extui %lt3A_301 : i1 to i32
        %cond3A_303 = arith.constant 0 : i32
        %cond3A_304 = arith.cmpi ne, %convert_element_type3A_302, %cond3A_303 : i32
        scf.if %cond3A_304 {
          %add3A_343 = arith.constant 1 : i32
          %add3A_344 = arith.addi %add3A_62, %add3A_343 : i32
          %mul3A_345 = arith.constant 16 : i32
          %mul3A_346 = arith.muli %add3A_344, %mul3A_345 : i32
          %add3A_347 = arith.addi %mul3A_4, %mul3A_346 : i32
          %multiple_of3A_348 = tpu.assume_multiple %add3A_347, 8 : i32
          %dma_wait3A_349 = arith.constant 0 : i32
          %dma_wait3A_350 = tpu.memref_slice %arg3[%multiple_of3A_348, %dma_wait3A_349] : memref<12800x25xi32, #tpu.memory_space<hbm>> -> memref<16x25xi32, #tpu.memory_space<hbm>>
          %dma_wait3A_351 = arith.constant 0 : i32
          %dma_wait3A_352 = tpu.memref_slice %arg3[%multiple_of3A_348, %dma_wait3A_351] : memref<12800x25xi32, #tpu.memory_space<hbm>> -> memref<16x25xi32, #tpu.memory_space<hbm>>
          tpu.wait_dma2 semaphore(%arg17 : memref<!tpu.dma_semaphore, #tpu.memory_space<semaphore_mem>>) src(%dma_wait3A_352 : memref<16x25xi32, #tpu.memory_space<hbm>>) dst(%arg8 : memref<16x25xi32, #tpu.memory_space<vmem>>)
          %dma_wait3A_353 = arith.constant 0 : i32
          %dma_wait3A_354 = tpu.memref_slice %arg4[%multiple_of3A_348, %dma_wait3A_353] : memref<12800x25xi32, #tpu.memory_space<hbm>> -> memref<16x25xi32, #tpu.memory_space<hbm>>
          %dma_wait3A_355 = arith.constant 0 : i32
          %dma_wait3A_356 = tpu.memref_slice %arg4[%multiple_of3A_348, %dma_wait3A_355] : memref<12800x25xi32, #tpu.memory_space<hbm>> -> memref<16x25xi32, #tpu.memory_space<hbm>>
          tpu.wait_dma2 semaphore(%arg17 : memref<!tpu.dma_semaphore, #tpu.memory_space<semaphore_mem>>) src(%dma_wait3A_356 : memref<16x25xi32, #tpu.memory_space<hbm>>) dst(%arg9 : memref<16x25xi32, #tpu.memory_space<vmem>>)
        } else {
        }
        %lt3A_305 = arith.constant 24 : i32
        %lt3A_306 = arith.cmpi slt, %add3A_62, %lt3A_305 : i32
        %convert_element_type3A_307 = arith.extui %lt3A_306 : i1 to i32
        %cond3A_308 = arith.constant 0 : i32
        %cond3A_309 = arith.cmpi ne, %convert_element_type3A_307, %cond3A_308 : i32
        scf.if %cond3A_309 {
          %dma_start3A_343 = arith.constant 0 : i32
          %dma_start3A_344 = arith.constant 0 : i32
          %dma_start3A_345 = tpu.memref_slice %arg8[%dma_start3A_343, %dma_start3A_344] : memref<16x25xi32, #tpu.memory_space<vmem>> -> memref<1x25xi32, #tpu.memory_space<vmem>>
          %dma_start3A_346 = tpu.memref_squeeze %dma_start3A_345 : memref<1x25xi32, #tpu.memory_space<vmem>> -> memref<25xi32, #tpu.memory_space<vmem>>
          %dma_start3A_347 = arith.constant 0 : i32
          %dma_start3A_348 = arith.constant 0 : i32
          %dma_start3A_349 = tpu.memref_slice %arg2[%dma_start3A_347, %dma_start3A_348] : memref<10000x128xf32, #tpu.memory_space<hbm>> -> memref<10000x128xf32, #tpu.memory_space<hbm>>
          tpu.enqueue_indirect_dma source(%dma_start3A_349 : memref<10000x128xf32, #tpu.memory_space<hbm>>) target(%arg10 : memref<25x128xf32, #tpu.memory_space<vmem>>) offsets(%dma_start3A_346 : memref<25xi32, #tpu.memory_space<vmem>>) semaphore(%arg18 : memref<!tpu.dma_semaphore, #tpu.memory_space<semaphore_mem>>)
        } else {
        }
        %dma_wait3A_310 = arith.constant 14 : i32
        %dma_wait3A_311 = arith.constant 0 : i32
        %dma_wait3A_312 = tpu.memref_slice %arg6[%dma_wait3A_310, %dma_wait3A_311] : memref<16x25xi32, #tpu.memory_space<vmem>> -> memref<1x25xi32, #tpu.memory_space<vmem>>
        %dma_wait3A_313 = tpu.memref_squeeze %dma_wait3A_312 : memref<1x25xi32, #tpu.memory_space<vmem>> -> memref<25xi32, #tpu.memory_space<vmem>>
        %dma_wait3A_314 = arith.constant 0 : i32
        %dma_wait3A_315 = arith.constant 0 : i32
        %dma_wait3A_316 = tpu.memref_slice %arg2[%dma_wait3A_314, %dma_wait3A_315] : memref<10000x128xf32, #tpu.memory_space<hbm>> -> memref<10000x128xf32, #tpu.memory_space<hbm>>
        tpu.wait_indirect_dma semaphore(%arg20 : memref<!tpu.dma_semaphore, #tpu.memory_space<semaphore_mem>>) src(%dma_wait3A_316 : memref<10000x128xf32, #tpu.memory_space<hbm>>) dst(%arg12 : memref<25x128xf32, #tpu.memory_space<vmem>>)
        %run_scoped3A_317 = arith.constant 14 : i32
        "tpu.region"() ({
          %run_scoped3A_343 = tpu.sem_alloc : memref<!tpu.dma_semaphore, #tpu.memory_space<semaphore_mem>>
          %dma_start3A_344 = arith.constant 0 : i32
          %dma_start3A_345 = tpu.memref_slice %arg7[%run_scoped3A_317, %dma_start3A_344] : memref<16x25xi32, #tpu.memory_space<vmem>> -> memref<1x25xi32, #tpu.memory_space<vmem>>
          %dma_start3A_346 = tpu.memref_squeeze %dma_start3A_345 : memref<1x25xi32, #tpu.memory_space<vmem>> -> memref<25xi32, #tpu.memory_space<vmem>>
          %dma_start3A_347 = arith.constant 0 : i32
          %dma_start3A_348 = arith.constant 0 : i32
          %dma_start3A_349 = tpu.memref_slice %arg15[%dma_start3A_347, %dma_start3A_348] : memref<10000x128xf32, #tpu.memory_space<vmem_shared>> -> memref<10000x128xf32, #tpu.memory_space<vmem_shared>>
          tpu.enqueue_indirect_dma source(%arg12 : memref<25x128xf32, #tpu.memory_space<vmem>>) target(%dma_start3A_349 : memref<10000x128xf32, #tpu.memory_space<vmem_shared>>) offsets(%dma_start3A_346 : memref<25xi32, #tpu.memory_space<vmem>>) semaphore(%run_scoped3A_343 : memref<!tpu.dma_semaphore, #tpu.memory_space<semaphore_mem>>) {add = true}
          %dma_wait3A_350 = arith.constant 0 : i32
          %dma_wait3A_351 = tpu.memref_slice %arg7[%run_scoped3A_317, %dma_wait3A_350] : memref<16x25xi32, #tpu.memory_space<vmem>> -> memref<1x25xi32, #tpu.memory_space<vmem>>
          %dma_wait3A_352 = tpu.memref_squeeze %dma_wait3A_351 : memref<1x25xi32, #tpu.memory_space<vmem>> -> memref<25xi32, #tpu.memory_space<vmem>>
          %dma_wait3A_353 = arith.constant 0 : i32
          %dma_wait3A_354 = arith.constant 0 : i32
          %dma_wait3A_355 = tpu.memref_slice %arg15[%dma_wait3A_353, %dma_wait3A_354] : memref<10000x128xf32, #tpu.memory_space<vmem_shared>> -> memref<10000x128xf32, #tpu.memory_space<vmem_shared>>
          tpu.wait_indirect_dma semaphore(%run_scoped3A_343 : memref<!tpu.dma_semaphore, #tpu.memory_space<semaphore_mem>>) src(%arg12 : memref<25x128xf32, #tpu.memory_space<vmem>>) dst(%dma_wait3A_355 : memref<10000x128xf32, #tpu.memory_space<vmem_shared>>)
          tpu.yield
        }) : () -> ()
        %lt3A_318 = arith.constant 24 : i32
        %lt3A_319 = arith.cmpi slt, %add3A_62, %lt3A_318 : i32
        %convert_element_type3A_320 = arith.extui %lt3A_319 : i1 to i32
        %cond3A_321 = arith.constant 0 : i32
        %cond3A_322 = arith.cmpi ne, %convert_element_type3A_320, %cond3A_321 : i32
        scf.if %cond3A_322 {
          %dma_start3A_343 = arith.constant 1 : i32
          %dma_start3A_344 = arith.constant 0 : i32
          %dma_start3A_345 = tpu.memref_slice %arg8[%dma_start3A_343, %dma_start3A_344] : memref<16x25xi32, #tpu.memory_space<vmem>> -> memref<1x25xi32, #tpu.memory_space<vmem>>
          %dma_start3A_346 = tpu.memref_squeeze %dma_start3A_345 : memref<1x25xi32, #tpu.memory_space<vmem>> -> memref<25xi32, #tpu.memory_space<vmem>>
          %dma_start3A_347 = arith.constant 0 : i32
          %dma_start3A_348 = arith.constant 0 : i32
          %dma_start3A_349 = tpu.memref_slice %arg2[%dma_start3A_347, %dma_start3A_348] : memref<10000x128xf32, #tpu.memory_space<hbm>> -> memref<10000x128xf32, #tpu.memory_space<hbm>>
          tpu.enqueue_indirect_dma source(%dma_start3A_349 : memref<10000x128xf32, #tpu.memory_space<hbm>>) target(%arg11 : memref<25x128xf32, #tpu.memory_space<vmem>>) offsets(%dma_start3A_346 : memref<25xi32, #tpu.memory_space<vmem>>) semaphore(%arg19 : memref<!tpu.dma_semaphore, #tpu.memory_space<semaphore_mem>>)
        } else {
        }
        %dma_wait3A_323 = arith.constant 15 : i32
        %dma_wait3A_324 = arith.constant 0 : i32
        %dma_wait3A_325 = tpu.memref_slice %arg6[%dma_wait3A_323, %dma_wait3A_324] : memref<16x25xi32, #tpu.memory_space<vmem>> -> memref<1x25xi32, #tpu.memory_space<vmem>>
        %dma_wait3A_326 = tpu.memref_squeeze %dma_wait3A_325 : memref<1x25xi32, #tpu.memory_space<vmem>> -> memref<25xi32, #tpu.memory_space<vmem>>
        %dma_wait3A_327 = arith.constant 0 : i32
        %dma_wait3A_328 = arith.constant 0 : i32
        %dma_wait3A_329 = tpu.memref_slice %arg2[%dma_wait3A_327, %dma_wait3A_328] : memref<10000x128xf32, #tpu.memory_space<hbm>> -> memref<10000x128xf32, #tpu.memory_space<hbm>>
        tpu.wait_indirect_dma semaphore(%arg21 : memref<!tpu.dma_semaphore, #tpu.memory_space<semaphore_mem>>) src(%dma_wait3A_329 : memref<10000x128xf32, #tpu.memory_space<hbm>>) dst(%arg13 : memref<25x128xf32, #tpu.memory_space<vmem>>)
        %run_scoped3A_330 = arith.constant 15 : i32
        "tpu.region"() ({
          %run_scoped3A_343 = tpu.sem_alloc : memref<!tpu.dma_semaphore, #tpu.memory_space<semaphore_mem>>
          %dma_start3A_344 = arith.constant 0 : i32
          %dma_start3A_345 = tpu.memref_slice %arg7[%run_scoped3A_330, %dma_start3A_344] : memref<16x25xi32, #tpu.memory_space<vmem>> -> memref<1x25xi32, #tpu.memory_space<vmem>>
          %dma_start3A_346 = tpu.memref_squeeze %dma_start3A_345 : memref<1x25xi32, #tpu.memory_space<vmem>> -> memref<25xi32, #tpu.memory_space<vmem>>
          %dma_start3A_347 = arith.constant 0 : i32
          %dma_start3A_348 = arith.constant 0 : i32
          %dma_start3A_349 = tpu.memref_slice %arg15[%dma_start3A_347, %dma_start3A_348] : memref<10000x128xf32, #tpu.memory_space<vmem_shared>> -> memref<10000x128xf32, #tpu.memory_space<vmem_shared>>
          tpu.enqueue_indirect_dma source(%arg13 : memref<25x128xf32, #tpu.memory_space<vmem>>) target(%dma_start3A_349 : memref<10000x128xf32, #tpu.memory_space<vmem_shared>>) offsets(%dma_start3A_346 : memref<25xi32, #tpu.memory_space<vmem>>) semaphore(%run_scoped3A_343 : memref<!tpu.dma_semaphore, #tpu.memory_space<semaphore_mem>>) {add = true}
          %dma_wait3A_350 = arith.constant 0 : i32
          %dma_wait3A_351 = tpu.memref_slice %arg7[%run_scoped3A_330, %dma_wait3A_350] : memref<16x25xi32, #tpu.memory_space<vmem>> -> memref<1x25xi32, #tpu.memory_space<vmem>>
          %dma_wait3A_352 = tpu.memref_squeeze %dma_wait3A_351 : memref<1x25xi32, #tpu.memory_space<vmem>> -> memref<25xi32, #tpu.memory_space<vmem>>
          %dma_wait3A_353 = arith.constant 0 : i32
          %dma_wait3A_354 = arith.constant 0 : i32
          %dma_wait3A_355 = tpu.memref_slice %arg15[%dma_wait3A_353, %dma_wait3A_354] : memref<10000x128xf32, #tpu.memory_space<vmem_shared>> -> memref<10000x128xf32, #tpu.memory_space<vmem_shared>>
          tpu.wait_indirect_dma semaphore(%run_scoped3A_343 : memref<!tpu.dma_semaphore, #tpu.memory_space<semaphore_mem>>) src(%arg13 : memref<25x128xf32, #tpu.memory_space<vmem>>) dst(%dma_wait3A_355 : memref<10000x128xf32, #tpu.memory_space<vmem_shared>>)
          tpu.yield
        }) : () -> ()
        %lt3A_331 = arith.constant 24 : i32
        %lt3A_332 = arith.cmpi slt, %add3A_62, %lt3A_331 : i32
        %convert_element_type3A_333 = arith.extui %lt3A_332 : i1 to i32
        %cond3A_334 = arith.constant 0 : i32
        %cond3A_335 = arith.cmpi ne, %convert_element_type3A_333, %cond3A_334 : i32
        scf.if %cond3A_335 {
          %dma_start3A_343 = arith.constant 2 : i32
          %dma_start3A_344 = arith.constant 0 : i32
          %dma_start3A_345 = tpu.memref_slice %arg8[%dma_start3A_343, %dma_start3A_344] : memref<16x25xi32, #tpu.memory_space<vmem>> -> memref<1x25xi32, #tpu.memory_space<vmem>>
          %dma_start3A_346 = tpu.memref_squeeze %dma_start3A_345 : memref<1x25xi32, #tpu.memory_space<vmem>> -> memref<25xi32, #tpu.memory_space<vmem>>
          %dma_start3A_347 = arith.constant 0 : i32
          %dma_start3A_348 = arith.constant 0 : i32
          %dma_start3A_349 = tpu.memref_slice %arg2[%dma_start3A_347, %dma_start3A_348] : memref<10000x128xf32, #tpu.memory_space<hbm>> -> memref<10000x128xf32, #tpu.memory_space<hbm>>
          tpu.enqueue_indirect_dma source(%dma_start3A_349 : memref<10000x128xf32, #tpu.memory_space<hbm>>) target(%arg12 : memref<25x128xf32, #tpu.memory_space<vmem>>) offsets(%dma_start3A_346 : memref<25xi32, #tpu.memory_space<vmem>>) semaphore(%arg20 : memref<!tpu.dma_semaphore, #tpu.memory_space<semaphore_mem>>)
        } else {
        }
        %add3A_336 = arith.constant 2 : i32
        %add3A_337 = arith.addi %add3A_62, %add3A_336 : i32
        %lt3A_338 = arith.constant 25 : i32
        %lt3A_339 = arith.cmpi slt, %add3A_337, %lt3A_338 : i32
        %convert_element_type3A_340 = arith.extui %lt3A_339 : i1 to i32
        %cond3A_341 = arith.constant 0 : i32
        %cond3A_342 = arith.cmpi ne, %convert_element_type3A_340, %cond3A_341 : i32
        scf.if %cond3A_342 {
          %add3A_343 = arith.constant 2 : i32
          %add3A_344 = arith.addi %add3A_62, %add3A_343 : i32
          %mul3A_345 = arith.constant 16 : i32
          %mul3A_346 = arith.muli %add3A_344, %mul3A_345 : i32
          %add3A_347 = arith.addi %mul3A_4, %mul3A_346 : i32
          %multiple_of3A_348 = tpu.assume_multiple %add3A_347, 8 : i32
          %dma_start3A_349 = arith.constant 0 : i32
          %dma_start3A_350 = tpu.memref_slice %arg3[%multiple_of3A_348, %dma_start3A_349] : memref<12800x25xi32, #tpu.memory_space<hbm>> -> memref<16x25xi32, #tpu.memory_space<hbm>>
          %dma_start3A_351 = arith.constant 0 : i32
          %dma_start3A_352 = tpu.memref_slice %arg3[%multiple_of3A_348, %dma_start3A_351] : memref<12800x25xi32, #tpu.memory_space<hbm>> -> memref<16x25xi32, #tpu.memory_space<hbm>>
          tpu.enqueue_dma source(%dma_start3A_352 : memref<16x25xi32, #tpu.memory_space<hbm>>) target(%arg6 : memref<16x25xi32, #tpu.memory_space<vmem>>) target_semaphore(%arg16 : memref<!tpu.dma_semaphore, #tpu.memory_space<semaphore_mem>>)
          %dma_start3A_353 = arith.constant 0 : i32
          %dma_start3A_354 = tpu.memref_slice %arg4[%multiple_of3A_348, %dma_start3A_353] : memref<12800x25xi32, #tpu.memory_space<hbm>> -> memref<16x25xi32, #tpu.memory_space<hbm>>
          %dma_start3A_355 = arith.constant 0 : i32
          %dma_start3A_356 = tpu.memref_slice %arg4[%multiple_of3A_348, %dma_start3A_355] : memref<12800x25xi32, #tpu.memory_space<hbm>> -> memref<16x25xi32, #tpu.memory_space<hbm>>
          tpu.enqueue_dma source(%dma_start3A_356 : memref<16x25xi32, #tpu.memory_space<hbm>>) target(%arg7 : memref<16x25xi32, #tpu.memory_space<vmem>>) target_semaphore(%arg16 : memref<!tpu.dma_semaphore, #tpu.memory_space<semaphore_mem>>)
        } else {
        }
      } else {
      }
      %jit3A_78 = arith.constant 2 : i32
      %eq3A_79 = arith.constant 0 : i32
      %eq3A_80 = arith.cmpi eq, %jit3A_78, %eq3A_79 : i32
      %jit3A_81 = arith.constant 1 : i32
      %select_n3A_82 = arith.select %eq3A_80, %jit3A_81, %jit3A_78 : i32
      %rem3A_83 = arith.remsi %add3A_62, %select_n3A_82 : i32
      %ne3A_84 = arith.constant 0 : i32
      %ne3A_85 = arith.cmpi ne, %rem3A_83, %ne3A_84 : i32
      %lt3A_86 = arith.constant 0 : i32
      %lt3A_87 = arith.cmpi slt, %rem3A_83, %lt3A_86 : i32
      %lt3A_88 = arith.constant 0 : i32
      %lt3A_89 = arith.cmpi slt, %select_n3A_82, %lt3A_88 : i32
      %ne3A_90 = arith.xori %lt3A_87, %lt3A_89 : i1
      %and3A_91 = arith.andi %ne3A_90, %ne3A_85 : i1
      %add3A_92 = arith.addi %rem3A_83, %select_n3A_82 : i32
      %select_n3A_93 = arith.select %and3A_91, %add3A_92, %rem3A_83 : i32
      %eq3A_94 = arith.constant 1 : i32
      %eq3A_95 = arith.cmpi eq, %select_n3A_93, %eq3A_94 : i32
      %convert_element_type3A_96 = arith.extui %eq3A_95 : i1 to i32
      %cond3A_97 = arith.constant 0 : i32
      %cond3A_98 = arith.cmpi ne, %convert_element_type3A_96, %cond3A_97 : i32
      scf.if %cond3A_98 {
        %dma_wait3A = arith.constant 0 : i32
        %dma_wait3A_99 = arith.constant 0 : i32
        %dma_wait3A_100 = tpu.memref_slice %arg8[%dma_wait3A, %dma_wait3A_99] : memref<16x25xi32, #tpu.memory_space<vmem>> -> memref<1x25xi32, #tpu.memory_space<vmem>>
        %dma_wait3A_101 = tpu.memref_squeeze %dma_wait3A_100 : memref<1x25xi32, #tpu.memory_space<vmem>> -> memref<25xi32, #tpu.memory_space<vmem>>
        %dma_wait3A_102 = arith.constant 0 : i32
        %dma_wait3A_103 = arith.constant 0 : i32
        %dma_wait3A_104 = tpu.memref_slice %arg2[%dma_wait3A_102, %dma_wait3A_103] : memref<10000x128xf32, #tpu.memory_space<hbm>> -> memref<10000x128xf32, #tpu.memory_space<hbm>>
        tpu.wait_indirect_dma semaphore(%arg18 : memref<!tpu.dma_semaphore, #tpu.memory_space<semaphore_mem>>) src(%dma_wait3A_104 : memref<10000x128xf32, #tpu.memory_space<hbm>>) dst(%arg10 : memref<25x128xf32, #tpu.memory_space<vmem>>)
        %run_scoped3A = arith.constant 0 : i32
        "tpu.region"() ({
          %run_scoped3A_343 = tpu.sem_alloc : memref<!tpu.dma_semaphore, #tpu.memory_space<semaphore_mem>>
          %dma_start3A_344 = arith.constant 0 : i32
          %dma_start3A_345 = tpu.memref_slice %arg9[%run_scoped3A, %dma_start3A_344] : memref<16x25xi32, #tpu.memory_space<vmem>> -> memref<1x25xi32, #tpu.memory_space<vmem>>
          %dma_start3A_346 = tpu.memref_squeeze %dma_start3A_345 : memref<1x25xi32, #tpu.memory_space<vmem>> -> memref<25xi32, #tpu.memory_space<vmem>>
          %dma_start3A_347 = arith.constant 0 : i32
          %dma_start3A_348 = arith.constant 0 : i32
          %dma_start3A_349 = tpu.memref_slice %arg15[%dma_start3A_347, %dma_start3A_348] : memref<10000x128xf32, #tpu.memory_space<vmem_shared>> -> memref<10000x128xf32, #tpu.memory_space<vmem_shared>>
          tpu.enqueue_indirect_dma source(%arg10 : memref<25x128xf32, #tpu.memory_space<vmem>>) target(%dma_start3A_349 : memref<10000x128xf32, #tpu.memory_space<vmem_shared>>) offsets(%dma_start3A_346 : memref<25xi32, #tpu.memory_space<vmem>>) semaphore(%run_scoped3A_343 : memref<!tpu.dma_semaphore, #tpu.memory_space<semaphore_mem>>) {add = true}
          %dma_wait3A_350 = arith.constant 0 : i32
          %dma_wait3A_351 = tpu.memref_slice %arg9[%run_scoped3A, %dma_wait3A_350] : memref<16x25xi32, #tpu.memory_space<vmem>> -> memref<1x25xi32, #tpu.memory_space<vmem>>
          %dma_wait3A_352 = tpu.memref_squeeze %dma_wait3A_351 : memref<1x25xi32, #tpu.memory_space<vmem>> -> memref<25xi32, #tpu.memory_space<vmem>>
          %dma_wait3A_353 = arith.constant 0 : i32
          %dma_wait3A_354 = arith.constant 0 : i32
          %dma_wait3A_355 = tpu.memref_slice %arg15[%dma_wait3A_353, %dma_wait3A_354] : memref<10000x128xf32, #tpu.memory_space<vmem_shared>> -> memref<10000x128xf32, #tpu.memory_space<vmem_shared>>
          tpu.wait_indirect_dma semaphore(%run_scoped3A_343 : memref<!tpu.dma_semaphore, #tpu.memory_space<semaphore_mem>>) src(%arg10 : memref<25x128xf32, #tpu.memory_space<vmem>>) dst(%dma_wait3A_355 : memref<10000x128xf32, #tpu.memory_space<vmem_shared>>)
          tpu.yield
        }) : () -> ()
        %dma_start3A_105 = arith.constant 3 : i32
        %dma_start3A_106 = arith.constant 0 : i32
        %dma_start3A_107 = tpu.memref_slice %arg8[%dma_start3A_105, %dma_start3A_106] : memref<16x25xi32, #tpu.memory_space<vmem>> -> memref<1x25xi32, #tpu.memory_space<vmem>>
        %dma_start3A_108 = tpu.memref_squeeze %dma_start3A_107 : memref<1x25xi32, #tpu.memory_space<vmem>> -> memref<25xi32, #tpu.memory_space<vmem>>
        %dma_start3A_109 = arith.constant 0 : i32
        %dma_start3A_110 = arith.constant 0 : i32
        %dma_start3A_111 = tpu.memref_slice %arg2[%dma_start3A_109, %dma_start3A_110] : memref<10000x128xf32, #tpu.memory_space<hbm>> -> memref<10000x128xf32, #tpu.memory_space<hbm>>
        tpu.enqueue_indirect_dma source(%dma_start3A_111 : memref<10000x128xf32, #tpu.memory_space<hbm>>) target(%arg13 : memref<25x128xf32, #tpu.memory_space<vmem>>) offsets(%dma_start3A_108 : memref<25xi32, #tpu.memory_space<vmem>>) semaphore(%arg21 : memref<!tpu.dma_semaphore, #tpu.memory_space<semaphore_mem>>)
        %dma_wait3A_112 = arith.constant 1 : i32
        %dma_wait3A_113 = arith.constant 0 : i32
        %dma_wait3A_114 = tpu.memref_slice %arg8[%dma_wait3A_112, %dma_wait3A_113] : memref<16x25xi32, #tpu.memory_space<vmem>> -> memref<1x25xi32, #tpu.memory_space<vmem>>
        %dma_wait3A_115 = tpu.memref_squeeze %dma_wait3A_114 : memref<1x25xi32, #tpu.memory_space<vmem>> -> memref<25xi32, #tpu.memory_space<vmem>>
        %dma_wait3A_116 = arith.constant 0 : i32
        %dma_wait3A_117 = arith.constant 0 : i32
        %dma_wait3A_118 = tpu.memref_slice %arg2[%dma_wait3A_116, %dma_wait3A_117] : memref<10000x128xf32, #tpu.memory_space<hbm>> -> memref<10000x128xf32, #tpu.memory_space<hbm>>
        tpu.wait_indirect_dma semaphore(%arg19 : memref<!tpu.dma_semaphore, #tpu.memory_space<semaphore_mem>>) src(%dma_wait3A_118 : memref<10000x128xf32, #tpu.memory_space<hbm>>) dst(%arg11 : memref<25x128xf32, #tpu.memory_space<vmem>>)
        %run_scoped3A_119 = arith.constant 1 : i32
        "tpu.region"() ({
          %run_scoped3A_343 = tpu.sem_alloc : memref<!tpu.dma_semaphore, #tpu.memory_space<semaphore_mem>>
          %dma_start3A_344 = arith.constant 0 : i32
          %dma_start3A_345 = tpu.memref_slice %arg9[%run_scoped3A_119, %dma_start3A_344] : memref<16x25xi32, #tpu.memory_space<vmem>> -> memref<1x25xi32, #tpu.memory_space<vmem>>
          %dma_start3A_346 = tpu.memref_squeeze %dma_start3A_345 : memref<1x25xi32, #tpu.memory_space<vmem>> -> memref<25xi32, #tpu.memory_space<vmem>>
          %dma_start3A_347 = arith.constant 0 : i32
          %dma_start3A_348 = arith.constant 0 : i32
          %dma_start3A_349 = tpu.memref_slice %arg15[%dma_start3A_347, %dma_start3A_348] : memref<10000x128xf32, #tpu.memory_space<vmem_shared>> -> memref<10000x128xf32, #tpu.memory_space<vmem_shared>>
          tpu.enqueue_indirect_dma source(%arg11 : memref<25x128xf32, #tpu.memory_space<vmem>>) target(%dma_start3A_349 : memref<10000x128xf32, #tpu.memory_space<vmem_shared>>) offsets(%dma_start3A_346 : memref<25xi32, #tpu.memory_space<vmem>>) semaphore(%run_scoped3A_343 : memref<!tpu.dma_semaphore, #tpu.memory_space<semaphore_mem>>) {add = true}
          %dma_wait3A_350 = arith.constant 0 : i32
          %dma_wait3A_351 = tpu.memref_slice %arg9[%run_scoped3A_119, %dma_wait3A_350] : memref<16x25xi32, #tpu.memory_space<vmem>> -> memref<1x25xi32, #tpu.memory_space<vmem>>
          %dma_wait3A_352 = tpu.memref_squeeze %dma_wait3A_351 : memref<1x25xi32, #tpu.memory_space<vmem>> -> memref<25xi32, #tpu.memory_space<vmem>>
          %dma_wait3A_353 = arith.constant 0 : i32
          %dma_wait3A_354 = arith.constant 0 : i32
          %dma_wait3A_355 = tpu.memref_slice %arg15[%dma_wait3A_353, %dma_wait3A_354] : memref<10000x128xf32, #tpu.memory_space<vmem_shared>> -> memref<10000x128xf32, #tpu.memory_space<vmem_shared>>
          tpu.wait_indirect_dma semaphore(%run_scoped3A_343 : memref<!tpu.dma_semaphore, #tpu.memory_space<semaphore_mem>>) src(%arg11 : memref<25x128xf32, #tpu.memory_space<vmem>>) dst(%dma_wait3A_355 : memref<10000x128xf32, #tpu.memory_space<vmem_shared>>)
          tpu.yield
        }) : () -> ()
        %dma_start3A_120 = arith.constant 4 : i32
        %dma_start3A_121 = arith.constant 0 : i32
        %dma_start3A_122 = tpu.memref_slice %arg8[%dma_start3A_120, %dma_start3A_121] : memref<16x25xi32, #tpu.memory_space<vmem>> -> memref<1x25xi32, #tpu.memory_space<vmem>>
        %dma_start3A_123 = tpu.memref_squeeze %dma_start3A_122 : memref<1x25xi32, #tpu.memory_space<vmem>> -> memref<25xi32, #tpu.memory_space<vmem>>
        %dma_start3A_124 = arith.constant 0 : i32
        %dma_start3A_125 = arith.constant 0 : i32
        %dma_start3A_126 = tpu.memref_slice %arg2[%dma_start3A_124, %dma_start3A_125] : memref<10000x128xf32, #tpu.memory_space<hbm>> -> memref<10000x128xf32, #tpu.memory_space<hbm>>
        tpu.enqueue_indirect_dma source(%dma_start3A_126 : memref<10000x128xf32, #tpu.memory_space<hbm>>) target(%arg10 : memref<25x128xf32, #tpu.memory_space<vmem>>) offsets(%dma_start3A_123 : memref<25xi32, #tpu.memory_space<vmem>>) semaphore(%arg18 : memref<!tpu.dma_semaphore, #tpu.memory_space<semaphore_mem>>)
        %dma_wait3A_127 = arith.constant 2 : i32
        %dma_wait3A_128 = arith.constant 0 : i32
        %dma_wait3A_129 = tpu.memref_slice %arg8[%dma_wait3A_127, %dma_wait3A_128] : memref<16x25xi32, #tpu.memory_space<vmem>> -> memref<1x25xi32, #tpu.memory_space<vmem>>
        %dma_wait3A_130 = tpu.memref_squeeze %dma_wait3A_129 : memref<1x25xi32, #tpu.memory_space<vmem>> -> memref<25xi32, #tpu.memory_space<vmem>>
        %dma_wait3A_131 = arith.constant 0 : i32
        %dma_wait3A_132 = arith.constant 0 : i32
        %dma_wait3A_133 = tpu.memref_slice %arg2[%dma_wait3A_131, %dma_wait3A_132] : memref<10000x128xf32, #tpu.memory_space<hbm>> -> memref<10000x128xf32, #tpu.memory_space<hbm>>
        tpu.wait_indirect_dma semaphore(%arg20 : memref<!tpu.dma_semaphore, #tpu.memory_space<semaphore_mem>>) src(%dma_wait3A_133 : memref<10000x128xf32, #tpu.memory_space<hbm>>) dst(%arg12 : memref<25x128xf32, #tpu.memory_space<vmem>>)
        %run_scoped3A_134 = arith.constant 2 : i32
        "tpu.region"() ({
          %run_scoped3A_343 = tpu.sem_alloc : memref<!tpu.dma_semaphore, #tpu.memory_space<semaphore_mem>>
          %dma_start3A_344 = arith.constant 0 : i32
          %dma_start3A_345 = tpu.memref_slice %arg9[%run_scoped3A_134, %dma_start3A_344] : memref<16x25xi32, #tpu.memory_space<vmem>> -> memref<1x25xi32, #tpu.memory_space<vmem>>
          %dma_start3A_346 = tpu.memref_squeeze %dma_start3A_345 : memref<1x25xi32, #tpu.memory_space<vmem>> -> memref<25xi32, #tpu.memory_space<vmem>>
          %dma_start3A_347 = arith.constant 0 : i32
          %dma_start3A_348 = arith.constant 0 : i32
          %dma_start3A_349 = tpu.memref_slice %arg15[%dma_start3A_347, %dma_start3A_348] : memref<10000x128xf32, #tpu.memory_space<vmem_shared>> -> memref<10000x128xf32, #tpu.memory_space<vmem_shared>>
          tpu.enqueue_indirect_dma source(%arg12 : memref<25x128xf32, #tpu.memory_space<vmem>>) target(%dma_start3A_349 : memref<10000x128xf32, #tpu.memory_space<vmem_shared>>) offsets(%dma_start3A_346 : memref<25xi32, #tpu.memory_space<vmem>>) semaphore(%run_scoped3A_343 : memref<!tpu.dma_semaphore, #tpu.memory_space<semaphore_mem>>) {add = true}
          %dma_wait3A_350 = arith.constant 0 : i32
          %dma_wait3A_351 = tpu.memref_slice %arg9[%run_scoped3A_134, %dma_wait3A_350] : memref<16x25xi32, #tpu.memory_space<vmem>> -> memref<1x25xi32, #tpu.memory_space<vmem>>
          %dma_wait3A_352 = tpu.memref_squeeze %dma_wait3A_351 : memref<1x25xi32, #tpu.memory_space<vmem>> -> memref<25xi32, #tpu.memory_space<vmem>>
          %dma_wait3A_353 = arith.constant 0 : i32
          %dma_wait3A_354 = arith.constant 0 : i32
          %dma_wait3A_355 = tpu.memref_slice %arg15[%dma_wait3A_353, %dma_wait3A_354] : memref<10000x128xf32, #tpu.memory_space<vmem_shared>> -> memref<10000x128xf32, #tpu.memory_space<vmem_shared>>
          tpu.wait_indirect_dma semaphore(%run_scoped3A_343 : memref<!tpu.dma_semaphore, #tpu.memory_space<semaphore_mem>>) src(%arg12 : memref<25x128xf32, #tpu.memory_space<vmem>>) dst(%dma_wait3A_355 : memref<10000x128xf32, #tpu.memory_space<vmem_shared>>)
          tpu.yield
        }) : () -> ()
        %dma_start3A_135 = arith.constant 5 : i32
        %dma_start3A_136 = arith.constant 0 : i32
        %dma_start3A_137 = tpu.memref_slice %arg8[%dma_start3A_135, %dma_start3A_136] : memref<16x25xi32, #tpu.memory_space<vmem>> -> memref<1x25xi32, #tpu.memory_space<vmem>>
        %dma_start3A_138 = tpu.memref_squeeze %dma_start3A_137 : memref<1x25xi32, #tpu.memory_space<vmem>> -> memref<25xi32, #tpu.memory_space<vmem>>
        %dma_start3A_139 = arith.constant 0 : i32
        %dma_start3A_140 = arith.constant 0 : i32
        %dma_start3A_141 = tpu.memref_slice %arg2[%dma_start3A_139, %dma_start3A_140] : memref<10000x128xf32, #tpu.memory_space<hbm>> -> memref<10000x128xf32, #tpu.memory_space<hbm>>
        tpu.enqueue_indirect_dma source(%dma_start3A_141 : memref<10000x128xf32, #tpu.memory_space<hbm>>) target(%arg11 : memref<25x128xf32, #tpu.memory_space<vmem>>) offsets(%dma_start3A_138 : memref<25xi32, #tpu.memory_space<vmem>>) semaphore(%arg19 : memref<!tpu.dma_semaphore, #tpu.memory_space<semaphore_mem>>)
        %dma_wait3A_142 = arith.constant 3 : i32
        %dma_wait3A_143 = arith.constant 0 : i32
        %dma_wait3A_144 = tpu.memref_slice %arg8[%dma_wait3A_142, %dma_wait3A_143] : memref<16x25xi32, #tpu.memory_space<vmem>> -> memref<1x25xi32, #tpu.memory_space<vmem>>
        %dma_wait3A_145 = tpu.memref_squeeze %dma_wait3A_144 : memref<1x25xi32, #tpu.memory_space<vmem>> -> memref<25xi32, #tpu.memory_space<vmem>>
        %dma_wait3A_146 = arith.constant 0 : i32
        %dma_wait3A_147 = arith.constant 0 : i32
        %dma_wait3A_148 = tpu.memref_slice %arg2[%dma_wait3A_146, %dma_wait3A_147] : memref<10000x128xf32, #tpu.memory_space<hbm>> -> memref<10000x128xf32, #tpu.memory_space<hbm>>
        tpu.wait_indirect_dma semaphore(%arg21 : memref<!tpu.dma_semaphore, #tpu.memory_space<semaphore_mem>>) src(%dma_wait3A_148 : memref<10000x128xf32, #tpu.memory_space<hbm>>) dst(%arg13 : memref<25x128xf32, #tpu.memory_space<vmem>>)
        %run_scoped3A_149 = arith.constant 3 : i32
        "tpu.region"() ({
          %run_scoped3A_343 = tpu.sem_alloc : memref<!tpu.dma_semaphore, #tpu.memory_space<semaphore_mem>>
          %dma_start3A_344 = arith.constant 0 : i32
          %dma_start3A_345 = tpu.memref_slice %arg9[%run_scoped3A_149, %dma_start3A_344] : memref<16x25xi32, #tpu.memory_space<vmem>> -> memref<1x25xi32, #tpu.memory_space<vmem>>
          %dma_start3A_346 = tpu.memref_squeeze %dma_start3A_345 : memref<1x25xi32, #tpu.memory_space<vmem>> -> memref<25xi32, #tpu.memory_space<vmem>>
          %dma_start3A_347 = arith.constant 0 : i32
          %dma_start3A_348 = arith.constant 0 : i32
          %dma_start3A_349 = tpu.memref_slice %arg15[%dma_start3A_347, %dma_start3A_348] : memref<10000x128xf32, #tpu.memory_space<vmem_shared>> -> memref<10000x128xf32, #tpu.memory_space<vmem_shared>>
          tpu.enqueue_indirect_dma source(%arg13 : memref<25x128xf32, #tpu.memory_space<vmem>>) target(%dma_start3A_349 : memref<10000x128xf32, #tpu.memory_space<vmem_shared>>) offsets(%dma_start3A_346 : memref<25xi32, #tpu.memory_space<vmem>>) semaphore(%run_scoped3A_343 : memref<!tpu.dma_semaphore, #tpu.memory_space<semaphore_mem>>) {add = true}
          %dma_wait3A_350 = arith.constant 0 : i32
          %dma_wait3A_351 = tpu.memref_slice %arg9[%run_scoped3A_149, %dma_wait3A_350] : memref<16x25xi32, #tpu.memory_space<vmem>> -> memref<1x25xi32, #tpu.memory_space<vmem>>
          %dma_wait3A_352 = tpu.memref_squeeze %dma_wait3A_351 : memref<1x25xi32, #tpu.memory_space<vmem>> -> memref<25xi32, #tpu.memory_space<vmem>>
          %dma_wait3A_353 = arith.constant 0 : i32
          %dma_wait3A_354 = arith.constant 0 : i32
          %dma_wait3A_355 = tpu.memref_slice %arg15[%dma_wait3A_353, %dma_wait3A_354] : memref<10000x128xf32, #tpu.memory_space<vmem_shared>> -> memref<10000x128xf32, #tpu.memory_space<vmem_shared>>
          tpu.wait_indirect_dma semaphore(%run_scoped3A_343 : memref<!tpu.dma_semaphore, #tpu.memory_space<semaphore_mem>>) src(%arg13 : memref<25x128xf32, #tpu.memory_space<vmem>>) dst(%dma_wait3A_355 : memref<10000x128xf32, #tpu.memory_space<vmem_shared>>)
          tpu.yield
        }) : () -> ()
        %dma_start3A_150 = arith.constant 6 : i32
        %dma_start3A_151 = arith.constant 0 : i32
        %dma_start3A_152 = tpu.memref_slice %arg8[%dma_start3A_150, %dma_start3A_151] : memref<16x25xi32, #tpu.memory_space<vmem>> -> memref<1x25xi32, #tpu.memory_space<vmem>>
        %dma_start3A_153 = tpu.memref_squeeze %dma_start3A_152 : memref<1x25xi32, #tpu.memory_space<vmem>> -> memref<25xi32, #tpu.memory_space<vmem>>
        %dma_start3A_154 = arith.constant 0 : i32
        %dma_start3A_155 = arith.constant 0 : i32
        %dma_start3A_156 = tpu.memref_slice %arg2[%dma_start3A_154, %dma_start3A_155] : memref<10000x128xf32, #tpu.memory_space<hbm>> -> memref<10000x128xf32, #tpu.memory_space<hbm>>
        tpu.enqueue_indirect_dma source(%dma_start3A_156 : memref<10000x128xf32, #tpu.memory_space<hbm>>) target(%arg12 : memref<25x128xf32, #tpu.memory_space<vmem>>) offsets(%dma_start3A_153 : memref<25xi32, #tpu.memory_space<vmem>>) semaphore(%arg20 : memref<!tpu.dma_semaphore, #tpu.memory_space<semaphore_mem>>)
        %dma_wait3A_157 = arith.constant 4 : i32
        %dma_wait3A_158 = arith.constant 0 : i32
        %dma_wait3A_159 = tpu.memref_slice %arg8[%dma_wait3A_157, %dma_wait3A_158] : memref<16x25xi32, #tpu.memory_space<vmem>> -> memref<1x25xi32, #tpu.memory_space<vmem>>
        %dma_wait3A_160 = tpu.memref_squeeze %dma_wait3A_159 : memref<1x25xi32, #tpu.memory_space<vmem>> -> memref<25xi32, #tpu.memory_space<vmem>>
        %dma_wait3A_161 = arith.constant 0 : i32
        %dma_wait3A_162 = arith.constant 0 : i32
        %dma_wait3A_163 = tpu.memref_slice %arg2[%dma_wait3A_161, %dma_wait3A_162] : memref<10000x128xf32, #tpu.memory_space<hbm>> -> memref<10000x128xf32, #tpu.memory_space<hbm>>
        tpu.wait_indirect_dma semaphore(%arg18 : memref<!tpu.dma_semaphore, #tpu.memory_space<semaphore_mem>>) src(%dma_wait3A_163 : memref<10000x128xf32, #tpu.memory_space<hbm>>) dst(%arg10 : memref<25x128xf32, #tpu.memory_space<vmem>>)
        %run_scoped3A_164 = arith.constant 4 : i32
        "tpu.region"() ({
          %run_scoped3A_343 = tpu.sem_alloc : memref<!tpu.dma_semaphore, #tpu.memory_space<semaphore_mem>>
          %dma_start3A_344 = arith.constant 0 : i32
          %dma_start3A_345 = tpu.memref_slice %arg9[%run_scoped3A_164, %dma_start3A_344] : memref<16x25xi32, #tpu.memory_space<vmem>> -> memref<1x25xi32, #tpu.memory_space<vmem>>
          %dma_start3A_346 = tpu.memref_squeeze %dma_start3A_345 : memref<1x25xi32, #tpu.memory_space<vmem>> -> memref<25xi32, #tpu.memory_space<vmem>>
          %dma_start3A_347 = arith.constant 0 : i32
          %dma_start3A_348 = arith.constant 0 : i32
          %dma_start3A_349 = tpu.memref_slice %arg15[%dma_start3A_347, %dma_start3A_348] : memref<10000x128xf32, #tpu.memory_space<vmem_shared>> -> memref<10000x128xf32, #tpu.memory_space<vmem_shared>>
          tpu.enqueue_indirect_dma source(%arg10 : memref<25x128xf32, #tpu.memory_space<vmem>>) target(%dma_start3A_349 : memref<10000x128xf32, #tpu.memory_space<vmem_shared>>) offsets(%dma_start3A_346 : memref<25xi32, #tpu.memory_space<vmem>>) semaphore(%run_scoped3A_343 : memref<!tpu.dma_semaphore, #tpu.memory_space<semaphore_mem>>) {add = true}
          %dma_wait3A_350 = arith.constant 0 : i32
          %dma_wait3A_351 = tpu.memref_slice %arg9[%run_scoped3A_164, %dma_wait3A_350] : memref<16x25xi32, #tpu.memory_space<vmem>> -> memref<1x25xi32, #tpu.memory_space<vmem>>
          %dma_wait3A_352 = tpu.memref_squeeze %dma_wait3A_351 : memref<1x25xi32, #tpu.memory_space<vmem>> -> memref<25xi32, #tpu.memory_space<vmem>>
          %dma_wait3A_353 = arith.constant 0 : i32
          %dma_wait3A_354 = arith.constant 0 : i32
          %dma_wait3A_355 = tpu.memref_slice %arg15[%dma_wait3A_353, %dma_wait3A_354] : memref<10000x128xf32, #tpu.memory_space<vmem_shared>> -> memref<10000x128xf32, #tpu.memory_space<vmem_shared>>
          tpu.wait_indirect_dma semaphore(%run_scoped3A_343 : memref<!tpu.dma_semaphore, #tpu.memory_space<semaphore_mem>>) src(%arg10 : memref<25x128xf32, #tpu.memory_space<vmem>>) dst(%dma_wait3A_355 : memref<10000x128xf32, #tpu.memory_space<vmem_shared>>)
          tpu.yield
        }) : () -> ()
        %dma_start3A_165 = arith.constant 7 : i32
        %dma_start3A_166 = arith.constant 0 : i32
        %dma_start3A_167 = tpu.memref_slice %arg8[%dma_start3A_165, %dma_start3A_166] : memref<16x25xi32, #tpu.memory_space<vmem>> -> memref<1x25xi32, #tpu.memory_space<vmem>>
        %dma_start3A_168 = tpu.memref_squeeze %dma_start3A_167 : memref<1x25xi32, #tpu.memory_space<vmem>> -> memref<25xi32, #tpu.memory_space<vmem>>
        %dma_start3A_169 = arith.constant 0 : i32
        %dma_start3A_170 = arith.constant 0 : i32
        %dma_start3A_171 = tpu.memref_slice %arg2[%dma_start3A_169, %dma_start3A_170] : memref<10000x128xf32, #tpu.memory_space<hbm>> -> memref<10000x128xf32, #tpu.memory_space<hbm>>
        tpu.enqueue_indirect_dma source(%dma_start3A_171 : memref<10000x128xf32, #tpu.memory_space<hbm>>) target(%arg13 : memref<25x128xf32, #tpu.memory_space<vmem>>) offsets(%dma_start3A_168 : memref<25xi32, #tpu.memory_space<vmem>>) semaphore(%arg21 : memref<!tpu.dma_semaphore, #tpu.memory_space<semaphore_mem>>)
        %dma_wait3A_172 = arith.constant 5 : i32
        %dma_wait3A_173 = arith.constant 0 : i32
        %dma_wait3A_174 = tpu.memref_slice %arg8[%dma_wait3A_172, %dma_wait3A_173] : memref<16x25xi32, #tpu.memory_space<vmem>> -> memref<1x25xi32, #tpu.memory_space<vmem>>
        %dma_wait3A_175 = tpu.memref_squeeze %dma_wait3A_174 : memref<1x25xi32, #tpu.memory_space<vmem>> -> memref<25xi32, #tpu.memory_space<vmem>>
        %dma_wait3A_176 = arith.constant 0 : i32
        %dma_wait3A_177 = arith.constant 0 : i32
        %dma_wait3A_178 = tpu.memref_slice %arg2[%dma_wait3A_176, %dma_wait3A_177] : memref<10000x128xf32, #tpu.memory_space<hbm>> -> memref<10000x128xf32, #tpu.memory_space<hbm>>
        tpu.wait_indirect_dma semaphore(%arg19 : memref<!tpu.dma_semaphore, #tpu.memory_space<semaphore_mem>>) src(%dma_wait3A_178 : memref<10000x128xf32, #tpu.memory_space<hbm>>) dst(%arg11 : memref<25x128xf32, #tpu.memory_space<vmem>>)
        %run_scoped3A_179 = arith.constant 5 : i32
        "tpu.region"() ({
          %run_scoped3A_343 = tpu.sem_alloc : memref<!tpu.dma_semaphore, #tpu.memory_space<semaphore_mem>>
          %dma_start3A_344 = arith.constant 0 : i32
          %dma_start3A_345 = tpu.memref_slice %arg9[%run_scoped3A_179, %dma_start3A_344] : memref<16x25xi32, #tpu.memory_space<vmem>> -> memref<1x25xi32, #tpu.memory_space<vmem>>
          %dma_start3A_346 = tpu.memref_squeeze %dma_start3A_345 : memref<1x25xi32, #tpu.memory_space<vmem>> -> memref<25xi32, #tpu.memory_space<vmem>>
          %dma_start3A_347 = arith.constant 0 : i32
          %dma_start3A_348 = arith.constant 0 : i32
          %dma_start3A_349 = tpu.memref_slice %arg15[%dma_start3A_347, %dma_start3A_348] : memref<10000x128xf32, #tpu.memory_space<vmem_shared>> -> memref<10000x128xf32, #tpu.memory_space<vmem_shared>>
          tpu.enqueue_indirect_dma source(%arg11 : memref<25x128xf32, #tpu.memory_space<vmem>>) target(%dma_start3A_349 : memref<10000x128xf32, #tpu.memory_space<vmem_shared>>) offsets(%dma_start3A_346 : memref<25xi32, #tpu.memory_space<vmem>>) semaphore(%run_scoped3A_343 : memref<!tpu.dma_semaphore, #tpu.memory_space<semaphore_mem>>) {add = true}
          %dma_wait3A_350 = arith.constant 0 : i32
          %dma_wait3A_351 = tpu.memref_slice %arg9[%run_scoped3A_179, %dma_wait3A_350] : memref<16x25xi32, #tpu.memory_space<vmem>> -> memref<1x25xi32, #tpu.memory_space<vmem>>
          %dma_wait3A_352 = tpu.memref_squeeze %dma_wait3A_351 : memref<1x25xi32, #tpu.memory_space<vmem>> -> memref<25xi32, #tpu.memory_space<vmem>>
          %dma_wait3A_353 = arith.constant 0 : i32
          %dma_wait3A_354 = arith.constant 0 : i32
          %dma_wait3A_355 = tpu.memref_slice %arg15[%dma_wait3A_353, %dma_wait3A_354] : memref<10000x128xf32, #tpu.memory_space<vmem_shared>> -> memref<10000x128xf32, #tpu.memory_space<vmem_shared>>
          tpu.wait_indirect_dma semaphore(%run_scoped3A_343 : memref<!tpu.dma_semaphore, #tpu.memory_space<semaphore_mem>>) src(%arg11 : memref<25x128xf32, #tpu.memory_space<vmem>>) dst(%dma_wait3A_355 : memref<10000x128xf32, #tpu.memory_space<vmem_shared>>)
          tpu.yield
        }) : () -> ()
        %dma_start3A_180 = arith.constant 8 : i32
        %dma_start3A_181 = arith.constant 0 : i32
        %dma_start3A_182 = tpu.memref_slice %arg8[%dma_start3A_180, %dma_start3A_181] : memref<16x25xi32, #tpu.memory_space<vmem>> -> memref<1x25xi32, #tpu.memory_space<vmem>>
        %dma_start3A_183 = tpu.memref_squeeze %dma_start3A_182 : memref<1x25xi32, #tpu.memory_space<vmem>> -> memref<25xi32, #tpu.memory_space<vmem>>
        %dma_start3A_184 = arith.constant 0 : i32
        %dma_start3A_185 = arith.constant 0 : i32
        %dma_start3A_186 = tpu.memref_slice %arg2[%dma_start3A_184, %dma_start3A_185] : memref<10000x128xf32, #tpu.memory_space<hbm>> -> memref<10000x128xf32, #tpu.memory_space<hbm>>
        tpu.enqueue_indirect_dma source(%dma_start3A_186 : memref<10000x128xf32, #tpu.memory_space<hbm>>) target(%arg10 : memref<25x128xf32, #tpu.memory_space<vmem>>) offsets(%dma_start3A_183 : memref<25xi32, #tpu.memory_space<vmem>>) semaphore(%arg18 : memref<!tpu.dma_semaphore, #tpu.memory_space<semaphore_mem>>)
        %dma_wait3A_187 = arith.constant 6 : i32
        %dma_wait3A_188 = arith.constant 0 : i32
        %dma_wait3A_189 = tpu.memref_slice %arg8[%dma_wait3A_187, %dma_wait3A_188] : memref<16x25xi32, #tpu.memory_space<vmem>> -> memref<1x25xi32, #tpu.memory_space<vmem>>
        %dma_wait3A_190 = tpu.memref_squeeze %dma_wait3A_189 : memref<1x25xi32, #tpu.memory_space<vmem>> -> memref<25xi32, #tpu.memory_space<vmem>>
        %dma_wait3A_191 = arith.constant 0 : i32
        %dma_wait3A_192 = arith.constant 0 : i32
        %dma_wait3A_193 = tpu.memref_slice %arg2[%dma_wait3A_191, %dma_wait3A_192] : memref<10000x128xf32, #tpu.memory_space<hbm>> -> memref<10000x128xf32, #tpu.memory_space<hbm>>
        tpu.wait_indirect_dma semaphore(%arg20 : memref<!tpu.dma_semaphore, #tpu.memory_space<semaphore_mem>>) src(%dma_wait3A_193 : memref<10000x128xf32, #tpu.memory_space<hbm>>) dst(%arg12 : memref<25x128xf32, #tpu.memory_space<vmem>>)
        %run_scoped3A_194 = arith.constant 6 : i32
        "tpu.region"() ({
          %run_scoped3A_343 = tpu.sem_alloc : memref<!tpu.dma_semaphore, #tpu.memory_space<semaphore_mem>>
          %dma_start3A_344 = arith.constant 0 : i32
          %dma_start3A_345 = tpu.memref_slice %arg9[%run_scoped3A_194, %dma_start3A_344] : memref<16x25xi32, #tpu.memory_space<vmem>> -> memref<1x25xi32, #tpu.memory_space<vmem>>
          %dma_start3A_346 = tpu.memref_squeeze %dma_start3A_345 : memref<1x25xi32, #tpu.memory_space<vmem>> -> memref<25xi32, #tpu.memory_space<vmem>>
          %dma_start3A_347 = arith.constant 0 : i32
          %dma_start3A_348 = arith.constant 0 : i32
          %dma_start3A_349 = tpu.memref_slice %arg15[%dma_start3A_347, %dma_start3A_348] : memref<10000x128xf32, #tpu.memory_space<vmem_shared>> -> memref<10000x128xf32, #tpu.memory_space<vmem_shared>>
          tpu.enqueue_indirect_dma source(%arg12 : memref<25x128xf32, #tpu.memory_space<vmem>>) target(%dma_start3A_349 : memref<10000x128xf32, #tpu.memory_space<vmem_shared>>) offsets(%dma_start3A_346 : memref<25xi32, #tpu.memory_space<vmem>>) semaphore(%run_scoped3A_343 : memref<!tpu.dma_semaphore, #tpu.memory_space<semaphore_mem>>) {add = true}
          %dma_wait3A_350 = arith.constant 0 : i32
          %dma_wait3A_351 = tpu.memref_slice %arg9[%run_scoped3A_194, %dma_wait3A_350] : memref<16x25xi32, #tpu.memory_space<vmem>> -> memref<1x25xi32, #tpu.memory_space<vmem>>
          %dma_wait3A_352 = tpu.memref_squeeze %dma_wait3A_351 : memref<1x25xi32, #tpu.memory_space<vmem>> -> memref<25xi32, #tpu.memory_space<vmem>>
          %dma_wait3A_353 = arith.constant 0 : i32
          %dma_wait3A_354 = arith.constant 0 : i32
          %dma_wait3A_355 = tpu.memref_slice %arg15[%dma_wait3A_353, %dma_wait3A_354] : memref<10000x128xf32, #tpu.memory_space<vmem_shared>> -> memref<10000x128xf32, #tpu.memory_space<vmem_shared>>
          tpu.wait_indirect_dma semaphore(%run_scoped3A_343 : memref<!tpu.dma_semaphore, #tpu.memory_space<semaphore_mem>>) src(%arg12 : memref<25x128xf32, #tpu.memory_space<vmem>>) dst(%dma_wait3A_355 : memref<10000x128xf32, #tpu.memory_space<vmem_shared>>)
          tpu.yield
        }) : () -> ()
        %dma_start3A_195 = arith.constant 9 : i32
        %dma_start3A_196 = arith.constant 0 : i32
        %dma_start3A_197 = tpu.memref_slice %arg8[%dma_start3A_195, %dma_start3A_196] : memref<16x25xi32, #tpu.memory_space<vmem>> -> memref<1x25xi32, #tpu.memory_space<vmem>>
        %dma_start3A_198 = tpu.memref_squeeze %dma_start3A_197 : memref<1x25xi32, #tpu.memory_space<vmem>> -> memref<25xi32, #tpu.memory_space<vmem>>
        %dma_start3A_199 = arith.constant 0 : i32
        %dma_start3A_200 = arith.constant 0 : i32
        %dma_start3A_201 = tpu.memref_slice %arg2[%dma_start3A_199, %dma_start3A_200] : memref<10000x128xf32, #tpu.memory_space<hbm>> -> memref<10000x128xf32, #tpu.memory_space<hbm>>
        tpu.enqueue_indirect_dma source(%dma_start3A_201 : memref<10000x128xf32, #tpu.memory_space<hbm>>) target(%arg11 : memref<25x128xf32, #tpu.memory_space<vmem>>) offsets(%dma_start3A_198 : memref<25xi32, #tpu.memory_space<vmem>>) semaphore(%arg19 : memref<!tpu.dma_semaphore, #tpu.memory_space<semaphore_mem>>)
        %dma_wait3A_202 = arith.constant 7 : i32
        %dma_wait3A_203 = arith.constant 0 : i32
        %dma_wait3A_204 = tpu.memref_slice %arg8[%dma_wait3A_202, %dma_wait3A_203] : memref<16x25xi32, #tpu.memory_space<vmem>> -> memref<1x25xi32, #tpu.memory_space<vmem>>
        %dma_wait3A_205 = tpu.memref_squeeze %dma_wait3A_204 : memref<1x25xi32, #tpu.memory_space<vmem>> -> memref<25xi32, #tpu.memory_space<vmem>>
        %dma_wait3A_206 = arith.constant 0 : i32
        %dma_wait3A_207 = arith.constant 0 : i32
        %dma_wait3A_208 = tpu.memref_slice %arg2[%dma_wait3A_206, %dma_wait3A_207] : memref<10000x128xf32, #tpu.memory_space<hbm>> -> memref<10000x128xf32, #tpu.memory_space<hbm>>
        tpu.wait_indirect_dma semaphore(%arg21 : memref<!tpu.dma_semaphore, #tpu.memory_space<semaphore_mem>>) src(%dma_wait3A_208 : memref<10000x128xf32, #tpu.memory_space<hbm>>) dst(%arg13 : memref<25x128xf32, #tpu.memory_space<vmem>>)
        %run_scoped3A_209 = arith.constant 7 : i32
        "tpu.region"() ({
          %run_scoped3A_343 = tpu.sem_alloc : memref<!tpu.dma_semaphore, #tpu.memory_space<semaphore_mem>>
          %dma_start3A_344 = arith.constant 0 : i32
          %dma_start3A_345 = tpu.memref_slice %arg9[%run_scoped3A_209, %dma_start3A_344] : memref<16x25xi32, #tpu.memory_space<vmem>> -> memref<1x25xi32, #tpu.memory_space<vmem>>
          %dma_start3A_346 = tpu.memref_squeeze %dma_start3A_345 : memref<1x25xi32, #tpu.memory_space<vmem>> -> memref<25xi32, #tpu.memory_space<vmem>>
          %dma_start3A_347 = arith.constant 0 : i32
          %dma_start3A_348 = arith.constant 0 : i32
          %dma_start3A_349 = tpu.memref_slice %arg15[%dma_start3A_347, %dma_start3A_348] : memref<10000x128xf32, #tpu.memory_space<vmem_shared>> -> memref<10000x128xf32, #tpu.memory_space<vmem_shared>>
          tpu.enqueue_indirect_dma source(%arg13 : memref<25x128xf32, #tpu.memory_space<vmem>>) target(%dma_start3A_349 : memref<10000x128xf32, #tpu.memory_space<vmem_shared>>) offsets(%dma_start3A_346 : memref<25xi32, #tpu.memory_space<vmem>>) semaphore(%run_scoped3A_343 : memref<!tpu.dma_semaphore, #tpu.memory_space<semaphore_mem>>) {add = true}
          %dma_wait3A_350 = arith.constant 0 : i32
          %dma_wait3A_351 = tpu.memref_slice %arg9[%run_scoped3A_209, %dma_wait3A_350] : memref<16x25xi32, #tpu.memory_space<vmem>> -> memref<1x25xi32, #tpu.memory_space<vmem>>
          %dma_wait3A_352 = tpu.memref_squeeze %dma_wait3A_351 : memref<1x25xi32, #tpu.memory_space<vmem>> -> memref<25xi32, #tpu.memory_space<vmem>>
          %dma_wait3A_353 = arith.constant 0 : i32
          %dma_wait3A_354 = arith.constant 0 : i32
          %dma_wait3A_355 = tpu.memref_slice %arg15[%dma_wait3A_353, %dma_wait3A_354] : memref<10000x128xf32, #tpu.memory_space<vmem_shared>> -> memref<10000x128xf32, #tpu.memory_space<vmem_shared>>
          tpu.wait_indirect_dma semaphore(%run_scoped3A_343 : memref<!tpu.dma_semaphore, #tpu.memory_space<semaphore_mem>>) src(%arg13 : memref<25x128xf32, #tpu.memory_space<vmem>>) dst(%dma_wait3A_355 : memref<10000x128xf32, #tpu.memory_space<vmem_shared>>)
          tpu.yield
        }) : () -> ()
        %dma_start3A_210 = arith.constant 10 : i32
        %dma_start3A_211 = arith.constant 0 : i32
        %dma_start3A_212 = tpu.memref_slice %arg8[%dma_start3A_210, %dma_start3A_211] : memref<16x25xi32, #tpu.memory_space<vmem>> -> memref<1x25xi32, #tpu.memory_space<vmem>>
        %dma_start3A_213 = tpu.memref_squeeze %dma_start3A_212 : memref<1x25xi32, #tpu.memory_space<vmem>> -> memref<25xi32, #tpu.memory_space<vmem>>
        %dma_start3A_214 = arith.constant 0 : i32
        %dma_start3A_215 = arith.constant 0 : i32
        %dma_start3A_216 = tpu.memref_slice %arg2[%dma_start3A_214, %dma_start3A_215] : memref<10000x128xf32, #tpu.memory_space<hbm>> -> memref<10000x128xf32, #tpu.memory_space<hbm>>
        tpu.enqueue_indirect_dma source(%dma_start3A_216 : memref<10000x128xf32, #tpu.memory_space<hbm>>) target(%arg12 : memref<25x128xf32, #tpu.memory_space<vmem>>) offsets(%dma_start3A_213 : memref<25xi32, #tpu.memory_space<vmem>>) semaphore(%arg20 : memref<!tpu.dma_semaphore, #tpu.memory_space<semaphore_mem>>)
        %dma_wait3A_217 = arith.constant 8 : i32
        %dma_wait3A_218 = arith.constant 0 : i32
        %dma_wait3A_219 = tpu.memref_slice %arg8[%dma_wait3A_217, %dma_wait3A_218] : memref<16x25xi32, #tpu.memory_space<vmem>> -> memref<1x25xi32, #tpu.memory_space<vmem>>
        %dma_wait3A_220 = tpu.memref_squeeze %dma_wait3A_219 : memref<1x25xi32, #tpu.memory_space<vmem>> -> memref<25xi32, #tpu.memory_space<vmem>>
        %dma_wait3A_221 = arith.constant 0 : i32
        %dma_wait3A_222 = arith.constant 0 : i32
        %dma_wait3A_223 = tpu.memref_slice %arg2[%dma_wait3A_221, %dma_wait3A_222] : memref<10000x128xf32, #tpu.memory_space<hbm>> -> memref<10000x128xf32, #tpu.memory_space<hbm>>
        tpu.wait_indirect_dma semaphore(%arg18 : memref<!tpu.dma_semaphore, #tpu.memory_space<semaphore_mem>>) src(%dma_wait3A_223 : memref<10000x128xf32, #tpu.memory_space<hbm>>) dst(%arg10 : memref<25x128xf32, #tpu.memory_space<vmem>>)
        %run_scoped3A_224 = arith.constant 8 : i32
        "tpu.region"() ({
          %run_scoped3A_343 = tpu.sem_alloc : memref<!tpu.dma_semaphore, #tpu.memory_space<semaphore_mem>>
          %dma_start3A_344 = arith.constant 0 : i32
          %dma_start3A_345 = tpu.memref_slice %arg9[%run_scoped3A_224, %dma_start3A_344] : memref<16x25xi32, #tpu.memory_space<vmem>> -> memref<1x25xi32, #tpu.memory_space<vmem>>
          %dma_start3A_346 = tpu.memref_squeeze %dma_start3A_345 : memref<1x25xi32, #tpu.memory_space<vmem>> -> memref<25xi32, #tpu.memory_space<vmem>>
          %dma_start3A_347 = arith.constant 0 : i32
          %dma_start3A_348 = arith.constant 0 : i32
          %dma_start3A_349 = tpu.memref_slice %arg15[%dma_start3A_347, %dma_start3A_348] : memref<10000x128xf32, #tpu.memory_space<vmem_shared>> -> memref<10000x128xf32, #tpu.memory_space<vmem_shared>>
          tpu.enqueue_indirect_dma source(%arg10 : memref<25x128xf32, #tpu.memory_space<vmem>>) target(%dma_start3A_349 : memref<10000x128xf32, #tpu.memory_space<vmem_shared>>) offsets(%dma_start3A_346 : memref<25xi32, #tpu.memory_space<vmem>>) semaphore(%run_scoped3A_343 : memref<!tpu.dma_semaphore, #tpu.memory_space<semaphore_mem>>) {add = true}
          %dma_wait3A_350 = arith.constant 0 : i32
          %dma_wait3A_351 = tpu.memref_slice %arg9[%run_scoped3A_224, %dma_wait3A_350] : memref<16x25xi32, #tpu.memory_space<vmem>> -> memref<1x25xi32, #tpu.memory_space<vmem>>
          %dma_wait3A_352 = tpu.memref_squeeze %dma_wait3A_351 : memref<1x25xi32, #tpu.memory_space<vmem>> -> memref<25xi32, #tpu.memory_space<vmem>>
          %dma_wait3A_353 = arith.constant 0 : i32
          %dma_wait3A_354 = arith.constant 0 : i32
          %dma_wait3A_355 = tpu.memref_slice %arg15[%dma_wait3A_353, %dma_wait3A_354] : memref<10000x128xf32, #tpu.memory_space<vmem_shared>> -> memref<10000x128xf32, #tpu.memory_space<vmem_shared>>
          tpu.wait_indirect_dma semaphore(%run_scoped3A_343 : memref<!tpu.dma_semaphore, #tpu.memory_space<semaphore_mem>>) src(%arg10 : memref<25x128xf32, #tpu.memory_space<vmem>>) dst(%dma_wait3A_355 : memref<10000x128xf32, #tpu.memory_space<vmem_shared>>)
          tpu.yield
        }) : () -> ()
        %dma_start3A_225 = arith.constant 11 : i32
        %dma_start3A_226 = arith.constant 0 : i32
        %dma_start3A_227 = tpu.memref_slice %arg8[%dma_start3A_225, %dma_start3A_226] : memref<16x25xi32, #tpu.memory_space<vmem>> -> memref<1x25xi32, #tpu.memory_space<vmem>>
        %dma_start3A_228 = tpu.memref_squeeze %dma_start3A_227 : memref<1x25xi32, #tpu.memory_space<vmem>> -> memref<25xi32, #tpu.memory_space<vmem>>
        %dma_start3A_229 = arith.constant 0 : i32
        %dma_start3A_230 = arith.constant 0 : i32
        %dma_start3A_231 = tpu.memref_slice %arg2[%dma_start3A_229, %dma_start3A_230] : memref<10000x128xf32, #tpu.memory_space<hbm>> -> memref<10000x128xf32, #tpu.memory_space<hbm>>
        tpu.enqueue_indirect_dma source(%dma_start3A_231 : memref<10000x128xf32, #tpu.memory_space<hbm>>) target(%arg13 : memref<25x128xf32, #tpu.memory_space<vmem>>) offsets(%dma_start3A_228 : memref<25xi32, #tpu.memory_space<vmem>>) semaphore(%arg21 : memref<!tpu.dma_semaphore, #tpu.memory_space<semaphore_mem>>)
        %dma_wait3A_232 = arith.constant 9 : i32
        %dma_wait3A_233 = arith.constant 0 : i32
        %dma_wait3A_234 = tpu.memref_slice %arg8[%dma_wait3A_232, %dma_wait3A_233] : memref<16x25xi32, #tpu.memory_space<vmem>> -> memref<1x25xi32, #tpu.memory_space<vmem>>
        %dma_wait3A_235 = tpu.memref_squeeze %dma_wait3A_234 : memref<1x25xi32, #tpu.memory_space<vmem>> -> memref<25xi32, #tpu.memory_space<vmem>>
        %dma_wait3A_236 = arith.constant 0 : i32
        %dma_wait3A_237 = arith.constant 0 : i32
        %dma_wait3A_238 = tpu.memref_slice %arg2[%dma_wait3A_236, %dma_wait3A_237] : memref<10000x128xf32, #tpu.memory_space<hbm>> -> memref<10000x128xf32, #tpu.memory_space<hbm>>
        tpu.wait_indirect_dma semaphore(%arg19 : memref<!tpu.dma_semaphore, #tpu.memory_space<semaphore_mem>>) src(%dma_wait3A_238 : memref<10000x128xf32, #tpu.memory_space<hbm>>) dst(%arg11 : memref<25x128xf32, #tpu.memory_space<vmem>>)
        %run_scoped3A_239 = arith.constant 9 : i32
        "tpu.region"() ({
          %run_scoped3A_343 = tpu.sem_alloc : memref<!tpu.dma_semaphore, #tpu.memory_space<semaphore_mem>>
          %dma_start3A_344 = arith.constant 0 : i32
          %dma_start3A_345 = tpu.memref_slice %arg9[%run_scoped3A_239, %dma_start3A_344] : memref<16x25xi32, #tpu.memory_space<vmem>> -> memref<1x25xi32, #tpu.memory_space<vmem>>
          %dma_start3A_346 = tpu.memref_squeeze %dma_start3A_345 : memref<1x25xi32, #tpu.memory_space<vmem>> -> memref<25xi32, #tpu.memory_space<vmem>>
          %dma_start3A_347 = arith.constant 0 : i32
          %dma_start3A_348 = arith.constant 0 : i32
          %dma_start3A_349 = tpu.memref_slice %arg15[%dma_start3A_347, %dma_start3A_348] : memref<10000x128xf32, #tpu.memory_space<vmem_shared>> -> memref<10000x128xf32, #tpu.memory_space<vmem_shared>>
          tpu.enqueue_indirect_dma source(%arg11 : memref<25x128xf32, #tpu.memory_space<vmem>>) target(%dma_start3A_349 : memref<10000x128xf32, #tpu.memory_space<vmem_shared>>) offsets(%dma_start3A_346 : memref<25xi32, #tpu.memory_space<vmem>>) semaphore(%run_scoped3A_343 : memref<!tpu.dma_semaphore, #tpu.memory_space<semaphore_mem>>) {add = true}
          %dma_wait3A_350 = arith.constant 0 : i32
          %dma_wait3A_351 = tpu.memref_slice %arg9[%run_scoped3A_239, %dma_wait3A_350] : memref<16x25xi32, #tpu.memory_space<vmem>> -> memref<1x25xi32, #tpu.memory_space<vmem>>
          %dma_wait3A_352 = tpu.memref_squeeze %dma_wait3A_351 : memref<1x25xi32, #tpu.memory_space<vmem>> -> memref<25xi32, #tpu.memory_space<vmem>>
          %dma_wait3A_353 = arith.constant 0 : i32
          %dma_wait3A_354 = arith.constant 0 : i32
          %dma_wait3A_355 = tpu.memref_slice %arg15[%dma_wait3A_353, %dma_wait3A_354] : memref<10000x128xf32, #tpu.memory_space<vmem_shared>> -> memref<10000x128xf32, #tpu.memory_space<vmem_shared>>
          tpu.wait_indirect_dma semaphore(%run_scoped3A_343 : memref<!tpu.dma_semaphore, #tpu.memory_space<semaphore_mem>>) src(%arg11 : memref<25x128xf32, #tpu.memory_space<vmem>>) dst(%dma_wait3A_355 : memref<10000x128xf32, #tpu.memory_space<vmem_shared>>)
          tpu.yield
        }) : () -> ()
        %dma_start3A_240 = arith.constant 12 : i32
        %dma_start3A_241 = arith.constant 0 : i32
        %dma_start3A_242 = tpu.memref_slice %arg8[%dma_start3A_240, %dma_start3A_241] : memref<16x25xi32, #tpu.memory_space<vmem>> -> memref<1x25xi32, #tpu.memory_space<vmem>>
        %dma_start3A_243 = tpu.memref_squeeze %dma_start3A_242 : memref<1x25xi32, #tpu.memory_space<vmem>> -> memref<25xi32, #tpu.memory_space<vmem>>
        %dma_start3A_244 = arith.constant 0 : i32
        %dma_start3A_245 = arith.constant 0 : i32
        %dma_start3A_246 = tpu.memref_slice %arg2[%dma_start3A_244, %dma_start3A_245] : memref<10000x128xf32, #tpu.memory_space<hbm>> -> memref<10000x128xf32, #tpu.memory_space<hbm>>
        tpu.enqueue_indirect_dma source(%dma_start3A_246 : memref<10000x128xf32, #tpu.memory_space<hbm>>) target(%arg10 : memref<25x128xf32, #tpu.memory_space<vmem>>) offsets(%dma_start3A_243 : memref<25xi32, #tpu.memory_space<vmem>>) semaphore(%arg18 : memref<!tpu.dma_semaphore, #tpu.memory_space<semaphore_mem>>)
        %dma_wait3A_247 = arith.constant 10 : i32
        %dma_wait3A_248 = arith.constant 0 : i32
        %dma_wait3A_249 = tpu.memref_slice %arg8[%dma_wait3A_247, %dma_wait3A_248] : memref<16x25xi32, #tpu.memory_space<vmem>> -> memref<1x25xi32, #tpu.memory_space<vmem>>
        %dma_wait3A_250 = tpu.memref_squeeze %dma_wait3A_249 : memref<1x25xi32, #tpu.memory_space<vmem>> -> memref<25xi32, #tpu.memory_space<vmem>>
        %dma_wait3A_251 = arith.constant 0 : i32
        %dma_wait3A_252 = arith.constant 0 : i32
        %dma_wait3A_253 = tpu.memref_slice %arg2[%dma_wait3A_251, %dma_wait3A_252] : memref<10000x128xf32, #tpu.memory_space<hbm>> -> memref<10000x128xf32, #tpu.memory_space<hbm>>
        tpu.wait_indirect_dma semaphore(%arg20 : memref<!tpu.dma_semaphore, #tpu.memory_space<semaphore_mem>>) src(%dma_wait3A_253 : memref<10000x128xf32, #tpu.memory_space<hbm>>) dst(%arg12 : memref<25x128xf32, #tpu.memory_space<vmem>>)
        %run_scoped3A_254 = arith.constant 10 : i32
        "tpu.region"() ({
          %run_scoped3A_343 = tpu.sem_alloc : memref<!tpu.dma_semaphore, #tpu.memory_space<semaphore_mem>>
          %dma_start3A_344 = arith.constant 0 : i32
          %dma_start3A_345 = tpu.memref_slice %arg9[%run_scoped3A_254, %dma_start3A_344] : memref<16x25xi32, #tpu.memory_space<vmem>> -> memref<1x25xi32, #tpu.memory_space<vmem>>
          %dma_start3A_346 = tpu.memref_squeeze %dma_start3A_345 : memref<1x25xi32, #tpu.memory_space<vmem>> -> memref<25xi32, #tpu.memory_space<vmem>>
          %dma_start3A_347 = arith.constant 0 : i32
          %dma_start3A_348 = arith.constant 0 : i32
          %dma_start3A_349 = tpu.memref_slice %arg15[%dma_start3A_347, %dma_start3A_348] : memref<10000x128xf32, #tpu.memory_space<vmem_shared>> -> memref<10000x128xf32, #tpu.memory_space<vmem_shared>>
          tpu.enqueue_indirect_dma source(%arg12 : memref<25x128xf32, #tpu.memory_space<vmem>>) target(%dma_start3A_349 : memref<10000x128xf32, #tpu.memory_space<vmem_shared>>) offsets(%dma_start3A_346 : memref<25xi32, #tpu.memory_space<vmem>>) semaphore(%run_scoped3A_343 : memref<!tpu.dma_semaphore, #tpu.memory_space<semaphore_mem>>) {add = true}
          %dma_wait3A_350 = arith.constant 0 : i32
          %dma_wait3A_351 = tpu.memref_slice %arg9[%run_scoped3A_254, %dma_wait3A_350] : memref<16x25xi32, #tpu.memory_space<vmem>> -> memref<1x25xi32, #tpu.memory_space<vmem>>
          %dma_wait3A_352 = tpu.memref_squeeze %dma_wait3A_351 : memref<1x25xi32, #tpu.memory_space<vmem>> -> memref<25xi32, #tpu.memory_space<vmem>>
          %dma_wait3A_353 = arith.constant 0 : i32
          %dma_wait3A_354 = arith.constant 0 : i32
          %dma_wait3A_355 = tpu.memref_slice %arg15[%dma_wait3A_353, %dma_wait3A_354] : memref<10000x128xf32, #tpu.memory_space<vmem_shared>> -> memref<10000x128xf32, #tpu.memory_space<vmem_shared>>
          tpu.wait_indirect_dma semaphore(%run_scoped3A_343 : memref<!tpu.dma_semaphore, #tpu.memory_space<semaphore_mem>>) src(%arg12 : memref<25x128xf32, #tpu.memory_space<vmem>>) dst(%dma_wait3A_355 : memref<10000x128xf32, #tpu.memory_space<vmem_shared>>)
          tpu.yield
        }) : () -> ()
        %dma_start3A_255 = arith.constant 13 : i32
        %dma_start3A_256 = arith.constant 0 : i32
        %dma_start3A_257 = tpu.memref_slice %arg8[%dma_start3A_255, %dma_start3A_256] : memref<16x25xi32, #tpu.memory_space<vmem>> -> memref<1x25xi32, #tpu.memory_space<vmem>>
        %dma_start3A_258 = tpu.memref_squeeze %dma_start3A_257 : memref<1x25xi32, #tpu.memory_space<vmem>> -> memref<25xi32, #tpu.memory_space<vmem>>
        %dma_start3A_259 = arith.constant 0 : i32
        %dma_start3A_260 = arith.constant 0 : i32
        %dma_start3A_261 = tpu.memref_slice %arg2[%dma_start3A_259, %dma_start3A_260] : memref<10000x128xf32, #tpu.memory_space<hbm>> -> memref<10000x128xf32, #tpu.memory_space<hbm>>
        tpu.enqueue_indirect_dma source(%dma_start3A_261 : memref<10000x128xf32, #tpu.memory_space<hbm>>) target(%arg11 : memref<25x128xf32, #tpu.memory_space<vmem>>) offsets(%dma_start3A_258 : memref<25xi32, #tpu.memory_space<vmem>>) semaphore(%arg19 : memref<!tpu.dma_semaphore, #tpu.memory_space<semaphore_mem>>)
        %dma_wait3A_262 = arith.constant 11 : i32
        %dma_wait3A_263 = arith.constant 0 : i32
        %dma_wait3A_264 = tpu.memref_slice %arg8[%dma_wait3A_262, %dma_wait3A_263] : memref<16x25xi32, #tpu.memory_space<vmem>> -> memref<1x25xi32, #tpu.memory_space<vmem>>
        %dma_wait3A_265 = tpu.memref_squeeze %dma_wait3A_264 : memref<1x25xi32, #tpu.memory_space<vmem>> -> memref<25xi32, #tpu.memory_space<vmem>>
        %dma_wait3A_266 = arith.constant 0 : i32
        %dma_wait3A_267 = arith.constant 0 : i32
        %dma_wait3A_268 = tpu.memref_slice %arg2[%dma_wait3A_266, %dma_wait3A_267] : memref<10000x128xf32, #tpu.memory_space<hbm>> -> memref<10000x128xf32, #tpu.memory_space<hbm>>
        tpu.wait_indirect_dma semaphore(%arg21 : memref<!tpu.dma_semaphore, #tpu.memory_space<semaphore_mem>>) src(%dma_wait3A_268 : memref<10000x128xf32, #tpu.memory_space<hbm>>) dst(%arg13 : memref<25x128xf32, #tpu.memory_space<vmem>>)
        %run_scoped3A_269 = arith.constant 11 : i32
        "tpu.region"() ({
          %run_scoped3A_343 = tpu.sem_alloc : memref<!tpu.dma_semaphore, #tpu.memory_space<semaphore_mem>>
          %dma_start3A_344 = arith.constant 0 : i32
          %dma_start3A_345 = tpu.memref_slice %arg9[%run_scoped3A_269, %dma_start3A_344] : memref<16x25xi32, #tpu.memory_space<vmem>> -> memref<1x25xi32, #tpu.memory_space<vmem>>
          %dma_start3A_346 = tpu.memref_squeeze %dma_start3A_345 : memref<1x25xi32, #tpu.memory_space<vmem>> -> memref<25xi32, #tpu.memory_space<vmem>>
          %dma_start3A_347 = arith.constant 0 : i32
          %dma_start3A_348 = arith.constant 0 : i32
          %dma_start3A_349 = tpu.memref_slice %arg15[%dma_start3A_347, %dma_start3A_348] : memref<10000x128xf32, #tpu.memory_space<vmem_shared>> -> memref<10000x128xf32, #tpu.memory_space<vmem_shared>>
          tpu.enqueue_indirect_dma source(%arg13 : memref<25x128xf32, #tpu.memory_space<vmem>>) target(%dma_start3A_349 : memref<10000x128xf32, #tpu.memory_space<vmem_shared>>) offsets(%dma_start3A_346 : memref<25xi32, #tpu.memory_space<vmem>>) semaphore(%run_scoped3A_343 : memref<!tpu.dma_semaphore, #tpu.memory_space<semaphore_mem>>) {add = true}
          %dma_wait3A_350 = arith.constant 0 : i32
          %dma_wait3A_351 = tpu.memref_slice %arg9[%run_scoped3A_269, %dma_wait3A_350] : memref<16x25xi32, #tpu.memory_space<vmem>> -> memref<1x25xi32, #tpu.memory_space<vmem>>
          %dma_wait3A_352 = tpu.memref_squeeze %dma_wait3A_351 : memref<1x25xi32, #tpu.memory_space<vmem>> -> memref<25xi32, #tpu.memory_space<vmem>>
          %dma_wait3A_353 = arith.constant 0 : i32
          %dma_wait3A_354 = arith.constant 0 : i32
          %dma_wait3A_355 = tpu.memref_slice %arg15[%dma_wait3A_353, %dma_wait3A_354] : memref<10000x128xf32, #tpu.memory_space<vmem_shared>> -> memref<10000x128xf32, #tpu.memory_space<vmem_shared>>
          tpu.wait_indirect_dma semaphore(%run_scoped3A_343 : memref<!tpu.dma_semaphore, #tpu.memory_space<semaphore_mem>>) src(%arg13 : memref<25x128xf32, #tpu.memory_space<vmem>>) dst(%dma_wait3A_355 : memref<10000x128xf32, #tpu.memory_space<vmem_shared>>)
          tpu.yield
        }) : () -> ()
        %dma_start3A_270 = arith.constant 14 : i32
        %dma_start3A_271 = arith.constant 0 : i32
        %dma_start3A_272 = tpu.memref_slice %arg8[%dma_start3A_270, %dma_start3A_271] : memref<16x25xi32, #tpu.memory_space<vmem>> -> memref<1x25xi32, #tpu.memory_space<vmem>>
        %dma_start3A_273 = tpu.memref_squeeze %dma_start3A_272 : memref<1x25xi32, #tpu.memory_space<vmem>> -> memref<25xi32, #tpu.memory_space<vmem>>
        %dma_start3A_274 = arith.constant 0 : i32
        %dma_start3A_275 = arith.constant 0 : i32
        %dma_start3A_276 = tpu.memref_slice %arg2[%dma_start3A_274, %dma_start3A_275] : memref<10000x128xf32, #tpu.memory_space<hbm>> -> memref<10000x128xf32, #tpu.memory_space<hbm>>
        tpu.enqueue_indirect_dma source(%dma_start3A_276 : memref<10000x128xf32, #tpu.memory_space<hbm>>) target(%arg12 : memref<25x128xf32, #tpu.memory_space<vmem>>) offsets(%dma_start3A_273 : memref<25xi32, #tpu.memory_space<vmem>>) semaphore(%arg20 : memref<!tpu.dma_semaphore, #tpu.memory_space<semaphore_mem>>)
        %dma_wait3A_277 = arith.constant 12 : i32
        %dma_wait3A_278 = arith.constant 0 : i32
        %dma_wait3A_279 = tpu.memref_slice %arg8[%dma_wait3A_277, %dma_wait3A_278] : memref<16x25xi32, #tpu.memory_space<vmem>> -> memref<1x25xi32, #tpu.memory_space<vmem>>
        %dma_wait3A_280 = tpu.memref_squeeze %dma_wait3A_279 : memref<1x25xi32, #tpu.memory_space<vmem>> -> memref<25xi32, #tpu.memory_space<vmem>>
        %dma_wait3A_281 = arith.constant 0 : i32
        %dma_wait3A_282 = arith.constant 0 : i32
        %dma_wait3A_283 = tpu.memref_slice %arg2[%dma_wait3A_281, %dma_wait3A_282] : memref<10000x128xf32, #tpu.memory_space<hbm>> -> memref<10000x128xf32, #tpu.memory_space<hbm>>
        tpu.wait_indirect_dma semaphore(%arg18 : memref<!tpu.dma_semaphore, #tpu.memory_space<semaphore_mem>>) src(%dma_wait3A_283 : memref<10000x128xf32, #tpu.memory_space<hbm>>) dst(%arg10 : memref<25x128xf32, #tpu.memory_space<vmem>>)
        %run_scoped3A_284 = arith.constant 12 : i32
        "tpu.region"() ({
          %run_scoped3A_343 = tpu.sem_alloc : memref<!tpu.dma_semaphore, #tpu.memory_space<semaphore_mem>>
          %dma_start3A_344 = arith.constant 0 : i32
          %dma_start3A_345 = tpu.memref_slice %arg9[%run_scoped3A_284, %dma_start3A_344] : memref<16x25xi32, #tpu.memory_space<vmem>> -> memref<1x25xi32, #tpu.memory_space<vmem>>
          %dma_start3A_346 = tpu.memref_squeeze %dma_start3A_345 : memref<1x25xi32, #tpu.memory_space<vmem>> -> memref<25xi32, #tpu.memory_space<vmem>>
          %dma_start3A_347 = arith.constant 0 : i32
          %dma_start3A_348 = arith.constant 0 : i32
          %dma_start3A_349 = tpu.memref_slice %arg15[%dma_start3A_347, %dma_start3A_348] : memref<10000x128xf32, #tpu.memory_space<vmem_shared>> -> memref<10000x128xf32, #tpu.memory_space<vmem_shared>>
          tpu.enqueue_indirect_dma source(%arg10 : memref<25x128xf32, #tpu.memory_space<vmem>>) target(%dma_start3A_349 : memref<10000x128xf32, #tpu.memory_space<vmem_shared>>) offsets(%dma_start3A_346 : memref<25xi32, #tpu.memory_space<vmem>>) semaphore(%run_scoped3A_343 : memref<!tpu.dma_semaphore, #tpu.memory_space<semaphore_mem>>) {add = true}
          %dma_wait3A_350 = arith.constant 0 : i32
          %dma_wait3A_351 = tpu.memref_slice %arg9[%run_scoped3A_284, %dma_wait3A_350] : memref<16x25xi32, #tpu.memory_space<vmem>> -> memref<1x25xi32, #tpu.memory_space<vmem>>
          %dma_wait3A_352 = tpu.memref_squeeze %dma_wait3A_351 : memref<1x25xi32, #tpu.memory_space<vmem>> -> memref<25xi32, #tpu.memory_space<vmem>>
          %dma_wait3A_353 = arith.constant 0 : i32
          %dma_wait3A_354 = arith.constant 0 : i32
          %dma_wait3A_355 = tpu.memref_slice %arg15[%dma_wait3A_353, %dma_wait3A_354] : memref<10000x128xf32, #tpu.memory_space<vmem_shared>> -> memref<10000x128xf32, #tpu.memory_space<vmem_shared>>
          tpu.wait_indirect_dma semaphore(%run_scoped3A_343 : memref<!tpu.dma_semaphore, #tpu.memory_space<semaphore_mem>>) src(%arg10 : memref<25x128xf32, #tpu.memory_space<vmem>>) dst(%dma_wait3A_355 : memref<10000x128xf32, #tpu.memory_space<vmem_shared>>)
          tpu.yield
        }) : () -> ()
        %dma_start3A_285 = arith.constant 15 : i32
        %dma_start3A_286 = arith.constant 0 : i32
        %dma_start3A_287 = tpu.memref_slice %arg8[%dma_start3A_285, %dma_start3A_286] : memref<16x25xi32, #tpu.memory_space<vmem>> -> memref<1x25xi32, #tpu.memory_space<vmem>>
        %dma_start3A_288 = tpu.memref_squeeze %dma_start3A_287 : memref<1x25xi32, #tpu.memory_space<vmem>> -> memref<25xi32, #tpu.memory_space<vmem>>
        %dma_start3A_289 = arith.constant 0 : i32
        %dma_start3A_290 = arith.constant 0 : i32
        %dma_start3A_291 = tpu.memref_slice %arg2[%dma_start3A_289, %dma_start3A_290] : memref<10000x128xf32, #tpu.memory_space<hbm>> -> memref<10000x128xf32, #tpu.memory_space<hbm>>
        tpu.enqueue_indirect_dma source(%dma_start3A_291 : memref<10000x128xf32, #tpu.memory_space<hbm>>) target(%arg13 : memref<25x128xf32, #tpu.memory_space<vmem>>) offsets(%dma_start3A_288 : memref<25xi32, #tpu.memory_space<vmem>>) semaphore(%arg21 : memref<!tpu.dma_semaphore, #tpu.memory_space<semaphore_mem>>)
        %dma_wait3A_292 = arith.constant 13 : i32
        %dma_wait3A_293 = arith.constant 0 : i32
        %dma_wait3A_294 = tpu.memref_slice %arg8[%dma_wait3A_292, %dma_wait3A_293] : memref<16x25xi32, #tpu.memory_space<vmem>> -> memref<1x25xi32, #tpu.memory_space<vmem>>
        %dma_wait3A_295 = tpu.memref_squeeze %dma_wait3A_294 : memref<1x25xi32, #tpu.memory_space<vmem>> -> memref<25xi32, #tpu.memory_space<vmem>>
        %dma_wait3A_296 = arith.constant 0 : i32
        %dma_wait3A_297 = arith.constant 0 : i32
        %dma_wait3A_298 = tpu.memref_slice %arg2[%dma_wait3A_296, %dma_wait3A_297] : memref<10000x128xf32, #tpu.memory_space<hbm>> -> memref<10000x128xf32, #tpu.memory_space<hbm>>
        tpu.wait_indirect_dma semaphore(%arg19 : memref<!tpu.dma_semaphore, #tpu.memory_space<semaphore_mem>>) src(%dma_wait3A_298 : memref<10000x128xf32, #tpu.memory_space<hbm>>) dst(%arg11 : memref<25x128xf32, #tpu.memory_space<vmem>>)
        %run_scoped3A_299 = arith.constant 13 : i32
        "tpu.region"() ({
          %run_scoped3A_343 = tpu.sem_alloc : memref<!tpu.dma_semaphore, #tpu.memory_space<semaphore_mem>>
          %dma_start3A_344 = arith.constant 0 : i32
          %dma_start3A_345 = tpu.memref_slice %arg9[%run_scoped3A_299, %dma_start3A_344] : memref<16x25xi32, #tpu.memory_space<vmem>> -> memref<1x25xi32, #tpu.memory_space<vmem>>
          %dma_start3A_346 = tpu.memref_squeeze %dma_start3A_345 : memref<1x25xi32, #tpu.memory_space<vmem>> -> memref<25xi32, #tpu.memory_space<vmem>>
          %dma_start3A_347 = arith.constant 0 : i32
          %dma_start3A_348 = arith.constant 0 : i32
          %dma_start3A_349 = tpu.memref_slice %arg15[%dma_start3A_347, %dma_start3A_348] : memref<10000x128xf32, #tpu.memory_space<vmem_shared>> -> memref<10000x128xf32, #tpu.memory_space<vmem_shared>>
          tpu.enqueue_indirect_dma source(%arg11 : memref<25x128xf32, #tpu.memory_space<vmem>>) target(%dma_start3A_349 : memref<10000x128xf32, #tpu.memory_space<vmem_shared>>) offsets(%dma_start3A_346 : memref<25xi32, #tpu.memory_space<vmem>>) semaphore(%run_scoped3A_343 : memref<!tpu.dma_semaphore, #tpu.memory_space<semaphore_mem>>) {add = true}
          %dma_wait3A_350 = arith.constant 0 : i32
          %dma_wait3A_351 = tpu.memref_slice %arg9[%run_scoped3A_299, %dma_wait3A_350] : memref<16x25xi32, #tpu.memory_space<vmem>> -> memref<1x25xi32, #tpu.memory_space<vmem>>
          %dma_wait3A_352 = tpu.memref_squeeze %dma_wait3A_351 : memref<1x25xi32, #tpu.memory_space<vmem>> -> memref<25xi32, #tpu.memory_space<vmem>>
          %dma_wait3A_353 = arith.constant 0 : i32
          %dma_wait3A_354 = arith.constant 0 : i32
          %dma_wait3A_355 = tpu.memref_slice %arg15[%dma_wait3A_353, %dma_wait3A_354] : memref<10000x128xf32, #tpu.memory_space<vmem_shared>> -> memref<10000x128xf32, #tpu.memory_space<vmem_shared>>
          tpu.wait_indirect_dma semaphore(%run_scoped3A_343 : memref<!tpu.dma_semaphore, #tpu.memory_space<semaphore_mem>>) src(%arg11 : memref<25x128xf32, #tpu.memory_space<vmem>>) dst(%dma_wait3A_355 : memref<10000x128xf32, #tpu.memory_space<vmem_shared>>)
          tpu.yield
        }) : () -> ()
        %lt3A_300 = arith.constant 24 : i32
        %lt3A_301 = arith.cmpi slt, %add3A_62, %lt3A_300 : i32
        %convert_element_type3A_302 = arith.extui %lt3A_301 : i1 to i32
        %cond3A_303 = arith.constant 0 : i32
        %cond3A_304 = arith.cmpi ne, %convert_element_type3A_302, %cond3A_303 : i32
        scf.if %cond3A_304 {
          %add3A_343 = arith.constant 1 : i32
          %add3A_344 = arith.addi %add3A_62, %add3A_343 : i32
          %mul3A_345 = arith.constant 16 : i32
          %mul3A_346 = arith.muli %add3A_344, %mul3A_345 : i32
          %add3A_347 = arith.addi %mul3A_4, %mul3A_346 : i32
          %multiple_of3A_348 = tpu.assume_multiple %add3A_347, 8 : i32
          %dma_wait3A_349 = arith.constant 0 : i32
          %dma_wait3A_350 = tpu.memref_slice %arg3[%multiple_of3A_348, %dma_wait3A_349] : memref<12800x25xi32, #tpu.memory_space<hbm>> -> memref<16x25xi32, #tpu.memory_space<hbm>>
          %dma_wait3A_351 = arith.constant 0 : i32
          %dma_wait3A_352 = tpu.memref_slice %arg3[%multiple_of3A_348, %dma_wait3A_351] : memref<12800x25xi32, #tpu.memory_space<hbm>> -> memref<16x25xi32, #tpu.memory_space<hbm>>
          tpu.wait_dma2 semaphore(%arg16 : memref<!tpu.dma_semaphore, #tpu.memory_space<semaphore_mem>>) src(%dma_wait3A_352 : memref<16x25xi32, #tpu.memory_space<hbm>>) dst(%arg6 : memref<16x25xi32, #tpu.memory_space<vmem>>)
          %dma_wait3A_353 = arith.constant 0 : i32
          %dma_wait3A_354 = tpu.memref_slice %arg4[%multiple_of3A_348, %dma_wait3A_353] : memref<12800x25xi32, #tpu.memory_space<hbm>> -> memref<16x25xi32, #tpu.memory_space<hbm>>
          %dma_wait3A_355 = arith.constant 0 : i32
          %dma_wait3A_356 = tpu.memref_slice %arg4[%multiple_of3A_348, %dma_wait3A_355] : memref<12800x25xi32, #tpu.memory_space<hbm>> -> memref<16x25xi32, #tpu.memory_space<hbm>>
          tpu.wait_dma2 semaphore(%arg16 : memref<!tpu.dma_semaphore, #tpu.memory_space<semaphore_mem>>) src(%dma_wait3A_356 : memref<16x25xi32, #tpu.memory_space<hbm>>) dst(%arg7 : memref<16x25xi32, #tpu.memory_space<vmem>>)
        } else {
        }
        %lt3A_305 = arith.constant 24 : i32
        %lt3A_306 = arith.cmpi slt, %add3A_62, %lt3A_305 : i32
        %convert_element_type3A_307 = arith.extui %lt3A_306 : i1 to i32
        %cond3A_308 = arith.constant 0 : i32
        %cond3A_309 = arith.cmpi ne, %convert_element_type3A_307, %cond3A_308 : i32
        scf.if %cond3A_309 {
          %dma_start3A_343 = arith.constant 0 : i32
          %dma_start3A_344 = arith.constant 0 : i32
          %dma_start3A_345 = tpu.memref_slice %arg6[%dma_start3A_343, %dma_start3A_344] : memref<16x25xi32, #tpu.memory_space<vmem>> -> memref<1x25xi32, #tpu.memory_space<vmem>>
          %dma_start3A_346 = tpu.memref_squeeze %dma_start3A_345 : memref<1x25xi32, #tpu.memory_space<vmem>> -> memref<25xi32, #tpu.memory_space<vmem>>
          %dma_start3A_347 = arith.constant 0 : i32
          %dma_start3A_348 = arith.constant 0 : i32
          %dma_start3A_349 = tpu.memref_slice %arg2[%dma_start3A_347, %dma_start3A_348] : memref<10000x128xf32, #tpu.memory_space<hbm>> -> memref<10000x128xf32, #tpu.memory_space<hbm>>
          tpu.enqueue_indirect_dma source(%dma_start3A_349 : memref<10000x128xf32, #tpu.memory_space<hbm>>) target(%arg10 : memref<25x128xf32, #tpu.memory_space<vmem>>) offsets(%dma_start3A_346 : memref<25xi32, #tpu.memory_space<vmem>>) semaphore(%arg18 : memref<!tpu.dma_semaphore, #tpu.memory_space<semaphore_mem>>)
        } else {
        }
        %dma_wait3A_310 = arith.constant 14 : i32
        %dma_wait3A_311 = arith.constant 0 : i32
        %dma_wait3A_312 = tpu.memref_slice %arg8[%dma_wait3A_310, %dma_wait3A_311] : memref<16x25xi32, #tpu.memory_space<vmem>> -> memref<1x25xi32, #tpu.memory_space<vmem>>
        %dma_wait3A_313 = tpu.memref_squeeze %dma_wait3A_312 : memref<1x25xi32, #tpu.memory_space<vmem>> -> memref<25xi32, #tpu.memory_space<vmem>>
        %dma_wait3A_314 = arith.constant 0 : i32
        %dma_wait3A_315 = arith.constant 0 : i32
        %dma_wait3A_316 = tpu.memref_slice %arg2[%dma_wait3A_314, %dma_wait3A_315] : memref<10000x128xf32, #tpu.memory_space<hbm>> -> memref<10000x128xf32, #tpu.memory_space<hbm>>
        tpu.wait_indirect_dma semaphore(%arg20 : memref<!tpu.dma_semaphore, #tpu.memory_space<semaphore_mem>>) src(%dma_wait3A_316 : memref<10000x128xf32, #tpu.memory_space<hbm>>) dst(%arg12 : memref<25x128xf32, #tpu.memory_space<vmem>>)
        %run_scoped3A_317 = arith.constant 14 : i32
        "tpu.region"() ({
          %run_scoped3A_343 = tpu.sem_alloc : memref<!tpu.dma_semaphore, #tpu.memory_space<semaphore_mem>>
          %dma_start3A_344 = arith.constant 0 : i32
          %dma_start3A_345 = tpu.memref_slice %arg9[%run_scoped3A_317, %dma_start3A_344] : memref<16x25xi32, #tpu.memory_space<vmem>> -> memref<1x25xi32, #tpu.memory_space<vmem>>
          %dma_start3A_346 = tpu.memref_squeeze %dma_start3A_345 : memref<1x25xi32, #tpu.memory_space<vmem>> -> memref<25xi32, #tpu.memory_space<vmem>>
          %dma_start3A_347 = arith.constant 0 : i32
          %dma_start3A_348 = arith.constant 0 : i32
          %dma_start3A_349 = tpu.memref_slice %arg15[%dma_start3A_347, %dma_start3A_348] : memref<10000x128xf32, #tpu.memory_space<vmem_shared>> -> memref<10000x128xf32, #tpu.memory_space<vmem_shared>>
          tpu.enqueue_indirect_dma source(%arg12 : memref<25x128xf32, #tpu.memory_space<vmem>>) target(%dma_start3A_349 : memref<10000x128xf32, #tpu.memory_space<vmem_shared>>) offsets(%dma_start3A_346 : memref<25xi32, #tpu.memory_space<vmem>>) semaphore(%run_scoped3A_343 : memref<!tpu.dma_semaphore, #tpu.memory_space<semaphore_mem>>) {add = true}
          %dma_wait3A_350 = arith.constant 0 : i32
          %dma_wait3A_351 = tpu.memref_slice %arg9[%run_scoped3A_317, %dma_wait3A_350] : memref<16x25xi32, #tpu.memory_space<vmem>> -> memref<1x25xi32, #tpu.memory_space<vmem>>
          %dma_wait3A_352 = tpu.memref_squeeze %dma_wait3A_351 : memref<1x25xi32, #tpu.memory_space<vmem>> -> memref<25xi32, #tpu.memory_space<vmem>>
          %dma_wait3A_353 = arith.constant 0 : i32
          %dma_wait3A_354 = arith.constant 0 : i32
          %dma_wait3A_355 = tpu.memref_slice %arg15[%dma_wait3A_353, %dma_wait3A_354] : memref<10000x128xf32, #tpu.memory_space<vmem_shared>> -> memref<10000x128xf32, #tpu.memory_space<vmem_shared>>
          tpu.wait_indirect_dma semaphore(%run_scoped3A_343 : memref<!tpu.dma_semaphore, #tpu.memory_space<semaphore_mem>>) src(%arg12 : memref<25x128xf32, #tpu.memory_space<vmem>>) dst(%dma_wait3A_355 : memref<10000x128xf32, #tpu.memory_space<vmem_shared>>)
          tpu.yield
        }) : () -> ()
        %lt3A_318 = arith.constant 24 : i32
        %lt3A_319 = arith.cmpi slt, %add3A_62, %lt3A_318 : i32
        %convert_element_type3A_320 = arith.extui %lt3A_319 : i1 to i32
        %cond3A_321 = arith.constant 0 : i32
        %cond3A_322 = arith.cmpi ne, %convert_element_type3A_320, %cond3A_321 : i32
        scf.if %cond3A_322 {
          %dma_start3A_343 = arith.constant 1 : i32
          %dma_start3A_344 = arith.constant 0 : i32
          %dma_start3A_345 = tpu.memref_slice %arg6[%dma_start3A_343, %dma_start3A_344] : memref<16x25xi32, #tpu.memory_space<vmem>> -> memref<1x25xi32, #tpu.memory_space<vmem>>
          %dma_start3A_346 = tpu.memref_squeeze %dma_start3A_345 : memref<1x25xi32, #tpu.memory_space<vmem>> -> memref<25xi32, #tpu.memory_space<vmem>>
          %dma_start3A_347 = arith.constant 0 : i32
          %dma_start3A_348 = arith.constant 0 : i32
          %dma_start3A_349 = tpu.memref_slice %arg2[%dma_start3A_347, %dma_start3A_348] : memref<10000x128xf32, #tpu.memory_space<hbm>> -> memref<10000x128xf32, #tpu.memory_space<hbm>>
          tpu.enqueue_indirect_dma source(%dma_start3A_349 : memref<10000x128xf32, #tpu.memory_space<hbm>>) target(%arg11 : memref<25x128xf32, #tpu.memory_space<vmem>>) offsets(%dma_start3A_346 : memref<25xi32, #tpu.memory_space<vmem>>) semaphore(%arg19 : memref<!tpu.dma_semaphore, #tpu.memory_space<semaphore_mem>>)
        } else {
        }
        %dma_wait3A_323 = arith.constant 15 : i32
        %dma_wait3A_324 = arith.constant 0 : i32
        %dma_wait3A_325 = tpu.memref_slice %arg8[%dma_wait3A_323, %dma_wait3A_324] : memref<16x25xi32, #tpu.memory_space<vmem>> -> memref<1x25xi32, #tpu.memory_space<vmem>>
        %dma_wait3A_326 = tpu.memref_squeeze %dma_wait3A_325 : memref<1x25xi32, #tpu.memory_space<vmem>> -> memref<25xi32, #tpu.memory_space<vmem>>
        %dma_wait3A_327 = arith.constant 0 : i32
        %dma_wait3A_328 = arith.constant 0 : i32
        %dma_wait3A_329 = tpu.memref_slice %arg2[%dma_wait3A_327, %dma_wait3A_328] : memref<10000x128xf32, #tpu.memory_space<hbm>> -> memref<10000x128xf32, #tpu.memory_space<hbm>>
        tpu.wait_indirect_dma semaphore(%arg21 : memref<!tpu.dma_semaphore, #tpu.memory_space<semaphore_mem>>) src(%dma_wait3A_329 : memref<10000x128xf32, #tpu.memory_space<hbm>>) dst(%arg13 : memref<25x128xf32, #tpu.memory_space<vmem>>)
        %run_scoped3A_330 = arith.constant 15 : i32
        "tpu.region"() ({
          %run_scoped3A_343 = tpu.sem_alloc : memref<!tpu.dma_semaphore, #tpu.memory_space<semaphore_mem>>
          %dma_start3A_344 = arith.constant 0 : i32
          %dma_start3A_345 = tpu.memref_slice %arg9[%run_scoped3A_330, %dma_start3A_344] : memref<16x25xi32, #tpu.memory_space<vmem>> -> memref<1x25xi32, #tpu.memory_space<vmem>>
          %dma_start3A_346 = tpu.memref_squeeze %dma_start3A_345 : memref<1x25xi32, #tpu.memory_space<vmem>> -> memref<25xi32, #tpu.memory_space<vmem>>
          %dma_start3A_347 = arith.constant 0 : i32
          %dma_start3A_348 = arith.constant 0 : i32
          %dma_start3A_349 = tpu.memref_slice %arg15[%dma_start3A_347, %dma_start3A_348] : memref<10000x128xf32, #tpu.memory_space<vmem_shared>> -> memref<10000x128xf32, #tpu.memory_space<vmem_shared>>
          tpu.enqueue_indirect_dma source(%arg13 : memref<25x128xf32, #tpu.memory_space<vmem>>) target(%dma_start3A_349 : memref<10000x128xf32, #tpu.memory_space<vmem_shared>>) offsets(%dma_start3A_346 : memref<25xi32, #tpu.memory_space<vmem>>) semaphore(%run_scoped3A_343 : memref<!tpu.dma_semaphore, #tpu.memory_space<semaphore_mem>>) {add = true}
          %dma_wait3A_350 = arith.constant 0 : i32
          %dma_wait3A_351 = tpu.memref_slice %arg9[%run_scoped3A_330, %dma_wait3A_350] : memref<16x25xi32, #tpu.memory_space<vmem>> -> memref<1x25xi32, #tpu.memory_space<vmem>>
          %dma_wait3A_352 = tpu.memref_squeeze %dma_wait3A_351 : memref<1x25xi32, #tpu.memory_space<vmem>> -> memref<25xi32, #tpu.memory_space<vmem>>
          %dma_wait3A_353 = arith.constant 0 : i32
          %dma_wait3A_354 = arith.constant 0 : i32
          %dma_wait3A_355 = tpu.memref_slice %arg15[%dma_wait3A_353, %dma_wait3A_354] : memref<10000x128xf32, #tpu.memory_space<vmem_shared>> -> memref<10000x128xf32, #tpu.memory_space<vmem_shared>>
          tpu.wait_indirect_dma semaphore(%run_scoped3A_343 : memref<!tpu.dma_semaphore, #tpu.memory_space<semaphore_mem>>) src(%arg13 : memref<25x128xf32, #tpu.memory_space<vmem>>) dst(%dma_wait3A_355 : memref<10000x128xf32, #tpu.memory_space<vmem_shared>>)
          tpu.yield
        }) : () -> ()
        %lt3A_331 = arith.constant 24 : i32
        %lt3A_332 = arith.cmpi slt, %add3A_62, %lt3A_331 : i32
        %convert_element_type3A_333 = arith.extui %lt3A_332 : i1 to i32
        %cond3A_334 = arith.constant 0 : i32
        %cond3A_335 = arith.cmpi ne, %convert_element_type3A_333, %cond3A_334 : i32
        scf.if %cond3A_335 {
          %dma_start3A_343 = arith.constant 2 : i32
          %dma_start3A_344 = arith.constant 0 : i32
          %dma_start3A_345 = tpu.memref_slice %arg6[%dma_start3A_343, %dma_start3A_344] : memref<16x25xi32, #tpu.memory_space<vmem>> -> memref<1x25xi32, #tpu.memory_space<vmem>>
          %dma_start3A_346 = tpu.memref_squeeze %dma_start3A_345 : memref<1x25xi32, #tpu.memory_space<vmem>> -> memref<25xi32, #tpu.memory_space<vmem>>
          %dma_start3A_347 = arith.constant 0 : i32
          %dma_start3A_348 = arith.constant 0 : i32
          %dma_start3A_349 = tpu.memref_slice %arg2[%dma_start3A_347, %dma_start3A_348] : memref<10000x128xf32, #tpu.memory_space<hbm>> -> memref<10000x128xf32, #tpu.memory_space<hbm>>
          tpu.enqueue_indirect_dma source(%dma_start3A_349 : memref<10000x128xf32, #tpu.memory_space<hbm>>) target(%arg12 : memref<25x128xf32, #tpu.memory_space<vmem>>) offsets(%dma_start3A_346 : memref<25xi32, #tpu.memory_space<vmem>>) semaphore(%arg20 : memref<!tpu.dma_semaphore, #tpu.memory_space<semaphore_mem>>)
        } else {
        }
        %add3A_336 = arith.constant 2 : i32
        %add3A_337 = arith.addi %add3A_62, %add3A_336 : i32
        %lt3A_338 = arith.constant 25 : i32
        %lt3A_339 = arith.cmpi slt, %add3A_337, %lt3A_338 : i32
        %convert_element_type3A_340 = arith.extui %lt3A_339 : i1 to i32
        %cond3A_341 = arith.constant 0 : i32
        %cond3A_342 = arith.cmpi ne, %convert_element_type3A_340, %cond3A_341 : i32
        scf.if %cond3A_342 {
          %add3A_343 = arith.constant 2 : i32
          %add3A_344 = arith.addi %add3A_62, %add3A_343 : i32
          %mul3A_345 = arith.constant 16 : i32
          %mul3A_346 = arith.muli %add3A_344, %mul3A_345 : i32
          %add3A_347 = arith.addi %mul3A_4, %mul3A_346 : i32
          %multiple_of3A_348 = tpu.assume_multiple %add3A_347, 8 : i32
          %dma_start3A_349 = arith.constant 0 : i32
          %dma_start3A_350 = tpu.memref_slice %arg3[%multiple_of3A_348, %dma_start3A_349] : memref<12800x25xi32, #tpu.memory_space<hbm>> -> memref<16x25xi32, #tpu.memory_space<hbm>>
          %dma_start3A_351 = arith.constant 0 : i32
          %dma_start3A_352 = tpu.memref_slice %arg3[%multiple_of3A_348, %dma_start3A_351] : memref<12800x25xi32, #tpu.memory_space<hbm>> -> memref<16x25xi32, #tpu.memory_space<hbm>>
          tpu.enqueue_dma source(%dma_start3A_352 : memref<16x25xi32, #tpu.memory_space<hbm>>) target(%arg8 : memref<16x25xi32, #tpu.memory_space<vmem>>) target_semaphore(%arg17 : memref<!tpu.dma_semaphore, #tpu.memory_space<semaphore_mem>>)
          %dma_start3A_353 = arith.constant 0 : i32
          %dma_start3A_354 = tpu.memref_slice %arg4[%multiple_of3A_348, %dma_start3A_353] : memref<12800x25xi32, #tpu.memory_space<hbm>> -> memref<16x25xi32, #tpu.memory_space<hbm>>
          %dma_start3A_355 = arith.constant 0 : i32
          %dma_start3A_356 = tpu.memref_slice %arg4[%multiple_of3A_348, %dma_start3A_355] : memref<12800x25xi32, #tpu.memory_space<hbm>> -> memref<16x25xi32, #tpu.memory_space<hbm>>
          tpu.enqueue_dma source(%dma_start3A_356 : memref<16x25xi32, #tpu.memory_space<hbm>>) target(%arg9 : memref<16x25xi32, #tpu.memory_space<vmem>>) target_semaphore(%arg17 : memref<!tpu.dma_semaphore, #tpu.memory_space<semaphore_mem>>)
        } else {
        }
      } else {
      }
    }
    %scan3A_51 = arith.constant 25 : i32
    %barrier3A_52 = arith.constant 0 : index
    tpu.barrier barrier_id(%barrier3A_52)
    "tpu.region"() ({
      %run_scoped3A = tpu.sem_alloc : memref<!tpu.dma_semaphore, #tpu.memory_space<semaphore_mem>>
      %dma_start3A_58 = arith.constant 0 : i32
      %dma_start3A_59 = tpu.memref_slice %arg5[%arg0, %mul3A_2, %dma_start3A_58] : memref<2x10000x128xf32, #tpu.memory_space<hbm>> -> memref<1x624x128xf32, #tpu.memory_space<hbm>>
      %dma_start3A_60 = tpu.memref_squeeze %dma_start3A_59 : memref<1x624x128xf32, #tpu.memory_space<hbm>> -> memref<624x128xf32, #tpu.memory_space<hbm>>
      %dma_start3A_61 = arith.constant 0 : i32
      %dma_start3A_62 = tpu.memref_slice %arg15[%mul3A_2, %dma_start3A_61] : memref<10000x128xf32, #tpu.memory_space<vmem_shared>> -> memref<624x128xf32, #tpu.memory_space<vmem_shared>>
      tpu.enqueue_dma source(%dma_start3A_62 : memref<624x128xf32, #tpu.memory_space<vmem_shared>>) target(%dma_start3A_60 : memref<624x128xf32, #tpu.memory_space<hbm>>) target_semaphore(%run_scoped3A : memref<!tpu.dma_semaphore, #tpu.memory_space<semaphore_mem>>)
      %dma_wait3A = arith.constant 0 : i32
      %dma_wait3A_63 = tpu.memref_slice %arg5[%arg0, %mul3A_2, %dma_wait3A] : memref<2x10000x128xf32, #tpu.memory_space<hbm>> -> memref<1x624x128xf32, #tpu.memory_space<hbm>>
      %dma_wait3A_64 = tpu.memref_squeeze %dma_wait3A_63 : memref<1x624x128xf32, #tpu.memory_space<hbm>> -> memref<624x128xf32, #tpu.memory_space<hbm>>
      %dma_wait3A_65 = arith.constant 0 : i32
      %dma_wait3A_66 = tpu.memref_slice %arg15[%mul3A_2, %dma_wait3A_65] : memref<10000x128xf32, #tpu.memory_space<vmem_shared>> -> memref<624x128xf32, #tpu.memory_space<vmem_shared>>
      tpu.wait_dma2 semaphore(%run_scoped3A : memref<!tpu.dma_semaphore, #tpu.memory_space<semaphore_mem>>) src(%dma_wait3A_66 : memref<624x128xf32, #tpu.memory_space<vmem_shared>>) dst(%dma_wait3A_64 : memref<624x128xf32, #tpu.memory_space<hbm>>)
      tpu.yield
    }) : () -> ()
    %eq3A_53 = arith.constant 15 : i32
    %eq3A_54 = arith.cmpi eq, %arg1, %eq3A_53 : i32
    %convert_element_type3A_55 = arith.extui %eq3A_54 : i1 to i32
    %cond3A_56 = arith.constant 0 : i32
    %cond3A_57 = arith.cmpi ne, %convert_element_type3A_55, %cond3A_56 : i32
    scf.if %cond3A_57 {
      "tpu.region"() ({
        %run_scoped3A = tpu.sem_alloc : memref<!tpu.dma_semaphore, #tpu.memory_space<semaphore_mem>>
        %dma_start3A_58 = arith.constant 9984 : i32
        %dma_start3A_59 = arith.constant 0 : i32
        %dma_start3A_60 = tpu.memref_slice %arg5[%arg0, %dma_start3A_58, %dma_start3A_59] : memref<2x10000x128xf32, #tpu.memory_space<hbm>> -> memref<1x16x128xf32, #tpu.memory_space<hbm>>
        %dma_start3A_61 = tpu.memref_squeeze %dma_start3A_60 : memref<1x16x128xf32, #tpu.memory_space<hbm>> -> memref<16x128xf32, #tpu.memory_space<hbm>>
        %dma_start3A_62 = arith.constant 9984 : i32
        %dma_start3A_63 = arith.constant 0 : i32
        %dma_start3A_64 = tpu.memref_slice %arg15[%dma_start3A_62, %dma_start3A_63] : memref<10000x128xf32, #tpu.memory_space<vmem_shared>> -> memref<16x128xf32, #tpu.memory_space<vmem_shared>>
        tpu.enqueue_dma source(%dma_start3A_64 : memref<16x128xf32, #tpu.memory_space<vmem_shared>>) target(%dma_start3A_61 : memref<16x128xf32, #tpu.memory_space<hbm>>) target_semaphore(%run_scoped3A : memref<!tpu.dma_semaphore, #tpu.memory_space<semaphore_mem>>)
        %dma_wait3A = arith.constant 9984 : i32
        %dma_wait3A_65 = arith.constant 0 : i32
        %dma_wait3A_66 = tpu.memref_slice %arg5[%arg0, %dma_wait3A, %dma_wait3A_65] : memref<2x10000x128xf32, #tpu.memory_space<hbm>> -> memref<1x16x128xf32, #tpu.memory_space<hbm>>
        %dma_wait3A_67 = tpu.memref_squeeze %dma_wait3A_66 : memref<1x16x128xf32, #tpu.memory_space<hbm>> -> memref<16x128xf32, #tpu.memory_space<hbm>>
        %dma_wait3A_68 = arith.constant 9984 : i32
        %dma_wait3A_69 = arith.constant 0 : i32
        %dma_wait3A_70 = tpu.memref_slice %arg15[%dma_wait3A_68, %dma_wait3A_69] : memref<10000x128xf32, #tpu.memory_space<vmem_shared>> -> memref<16x128xf32, #tpu.memory_space<vmem_shared>>
        tpu.wait_dma2 semaphore(%run_scoped3A : memref<!tpu.dma_semaphore, #tpu.memory_space<semaphore_mem>>) src(%dma_wait3A_70 : memref<16x128xf32, #tpu.memory_space<vmem_shared>>) dst(%dma_wait3A_67 : memref<16x128xf32, #tpu.memory_space<hbm>>)
        tpu.yield
      }) : () -> ()
    } else {
    }
    return
  }
}

module attributes {stable_mosaic.version = 14 : i64} {
  func.func @_vib_body(%arg0: i32, %arg1: memref<1000x128xf32, #tpu.memory_space<vmem>>, %arg2: memref<1000x128xf32, #tpu.memory_space<vmem>>, %arg3: memref<1x1xf32, #tpu.memory_space<vmem>>, %arg4: memref<1x128xf32, #tpu.memory_space<vmem>>, %arg5: memref<128x128xf32, #tpu.memory_space<vmem>>, %arg6: memref<1x128xf32, #tpu.memory_space<vmem>>, %arg7: memref<128x128xf32, #tpu.memory_space<vmem>>, %arg8: memref<1x128xf32, #tpu.memory_space<vmem>>, %arg9: memref<1000x128xf32, #tpu.memory_space<vmem>>, %arg10: memref<1x1xf32, #tpu.memory_space<vmem>>) attributes {dimension_semantics = [#tpu.dimension_semantics<arbitrary>], iteration_bounds = array<i64: 10>, scalar_prefetch = 0 : i64, scratch_operands = 0 : i64, tpu.core_type = #tpu.core_type<tc>, window_params = [{transform_indices = @transform_0, window_bounds = array<i64: 1000, 128>}, {transform_indices = @transform_1, window_bounds = array<i64: 1000, 128>}, {pipeline_mode = #tpu.pipeline_mode<synchronous>, transform_indices = @transform_2, window_bounds = array<i64: 1, 1>}, {pipeline_mode = #tpu.pipeline_mode<synchronous>, transform_indices = @transform_3, window_bounds = array<i64: 1, 128>}, {pipeline_mode = #tpu.pipeline_mode<synchronous>, transform_indices = @transform_4, window_bounds = array<i64: 128, 128>}, {pipeline_mode = #tpu.pipeline_mode<synchronous>, transform_indices = @transform_5, window_bounds = array<i64: 1, 128>}, {pipeline_mode = #tpu.pipeline_mode<synchronous>, transform_indices = @transform_6, window_bounds = array<i64: 128, 128>}, {pipeline_mode = #tpu.pipeline_mode<synchronous>, transform_indices = @transform_7, window_bounds = array<i64: 1, 128>}, {transform_indices = @transform_8, window_bounds = array<i64: 1000, 128>}, {pipeline_mode = #tpu.pipeline_mode<synchronous>, transform_indices = @transform_9, window_bounds = array<i64: 1, 1>}]} {
    %get3A = arith.constant 0 : index
    %get3A_0 = arith.constant 0 : index
    %get3A_1 = vector.load %arg4[%get3A, %get3A_0] : memref<1x128xf32, #tpu.memory_space<vmem>>, vector<1x128xf32>
    %div3A = arith.constant 2.000000e+00 : f32
    %div3A_2 = vector.broadcast %div3A : f32 to vector<1x128xf32>
    %div3A_3 = arith.divf %get3A_1, %div3A_2 : vector<1x128xf32>
    %logistic3A = arith.negf %div3A_3 : vector<1x128xf32>
    %logistic3A_4 = math.exp %logistic3A : vector<1x128xf32>
    %logistic3A_5 = arith.constant 1.000000e+00 : f32
    %logistic3A_6 = vector.broadcast %logistic3A_5 : f32 to vector<1x128xf32>
    %logistic3A_7 = arith.addf %logistic3A_6, %logistic3A_4 : vector<1x128xf32>
    %logistic3A_8 = arith.divf %logistic3A_6, %logistic3A_7 : vector<1x128xf32>
    %mul3A = arith.constant 1.200000e+00 : f32
    %mul3A_9 = vector.broadcast %mul3A : f32 to vector<1x128xf32>
    %mul3A_10 = arith.mulf %logistic3A_8, %mul3A_9 : vector<1x128xf32>
    %add3A = arith.constant -1.000000e-01 : f32
    %add3A_11 = vector.broadcast %add3A : f32 to vector<1x128xf32>
    %add3A_12 = arith.addf %mul3A_10, %add3A_11 : vector<1x128xf32>
    %jit3A = arith.constant 0.000000e+00 : f32
    %jit3A_13 = arith.constant 1.000000e+00 : f32
    %max3A = vector.broadcast %jit3A : f32 to vector<1x128xf32>
    %max3A_14 = arith.maximumf %max3A, %add3A_12 : vector<1x128xf32>
    %min3A = vector.broadcast %jit3A_13 : f32 to vector<1x128xf32>
    %min3A_15 = arith.minimumf %min3A, %max3A_14 : vector<1x128xf32>
    %get3A_16 = arith.constant 0 : index
    %get3A_17 = arith.constant 0 : index
    %get3A_18 = vector.load %arg3[%get3A_16, %get3A_17] : memref<1x1xf32, #tpu.memory_space<vmem>>, vector<1x1xf32>
    %div3A_19 = arith.constant 2.000000e+00 : f32
    %div3A_20 = vector.broadcast %div3A_19 : f32 to vector<1x1xf32>
    %div3A_21 = arith.divf %get3A_18, %div3A_20 : vector<1x1xf32>
    %logistic3A_22 = arith.negf %div3A_21 : vector<1x1xf32>
    %logistic3A_23 = math.exp %logistic3A_22 : vector<1x1xf32>
    %logistic3A_24 = arith.constant 1.000000e+00 : f32
    %logistic3A_25 = vector.broadcast %logistic3A_24 : f32 to vector<1x1xf32>
    %logistic3A_26 = arith.addf %logistic3A_25, %logistic3A_23 : vector<1x1xf32>
    %logistic3A_27 = arith.divf %logistic3A_25, %logistic3A_26 : vector<1x1xf32>
    %mul3A_28 = arith.constant 1.200000e+00 : f32
    %mul3A_29 = vector.broadcast %mul3A_28 : f32 to vector<1x1xf32>
    %mul3A_30 = arith.mulf %logistic3A_27, %mul3A_29 : vector<1x1xf32>
    %add3A_31 = arith.constant -1.000000e-01 : f32
    %add3A_32 = vector.broadcast %add3A_31 : f32 to vector<1x1xf32>
    %add3A_33 = arith.addf %mul3A_30, %add3A_32 : vector<1x1xf32>
    %jit3A_34 = arith.constant 0.000000e+00 : f32
    %jit3A_35 = arith.constant 1.000000e+00 : f32
    %max3A_36 = vector.broadcast %jit3A_34 : f32 to vector<1x1xf32>
    %max3A_37 = arith.maximumf %max3A_36, %add3A_33 : vector<1x1xf32>
    %min3A_38 = vector.broadcast %jit3A_35 : f32 to vector<1x1xf32>
    %min3A_39 = arith.minimumf %min3A_38, %max3A_37 : vector<1x1xf32>
    %mul3A_40 = vector.broadcast %min3A_39 : vector<1x1xf32> to vector<1x128xf32>
    %mul3A_41 = arith.mulf %min3A_15, %mul3A_40 : vector<1x128xf32>
    %get3A_42 = arith.constant 0 : index
    %get3A_43 = arith.constant 0 : index
    %get3A_44 = vector.load %arg1[%get3A_42, %get3A_43] : memref<1000x128xf32, #tpu.memory_space<vmem>>, vector<1000x128xf32>
    %mul3A_45 = vector.broadcast %mul3A_41 : vector<1x128xf32> to vector<1000x128xf32>
    %mul3A_46 = arith.mulf %get3A_44, %mul3A_45 : vector<1000x128xf32>
    %get3A_47 = arith.constant 0 : index
    %get3A_48 = arith.constant 0 : index
    %get3A_49 = vector.load %arg5[%get3A_47, %get3A_48] : memref<128x128xf32, #tpu.memory_space<vmem>>, vector<128x128xf32>
    %dot_general3A = arith.constant dense<0.000000e+00> : vector<1000x128xf32>
    %dot_general3A_50 = tpu.matmul %mul3A_46, %get3A_49, %dot_general3A {dimension_numbers = #tpu.dot_dimension_numbers<[1], [0], [0], [1], [0, 0, 1, 1], [], []>, precision = #tpu.contract_precision<fp32>, transpose_lhs_hint = false} : vector<1000x128xf32>, vector<128x128xf32>, vector<1000x128xf32> -> vector<1000x128xf32>
    %get3A_51 = arith.constant 0 : index
    %get3A_52 = arith.constant 0 : index
    %get3A_53 = vector.load %arg6[%get3A_51, %get3A_52] : memref<1x128xf32, #tpu.memory_space<vmem>>, vector<1x128xf32>
    %add3A_54 = vector.broadcast %get3A_53 : vector<1x128xf32> to vector<1000x128xf32>
    %add3A_55 = arith.addf %dot_general3A_50, %add3A_54 : vector<1000x128xf32>
    %get3A_56 = arith.constant 0 : index
    %get3A_57 = arith.constant 0 : index
    %get3A_58 = vector.load %arg7[%get3A_56, %get3A_57] : memref<128x128xf32, #tpu.memory_space<vmem>>, vector<128x128xf32>
    %dot_general3A_59 = arith.constant dense<0.000000e+00> : vector<1000x128xf32>
    %dot_general3A_60 = tpu.matmul %mul3A_46, %get3A_58, %dot_general3A_59 {dimension_numbers = #tpu.dot_dimension_numbers<[1], [0], [0], [1], [0, 0, 1, 1], [], []>, precision = #tpu.contract_precision<fp32>, transpose_lhs_hint = false} : vector<1000x128xf32>, vector<128x128xf32>, vector<1000x128xf32> -> vector<1000x128xf32>
    %get3A_61 = arith.constant 0 : index
    %get3A_62 = arith.constant 0 : index
    %get3A_63 = vector.load %arg8[%get3A_61, %get3A_62] : memref<1x128xf32, #tpu.memory_space<vmem>>, vector<1x128xf32>
    %add3A_64 = vector.broadcast %get3A_63 : vector<1x128xf32> to vector<1000x128xf32>
    %add3A_65 = arith.addf %dot_general3A_60, %add3A_64 : vector<1000x128xf32>
    %jit3A_66 = arith.constant -1.000000e+01 : f32
    %jit3A_67 = arith.constant 1.000000e+01 : f32
    %max3A_68 = vector.broadcast %jit3A_66 : f32 to vector<1000x128xf32>
    %max3A_69 = arith.maximumf %max3A_68, %add3A_65 : vector<1000x128xf32>
    %min3A_70 = vector.broadcast %jit3A_67 : f32 to vector<1000x128xf32>
    %min3A_71 = arith.minimumf %min3A_70, %max3A_69 : vector<1000x128xf32>
    %exp3A = math.exp %min3A_71 : vector<1000x128xf32>
    %get3A_72 = arith.constant 0 : index
    %get3A_73 = arith.constant 0 : index
    %get3A_74 = vector.load %arg2[%get3A_72, %get3A_73] : memref<1000x128xf32, #tpu.memory_space<vmem>>, vector<1000x128xf32>
    %mul3A_75 = arith.constant 5.000000e-01 : f32
    %mul3A_76 = vector.broadcast %mul3A_75 : f32 to vector<1000x128xf32>
    %mul3A_77 = arith.mulf %mul3A_76, %min3A_71 : vector<1000x128xf32>
    %exp3A_78 = math.exp %mul3A_77 : vector<1000x128xf32>
    %mul3A_79 = arith.mulf %get3A_74, %exp3A_78 : vector<1000x128xf32>
    %add3A_80 = arith.addf %add3A_55, %mul3A_79 : vector<1000x128xf32>
    %swap3A = arith.constant 0 : index
    %swap3A_81 = arith.constant 0 : index
    %swap3A_82 = vector.load %arg9[%swap3A, %swap3A_81] : memref<1000x128xf32, #tpu.memory_space<vmem>>, vector<1000x128xf32>
    tpu.vector_store %arg9[%swap3A, %swap3A_81], %add3A_80 {strides = array<i32>} : memref<1000x128xf32, #tpu.memory_space<vmem>>, vector<1000x128xf32>,
    %mul3A_83 = arith.mulf %add3A_55, %add3A_55 : vector<1000x128xf32>
    %add3A_84 = arith.addf %exp3A, %mul3A_83 : vector<1000x128xf32>
    %sub3A = arith.constant 1.000000e+00 : f32
    %sub3A_85 = vector.broadcast %sub3A : f32 to vector<1000x128xf32>
    %sub3A_86 = arith.subf %add3A_84, %sub3A_85 : vector<1000x128xf32>
    %sub3A_87 = arith.subf %sub3A_86, %min3A_71 : vector<1000x128xf32>
    %reduce_sum3A = vector.shape_cast %sub3A_87 : vector<1000x128xf32> to vector<1x1000x128xf32>
    %reduce_sum3A_88 = arith.constant dense<0.000000e+00> : vector<1xf32>
    %reduce_sum3A_89 = vector.multi_reduction <add>, %reduce_sum3A, %reduce_sum3A_88 [1, 2] : vector<1x1000x128xf32> to vector<1xf32>
    %reduce_sum3A_90 = vector.shape_cast %reduce_sum3A_89 : vector<1xf32> to vector<1x1x1xf32>
    %reduce_sum3A_91 = vector.extract %reduce_sum3A_90[0, 0, 0] : f32 from vector<1x1x1xf32>
    %mul3A_92 = arith.constant 5.000000e-05 : f32
    %mul3A_93 = arith.mulf %reduce_sum3A_91, %mul3A_92 : f32
    %eq3A = arith.constant 0 : i32
    %eq3A_94 = arith.cmpi eq, %arg0, %eq3A : i32
    %convert_element_type3A = arith.extui %eq3A_94 : i1 to i32
    %cond3A = arith.constant 0 : i32
    %cond3A_95 = arith.cmpi ne, %convert_element_type3A, %cond3A : i32
    scf.if %cond3A_95 {
      %broadcast_in_dim3A = arith.constant 0.000000e+00 : f32
      %broadcast_in_dim3A_103 = vector.broadcast %broadcast_in_dim3A : f32 to vector<1x1xf32>
      %swap3A_104 = arith.constant 0 : index
      %swap3A_105 = arith.constant 0 : index
      %swap3A_106 = vector.load %arg10[%swap3A_104, %swap3A_105] : memref<1x1xf32, #tpu.memory_space<vmem>>, vector<1x1xf32>
      tpu.vector_store %arg10[%swap3A_104, %swap3A_105], %broadcast_in_dim3A_103 {strides = array<i32>} : memref<1x1xf32, #tpu.memory_space<vmem>>, vector<1x1xf32>,
    } else {
    }
    %get3A_96 = arith.constant 0 : index
    %get3A_97 = arith.constant 0 : index
    %get3A_98 = vector.load %arg10[%get3A_96, %get3A_97] : memref<1x1xf32, #tpu.memory_space<vmem>>, vector<1x1xf32>
    %reshape3A = vector.broadcast %mul3A_93 : f32 to vector<1x1xf32>
    %add3A_99 = arith.addf %get3A_98, %reshape3A : vector<1x1xf32>
    %swap3A_100 = arith.constant 0 : index
    %swap3A_101 = arith.constant 0 : index
    %swap3A_102 = vector.load %arg10[%swap3A_100, %swap3A_101] : memref<1x1xf32, #tpu.memory_space<vmem>>, vector<1x1xf32>
    tpu.vector_store %arg10[%swap3A_100, %swap3A_101], %add3A_99 {strides = array<i32>} : memref<1x1xf32, #tpu.memory_space<vmem>>, vector<1x1xf32>,
    return
  }
  func.func @transform_0(%arg0: i32) -> (i32, i32) {
    %c0_i32 = arith.constant 0 : i32
    %c0_i32_0 = arith.constant 0 : i32
    return %arg0, %c0_i32 : i32, i32
  }
  func.func @transform_1(%arg0: i32) -> (i32, i32) {
    %c0_i32 = arith.constant 0 : i32
    %c0_i32_0 = arith.constant 0 : i32
    return %arg0, %c0_i32 : i32, i32
  }
  func.func @transform_2(%arg0: i32) -> (i32, i32) {
    %c0_i32 = arith.constant 0 : i32
    %c0_i32_0 = arith.constant 0 : i32
    %c0_i32_1 = arith.constant 0 : i32
    return %c0_i32, %c0_i32_0 : i32, i32
  }
  func.func @transform_3(%arg0: i32) -> (i32, i32) {
    %c0_i32 = arith.constant 0 : i32
    %c0_i32_0 = arith.constant 0 : i32
    %c0_i32_1 = arith.constant 0 : i32
    return %c0_i32, %c0_i32_0 : i32, i32
  }
  func.func @transform_4(%arg0: i32) -> (i32, i32) {
    %c0_i32 = arith.constant 0 : i32
    %c0_i32_0 = arith.constant 0 : i32
    %c0_i32_1 = arith.constant 0 : i32
    return %c0_i32, %c0_i32_0 : i32, i32
  }
  func.func @transform_5(%arg0: i32) -> (i32, i32) {
    %c0_i32 = arith.constant 0 : i32
    %c0_i32_0 = arith.constant 0 : i32
    %c0_i32_1 = arith.constant 0 : i32
    return %c0_i32, %c0_i32_0 : i32, i32
  }
  func.func @transform_6(%arg0: i32) -> (i32, i32) {
    %c0_i32 = arith.constant 0 : i32
    %c0_i32_0 = arith.constant 0 : i32
    %c0_i32_1 = arith.constant 0 : i32
    return %c0_i32, %c0_i32_0 : i32, i32
  }
  func.func @transform_7(%arg0: i32) -> (i32, i32) {
    %c0_i32 = arith.constant 0 : i32
    %c0_i32_0 = arith.constant 0 : i32
    %c0_i32_1 = arith.constant 0 : i32
    return %c0_i32, %c0_i32_0 : i32, i32
  }
  func.func @transform_8(%arg0: i32) -> (i32, i32) {
    %c0_i32 = arith.constant 0 : i32
    %c0_i32_0 = arith.constant 0 : i32
    return %arg0, %c0_i32 : i32, i32
  }
  func.func @transform_9(%arg0: i32) -> (i32, i32) {
    %c0_i32 = arith.constant 0 : i32
    %c0_i32_0 = arith.constant 0 : i32
    %c0_i32_1 = arith.constant 0 : i32
    return %c0_i32, %c0_i32_0 : i32, i32
  }
}

module attributes {stable_mosaic.version = 14 : i64} {
  func.func @_l1_body(%arg0: i32, %arg1: memref<1000x128xf32, #tpu.memory_space<vmem>>, %arg2: memref<2x1000x128xf32, #tpu.memory_space<vmem>>, %arg3: memref<1000x32xf32, #tpu.memory_space<vmem>>, %arg4: memref<128x128xf32, #tpu.memory_space<vmem>>, %arg5: memref<128x128xf32, #tpu.memory_space<vmem>>, %arg6: memref<1000x128xf32, #tpu.memory_space<vmem>>) attributes {dimension_semantics = [#tpu.dimension_semantics<arbitrary>], iteration_bounds = array<i64: 10>, scalar_prefetch = 0 : i64, scratch_operands = 0 : i64, tpu.core_type = #tpu.core_type<tc>, window_params = [{transform_indices = @transform_0, window_bounds = array<i64: 1000, 128>}, {transform_indices = @transform_1, window_bounds = array<i64: 2, 1000, 128>}, {transform_indices = @transform_2, window_bounds = array<i64: 1000, 32>}, {pipeline_mode = #tpu.pipeline_mode<synchronous>, transform_indices = @transform_3, window_bounds = array<i64: 128, 128>}, {pipeline_mode = #tpu.pipeline_mode<synchronous>, transform_indices = @transform_4, window_bounds = array<i64: 128, 128>}, {transform_indices = @transform_5, window_bounds = array<i64: 1000, 128>}]} {
    %get3A = arith.constant 0 : index
    %get3A_0 = arith.constant 0 : index
    %get3A_1 = arith.constant 0 : index
    %get3A_2 = vector.load %arg2[%get3A, %get3A_0, %get3A_1] : memref<2x1000x128xf32, #tpu.memory_space<vmem>>, vector<2x1000x128xf32>
    %slice3A = vector.extract_strided_slice %get3A_2 {offsets = [0, 0, 0], sizes = [1, 1000, 128], strides = [1, 1, 1]} : vector<2x1000x128xf32> to vector<1x1000x128xf32>
    %squeeze3A = vector.shape_cast %slice3A : vector<1x1000x128xf32> to vector<1000x128xf32>
    %slice3A_3 = vector.extract_strided_slice %get3A_2 {offsets = [1, 0, 0], sizes = [1, 1000, 128], strides = [1, 1, 1]} : vector<2x1000x128xf32> to vector<1x1000x128xf32>
    %squeeze3A_4 = vector.shape_cast %slice3A_3 : vector<1x1000x128xf32> to vector<1000x128xf32>
    %add3A = arith.addf %squeeze3A, %squeeze3A_4 : vector<1000x128xf32>
    %get3A_5 = arith.constant 0 : index
    %get3A_6 = arith.constant 0 : index
    %get3A_7 = vector.load %arg3[%get3A_5, %get3A_6] : memref<1000x32xf32, #tpu.memory_space<vmem>>, vector<1000x32xf32>
    %reduce_sum3A = arith.constant dense<0.000000e+00> : vector<1000xf32>
    %reduce_sum3A_8 = vector.multi_reduction <add>, %get3A_7, %reduce_sum3A [1] : vector<1000x32xf32> to vector<1000xf32>
    %broadcast_in_dim3A = vector.shape_cast %reduce_sum3A_8 : vector<1000xf32> to vector<1000x1xf32>
    %jit3A = arith.constant 1.000000e+00 : f32
    %max3A = vector.broadcast %jit3A : f32 to vector<1000x1xf32>
    %max3A_9 = arith.maximumf %max3A, %broadcast_in_dim3A : vector<1000x1xf32>
    %div3A = arith.constant 1.000000e+00 : f32
    %div3A_10 = vector.broadcast %div3A : f32 to vector<1000x1xf32>
    %div3A_11 = arith.divf %div3A_10, %max3A_9 : vector<1000x1xf32>
    %mul3A = vector.broadcast %div3A_11 : vector<1000x1xf32> to vector<1000x128xf32>
    %mul3A_12 = arith.mulf %add3A, %mul3A : vector<1000x128xf32>
    %get3A_13 = arith.constant 0 : index
    %get3A_14 = arith.constant 0 : index
    %get3A_15 = vector.load %arg1[%get3A_13, %get3A_14] : memref<1000x128xf32, #tpu.memory_space<vmem>>, vector<1000x128xf32>
    %get3A_16 = arith.constant 0 : index
    %get3A_17 = arith.constant 0 : index
    %get3A_18 = vector.load %arg4[%get3A_16, %get3A_17] : memref<128x128xf32, #tpu.memory_space<vmem>>, vector<128x128xf32>
    %dot_general3A = arith.constant dense<0.000000e+00> : vector<1000x128xf32>
    %dot_general3A_19 = tpu.matmul %get3A_15, %get3A_18, %dot_general3A {dimension_numbers = #tpu.dot_dimension_numbers<[1], [0], [0], [1], [0, 0, 1, 1], [], []>, precision = #tpu.contract_precision<fp32>, transpose_lhs_hint = false} : vector<1000x128xf32>, vector<128x128xf32>, vector<1000x128xf32> -> vector<1000x128xf32>
    %get3A_20 = arith.constant 0 : index
    %get3A_21 = arith.constant 0 : index
    %get3A_22 = vector.load %arg5[%get3A_20, %get3A_21] : memref<128x128xf32, #tpu.memory_space<vmem>>, vector<128x128xf32>
    %dot_general3A_23 = arith.constant dense<0.000000e+00> : vector<1000x128xf32>
    %dot_general3A_24 = tpu.matmul %mul3A_12, %get3A_22, %dot_general3A_23 {dimension_numbers = #tpu.dot_dimension_numbers<[1], [0], [0], [1], [0, 0, 1, 1], [], []>, precision = #tpu.contract_precision<fp32>, transpose_lhs_hint = false} : vector<1000x128xf32>, vector<128x128xf32>, vector<1000x128xf32> -> vector<1000x128xf32>
    %add3A_25 = arith.addf %dot_general3A_19, %dot_general3A_24 : vector<1000x128xf32>
    %max3A_26 = arith.constant 0.000000e+00 : f32
    %max3A_27 = vector.broadcast %max3A_26 : f32 to vector<1000x128xf32>
    %max3A_28 = arith.maximumf %add3A_25, %max3A_27 : vector<1000x128xf32>
    %swap3A = arith.constant 0 : index
    %swap3A_29 = arith.constant 0 : index
    %swap3A_30 = vector.load %arg6[%swap3A, %swap3A_29] : memref<1000x128xf32, #tpu.memory_space<vmem>>, vector<1000x128xf32>
    tpu.vector_store %arg6[%swap3A, %swap3A_29], %max3A_28 {strides = array<i32>} : memref<1000x128xf32, #tpu.memory_space<vmem>>, vector<1000x128xf32>,
    return
  }
  func.func @transform_0(%arg0: i32) -> (i32, i32) {
    %c0_i32 = arith.constant 0 : i32
    %c0_i32_0 = arith.constant 0 : i32
    return %arg0, %c0_i32 : i32, i32
  }
  func.func @transform_1(%arg0: i32) -> (i32, i32, i32) {
    %c0_i32 = arith.constant 0 : i32
    %c0_i32_0 = arith.constant 0 : i32
    %c0_i32_1 = arith.constant 0 : i32
    return %c0_i32, %arg0, %c0_i32_0 : i32, i32, i32
  }
  func.func @transform_2(%arg0: i32) -> (i32, i32) {
    %c0_i32 = arith.constant 0 : i32
    %c0_i32_0 = arith.constant 0 : i32
    return %arg0, %c0_i32 : i32, i32
  }
  func.func @transform_3(%arg0: i32) -> (i32, i32) {
    %c0_i32 = arith.constant 0 : i32
    %c0_i32_0 = arith.constant 0 : i32
    %c0_i32_1 = arith.constant 0 : i32
    return %c0_i32, %c0_i32_0 : i32, i32
  }
  func.func @transform_4(%arg0: i32) -> (i32, i32) {
    %c0_i32 = arith.constant 0 : i32
    %c0_i32_0 = arith.constant 0 : i32
    %c0_i32_1 = arith.constant 0 : i32
    return %c0_i32, %c0_i32_0 : i32, i32
  }
  func.func @transform_5(%arg0: i32) -> (i32, i32) {
    %c0_i32 = arith.constant 0 : i32
    %c0_i32_0 = arith.constant 0 : i32
    return %arg0, %c0_i32 : i32, i32
  }
}

module attributes {stable_mosaic.version = 14 : i64} {
  func.func @_l2_body(%arg0: i32, %arg1: memref<1000x128xf32, #tpu.memory_space<vmem>>, %arg2: memref<2x1000x128xf32, #tpu.memory_space<vmem>>, %arg3: memref<1000x32xf32, #tpu.memory_space<vmem>>, %arg4: memref<128x128xf32, #tpu.memory_space<vmem>>, %arg5: memref<128x128xf32, #tpu.memory_space<vmem>>, %arg6: memref<128x128xf32, #tpu.memory_space<vmem>>, %arg7: memref<1x128xf32, #tpu.memory_space<vmem>>, %arg8: memref<1000x128xf32, #tpu.memory_space<vmem>>) attributes {dimension_semantics = [#tpu.dimension_semantics<arbitrary>], iteration_bounds = array<i64: 10>, scalar_prefetch = 0 : i64, scratch_operands = 0 : i64, tpu.core_type = #tpu.core_type<tc>, window_params = [{transform_indices = @transform_0, window_bounds = array<i64: 1000, 128>}, {transform_indices = @transform_1, window_bounds = array<i64: 2, 1000, 128>}, {transform_indices = @transform_2, window_bounds = array<i64: 1000, 32>}, {pipeline_mode = #tpu.pipeline_mode<synchronous>, transform_indices = @transform_3, window_bounds = array<i64: 128, 128>}, {pipeline_mode = #tpu.pipeline_mode<synchronous>, transform_indices = @transform_4, window_bounds = array<i64: 128, 128>}, {pipeline_mode = #tpu.pipeline_mode<synchronous>, transform_indices = @transform_5, window_bounds = array<i64: 128, 128>}, {pipeline_mode = #tpu.pipeline_mode<synchronous>, transform_indices = @transform_6, window_bounds = array<i64: 1, 128>}, {transform_indices = @transform_7, window_bounds = array<i64: 1000, 128>}]} {
    %get3A = arith.constant 0 : index
    %get3A_0 = arith.constant 0 : index
    %get3A_1 = arith.constant 0 : index
    %get3A_2 = vector.load %arg2[%get3A, %get3A_0, %get3A_1] : memref<2x1000x128xf32, #tpu.memory_space<vmem>>, vector<2x1000x128xf32>
    %slice3A = vector.extract_strided_slice %get3A_2 {offsets = [0, 0, 0], sizes = [1, 1000, 128], strides = [1, 1, 1]} : vector<2x1000x128xf32> to vector<1x1000x128xf32>
    %squeeze3A = vector.shape_cast %slice3A : vector<1x1000x128xf32> to vector<1000x128xf32>
    %slice3A_3 = vector.extract_strided_slice %get3A_2 {offsets = [1, 0, 0], sizes = [1, 1000, 128], strides = [1, 1, 1]} : vector<2x1000x128xf32> to vector<1x1000x128xf32>
    %squeeze3A_4 = vector.shape_cast %slice3A_3 : vector<1x1000x128xf32> to vector<1000x128xf32>
    %add3A = arith.addf %squeeze3A, %squeeze3A_4 : vector<1000x128xf32>
    %get3A_5 = arith.constant 0 : index
    %get3A_6 = arith.constant 0 : index
    %get3A_7 = vector.load %arg3[%get3A_5, %get3A_6] : memref<1000x32xf32, #tpu.memory_space<vmem>>, vector<1000x32xf32>
    %reduce_sum3A = arith.constant dense<0.000000e+00> : vector<1000xf32>
    %reduce_sum3A_8 = vector.multi_reduction <add>, %get3A_7, %reduce_sum3A [1] : vector<1000x32xf32> to vector<1000xf32>
    %broadcast_in_dim3A = vector.shape_cast %reduce_sum3A_8 : vector<1000xf32> to vector<1000x1xf32>
    %jit3A = arith.constant 1.000000e+00 : f32
    %max3A = vector.broadcast %jit3A : f32 to vector<1000x1xf32>
    %max3A_9 = arith.maximumf %max3A, %broadcast_in_dim3A : vector<1000x1xf32>
    %div3A = arith.constant 1.000000e+00 : f32
    %div3A_10 = vector.broadcast %div3A : f32 to vector<1000x1xf32>
    %div3A_11 = arith.divf %div3A_10, %max3A_9 : vector<1000x1xf32>
    %mul3A = vector.broadcast %div3A_11 : vector<1000x1xf32> to vector<1000x128xf32>
    %mul3A_12 = arith.mulf %add3A, %mul3A : vector<1000x128xf32>
    %get3A_13 = arith.constant 0 : index
    %get3A_14 = arith.constant 0 : index
    %get3A_15 = vector.load %arg1[%get3A_13, %get3A_14] : memref<1000x128xf32, #tpu.memory_space<vmem>>, vector<1000x128xf32>
    %get3A_16 = arith.constant 0 : index
    %get3A_17 = arith.constant 0 : index
    %get3A_18 = vector.load %arg4[%get3A_16, %get3A_17] : memref<128x128xf32, #tpu.memory_space<vmem>>, vector<128x128xf32>
    %dot_general3A = arith.constant dense<0.000000e+00> : vector<1000x128xf32>
    %dot_general3A_19 = tpu.matmul %get3A_15, %get3A_18, %dot_general3A {dimension_numbers = #tpu.dot_dimension_numbers<[1], [0], [0], [1], [0, 0, 1, 1], [], []>, precision = #tpu.contract_precision<fp32>, transpose_lhs_hint = false} : vector<1000x128xf32>, vector<128x128xf32>, vector<1000x128xf32> -> vector<1000x128xf32>
    %get3A_20 = arith.constant 0 : index
    %get3A_21 = arith.constant 0 : index
    %get3A_22 = vector.load %arg5[%get3A_20, %get3A_21] : memref<128x128xf32, #tpu.memory_space<vmem>>, vector<128x128xf32>
    %dot_general3A_23 = arith.constant dense<0.000000e+00> : vector<1000x128xf32>
    %dot_general3A_24 = tpu.matmul %mul3A_12, %get3A_22, %dot_general3A_23 {dimension_numbers = #tpu.dot_dimension_numbers<[1], [0], [0], [1], [0, 0, 1, 1], [], []>, precision = #tpu.contract_precision<fp32>, transpose_lhs_hint = false} : vector<1000x128xf32>, vector<128x128xf32>, vector<1000x128xf32> -> vector<1000x128xf32>
    %add3A_25 = arith.addf %dot_general3A_19, %dot_general3A_24 : vector<1000x128xf32>
    %get3A_26 = arith.constant 0 : index
    %get3A_27 = arith.constant 0 : index
    %get3A_28 = vector.load %arg6[%get3A_26, %get3A_27] : memref<128x128xf32, #tpu.memory_space<vmem>>, vector<128x128xf32>
    %dot_general3A_29 = arith.constant dense<0.000000e+00> : vector<1000x128xf32>
    %dot_general3A_30 = tpu.matmul %add3A_25, %get3A_28, %dot_general3A_29 {dimension_numbers = #tpu.dot_dimension_numbers<[1], [0], [0], [1], [0, 0, 1, 1], [], []>, precision = #tpu.contract_precision<fp32>, transpose_lhs_hint = false} : vector<1000x128xf32>, vector<128x128xf32>, vector<1000x128xf32> -> vector<1000x128xf32>
    %get3A_31 = arith.constant 0 : index
    %get3A_32 = arith.constant 0 : index
    %get3A_33 = vector.load %arg7[%get3A_31, %get3A_32] : memref<1x128xf32, #tpu.memory_space<vmem>>, vector<1x128xf32>
    %add3A_34 = vector.broadcast %get3A_33 : vector<1x128xf32> to vector<1000x128xf32>
    %add3A_35 = arith.addf %dot_general3A_30, %add3A_34 : vector<1000x128xf32>
    %swap3A = arith.constant 0 : index
    %swap3A_36 = arith.constant 0 : index
    %swap3A_37 = vector.load %arg8[%swap3A, %swap3A_36] : memref<1000x128xf32, #tpu.memory_space<vmem>>, vector<1000x128xf32>
    tpu.vector_store %arg8[%swap3A, %swap3A_36], %add3A_35 {strides = array<i32>} : memref<1000x128xf32, #tpu.memory_space<vmem>>, vector<1000x128xf32>,
    return
  }
  func.func @transform_0(%arg0: i32) -> (i32, i32) {
    %c0_i32 = arith.constant 0 : i32
    %c0_i32_0 = arith.constant 0 : i32
    return %arg0, %c0_i32 : i32, i32
  }
  func.func @transform_1(%arg0: i32) -> (i32, i32, i32) {
    %c0_i32 = arith.constant 0 : i32
    %c0_i32_0 = arith.constant 0 : i32
    %c0_i32_1 = arith.constant 0 : i32
    return %c0_i32, %arg0, %c0_i32_0 : i32, i32, i32
  }
  func.func @transform_2(%arg0: i32) -> (i32, i32) {
    %c0_i32 = arith.constant 0 : i32
    %c0_i32_0 = arith.constant 0 : i32
    return %arg0, %c0_i32 : i32, i32
  }
  func.func @transform_3(%arg0: i32) -> (i32, i32) {
    %c0_i32 = arith.constant 0 : i32
    %c0_i32_0 = arith.constant 0 : i32
    %c0_i32_1 = arith.constant 0 : i32
    return %c0_i32, %c0_i32_0 : i32, i32
  }
  func.func @transform_4(%arg0: i32) -> (i32, i32) {
    %c0_i32 = arith.constant 0 : i32
    %c0_i32_0 = arith.constant 0 : i32
    %c0_i32_1 = arith.constant 0 : i32
    return %c0_i32, %c0_i32_0 : i32, i32
  }
  func.func @transform_5(%arg0: i32) -> (i32, i32) {
    %c0_i32 = arith.constant 0 : i32
    %c0_i32_0 = arith.constant 0 : i32
    %c0_i32_1 = arith.constant 0 : i32
    return %c0_i32, %c0_i32_0 : i32, i32
  }
  func.func @transform_6(%arg0: i32) -> (i32, i32) {
    %c0_i32 = arith.constant 0 : i32
    %c0_i32_0 = arith.constant 0 : i32
    %c0_i32_1 = arith.constant 0 : i32
    return %c0_i32, %c0_i32_0 : i32, i32
  }
  func.func @transform_7(%arg0: i32) -> (i32, i32) {
    %c0_i32 = arith.constant 0 : i32
    %c0_i32_0 = arith.constant 0 : i32
    return %arg0, %c0_i32 : i32, i32
  }
}

</mosaic_0001>

<sc_bundles>
// kernel: kernel.11.cloned.1.call-start
scs
__scs_entry_jumppad:
0x0: {  	(pc) =	sbr.rel $0x88, $3  }
0x1: {  	(tag) =	ssettag $0x0;
	lr =	simm.s32 $0x1  }
0x2: {  	[smem:$0x3F92] =	sst lr;
	_ =	strace $0xD0000000  }
0x3: {  	_ = 	snop  }
0x4: {  	_ = 	snop  }
0x5: {  	_ = 	snop  }
0x6: {  	_ = 	snop  }
0x7: {  	_ = 	snop  }
__scs_overlays_trampoline_lowered:
0x8: {  	[smem:$0x3FA1] =	sst s0  }
0x9: {  	[smem:$0x3FA2] =	sst s1  }
0xa: {  	[smem:$0x3FA3] =	sst s2  }
0xb: {  	[smem:$0x3FA4] =	sst s3  }
0xc: {  	[smem:$0x3FA5] =	sst s4  }
0xd: {  	[smem:$0x3FA6] =	sst s5  }
0xe: {  	[smem:$0x3FA7] =	sst s6  }
0xf: {  	[smem:$0x3FA8] =	sst s7  }
0x10: {  	[smem:$0x3FA9] =	sst s8  }
0x11: {  	[smem:$0x3FAA] =	sst s9;
	s0 =	simm.s32 @!p0 $0x0  }
0x12: {  	s1 =	sld [smem:$0x3F90];
	s0 =	simm.s32 @p0 $0x1  }
0x13: {  	[smem:$0x3FAB] =	sst s0;
	s0 =	simm.s32 @!p1 $0x0  }
0x14: {  	s2 =	sld [smem:$0x3F8F];
	s0 =	simm.s32 @p1 $0x1  }
0x15: {  	[smem:$0x3FAC] =	sst s0;
	s0 =	simm.s32 @!p2 $0x0  }
0x16: {  	s3 =	sld [smem:$0x3FDB];
	s0 =	simm.s32 @p2 $0x1  }
0x17: {  	s4 =	simm.s32 $0x1BF5;
	[smem:$0x3FAE] =	sst s0  }
0x18: {  	s0 =	sld [smem:$0x3F91];
	_ =	swait.ge [sflag:s4], $0x0  }
0x19: {  	s7 =	sld [smem:$0x3F92]  }
0x1a: {  	s8 =	sadd.s32 $0xFFFFE003, lr  }
0x1b: {  	s9 =	sadd.s32 $0xFFFFFEF7, lr;
	s5 =	simm.s32 $0xFFFFFFFF;
	p2 =	slt.u32 s8, $0xFFFFF086  }
0x1c: {  	p1 =	slt.u32 s9, $0xF7A;
	s5 =	simm.s32 @!p2 $0x0  }
0x1d: {  	s5 =	simm.s32 @p1 $0x1;
	p0 =	seq.s32 s7, s2  }
0x1e: {  	s7 =	smul.u32 @!p0 $0xF7A, s2;
	p2 =	seq.s32 @!p0 s5, $0x0  }
0x1f: {  	s9 =	smul.u32 $0xF7A, s1;
	s8 =	simm.s32 @!p0 $0x1BF5;
	p2 =	por !p2, p0  }
0x20: {  	[sflag:s8] =	ssyncset.s32 @!p0 $0xFFFFF086;
	s6 =	sadd.s32 @!p0 s3, s7;
	s7 =	simm.s32 @!p0 $0x108  }
0x21: {  	s3 =	sadd.s32 s3, s9;
	s6 =	sadd.s32 @!p0 $0x88, s6;
	s7 =	simm.s32 @p2 $0x1082  }
0x22: {  	[simem:s7], [sflag:s8] =	dma.local @!p0 [hbm:s6], $0xF7A  }
0x23: {  	s9 =	sor.u32 $0xD0000000, s2;
	s6 =	simm.s32 $0x108;
	_ =	swait.ge @!p0 [sflag:s8], $0x0  }
0x24: {  	s3 =	sadd.s32 $0x88, s3;
	s6 =	simm.s32 @!p1 $0x1082;
	[sflag:s4] =	ssyncset.s32 $0xFFFFF086  }
0x25: {  	[simem:s6], [sflag:s4] =	dma.local [hbm:s3], $0xF7A  }
0x26: {  	[smem:$0x3F92] =	sst s1;
	(tag) =	ssettag s2;
	_ =	strace s9  }
0x27: {  	s1 =	sld [smem:$0x3FA2]  }
0x28: {  	s2 =	sld [smem:$0x3FA3]  }
0x29: {  	s4 =	sld [smem:$0x3FA5]  }
0x2a: {  	p0 =	seq.s32 s5, $0x0;
	s5 =	sld [smem:$0x3FA6]  }
0x2b: {  	s6 =	sld [smem:$0x3FA7]  }
0x2c: {  	s7 =	sld [smem:$0x3FA8]  }
0x2d: {  	s3 =	simm.s32 $0x108;
	s8 =	sld [smem:$0x3FA9]  }
0x2e: {  	s3 =	simm.s32 @!p0 $0x1082;
	s9 =	sld [smem:$0x3FAA]  }
0x2f: {  	lr =	sadd.s32 s0, s3;
	s0 =	sld [smem:$0x3FA1]  }
0x30: {  	s3 =	sld [smem:$0x3FA4]  }
0x31: {  	[smem:$0x3FAD] =	sst s10  }
0x32: {  	s10 =	sld [smem:$0x3FAB];
	_ =	sdelay $0x3  }
0x33: {  	p0 =	seq.s32 s10, $0x1;
	s10 =	sld [smem:$0x3FAD];
	_ =	sdelay $0x3  }
0x34: {  	[smem:$0x3FAD] =	sst s10  }
0x35: {  	s10 =	sld [smem:$0x3FAC];
	_ =	sdelay $0x3  }
0x36: {  	p1 =	seq.s32 s10, $0x1;
	s10 =	sld [smem:$0x3FAD];
	_ =	sdelay $0x3  }
0x37: {  	[smem:$0x3FAD] =	sst s10  }
0x38: {  	s10 =	sld [smem:$0x3FAE]  }
0x39: {  	_ = 	snop;
	(pc) =	sbr.ind lr, $3  }
0x3a: {  	_ = 	snop  }
0x3b: {  	_ = 	snop  }
0x3c: {  	p2 =	seq.s32 s10, $0x1;
	s10 =	sld [smem:$0x3FAD]  }
0x3d: {  	_ =	shalt  }
0x3e: {  	_ =	shalt  }
0x3f: {  	_ =	shalt  }
0x40: {  	_ =	shalt  }
0x41: {  	_ =	shalt  }
0x42: {  	_ =	shalt  }
0x43: {  	_ =	shalt  }
0x44: {  	_ =	shalt  }
0x45: {  	_ =	shalt  }
0x46: {  	_ =	shalt  }
0x47: {  	_ =	shalt  }
0x48: {  	_ =	shalt  }
0x49: {  	_ =	shalt  }
0x4a: {  	_ =	shalt  }
0x4b: {  	_ =	shalt  }
0x4c: {  	_ =	shalt  }
0x4d: {  	_ =	shalt  }
0x4e: {  	_ =	shalt  }
0x4f: {  	_ =	shalt  }
0x50: {  	_ =	shalt  }
0x51: {  	_ =	shalt  }
0x52: {  	_ =	shalt  }
0x53: {  	_ =	shalt  }
0x54: {  	_ =	shalt  }
0x55: {  	_ =	shalt  }
0x56: {  	_ =	shalt  }
0x57: {  	_ =	shalt  }
0x58: {  	_ =	shalt  }
0x59: {  	_ =	shalt  }
0x5a: {  	_ =	shalt  }
0x5b: {  	_ =	shalt  }
0x5c: {  	_ =	shalt  }
0x5d: {  	_ =	shalt  }
0x5e: {  	_ =	shalt  }
0x5f: {  	_ =	shalt  }
0x60: {  	_ =	shalt  }
0x61: {  	_ =	shalt  }
0x62: {  	_ =	shalt  }
0x63: {  	_ =	shalt  }
0x64: {  	_ =	shalt  }
0x65: {  	_ =	shalt  }
0x66: {  	_ =	shalt  }
0x67: {  	_ =	shalt  }
0x68: {  	_ =	shalt  }
0x69: {  	_ =	shalt  }
0x6a: {  	_ =	shalt  }
0x6b: {  	_ =	shalt  }
0x6c: {  	_ =	shalt  }
0x6d: {  	_ =	shalt  }
0x6e: {  	_ =	shalt  }
0x6f: {  	_ =	shalt  }
0x70: {  	_ =	shalt  }
0x71: {  	_ =	shalt  }
0x72: {  	_ =	shalt  }
0x73: {  	_ =	shalt  }
0x74: {  	_ =	shalt  }
0x75: {  	_ =	shalt  }
0x76: {  	_ =	shalt  }
0x77: {  	_ =	shalt  }
0x78: {  	_ =	shalt  }
0x79: {  	_ =	shalt  }
0x7a: {  	_ =	shalt  }
0x7b: {  	_ =	shalt  }
0x7c: {  	_ =	shalt  }
0x7d: {  	_ =	shalt  }
0x7e: {  	_ =	shalt  }
0x7f: {  	_ =	shalt  }
0x80: {  	_ =	shalt  }
0x81: {  	_ =	shalt  }
0x82: {  	_ =	shalt  }
0x83: {  	_ =	shalt  }
0x84: {  	_ =	shalt  }
0x85: {  	_ =	shalt  }
0x86: {  	_ =	shalt  }
0x87: {  	_ =	shalt  }
.Lfunc_end0:
.L_simem_size_0:
called_computation.1_lowered:
.L_overlay_start_0:
0x88: {  	s2 =	sld [smem:$0x3FD9]  }
0x89: {  	s3 =	sld [smem:$0x3FFE];
	_ =	sdelay $0x1  }
0x8a: {  	s1 =	srdreg.scid  }
0x8b: {  	s0 =	sand.u32 $0x1, s1  }
0x8c: {  	s15 =	sshll.u32 s0, $0xA;
	s2 =	sadd.s32 s3, s2  }
0x8d: {  	s2 =	sadd.s32 s2, s15  }
0x8e: {  	[smem:$0x3FB9] =	sst s2  }
0x8f: {  	_ = 	snop  }
0x90: {  	s2 =	sld [smem:$0x3FD0];
	_ =	sdelay $0x2  }
0x91: {  	s16 =	simm.s32 $0xB;
	s4 =	simm.s32 $0x10  }
0x92: {  	[smem:s4], [sflag:s16] =	dma.local [hbm:s2], $0x1  }
0x93: {  	_ =	swait.eq [sflag:s16], $0x1  }
0x94: {  	[sflag:s16] =	ssyncset.done $0x0  }
0x95: {  	[sflag:s16] =	ssyncadd.s32 $0xFFFFFFFF  }
0x96: {  	s17 =	sld [smem:$0x10];
	(tm) =	ssettm $0x1  }
0x97: {  	s18 =	sld [smem:$0x3FFB];
	_ =	sdelay $0x3  }
0x98: {  	_ =	strace s18  }
0x99: {  	s2 =	sld [smem:$0x3FFC];
	_ =	sdelay $0x3  }
0x9a: {  	_ =	strace s2  }
0x9b: {  	s2 =	sld [smem:$0x3FFD];
	_ =	sdelay $0x3  }
0x9c: {  	_ =	strace s2  }
0x9d: {  	_ =	strace $0x8FFFFFFF  }
0x9e: {  	s19 =	sld [smem:$0x3FDB];
	_ =	sdelay $0x1  }
0x9f: {  	s20 =	simm.s32 $_scs_section_size  }
0xa0: {  	s5 =	simm.s32 $_size__tile_overlayer_lowered;
	s6 =	simm.s32 $_tile_overlayer_lowered  }
0xa1: {  	s7 =	simm.s32 $0x1BFF;
	s21 =	sshll.u32 s6, $0x1;
	s4 =	sadd.s32 s20, s19  }
0xa2: {  	s22 =	simm.s32 $0x0;
	s5 =	sshll.u32 s5, $0x1;
	s6 =	sadd.s32 s21, s4  }
0xa3: {  	[timem:s22], [sflag:s7] =	dma.local [hbm:s6], s5  }
0xa4: {  	_ =	swait.ge [sflag:s7], s5  }
0xa5: {  	s5 =	ssub.s32 $0x0, s5;
	[sflag:s7] =	ssyncset.done $0x0  }
0xa6: {  	[sflag:s7] =	ssyncadd.s32 s5;
	_ =	sdelay $0x1  }
0xa7: {  	s23 =	simm.s32 $0x1B8B  }
0xa8: {  	_ =	swait.ge [sflag:s23], $0x1  }
0xa9: {  	[sflag:s23] =	ssyncset.done $0x0  }
0xaa: {  	[sflag:s23] =	ssyncadd.s32 $0xFFFFFFFF  }
0xab: {  	s5 =	sld [smem:$0x0]  }
0xac: {  	s6 =	sand.u32 $0xFFFFFFFE, s1  }
0xad: {  	p0 =	sne.s32 s1, s6  }
0xae: {  	s6 =	sshll.u32 @p0 s6, $0xE  }
0xaf: {  	s6 =	sadd.s32 @p0 $0x11B8D, s6;
	s7 =	sshll.u32 @p0 s5, $0x11  }
0xb0: {  	s6 =	sor.u32 @p0 s7, s6  }
0xb1: {  	[sflag:s6] =	ssyncadd.remote.s32 @p0 $0x1;
	_ =	sdelay $0x1  }
0xb2: {  	s6 =	simm.s32 @p0 $0x1B8D  }
0xb3: {  	_ =	swait.eq @p0 [sflag:s6], $0x1  }
0xb4: {  	[sflag:s6] =	ssyncadd.s32 @p0 $0xFFFFFFFF  }
0xb5: {  	s7 =	sshll.u32 @!p0 s1, $0xE  }
0xb6: {  	s7 =	sor.u32 @!p0 $0x4000, s7;
	s6 =	simm.s32 @!p0 $0x1B8D  }
0xb7: {  	s5 =	sshll.u32 @!p0 s5, $0x11;
	s7 =	sadd.s32 @!p0 $0x11B8D, s7;
	_ =	swait.eq @!p0 [sflag:s6], $0x1  }
0xb8: {  	s5 =	sor.u32 @!p0 s5, s7;
	[sflag:s6] =	ssyncadd.s32 @!p0 $0xFFFFFFFF  }
0xb9: {  	s25 =	simm.s32 $0x1B8E;
	s24 =	sld [smem:$0x3FFE];
	[sflag:s5] =	ssyncadd.remote.s32 @!p0 $0x1  }
0xba: {  	s26 =	simm.s32 $execute0_lowered;
	[smem:$0x3FD2] =	sst s25  }
0xbb: {  	s6 =	sshll.u32 s26, $0x1;
	_ =	strace $0x80000049;
	[dreg:$0x1] =	wrdreg $0xFFFFFFFF  }
0xbc: {  	s28 =	simm.s32 $_size_execute0_lowered;
	s4 =	sadd.s32 s4, s6;
	[dreg:$0x0] =	wrdreg $0x0  }
0xbd: {  	s6 =	sshll.u32 s28, $0x1;
	[dreg:$0x2] =	wrdreg s4  }
0xbe: {  	[dreg:$0x3] =	wrdreg s6  }
0xbf: {  	[dreg:$0x4] =	wrdreg $0xC0  }
0xc0: {  	_ =	task [dreg:s22], $0x5FFFF  }
0xc1: {  	[dreg:$0x1] =	wrdreg $0xFFFFFFFF  }
0xc2: {  	[dreg:$0x0] =	wrdreg $0x60  }
0xc3: {  	[dreg:$0x2] =	wrdreg s17  }
0xc4: {  	[dreg:$0x3] =	wrdreg s24  }
0xc5: {  	[dreg:$0x4] =	wrdreg $0x64000  }
0xc6: {  	[dreg:$0x5] =	wrdreg $0xA  }
0xc7: {  	_ =	task.clear_ibuf [dreg:s22], $0x6FFFF;
	_ =	strace $0x90000049  }
0xc8: {  	s29 =	simm.s32 $0xA;
	_ =	strace $0x8000004B  }
0xc9: {  	_ =	swait.ge [sflag:s29], $0x1  }
0xca: {  	[sflag:s29] =	ssyncadd.s32 $0xFFFFFFFF  }
0xcb: {  	_ =	strace $0x9000004B  }
0xcc: {  	_ =	sfence  }
0xcd: {  	s30 =	sld [smem:$0x0];
	_ =	sdelay $0x2  }
0xce: {  	s31 =	sshll.u32 s1, $0xD;
	s1 =	sshrl.u32 s1, $0x2  }
0xcf: {  	s4 =	sand.u32 $0x4000, s31;
	s1 =	sadd.s32 s1, s30  }
0xd0: {  	s0 =	sor.u32 s4, s0;
	s1 =	sshll.u32 s1, $0x11  }
0xd1: {  	s0 =	sor.u32 s1, s0  }
0xd2: {  	s0 =	sadd.s32 $0x8F2B, s0  }
0xd3: {  	[sflag:s0] =	ssyncadd.remote.s32 $0x1  }
0xd4: {  	_ =	sfence.sel $0xFFFF  }
0xd5: {  	[dreg:$0x0] =	wrdreg $0xFFFFFFFF;
	(pc) =	sbr.abs _section_cstart, $3  }
0xd6: {  	[dreg:$0x1] =	wrdreg $0xFFFFFFFF  }
0xd7: {  	_ =	task.clear_ibuf [dreg:s22], $0x2FFFF;
	_ =	strace $0x9FFFFFFF  }
0xd8: {  	(tm) =	ssettm $0x7FFFFFFF  }
0xd9: {  	_ =	shalt  }
tec
execute0_lowered:
.L_overlay_start_1:
0x0: {  	(tag) =	ssettag $0x1  }
0x1: {  	s1 =	rddreg [dreg:$0x0]  }
0x2: {  	s0 =	rddreg [dreg:$0x1]  }
0x3: {  	s2 =	rddreg [dreg:$0x2];
	s3 =	simm.s32 $0x0  }
0x4: {  	s4 =	srdreg.scid;
	s13 =	stileid.u32;
	s28 =	simm.s32 $0x4000  }
0x5: {  	s31 =	simm.s32 $0x5000;
	[smem:$0x7FF] =	sst s3;
	s7 =	smul.u32 $0x4E000, s13  }
0x6: {  	s4 =	sand.u32 $0x1, s4;
	s6 =	sadd.s32 $0x49A00, s0;
	s18 =	smul.u32 $0x13800, s13  }
0x7: {  	s8 =	sadd.s32 $0x17A00, s0;
	s0 =	sadd.s32 $0x7BA00, s0;
	s20 =	smul.u32 $0xC800, s13  }
0x8: {  	s24 =	sadd.s32 $0x138000, s2;
	s26 =	sadd.s32 $0x138400, s2;
	p0 =	sne.s32 s13, $0xF  }
0x9: {  	s29 =	simm.s32 $0x3;
	_ =	strace $0x8000004A;
	s16 =	smul.u32 $0x138800, s4  }
0xa: {  	s5 =	sshll.u32 s4, $0x4;
	s9 =	ssub.s32 $0x2, s4;
	s4 =	smul.u32 $0xC8000, s4  }
0xb: {  	[dreg:$0xc] =	wrdreg s26;
	s26 =	simm.s32 $0x100;
	s5 =	sor.u32 s13, s5  }
0xc: {  	[dreg:$0xa] =	wrdreg s24;
	s11 =	sshrl.u32 s9, $0x1;
	s10 =	smul.u32 $0x1900, s5  }
0xd: {  	s15 =	sshrl.u32 s7, $0x2;
	s13 =	simm.s32 $0x1700;
	s12 =	smul.u32 $0xC800, s5  }
0xe: {  	s9 =	ssub.s32 s9, s11;
	s5 =	sadd.s32 s15, s2;
	s21 =	sadd.s32 s18, s16  }
0xf: {  	s7 =	sshrl.u32 s16, $0x3;
	s4 =	sadd.s32 s20, s4;
	s18 =	simm.s32 $0x7  }
0x10: {  	s15 =	simm.s32 $0x1780;
	s16 =	simm.s32 $0x1E80;
	s7 =	sadd.s32 s0, s7  }
0x11: {  	s23 =	sadd.s32 $0x1000, s4;
	s25 =	smax.u32 s9, $0x1;
	s4 =	simm.s32 $0x5  }
0x12: {  	s17 =	sshrl.u32 s12, $0x3;
	s14 =	sadd.s32 s6, s10;
	[dreg:$0xb] =	wrdreg s25  }
0x13: {  	s10 =	sadd.s32 s8, s10;
	s22 =	sadd.s32 $0x27000, s7;
	[dreg:$0x4] =	wrdreg s14  }
0x14: {  	s25 =	simm.s32 $0x3000;
	s12 =	simm.s32 $0x1F80;
	[dreg:$0x5] =	wrdreg s10  }
0x15: {  	s11 =	sadd.s32 $0x100, s17;
	[dreg:$0x9] =	wrdreg s22;
	s17 =	simm.s32 $0x6000  }
0x16: {  	s22 =	simm.s32 $0x19;
	s19 =	sadd.s32 s6, s11;
	s11 =	sadd.s32 s8, s11  }
0x17: {  	s10 =	simm.s32 $0x1680;
	[dreg:$0x7] =	wrdreg s11;
	s11 =	sshrl.u32 s21, $0x3  }
.Ltmp0:
0x18: {  	[dreg:$0x6] =	wrdreg s19;
	s0 =	sadd.s32 s0, s11;
	(pc) =	sbr.rel .LBB2_1-.Ltmp0, $4  }
0x19: {  	s14 =	simm.s32 $0x1E00;
	[dreg:$0x8] =	wrdreg s0;
	s0 =	sshrl.u32 s23, $0x3  }
0x1a: {  	s21 =	simm.s32 $0x1800;
	s11 =	simm.s32 $0x1D80;
	s30 =	sadd.s32 s0, s8  }
0x1b: {  	s23 =	simm.s32 $0x2000;
	s0 =	sadd.s32 s0, s6;
	[dreg:$0xd] =	wrdreg s30  }
0x1c: {  	v0 =	vimm.f32 $0.0e+00;
	s8 =	simm.s32 $0x6;
	[dreg:$0xe] =	wrdreg s0;
	s0 =	simm.s32 $0x4  }
.LBB2_10:
0x1d: {  	s6 =	stileid.u32  }
0x1e: {  	[bflag:$0x0] =	sbarrier.arrive $0xFFFF;
	s6 =	sshll.u32 s6, $0x6  }
0x1f: {  	s7 =	sshrl.u32 s5, $0x3;
	s9 =	rddreg [dreg:$0x8];
	s6 =	sor.u32 $0x1C07, s6  }
0x20: {  	[hbm:s9], [sflag:s6] =	dma.local [spmem:s7], $0x2700  }
0x21: {  	_ =	swait.ge [sflag:s18], $0x2700  }
0x22: {  	[sflag:s18] =	ssyncset.done $0x0;
	s24 =	rddreg [dreg:$0xa]  }
0x23: {  	s9 =	rddreg [dreg:$0x9];
	[sflag:s18] =	ssyncadd.s32 $0xFFFFD900;
	s7 =	sshrl.u32 @!p0 s24, $0x3  }
0x24: {  	[hbm:s9], [sflag:s6] =	dma.local @!p0 [spmem:s7], $0x100  }
0x25: {  	s6 =	simm.s32 @!p0 $0x7  }
0x26: {  	_ =	swait.ge @!p0 [sflag:s6], $0x100  }
0x27: {  	s3 =	sadd.s32 $0x1, s3;
	s30 =	rddreg [dreg:$0xb]  }
0x28: {  	p1 =	sne.s32 s3, s30  }
.Ltmp1:
0x29: {  	_ = 	snop;
	(pc) =	sbr.rel @!p1 .LBB2_11-.Ltmp1, $3  }
0x2a: {  	_ =	sdelay $0x1  }
0x2b: {  	[sflag:s6] =	ssyncset.done @!p0 $0x0  }
0x2c: {  	[sflag:s6] =	ssyncadd.s32 @!p0 $0xFFFFFF00  }
.LBB2_1:
0x2d: {  	[tilespmem:$0x6000] =	vst v0  }
0x2e: {  	[tilespmem:$0x6010] =	vst v0  }
0x2f: {  	[tilespmem:$0x6020] =	vst v0  }
0x30: {  	[tilespmem:$0x6030] =	vst v0  }
0x31: {  	[tilespmem:$0x6040] =	vst v0  }
0x32: {  	[tilespmem:$0x6050] =	vst v0  }
0x33: {  	[tilespmem:$0x6060] =	vst v0  }
0x34: {  	[tilespmem:$0x6070] =	vst v0  }
0x35: {  	[tilespmem:$0x6080] =	vst v0  }
0x36: {  	[tilespmem:$0x6090] =	vst v0  }
0x37: {  	[tilespmem:$0x60A0] =	vst v0  }
0x38: {  	[tilespmem:$0x60B0] =	vst v0  }
0x39: {  	[tilespmem:$0x60C0] =	vst v0  }
0x3a: {  	[tilespmem:$0x60D0] =	vst v0  }
0x3b: {  	[tilespmem:$0x60E0] =	vst v0  }
0x3c: {  	[tilespmem:$0x60F0] =	vst v0  }
0x3d: {  	[tilespmem:$0x6100] =	vst v0  }
0x3e: {  	[tilespmem:$0x6110] =	vst v0  }
0x3f: {  	[tilespmem:$0x6120] =	vst v0  }
0x40: {  	[tilespmem:$0x6130] =	vst v0  }
0x41: {  	[tilespmem:$0x6140] =	vst v0  }
0x42: {  	[tilespmem:$0x6150] =	vst v0  }
0x43: {  	[tilespmem:$0x6160] =	vst v0  }
0x44: {  	[tilespmem:$0x6170] =	vst v0  }
0x45: {  	[tilespmem:$0x6180] =	vst v0  }
0x46: {  	[tilespmem:$0x6190] =	vst v0  }
0x47: {  	[tilespmem:$0x61A0] =	vst v0  }
0x48: {  	[tilespmem:$0x61B0] =	vst v0  }
0x49: {  	[tilespmem:$0x61C0] =	vst v0  }
0x4a: {  	[tilespmem:$0x61D0] =	vst v0  }
0x4b: {  	[tilespmem:$0x61E0] =	vst v0  }
0x4c: {  	[tilespmem:$0x61F0] =	vst v0  }
0x4d: {  	[tilespmem:$0x6200] =	vst v0  }
0x4e: {  	[tilespmem:$0x6210] =	vst v0  }
0x4f: {  	[tilespmem:$0x6220] =	vst v0  }
0x50: {  	[tilespmem:$0x6230] =	vst v0  }
0x51: {  	[tilespmem:$0x6240] =	vst v0  }
0x52: {  	[tilespmem:$0x6250] =	vst v0  }
0x53: {  	[tilespmem:$0x6260] =	vst v0  }
0x54: {  	[tilespmem:$0x6270] =	vst v0  }
0x55: {  	[tilespmem:$0x6280] =	vst v0  }
0x56: {  	[tilespmem:$0x6290] =	vst v0  }
0x57: {  	[tilespmem:$0x62A0] =	vst v0  }
0x58: {  	[tilespmem:$0x62B0] =	vst v0  }
0x59: {  	[tilespmem:$0x62C0] =	vst v0  }
0x5a: {  	[tilespmem:$0x62D0] =	vst v0  }
0x5b: {  	[tilespmem:$0x62E0] =	vst v0  }
0x5c: {  	[tilespmem:$0x62F0] =	vst v0  }
0x5d: {  	[tilespmem:$0x6300] =	vst v0  }
0x5e: {  	[tilespmem:$0x6310] =	vst v0  }
0x5f: {  	[tilespmem:$0x6320] =	vst v0  }
0x60: {  	[tilespmem:$0x6330] =	vst v0  }
0x61: {  	[tilespmem:$0x6340] =	vst v0  }
0x62: {  	[tilespmem:$0x6350] =	vst v0  }
0x63: {  	[tilespmem:$0x6360] =	vst v0  }
0x64: {  	[tilespmem:$0x6370] =	vst v0  }
0x65: {  	[tilespmem:$0x6380] =	vst v0  }
0x66: {  	[tilespmem:$0x6390] =	vst v0  }
0x67: {  	[tilespmem:$0x63A0] =	vst v0  }
0x68: {  	[tilespmem:$0x63B0] =	vst v0  }
0x69: {  	[tilespmem:$0x63C0] =	vst v0  }
0x6a: {  	[tilespmem:$0x63D0] =	vst v0  }
0x6b: {  	[tilespmem:$0x63E0] =	vst v0  }
0x6c: {  	[tilespmem:$0x63F0] =	vst v0;
	s19 =	sadd.s32 $0x0, s5  }
0x6d: {  	[spmem:s19] =	stream.linear.scatter [tilespmem:s17], [sflag:$0x7], $0x400, $0x38;
	[tilespmem:$0x19C80] =	vst v63  }
0x6e: {  	s19 =	simm.s32 $0x1000;
	_ =	swait.ge [sflag:s18], $0x400  }
.LBB2_2:
0x6f: {  	s20 =	sshra.s32 s19, $0x2;
	[sflag:s18] =	ssyncset.done $0x0;
	p1 =	sne.s32 s19, $0x4D000  }
.Ltmp2:
0x70: {  	s20 =	sadd.s32 s20, s5;
	[sflag:s18] =	ssyncadd.s32 $0xFFFFFC00;
	(pc) =	sbr.rel @p1 .LBB2_2-.Ltmp2, $3  }
0x71: {  	[spmem:s20] =	stream.linear.scatter [tilespmem:s17], [sflag:$0x7], $0x400, $0x38;
	[tilespmem:$0x19C80] =	vst v63  }
0x72: {  	s19 =	sadd.s32 $0x1000, s19;
	_ =	sdelay $0x1  }
0x73: {  	_ =	swait.ge [sflag:s18], $0x400  }
0x74: {  	[sflag:s18] =	ssyncset.done $0x0  }
0x75: {  	s19 =	simm.s32 @!p0 $0x6000;
	s20 =	simm.s32 @!p0 $0x7;
	[sflag:s18] =	ssyncadd.s32 $0xFFFFFC00  }
0x76: {  	[spmem:s24] =	stream.linear.scatter @!p0 [tilespmem:s19], [sflag:$0x7], $0x400, $0x38;
	[tilespmem:$0x19C80] =	vst v63  }
0x77: {  	_ =	swait.ge @!p0 [sflag:s20], $0x400  }
0x78: {  	[sflag:s20] =	ssyncset.done @!p0 $0x0  }
0x79: {  	s6 =	rddreg [dreg:$0xc];
	[sflag:s20] =	ssyncadd.s32 @!p0 $0xFFFFFC00  }
0x7a: {  	[spmem:s6] =	stream.linear.scatter @!p0 [tilespmem:s19], [sflag:$0x7], $0x400, $0x38;
	[tilespmem:$0x19C80] =	vst v63  }
0x7b: {  	_ =	swait.ge @!p0 [sflag:s20], $0x400  }
0x7c: {  	[sflag:s20] =	ssyncset.done @!p0 $0x0  }
0x7d: {  	[sflag:s20] =	ssyncadd.s32 @!p0 $0xFFFFFC00  }
0x7e: {  	[bflag:$0x0] =	sbarrier.arrive $0xFFFF  }
0x7f: {  	s19 =	simm.s32 $0x0;
	s20 =	rddreg [dreg:$0x4]  }
0x80: {  	[tilespmem:s19], [sflag:$0x7] =	stream.linear.gather [hbm4b:s20+s19], $0x800, $0x38;
	[tilespmem:$0x19C80] =	vst v63  }
0x81: {  	_ =	swait.ge [sflag:s18], $0x800  }
0x82: {  	[sflag:s18] =	ssyncset.done $0x0  }
0x83: {  	s7 =	simm.s32 $0x800;
	s24 =	rddreg [dreg:$0x5];
	[sflag:s18] =	ssyncadd.s32 $0xFFFFF800  }
0x84: {  	[tilespmem:s7], [sflag:$0x7] =	stream.linear.gather [hbm4b:s24+s19], $0x800, $0x38;
	[tilespmem:$0x19C80] =	vst v63  }
0x85: {  	_ =	swait.ge [sflag:s18], $0x800  }
0x86: {  	[sflag:s18] =	ssyncset.done $0x0  }
0x87: {  	s9 =	simm.s32 $0x1000;
	s7 =	rddreg [dreg:$0x6];
	[sflag:s18] =	ssyncadd.s32 $0xFFFFF800  }
0x88: {  	[tilespmem:s9], [sflag:$0x2] =	stream.linear.gather [hbm4b:s7+s19], $0x800, $0x38;
	[tilespmem:$0x19C80] =	vst v63  }
0x89: {  	s20 =	rddreg [dreg:$0x7]  }
0x8a: {  	[tilespmem:s21], [sflag:$0x2] =	stream.linear.gather [hbm4b:s20+s19], $0x800, $0x38;
	[tilespmem:$0x19C80] =	vst v63  }
0x8b: {  	_ = 	snop  }
0x8c: {  	[tilespmem:s23], [sflag:$0x3] =	stream.indirect.gather [hbm4b:s1+s22], $0x80, s19, s22, $0xb8;
	[tilespmem:$0x19C80] =	vst v63  }
.Ltmp3:
0x8d: {  	_ = 	snop;
	(pc) =	sbr.rel .LBB2_4-.Ltmp3, $4  }
0x8e: {  	s24 =	simm.s32 $0x80;
	s30 =	rddreg [dreg:$0xe]  }
0x8f: {  	[tilespmem:s25], [sflag:$0x4] =	stream.indirect.gather [hbm4b:s1+s22], $0x80, s24, s22, $0xb8;
	[tilespmem:$0x19C80] =	vst v63  }
0x90: {  	s20 =	rddreg [dreg:$0xd]  }
0x91: {  	[tilespmem:s28], [sflag:$0x5] =	stream.indirect.gather [hbm4b:s1+s22], $0x80, s26, s22, $0xb8;
	[tilespmem:$0x19C80] =	vst v63  }
.LBB2_9:
0x92: {  	s19 =	sadd.s32 $0x1, s19  }
0x93: {  	p1 =	sne.s32 s19, $0x19  }
.Ltmp4:
0x94: {  	_ = 	snop;
	(pc) =	sbr.rel @!p1 .LBB2_10-.Ltmp4, $2  }
0x95: {  	_ =	sdelay $0x2  }
0x96: {  	s20 =	sadd.s32 $0x100, s20;
	s30 =	sadd.s32 $0x100, s30  }
.LBB2_4:
0x97: {  	s24 =	sand.u32 $0x1, s19  }
0x98: {  	p1 =	seq.s32 s24, $0x1  }
.Ltmp5:
0x99: {  	_ = 	snop;
	(pc) =	sbr.rel @p1 .LBB2_7-.Ltmp5, $1  }
0x9a: {  	_ =	sdelay $0x3  }
0x9b: {  	_ =	swait.ge [sflag:s29], $0xC80  }
0x9c: {  	[sflag:s29] =	ssyncset.done $0x0  }
0x9d: {  	s6 =	simm.s32 $0x800;
	[sflag:s29] =	ssyncadd.s32 $0xFFFFF380  }
0x9e: {  	[spmem:s2] =	stream.indirect.scatter.add.f32 [tilespmem:s23], [sflag:$0x7], $0x80, s6, s22, $0xb8;
	[tilespmem:$0x19C80] =	vst v63  }
0x9f: {  	_ =	swait.ge [sflag:s18], $0xC80  }
0xa0: {  	[sflag:s18] =	ssyncset.done $0x0  }
0xa1: {  	s9 =	simm.s32 $0x180;
	[sflag:s18] =	ssyncadd.s32 $0xFFFFF380  }
0xa2: {  	[tilespmem:s31], [sflag:$0x6] =	stream.indirect.gather [hbm4b:s1+s22], $0x80, s9, s22, $0xb8;
	[tilespmem:$0x19C80] =	vst v63  }
0xa3: {  	_ =	swait.ge [sflag:s0], $0xC80  }
0xa4: {  	[sflag:s0] =	ssyncset.done $0x0  }
0xa5: {  	s7 =	simm.s32 $0x880;
	[sflag:s0] =	ssyncadd.s32 $0xFFFFF380  }
0xa6: {  	[spmem:s2] =	stream.indirect.scatter.add.f32 [tilespmem:s25], [sflag:$0x7], $0x80, s7, s22, $0xb8;
	[tilespmem:$0x19C80] =	vst v63  }
0xa7: {  	_ =	swait.ge [sflag:s18], $0xC80  }
0xa8: {  	[sflag:s18] =	ssyncset.done $0x0  }
0xa9: {  	s9 =	simm.s32 $0x200;
	[sflag:s18] =	ssyncadd.s32 $0xFFFFF380  }
0xaa: {  	[tilespmem:s23], [sflag:$0x3] =	stream.indirect.gather [hbm4b:s1+s22], $0x80, s9, s22, $0xb8;
	[tilespmem:$0x19C80] =	vst v63  }
0xab: {  	_ =	swait.ge [sflag:s4], $0xC80  }
0xac: {  	[sflag:s4] =	ssyncset.done $0x0  }
0xad: {  	s7 =	simm.s32 $0x900;
	[sflag:s4] =	ssyncadd.s32 $0xFFFFF380  }
0xae: {  	[spmem:s2] =	stream.indirect.scatter.add.f32 [tilespmem:s28], [sflag:$0x7], $0x80, s7, s22, $0xb8;
	[tilespmem:$0x19C80] =	vst v63  }
0xaf: {  	_ =	swait.ge [sflag:s18], $0xC80  }
0xb0: {  	[sflag:s18] =	ssyncset.done $0x0  }
0xb1: {  	s9 =	simm.s32 $0x280;
	[sflag:s18] =	ssyncadd.s32 $0xFFFFF380  }
0xb2: {  	[tilespmem:s25], [sflag:$0x4] =	stream.indirect.gather [hbm4b:s1+s22], $0x80, s9, s22, $0xb8;
	[tilespmem:$0x19C80] =	vst v63  }
0xb3: {  	_ =	swait.ge [sflag:s8], $0xC80  }
0xb4: {  	[sflag:s8] =	ssyncset.done $0x0  }
0xb5: {  	s7 =	simm.s32 $0x980;
	[sflag:s8] =	ssyncadd.s32 $0xFFFFF380  }
0xb6: {  	[spmem:s2] =	stream.indirect.scatter.add.f32 [tilespmem:s31], [sflag:$0x7], $0x80, s7, s22, $0xb8;
	[tilespmem:$0x19C80] =	vst v63  }
0xb7: {  	_ =	swait.ge [sflag:s18], $0xC80  }
0xb8: {  	[sflag:s18] =	ssyncset.done $0x0  }
0xb9: {  	s9 =	simm.s32 $0x300;
	[sflag:s18] =	ssyncadd.s32 $0xFFFFF380  }
0xba: {  	[tilespmem:s28], [sflag:$0x5] =	stream.indirect.gather [hbm4b:s1+s22], $0x80, s9, s22, $0xb8;
	[tilespmem:$0x19C80] =	vst v63  }
0xbb: {  	_ =	swait.ge [sflag:s29], $0xC80  }
0xbc: {  	[sflag:s29] =	ssyncset.done $0x0  }
0xbd: {  	s7 =	simm.s32 $0xA00;
	[sflag:s29] =	ssyncadd.s32 $0xFFFFF380  }
0xbe: {  	[spmem:s2] =	stream.indirect.scatter.add.f32 [tilespmem:s23], [sflag:$0x7], $0x80, s7, s22, $0xb8;
	[tilespmem:$0x19C80] =	vst v63  }
0xbf: {  	_ =	swait.ge [sflag:s18], $0xC80  }
0xc0: {  	[sflag:s18] =	ssyncset.done $0x0  }
0xc1: {  	s9 =	simm.s32 $0x380;
	[sflag:s18] =	ssyncadd.s32 $0xFFFFF380  }
0xc2: {  	[tilespmem:s31], [sflag:$0x6] =	stream.indirect.gather [hbm4b:s1+s22], $0x80, s9, s22, $0xb8;
	[tilespmem:$0x19C80] =	vst v63  }
0xc3: {  	_ =	swait.ge [sflag:s0], $0xC80  }
0xc4: {  	[sflag:s0] =	ssyncset.done $0x0  }
0xc5: {  	s7 =	simm.s32 $0xA80;
	[sflag:s0] =	ssyncadd.s32 $0xFFFFF380  }
0xc6: {  	[spmem:s2] =	stream.indirect.scatter.add.f32 [tilespmem:s25], [sflag:$0x7], $0x80, s7, s22, $0xb8;
	[tilespmem:$0x19C80] =	vst v63  }
0xc7: {  	_ =	swait.ge [sflag:s18], $0xC80  }
0xc8: {  	[sflag:s18] =	ssyncset.done $0x0  }
0xc9: {  	s9 =	simm.s32 $0x400;
	[sflag:s18] =	ssyncadd.s32 $0xFFFFF380  }
0xca: {  	[tilespmem:s23], [sflag:$0x3] =	stream.indirect.gather [hbm4b:s1+s22], $0x80, s9, s22, $0xb8;
	[tilespmem:$0x19C80] =	vst v63  }
0xcb: {  	_ =	swait.ge [sflag:s4], $0xC80  }
0xcc: {  	[sflag:s4] =	ssyncset.done $0x0  }
0xcd: {  	s7 =	simm.s32 $0xB00;
	[sflag:s4] =	ssyncadd.s32 $0xFFFFF380  }
0xce: {  	[spmem:s2] =	stream.indirect.scatter.add.f32 [tilespmem:s28], [sflag:$0x7], $0x80, s7, s22, $0xb8;
	[tilespmem:$0x19C80] =	vst v63  }
0xcf: {  	_ =	swait.ge [sflag:s18], $0xC80  }
0xd0: {  	[sflag:s18] =	ssyncset.done $0x0  }
0xd1: {  	s9 =	simm.s32 $0x480;
	[sflag:s18] =	ssyncadd.s32 $0xFFFFF380  }
0xd2: {  	[tilespmem:s25], [sflag:$0x4] =	stream.indirect.gather [hbm4b:s1+s22], $0x80, s9, s22, $0xb8;
	[tilespmem:$0x19C80] =	vst v63  }
0xd3: {  	_ =	swait.ge [sflag:s8], $0xC80  }
0xd4: {  	[sflag:s8] =	ssyncset.done $0x0  }
0xd5: {  	s7 =	simm.s32 $0xB80;
	[sflag:s8] =	ssyncadd.s32 $0xFFFFF380  }
0xd6: {  	[spmem:s2] =	stream.indirect.scatter.add.f32 [tilespmem:s31], [sflag:$0x7], $0x80, s7, s22, $0xb8;
	[tilespmem:$0x19C80] =	vst v63  }
0xd7: {  	_ =	swait.ge [sflag:s18], $0xC80  }
0xd8: {  	[sflag:s18] =	ssyncset.done $0x0  }
0xd9: {  	s9 =	simm.s32 $0x500;
	[sflag:s18] =	ssyncadd.s32 $0xFFFFF380  }
0xda: {  	[tilespmem:s28], [sflag:$0x5] =	stream.indirect.gather [hbm4b:s1+s22], $0x80, s9, s22, $0xb8;
	[tilespmem:$0x19C80] =	vst v63  }
0xdb: {  	_ =	swait.ge [sflag:s29], $0xC80  }
0xdc: {  	[sflag:s29] =	ssyncset.done $0x0  }
0xdd: {  	s7 =	simm.s32 $0xC00;
	[sflag:s29] =	ssyncadd.s32 $0xFFFFF380  }
0xde: {  	[spmem:s2] =	stream.indirect.scatter.add.f32 [tilespmem:s23], [sflag:$0x7], $0x80, s7, s22, $0xb8;
	[tilespmem:$0x19C80] =	vst v63  }
0xdf: {  	_ =	swait.ge [sflag:s18], $0xC80  }
0xe0: {  	[sflag:s18] =	ssyncset.done $0x0  }
0xe1: {  	s9 =	simm.s32 $0x580;
	[sflag:s18] =	ssyncadd.s32 $0xFFFFF380  }
0xe2: {  	[tilespmem:s31], [sflag:$0x6] =	stream.indirect.gather [hbm4b:s1+s22], $0x80, s9, s22, $0xb8;
	[tilespmem:$0x19C80] =	vst v63  }
0xe3: {  	_ =	swait.ge [sflag:s0], $0xC80  }
0xe4: {  	[sflag:s0] =	ssyncset.done $0x0  }
0xe5: {  	s7 =	simm.s32 $0xC80;
	[sflag:s0] =	ssyncadd.s32 $0xFFFFF380  }
0xe6: {  	[spmem:s2] =	stream.indirect.scatter.add.f32 [tilespmem:s25], [sflag:$0x7], $0x80, s7, s22, $0xb8;
	[tilespmem:$0x19C80] =	vst v63  }
0xe7: {  	_ =	swait.ge [sflag:s18], $0xC80  }
0xe8: {  	[sflag:s18] =	ssyncset.done $0x0  }
0xe9: {  	s9 =	simm.s32 $0x600;
	[sflag:s18] =	ssyncadd.s32 $0xFFFFF380  }
0xea: {  	[tilespmem:s23], [sflag:$0x3] =	stream.indirect.gather [hbm4b:s1+s22], $0x80, s9, s22, $0xb8;
	[tilespmem:$0x19C80] =	vst v63  }
0xeb: {  	_ =	swait.ge [sflag:s4], $0xC80  }
0xec: {  	[sflag:s4] =	ssyncset.done $0x0  }
0xed: {  	s7 =	simm.s32 $0xD00;
	[sflag:s4] =	ssyncadd.s32 $0xFFFFF380  }
0xee: {  	[spmem:s2] =	stream.indirect.scatter.add.f32 [tilespmem:s28], [sflag:$0x7], $0x80, s7, s22, $0xb8;
	[tilespmem:$0x19C80] =	vst v63  }
0xef: {  	_ =	swait.ge [sflag:s18], $0xC80  }
0xf0: {  	[sflag:s18] =	ssyncset.done $0x0  }
0xf1: {  	s9 =	simm.s32 $0x680;
	[sflag:s18] =	ssyncadd.s32 $0xFFFFF380  }
0xf2: {  	[tilespmem:s25], [sflag:$0x4] =	stream.indirect.gather [hbm4b:s1+s22], $0x80, s9, s22, $0xb8;
	[tilespmem:$0x19C80] =	vst v63  }
0xf3: {  	_ =	swait.ge [sflag:s8], $0xC80  }
0xf4: {  	[sflag:s8] =	ssyncset.done $0x0  }
0xf5: {  	s7 =	simm.s32 $0xD80;
	[sflag:s8] =	ssyncadd.s32 $0xFFFFF380  }
0xf6: {  	[spmem:s2] =	stream.indirect.scatter.add.f32 [tilespmem:s31], [sflag:$0x7], $0x80, s7, s22, $0xb8;
	[tilespmem:$0x19C80] =	vst v63  }
0xf7: {  	_ =	swait.ge [sflag:s18], $0xC80  }
0xf8: {  	[sflag:s18] =	ssyncset.done $0x0  }
0xf9: {  	s9 =	simm.s32 $0x700;
	[sflag:s18] =	ssyncadd.s32 $0xFFFFF380  }
0xfa: {  	[tilespmem:s28], [sflag:$0x5] =	stream.indirect.gather [hbm4b:s1+s22], $0x80, s9, s22, $0xb8;
	[tilespmem:$0x19C80] =	vst v63  }
0xfb: {  	_ =	swait.ge [sflag:s29], $0xC80  }
0xfc: {  	[sflag:s29] =	ssyncset.done $0x0  }
0xfd: {  	s7 =	simm.s32 $0xE00;
	[sflag:s29] =	ssyncadd.s32 $0xFFFFF380  }
0xfe: {  	[spmem:s2] =	stream.indirect.scatter.add.f32 [tilespmem:s23], [sflag:$0x7], $0x80, s7, s22, $0xb8;
	[tilespmem:$0x19C80] =	vst v63  }
0xff: {  	_ =	swait.ge [sflag:s18], $0xC80  }
0x100: {  	[sflag:s18] =	ssyncset.done $0x0  }
0x101: {  	s9 =	simm.s32 $0x780;
	[sflag:s18] =	ssyncadd.s32 $0xFFFFF380  }
0x102: {  	[tilespmem:s31], [sflag:$0x6] =	stream.indirect.gather [hbm4b:s1+s22], $0x80, s9, s22, $0xb8;
	[tilespmem:$0x19C80] =	vst v63  }
0x103: {  	_ =	swait.ge [sflag:s0], $0xC80  }
0x104: {  	[sflag:s0] =	ssyncset.done $0x0  }
0x105: {  	s7 =	simm.s32 $0xE80;
	[sflag:s0] =	ssyncadd.s32 $0xFFFFF380  }
0x106: {  	[spmem:s2] =	stream.indirect.scatter.add.f32 [tilespmem:s25], [sflag:$0x7], $0x80, s7, s22, $0xb8;
	[tilespmem:$0x19C80] =	vst v63  }
0x107: {  	_ =	swait.ge [sflag:s18], $0xC80  }
0x108: {  	p1 =	seq.s32 s19, $0x18;
	[sflag:s18] =	ssyncset.done $0x0  }
0x109: {  	s6 =	simm.s32 @p1 $0x5;
	[sflag:s18] =	ssyncadd.s32 $0xFFFFF380  }
0x10a: {  	_ =	swait.ge @p1 [sflag:s6], $0xC80  }
0x10b: {  	s9 =	simm.s32 @p1 $0x4000;
	[sflag:s6] =	ssyncset.done @p1 $0x0  }
0x10c: {  	s7 =	simm.s32 @p1 $0xF00;
	[sflag:s6] =	ssyncadd.s32 @p1 $0xFFFFF380;
	s6 =	simm.s32 @p1 $0x19  }
0x10d: {  	[spmem:s2] =	stream.indirect.scatter.add.f32 @p1 [tilespmem:s9], [sflag:$0x7], $0x80, s7, s6, $0xb8;
	[tilespmem:$0x19C80] =	vst v63  }
0x10e: {  	s6 =	simm.s32 @p1 $0x7  }
0x10f: {  	_ =	swait.ge @p1 [sflag:s6], $0xC80  }
0x110: {  	[sflag:s6] =	ssyncset.done @p1 $0x0  }
0x111: {  	[sflag:s6] =	ssyncadd.s32 @p1 $0xFFFFF380;
	s6 =	simm.s32 @!p1 $0x2  }
0x112: {  	_ =	swait.ge @!p1 [sflag:s6], $0x800  }
0x113: {  	[sflag:s6] =	ssyncset.done @!p1 $0x0  }
0x114: {  	[sflag:s6] =	ssyncadd.s32 @!p1 $0xFFFFF800  }
0x115: {  	_ =	swait.ge @!p1 [sflag:s6], $0x800  }
0x116: {  	s7 =	simm.s32 @!p1 $0x1000;
	[sflag:s6] =	ssyncset.done @!p1 $0x0  }
0x117: {  	s9 =	simm.s32 @!p1 $0x2000;
	[sflag:s6] =	ssyncadd.s32 @!p1 $0xFFFFF800;
	s6 =	simm.s32 @!p1 $0x19  }
0x118: {  	[tilespmem:s9], [sflag:$0x3] =	stream.indirect.gather @!p1 [hbm4b:s1+s6], $0x80, s7, s6, $0xb8;
	[tilespmem:$0x19C80] =	vst v63  }
0x119: {  	s7 =	simm.s32 @!p1 $0x5  }
0x11a: {  	_ =	swait.ge @!p1 [sflag:s7], $0xC80  }
0x11b: {  	[sflag:s7] =	ssyncset.done @!p1 $0x0  }
0x11c: {  	s9 =	simm.s32 @!p1 $0x4000;
	[sflag:s7] =	ssyncadd.s32 @!p1 $0xFFFFF380;
	s7 =	simm.s32 @!p1 $0xF00  }
0x11d: {  	[spmem:s2] =	stream.indirect.scatter.add.f32 @!p1 [tilespmem:s9], [sflag:$0x7], $0x80, s7, s6, $0xb8;
	[tilespmem:$0x19C80] =	vst v63  }
0x11e: {  	s7 =	simm.s32 @!p1 $0x7  }
0x11f: {  	_ =	swait.ge @!p1 [sflag:s7], $0xC80  }
0x120: {  	[sflag:s7] =	ssyncset.done @!p1 $0x0  }
0x121: {  	s9 =	simm.s32 @!p1 $0x3000;
	[sflag:s7] =	ssyncadd.s32 @!p1 $0xFFFFF380;
	s7 =	simm.s32 @!p1 $0x1080  }
0x122: {  	[tilespmem:s9], [sflag:$0x4] =	stream.indirect.gather @!p1 [hbm4b:s1+s6], $0x80, s7, s6, $0xb8;
	[tilespmem:$0x19C80] =	vst v63  }
0x123: {  	_ =	swait.ge [sflag:s8], $0xC80  }
0x124: {  	[sflag:s8] =	ssyncset.done $0x0  }
.Ltmp6:
0x125: {  	s9 =	simm.s32 $0xF80;
	[sflag:s8] =	ssyncadd.s32 $0xFFFFF380;
	(pc) =	sbr.rel @p1 .LBB2_10-.Ltmp6, $4  }
0x126: {  	[spmem:s2] =	stream.indirect.scatter.add.f32 [tilespmem:s31], [sflag:$0x7], $0x80, s9, s22, $0xb8;
	[tilespmem:$0x19C80] =	vst v63  }
0x127: {  	_ =	swait.ge [sflag:s18], $0xC80  }
0x128: {  	[sflag:s18] =	ssyncset.done $0x0  }
0x129: {  	[sflag:s18] =	ssyncadd.s32 $0xFFFFF380  }
0x12a: {  	s6 =	simm.s32 $0x1100;
	p1 =	sgt.u32 s19, $0x16  }
0x12b: {  	[tilespmem:s28], [sflag:$0x5] =	stream.indirect.gather [hbm4b:s1+s22], $0x80, s6, s22, $0xb8;
	[tilespmem:$0x19C80] =	vst v63  }
0x12c: {  	s6 =	simm.s32 @!p1 $0x0  }
0x12d: {  	[tilespmem:s6], [sflag:$0x1] =	stream.linear.gather @!p1 [hbm4b:s30+s6], $0x800, $0x38;
	[tilespmem:$0x19C80] =	vst v63  }
0x12e: {  	s7 =	simm.s32 @!p1 $0x800  }
0x12f: {  	[tilespmem:s7], [sflag:$0x1] =	stream.linear.gather @!p1 [hbm4b:s20+s6], $0x800, $0x38;
	[tilespmem:$0x19C80] =	vst v63  }
0x130: {  	p1 =	seq.s32 s24, $0x0  }
.Ltmp7:
0x131: {  	_ = 	snop;
	(pc) =	sbr.rel @p1 .LBB2_9-.Ltmp7, $1  }
0x132: {  	_ =	sdelay $0x3  }
.LBB2_7:
0x133: {  	_ =	swait.ge [sflag:s29], $0xC80  }
0x134: {  	[sflag:s29] =	ssyncset.done $0x0  }
0x135: {  	[sflag:s29] =	ssyncadd.s32 $0xFFFFF380  }
0x136: {  	[spmem:s2] =	stream.indirect.scatter.add.f32 [tilespmem:s23], [sflag:$0x7], $0x80, s21, s22, $0xb8;
	[tilespmem:$0x19C80] =	vst v63  }
0x137: {  	_ =	swait.ge [sflag:s18], $0xC80  }
0x138: {  	[sflag:s18] =	ssyncset.done $0x0  }
0x139: {  	s6 =	simm.s32 $0x1180;
	[sflag:s18] =	ssyncadd.s32 $0xFFFFF380  }
0x13a: {  	[tilespmem:s31], [sflag:$0x6] =	stream.indirect.gather [hbm4b:s1+s22], $0x80, s6, s22, $0xb8;
	[tilespmem:$0x19C80] =	vst v63  }
0x13b: {  	_ =	swait.ge [sflag:s0], $0xC80  }
0x13c: {  	[sflag:s0] =	ssyncset.done $0x0  }
0x13d: {  	s24 =	simm.s32 $0x1880;
	[sflag:s0] =	ssyncadd.s32 $0xFFFFF380  }
0x13e: {  	[spmem:s2] =	stream.indirect.scatter.add.f32 [tilespmem:s25], [sflag:$0x7], $0x80, s24, s22, $0xb8;
	[tilespmem:$0x19C80] =	vst v63  }
0x13f: {  	_ =	swait.ge [sflag:s18], $0xC80  }
0x140: {  	[sflag:s18] =	ssyncset.done $0x0  }
0x141: {  	s7 =	simm.s32 $0x1200;
	[sflag:s18] =	ssyncadd.s32 $0xFFFFF380  }
0x142: {  	[tilespmem:s23], [sflag:$0x3] =	stream.indirect.gather [hbm4b:s1+s22], $0x80, s7, s22, $0xb8;
	[tilespmem:$0x19C80] =	vst v63  }
0x143: {  	_ =	swait.ge [sflag:s4], $0xC80  }
0x144: {  	[sflag:s4] =	ssyncset.done $0x0  }
0x145: {  	s9 =	simm.s32 $0x1900;
	[sflag:s4] =	ssyncadd.s32 $0xFFFFF380  }
0x146: {  	[spmem:s2] =	stream.indirect.scatter.add.f32 [tilespmem:s28], [sflag:$0x7], $0x80, s9, s22, $0xb8;
	[tilespmem:$0x19C80] =	vst v63  }
0x147: {  	_ =	swait.ge [sflag:s18], $0xC80  }
0x148: {  	[sflag:s18] =	ssyncset.done $0x0  }
0x149: {  	s24 =	simm.s32 $0x1280;
	[sflag:s18] =	ssyncadd.s32 $0xFFFFF380  }
0x14a: {  	[tilespmem:s25], [sflag:$0x4] =	stream.indirect.gather [hbm4b:s1+s22], $0x80, s24, s22, $0xb8;
	[tilespmem:$0x19C80] =	vst v63  }
0x14b: {  	_ =	swait.ge [sflag:s8], $0xC80  }
0x14c: {  	[sflag:s8] =	ssyncset.done $0x0  }
0x14d: {  	s7 =	simm.s32 $0x1980;
	[sflag:s8] =	ssyncadd.s32 $0xFFFFF380  }
0x14e: {  	[spmem:s2] =	stream.indirect.scatter.add.f32 [tilespmem:s31], [sflag:$0x7], $0x80, s7, s22, $0xb8;
	[tilespmem:$0x19C80] =	vst v63  }
0x14f: {  	_ =	swait.ge [sflag:s18], $0xC80  }
0x150: {  	[sflag:s18] =	ssyncset.done $0x0  }
0x151: {  	s9 =	simm.s32 $0x1300;
	[sflag:s18] =	ssyncadd.s32 $0xFFFFF380  }
0x152: {  	[tilespmem:s28], [sflag:$0x5] =	stream.indirect.gather [hbm4b:s1+s22], $0x80, s9, s22, $0xb8;
	[tilespmem:$0x19C80] =	vst v63  }
0x153: {  	_ =	swait.ge [sflag:s29], $0xC80  }
0x154: {  	[sflag:s29] =	ssyncset.done $0x0  }
0x155: {  	s24 =	simm.s32 $0x1A00;
	[sflag:s29] =	ssyncadd.s32 $0xFFFFF380  }
0x156: {  	[spmem:s2] =	stream.indirect.scatter.add.f32 [tilespmem:s23], [sflag:$0x7], $0x80, s24, s22, $0xb8;
	[tilespmem:$0x19C80] =	vst v63  }
0x157: {  	_ =	swait.ge [sflag:s18], $0xC80  }
0x158: {  	[sflag:s18] =	ssyncset.done $0x0  }
0x159: {  	s7 =	simm.s32 $0x1380;
	[sflag:s18] =	ssyncadd.s32 $0xFFFFF380  }
0x15a: {  	[tilespmem:s31], [sflag:$0x6] =	stream.indirect.gather [hbm4b:s1+s22], $0x80, s7, s22, $0xb8;
	[tilespmem:$0x19C80] =	vst v63  }
0x15b: {  	_ =	swait.ge [sflag:s0], $0xC80  }
0x15c: {  	[sflag:s0] =	ssyncset.done $0x0  }
0x15d: {  	s9 =	simm.s32 $0x1A80;
	[sflag:s0] =	ssyncadd.s32 $0xFFFFF380  }
0x15e: {  	[spmem:s2] =	stream.indirect.scatter.add.f32 [tilespmem:s25], [sflag:$0x7], $0x80, s9, s22, $0xb8;
	[tilespmem:$0x19C80] =	vst v63  }
0x15f: {  	_ =	swait.ge [sflag:s18], $0xC80  }
0x160: {  	[sflag:s18] =	ssyncset.done $0x0  }
0x161: {  	s24 =	simm.s32 $0x1400;
	[sflag:s18] =	ssyncadd.s32 $0xFFFFF380  }
0x162: {  	[tilespmem:s23], [sflag:$0x3] =	stream.indirect.gather [hbm4b:s1+s22], $0x80, s24, s22, $0xb8;
	[tilespmem:$0x19C80] =	vst v63  }
0x163: {  	_ =	swait.ge [sflag:s4], $0xC80  }
0x164: {  	[sflag:s4] =	ssyncset.done $0x0  }
0x165: {  	s7 =	simm.s32 $0x1B00;
	[sflag:s4] =	ssyncadd.s32 $0xFFFFF380  }
0x166: {  	[spmem:s2] =	stream.indirect.scatter.add.f32 [tilespmem:s28], [sflag:$0x7], $0x80, s7, s22, $0xb8;
	[tilespmem:$0x19C80] =	vst v63  }
0x167: {  	_ =	swait.ge [sflag:s18], $0xC80  }
0x168: {  	[sflag:s18] =	ssyncset.done $0x0  }
0x169: {  	s9 =	simm.s32 $0x1480;
	[sflag:s18] =	ssyncadd.s32 $0xFFFFF380  }
0x16a: {  	[tilespmem:s25], [sflag:$0x4] =	stream.indirect.gather [hbm4b:s1+s22], $0x80, s9, s22, $0xb8;
	[tilespmem:$0x19C80] =	vst v63  }
0x16b: {  	_ =	swait.ge [sflag:s8], $0xC80  }
0x16c: {  	[sflag:s8] =	ssyncset.done $0x0  }
0x16d: {  	s24 =	simm.s32 $0x1B80;
	[sflag:s8] =	ssyncadd.s32 $0xFFFFF380  }
0x16e: {  	[spmem:s2] =	stream.indirect.scatter.add.f32 [tilespmem:s31], [sflag:$0x7], $0x80, s24, s22, $0xb8;
	[tilespmem:$0x19C80] =	vst v63  }
0x16f: {  	_ =	swait.ge [sflag:s18], $0xC80  }
0x170: {  	[sflag:s18] =	ssyncset.done $0x0  }
0x171: {  	s7 =	simm.s32 $0x1500;
	[sflag:s18] =	ssyncadd.s32 $0xFFFFF380  }
0x172: {  	[tilespmem:s28], [sflag:$0x5] =	stream.indirect.gather [hbm4b:s1+s22], $0x80, s7, s22, $0xb8;
	[tilespmem:$0x19C80] =	vst v63  }
0x173: {  	_ =	swait.ge [sflag:s29], $0xC80  }
0x174: {  	[sflag:s29] =	ssyncset.done $0x0  }
0x175: {  	s9 =	simm.s32 $0x1C00;
	[sflag:s29] =	ssyncadd.s32 $0xFFFFF380  }
0x176: {  	[spmem:s2] =	stream.indirect.scatter.add.f32 [tilespmem:s23], [sflag:$0x7], $0x80, s9, s22, $0xb8;
	[tilespmem:$0x19C80] =	vst v63  }
0x177: {  	_ =	swait.ge [sflag:s18], $0xC80  }
0x178: {  	[sflag:s18] =	ssyncset.done $0x0  }
0x179: {  	s24 =	simm.s32 $0x1580;
	[sflag:s18] =	ssyncadd.s32 $0xFFFFF380  }
0x17a: {  	[tilespmem:s31], [sflag:$0x6] =	stream.indirect.gather [hbm4b:s1+s22], $0x80, s24, s22, $0xb8;
	[tilespmem:$0x19C80] =	vst v63  }
0x17b: {  	_ =	swait.ge [sflag:s0], $0xC80  }
0x17c: {  	[sflag:s0] =	ssyncset.done $0x0  }
0x17d: {  	s7 =	simm.s32 $0x1C80;
	[sflag:s0] =	ssyncadd.s32 $0xFFFFF380  }
0x17e: {  	[spmem:s2] =	stream.indirect.scatter.add.f32 [tilespmem:s25], [sflag:$0x7], $0x80, s7, s22, $0xb8;
	[tilespmem:$0x19C80] =	vst v63  }
0x17f: {  	_ =	swait.ge [sflag:s18], $0xC80  }
0x180: {  	[sflag:s18] =	ssyncset.done $0x0  }
0x181: {  	s9 =	simm.s32 $0x1600;
	[sflag:s18] =	ssyncadd.s32 $0xFFFFF380  }
0x182: {  	[tilespmem:s23], [sflag:$0x3] =	stream.indirect.gather [hbm4b:s1+s22], $0x80, s9, s22, $0xb8;
	[tilespmem:$0x19C80] =	vst v63  }
0x183: {  	_ =	swait.ge [sflag:s4], $0xC80  }
0x184: {  	[sflag:s4] =	ssyncset.done $0x0  }
0x185: {  	s24 =	simm.s32 $0x1D00;
	[sflag:s4] =	ssyncadd.s32 $0xFFFFF380  }
0x186: {  	[spmem:s2] =	stream.indirect.scatter.add.f32 [tilespmem:s28], [sflag:$0x7], $0x80, s24, s22, $0xb8;
	[tilespmem:$0x19C80] =	vst v63  }
0x187: {  	_ =	swait.ge [sflag:s18], $0xC80  }
0x188: {  	[sflag:s18] =	ssyncset.done $0x0  }
0x189: {  	[sflag:s18] =	ssyncadd.s32 $0xFFFFF380  }
0x18a: {  	[tilespmem:s25], [sflag:$0x4] =	stream.indirect.gather [hbm4b:s1+s22], $0x80, s10, s22, $0xb8;
	[tilespmem:$0x19C80] =	vst v63  }
0x18b: {  	_ =	swait.ge [sflag:s8], $0xC80  }
0x18c: {  	[sflag:s8] =	ssyncset.done $0x0  }
0x18d: {  	[sflag:s8] =	ssyncadd.s32 $0xFFFFF380  }
0x18e: {  	[spmem:s2] =	stream.indirect.scatter.add.f32 [tilespmem:s31], [sflag:$0x7], $0x80, s11, s22, $0xb8;
	[tilespmem:$0x19C80] =	vst v63  }
0x18f: {  	_ =	swait.ge [sflag:s18], $0xC80  }
0x190: {  	[sflag:s18] =	ssyncset.done $0x0  }
0x191: {  	[sflag:s18] =	ssyncadd.s32 $0xFFFFF380  }
0x192: {  	[tilespmem:s28], [sflag:$0x5] =	stream.indirect.gather [hbm4b:s1+s22], $0x80, s13, s22, $0xb8;
	[tilespmem:$0x19C80] =	vst v63  }
0x193: {  	_ =	swait.ge [sflag:s29], $0xC80  }
0x194: {  	[sflag:s29] =	ssyncset.done $0x0  }
0x195: {  	[sflag:s29] =	ssyncadd.s32 $0xFFFFF380  }
0x196: {  	[spmem:s2] =	stream.indirect.scatter.add.f32 [tilespmem:s23], [sflag:$0x7], $0x80, s14, s22, $0xb8;
	[tilespmem:$0x19C80] =	vst v63  }
0x197: {  	_ =	swait.ge [sflag:s18], $0xC80  }
0x198: {  	[sflag:s18] =	ssyncset.done $0x0  }
0x199: {  	[sflag:s18] =	ssyncadd.s32 $0xFFFFF380  }
0x19a: {  	[tilespmem:s31], [sflag:$0x6] =	stream.indirect.gather [hbm4b:s1+s22], $0x80, s15, s22, $0xb8;
	[tilespmem:$0x19C80] =	vst v63  }
0x19b: {  	_ =	swait.ge [sflag:s0], $0xC80  }
0x19c: {  	[sflag:s0] =	ssyncset.done $0x0  }
0x19d: {  	[sflag:s0] =	ssyncadd.s32 $0xFFFFF380  }
0x19e: {  	[spmem:s2] =	stream.indirect.scatter.add.f32 [tilespmem:s25], [sflag:$0x7], $0x80, s16, s22, $0xb8;
	[tilespmem:$0x19C80] =	vst v63  }
0x19f: {  	_ =	swait.ge [sflag:s18], $0xC80  }
0x1a0: {  	p1 =	seq.s32 s19, $0x18;
	[sflag:s18] =	ssyncset.done $0x0  }
0x1a1: {  	s6 =	simm.s32 @p1 $0x5;
	[sflag:s18] =	ssyncadd.s32 $0xFFFFF380  }
0x1a2: {  	_ =	swait.ge @p1 [sflag:s6], $0xC80  }
0x1a3: {  	s7 =	simm.s32 @p1 $0x1F00;
	[sflag:s6] =	ssyncset.done @p1 $0x0  }
0x1a4: {  	s9 =	simm.s32 @p1 $0x4000;
	[sflag:s6] =	ssyncadd.s32 @p1 $0xFFFFF380;
	s6 =	simm.s32 @p1 $0x19  }
0x1a5: {  	[spmem:s2] =	stream.indirect.scatter.add.f32 @p1 [tilespmem:s9], [sflag:$0x7], $0x80, s7, s6, $0xb8;
	[tilespmem:$0x19C80] =	vst v63  }
0x1a6: {  	s6 =	simm.s32 @p1 $0x7  }
0x1a7: {  	_ =	swait.ge @p1 [sflag:s6], $0xC80  }
0x1a8: {  	[sflag:s6] =	ssyncset.done @p1 $0x0  }
0x1a9: {  	[sflag:s6] =	ssyncadd.s32 @p1 $0xFFFFF380;
	s6 =	simm.s32 @!p1 $0x1  }
0x1aa: {  	_ =	swait.ge @!p1 [sflag:s6], $0x800  }
0x1ab: {  	[sflag:s6] =	ssyncset.done @!p1 $0x0  }
0x1ac: {  	[sflag:s6] =	ssyncadd.s32 @!p1 $0xFFFFF800  }
0x1ad: {  	_ =	swait.ge @!p1 [sflag:s6], $0x800  }
0x1ae: {  	s7 =	simm.s32 @!p1 $0x0;
	[sflag:s6] =	ssyncset.done @!p1 $0x0  }
0x1af: {  	s9 =	simm.s32 @!p1 $0x2000;
	[sflag:s6] =	ssyncadd.s32 @!p1 $0xFFFFF800;
	s6 =	simm.s32 @!p1 $0x19  }
0x1b0: {  	[tilespmem:s9], [sflag:$0x3] =	stream.indirect.gather @!p1 [hbm4b:s1+s6], $0x80, s7, s6, $0xb8;
	[tilespmem:$0x19C80] =	vst v63  }
0x1b1: {  	s7 =	simm.s32 @!p1 $0x5  }
0x1b2: {  	_ =	swait.ge @!p1 [sflag:s7], $0xC80  }
0x1b3: {  	[sflag:s7] =	ssyncset.done @!p1 $0x0  }
0x1b4: {  	s9 =	simm.s32 @!p1 $0x4000;
	[sflag:s7] =	ssyncadd.s32 @!p1 $0xFFFFF380;
	s7 =	simm.s32 @!p1 $0x1F00  }
0x1b5: {  	[spmem:s2] =	stream.indirect.scatter.add.f32 @!p1 [tilespmem:s9], [sflag:$0x7], $0x80, s7, s6, $0xb8;
	[tilespmem:$0x19C80] =	vst v63  }
0x1b6: {  	s7 =	simm.s32 @!p1 $0x7  }
0x1b7: {  	_ =	swait.ge @!p1 [sflag:s7], $0xC80  }
0x1b8: {  	[sflag:s7] =	ssyncset.done @!p1 $0x0  }
0x1b9: {  	s9 =	simm.s32 @!p1 $0x3000;
	[sflag:s7] =	ssyncadd.s32 @!p1 $0xFFFFF380;
	s7 =	simm.s32 @!p1 $0x80  }
0x1ba: {  	[tilespmem:s9], [sflag:$0x4] =	stream.indirect.gather @!p1 [hbm4b:s1+s6], $0x80, s7, s6, $0xb8;
	[tilespmem:$0x19C80] =	vst v63  }
0x1bb: {  	_ =	swait.ge [sflag:s8], $0xC80  }
0x1bc: {  	[sflag:s8] =	ssyncset.done $0x0  }
.Ltmp8:
0x1bd: {  	[sflag:s8] =	ssyncadd.s32 $0xFFFFF380;
	(pc) =	sbr.rel @p1 .LBB2_10-.Ltmp8, $4  }
0x1be: {  	[spmem:s2] =	stream.indirect.scatter.add.f32 [tilespmem:s31], [sflag:$0x7], $0x80, s12, s22, $0xb8;
	[tilespmem:$0x19C80] =	vst v63  }
0x1bf: {  	_ =	swait.ge [sflag:s18], $0xC80  }
0x1c0: {  	[sflag:s18] =	ssyncset.done $0x0  }
0x1c1: {  	[sflag:s18] =	ssyncadd.s32 $0xFFFFF380  }
0x1c2: {  	[tilespmem:s28], [sflag:$0x5] =	stream.indirect.gather [hbm4b:s1+s22], $0x80, s26, s22, $0xb8;
	[tilespmem:$0x19C80] =	vst v63  }
.Ltmp9:
0x1c3: {  	p1 =	sgt.u32 s19, $0x16;
	(pc) =	sbr.rel .LBB2_9-.Ltmp9, $4  }
0x1c4: {  	s6 =	simm.s32 @!p1 $0x0;
	s7 =	simm.s32 @!p1 $0x1000  }
0x1c5: {  	[tilespmem:s7], [sflag:$0x2] =	stream.linear.gather @!p1 [hbm4b:s30+s6], $0x800, $0x38;
	[tilespmem:$0x19C80] =	vst v63  }
0x1c6: {  	s7 =	simm.s32 @!p1 $0x1800  }
0x1c7: {  	[tilespmem:s7], [sflag:$0x2] =	stream.linear.gather @!p1 [hbm4b:s20+s6], $0x800, $0x38;
	[tilespmem:$0x19C80] =	vst v63  }
.LBB2_11:
0x1c8: {  	_ =	sfence.sel $0x180000  }
0x1c9: {  	[bflag:$0x0] =	sbarrier.arrive $0xFFFF  }
0x1ca: {  	_ =	strace $0x9000004A  }
0x1cb: {  	s0 =	stileid.u32;
	[bflag:$0x2] =	sbarrier.arrive $0xFFFF  }
0x1cc: {  	p0 =	sne.s32 s0, $0x0;
	s0 =	rddreg [dreg:$0x3]  }
0x1cd: {  	s0 =	sadd.s32 @!p0 $0x100000, s0  }
0x1ce: {  	[sflag:s0] =	ssyncadd.tile.s32 @!p0 $0x1;
	_ =	shalt  }
.Lfunc_end2:
_tile_overlayer_lowered:
.L_overlay_start_2:
0x1cf: {  	(tag) =	ssettag $0x2  }
0x1d0: {  	s0 =	rddreg [dreg:$0x0];
	s2 =	stileid.u32  }
0x1d1: {  	s1 =	rddreg [dreg:$0x1];
	p0 =	sne.s32 s2, $0x0  }
0x1d2: {  	s3 =	rddreg [dreg:$0x2];
	[bflag:$0x3] =	sbarrier.arrive $0xFFFF;
	s2 =	simm.s32 @!p0 $0x1C07  }
0x1d3: {  	[timem:s3], [sflag:s2] =	dma.local @!p0 [hbm:s0], s1  }
0x1d4: {  	s0 =	simm.s32 @!p0 $0x7  }
0x1d5: {  	_ =	swait.ge @!p0 [sflag:s0], s1  }
0x1d6: {  	s1 =	ssub.s32 @!p0 $0x0, s1;
	[sflag:s0] =	ssyncset.done @!p0 $0x0  }
0x1d7: {  	[sflag:s0] =	ssyncadd.s32 @!p0 s1  }
0x1d8: {  	[bflag:$0x3] =	sbarrier.arrive $0xFFFF  }
0x1d9: {  	_ =	shalt  }

// kernel: kernel.14.cloned.1.call-start
scs
__scs_entry_jumppad:
0x0: {  	(pc) =	sbr.rel $0x88, $3  }
0x1: {  	(tag) =	ssettag $0x0;
	lr =	simm.s32 $0x1  }
0x2: {  	[smem:$0x3F92] =	sst lr;
	_ =	strace $0xD0000000  }
0x3: {  	_ = 	snop  }
0x4: {  	_ = 	snop  }
0x5: {  	_ = 	snop  }
0x6: {  	_ = 	snop  }
0x7: {  	_ = 	snop  }
__scs_overlays_trampoline_lowered:
0x8: {  	[smem:$0x3FA1] =	sst s0  }
0x9: {  	[smem:$0x3FA2] =	sst s1  }
0xa: {  	[smem:$0x3FA3] =	sst s2  }
0xb: {  	[smem:$0x3FA4] =	sst s3  }
0xc: {  	[smem:$0x3FA5] =	sst s4  }
0xd: {  	[smem:$0x3FA6] =	sst s5  }
0xe: {  	[smem:$0x3FA7] =	sst s6  }
0xf: {  	[smem:$0x3FA8] =	sst s7  }
0x10: {  	[smem:$0x3FA9] =	sst s8  }
0x11: {  	[smem:$0x3FAA] =	sst s9;
	s0 =	simm.s32 @!p0 $0x0  }
0x12: {  	s1 =	sld [smem:$0x3F90];
	s0 =	simm.s32 @p0 $0x1  }
0x13: {  	[smem:$0x3FAB] =	sst s0;
	s0 =	simm.s32 @!p1 $0x0  }
0x14: {  	s2 =	sld [smem:$0x3F8F];
	s0 =	simm.s32 @p1 $0x1  }
0x15: {  	[smem:$0x3FAC] =	sst s0;
	s0 =	simm.s32 @!p2 $0x0  }
0x16: {  	s3 =	sld [smem:$0x3FDB];
	s0 =	simm.s32 @p2 $0x1  }
0x17: {  	s4 =	simm.s32 $0x1BF5;
	[smem:$0x3FAE] =	sst s0  }
0x18: {  	s0 =	sld [smem:$0x3F91];
	_ =	swait.ge [sflag:s4], $0x0  }
0x19: {  	s7 =	sld [smem:$0x3F92]  }
0x1a: {  	s8 =	sadd.s32 $0xFFFFE003, lr  }
0x1b: {  	s9 =	sadd.s32 $0xFFFFFEF7, lr;
	s5 =	simm.s32 $0xFFFFFFFF;
	p2 =	slt.u32 s8, $0xFFFFF086  }
0x1c: {  	p1 =	slt.u32 s9, $0xF7A;
	s5 =	simm.s32 @!p2 $0x0  }
0x1d: {  	s5 =	simm.s32 @p1 $0x1;
	p0 =	seq.s32 s7, s2  }
0x1e: {  	s7 =	smul.u32 @!p0 $0xF7A, s2;
	p2 =	seq.s32 @!p0 s5, $0x0  }
0x1f: {  	s9 =	smul.u32 $0xF7A, s1;
	s8 =	simm.s32 @!p0 $0x1BF5;
	p2 =	por !p2, p0  }
0x20: {  	[sflag:s8] =	ssyncset.s32 @!p0 $0xFFFFF086;
	s6 =	sadd.s32 @!p0 s3, s7;
	s7 =	simm.s32 @!p0 $0x108  }
0x21: {  	s3 =	sadd.s32 s3, s9;
	s6 =	sadd.s32 @!p0 $0x88, s6;
	s7 =	simm.s32 @p2 $0x1082  }
0x22: {  	[simem:s7], [sflag:s8] =	dma.local @!p0 [hbm:s6], $0xF7A  }
0x23: {  	s9 =	sor.u32 $0xD0000000, s2;
	s6 =	simm.s32 $0x108;
	_ =	swait.ge @!p0 [sflag:s8], $0x0  }
0x24: {  	s3 =	sadd.s32 $0x88, s3;
	s6 =	simm.s32 @!p1 $0x1082;
	[sflag:s4] =	ssyncset.s32 $0xFFFFF086  }
0x25: {  	[simem:s6], [sflag:s4] =	dma.local [hbm:s3], $0xF7A  }
0x26: {  	[smem:$0x3F92] =	sst s1;
	(tag) =	ssettag s2;
	_ =	strace s9  }
0x27: {  	s1 =	sld [smem:$0x3FA2]  }
0x28: {  	s2 =	sld [smem:$0x3FA3]  }
0x29: {  	s4 =	sld [smem:$0x3FA5]  }
0x2a: {  	p0 =	seq.s32 s5, $0x0;
	s5 =	sld [smem:$0x3FA6]  }
0x2b: {  	s6 =	sld [smem:$0x3FA7]  }
0x2c: {  	s7 =	sld [smem:$0x3FA8]  }
0x2d: {  	s3 =	simm.s32 $0x108;
	s8 =	sld [smem:$0x3FA9]  }
0x2e: {  	s3 =	simm.s32 @!p0 $0x1082;
	s9 =	sld [smem:$0x3FAA]  }
0x2f: {  	lr =	sadd.s32 s0, s3;
	s0 =	sld [smem:$0x3FA1]  }
0x30: {  	s3 =	sld [smem:$0x3FA4]  }
0x31: {  	[smem:$0x3FAD] =	sst s10  }
0x32: {  	s10 =	sld [smem:$0x3FAB];
	_ =	sdelay $0x3  }
0x33: {  	p0 =	seq.s32 s10, $0x1;
	s10 =	sld [smem:$0x3FAD];
	_ =	sdelay $0x3  }
0x34: {  	[smem:$0x3FAD] =	sst s10  }
0x35: {  	s10 =	sld [smem:$0x3FAC];
	_ =	sdelay $0x3  }
0x36: {  	p1 =	seq.s32 s10, $0x1;
	s10 =	sld [smem:$0x3FAD];
	_ =	sdelay $0x3  }
0x37: {  	[smem:$0x3FAD] =	sst s10  }
0x38: {  	s10 =	sld [smem:$0x3FAE]  }
0x39: {  	_ = 	snop;
	(pc) =	sbr.ind lr, $3  }
0x3a: {  	_ = 	snop  }
0x3b: {  	_ = 	snop  }
0x3c: {  	p2 =	seq.s32 s10, $0x1;
	s10 =	sld [smem:$0x3FAD]  }
0x3d: {  	_ =	shalt  }
0x3e: {  	_ =	shalt  }
0x3f: {  	_ =	shalt  }
0x40: {  	_ =	shalt  }
0x41: {  	_ =	shalt  }
0x42: {  	_ =	shalt  }
0x43: {  	_ =	shalt  }
0x44: {  	_ =	shalt  }
0x45: {  	_ =	shalt  }
0x46: {  	_ =	shalt  }
0x47: {  	_ =	shalt  }
0x48: {  	_ =	shalt  }
0x49: {  	_ =	shalt  }
0x4a: {  	_ =	shalt  }
0x4b: {  	_ =	shalt  }
0x4c: {  	_ =	shalt  }
0x4d: {  	_ =	shalt  }
0x4e: {  	_ =	shalt  }
0x4f: {  	_ =	shalt  }
0x50: {  	_ =	shalt  }
0x51: {  	_ =	shalt  }
0x52: {  	_ =	shalt  }
0x53: {  	_ =	shalt  }
0x54: {  	_ =	shalt  }
0x55: {  	_ =	shalt  }
0x56: {  	_ =	shalt  }
0x57: {  	_ =	shalt  }
0x58: {  	_ =	shalt  }
0x59: {  	_ =	shalt  }
0x5a: {  	_ =	shalt  }
0x5b: {  	_ =	shalt  }
0x5c: {  	_ =	shalt  }
0x5d: {  	_ =	shalt  }
0x5e: {  	_ =	shalt  }
0x5f: {  	_ =	shalt  }
0x60: {  	_ =	shalt  }
0x61: {  	_ =	shalt  }
0x62: {  	_ =	shalt  }
0x63: {  	_ =	shalt  }
0x64: {  	_ =	shalt  }
0x65: {  	_ =	shalt  }
0x66: {  	_ =	shalt  }
0x67: {  	_ =	shalt  }
0x68: {  	_ =	shalt  }
0x69: {  	_ =	shalt  }
0x6a: {  	_ =	shalt  }
0x6b: {  	_ =	shalt  }
0x6c: {  	_ =	shalt  }
0x6d: {  	_ =	shalt  }
0x6e: {  	_ =	shalt  }
0x6f: {  	_ =	shalt  }
0x70: {  	_ =	shalt  }
0x71: {  	_ =	shalt  }
0x72: {  	_ =	shalt  }
0x73: {  	_ =	shalt  }
0x74: {  	_ =	shalt  }
0x75: {  	_ =	shalt  }
0x76: {  	_ =	shalt  }
0x77: {  	_ =	shalt  }
0x78: {  	_ =	shalt  }
0x79: {  	_ =	shalt  }
0x7a: {  	_ =	shalt  }
0x7b: {  	_ =	shalt  }
0x7c: {  	_ =	shalt  }
0x7d: {  	_ =	shalt  }
0x7e: {  	_ =	shalt  }
0x7f: {  	_ =	shalt  }
0x80: {  	_ =	shalt  }
0x81: {  	_ =	shalt  }
0x82: {  	_ =	shalt  }
0x83: {  	_ =	shalt  }
0x84: {  	_ =	shalt  }
0x85: {  	_ =	shalt  }
0x86: {  	_ =	shalt  }
0x87: {  	_ =	shalt  }
.Lfunc_end0:
.L_simem_size_0:
called_computation.2_lowered:
.L_overlay_start_0:
0x88: {  	s2 =	sld [smem:$0x3FD9]  }
0x89: {  	s3 =	sld [smem:$0x3FFE];
	_ =	sdelay $0x1  }
0x8a: {  	s1 =	srdreg.scid  }
0x8b: {  	s0 =	sand.u32 $0x1, s1  }
0x8c: {  	s14 =	sshll.u32 s0, $0xA;
	s2 =	sadd.s32 s3, s2  }
0x8d: {  	s2 =	sadd.s32 s2, s14  }
0x8e: {  	[smem:$0x3FB9] =	sst s2  }
0x8f: {  	_ = 	snop  }
0x90: {  	s2 =	sld [smem:$0x3FD0];
	_ =	sdelay $0x2  }
0x91: {  	s15 =	simm.s32 $0xB;
	s4 =	simm.s32 $0x10  }
0x92: {  	[smem:s4], [sflag:s15] =	dma.local [hbm:s2], $0x1  }
0x93: {  	_ =	swait.eq [sflag:s15], $0x1  }
0x94: {  	[sflag:s15] =	ssyncset.done $0x0  }
0x95: {  	[sflag:s15] =	ssyncadd.s32 $0xFFFFFFFF  }
0x96: {  	s16 =	sld [smem:$0x10];
	(tm) =	ssettm $0x1  }
0x97: {  	s17 =	sld [smem:$0x3FFB];
	_ =	sdelay $0x3  }
0x98: {  	_ =	strace s17  }
0x99: {  	s3 =	sld [smem:$0x3FFC];
	_ =	sdelay $0x3  }
0x9a: {  	_ =	strace s3  }
0x9b: {  	s3 =	sld [smem:$0x3FFD];
	_ =	sdelay $0x3  }
0x9c: {  	_ =	strace s3  }
0x9d: {  	_ =	strace $0x8FFFFFFF  }
0x9e: {  	s18 =	sld [smem:$0x3FDB];
	_ =	sdelay $0x1  }
0x9f: {  	s19 =	simm.s32 $_scs_section_size  }
0xa0: {  	s5 =	simm.s32 $_size__tile_overlayer_lowered;
	s6 =	simm.s32 $_tile_overlayer_lowered  }
0xa1: {  	s22 =	simm.s32 $0x1BFF;
	s21 =	sshll.u32 s6, $0x1;
	s3 =	sadd.s32 s19, s18  }
0xa2: {  	s7 =	simm.s32 $0x0;
	s20 =	sshll.u32 s5, $0x1;
	s5 =	sadd.s32 s21, s3  }
0xa3: {  	[timem:s7], [sflag:s22] =	dma.local [hbm:s5], s20  }
0xa4: {  	_ =	swait.ge [sflag:s22], s20  }
0xa5: {  	s4 =	ssub.s32 $0x0, s20;
	[sflag:s22] =	ssyncset.done $0x0  }
0xa6: {  	[sflag:s22] =	ssyncadd.s32 s4;
	_ =	sdelay $0x1  }
0xa7: {  	s23 =	simm.s32 $0x1B8B  }
0xa8: {  	_ =	swait.ge [sflag:s23], $0x1  }
0xa9: {  	[sflag:s23] =	ssyncset.done $0x0  }
0xaa: {  	s25 =	simm.s32 $0x1B8E;
	s24 =	sld [smem:$0x3FFE];
	[sflag:s23] =	ssyncadd.s32 $0xFFFFFFFF  }
0xab: {  	s26 =	simm.s32 $execute0_lowered;
	[smem:$0x3FD2] =	sst s25  }
0xac: {  	s5 =	sshll.u32 s26, $0x1;
	_ =	strace $0x8000004C;
	[dreg:$0x1] =	wrdreg $0xFFFFFFFF  }
0xad: {  	s28 =	simm.s32 $_size_execute0_lowered;
	s3 =	sadd.s32 s3, s5;
	[dreg:$0x0] =	wrdreg $0x0  }
0xae: {  	s5 =	sshll.u32 s28, $0x1;
	[dreg:$0x2] =	wrdreg s3  }
0xaf: {  	[dreg:$0x3] =	wrdreg s5  }
0xb0: {  	[dreg:$0x4] =	wrdreg $0xC0  }
0xb1: {  	_ =	task [dreg:s7], $0x5FFFF  }
0xb2: {  	[dreg:$0x1] =	wrdreg $0xFFFFFFFF  }
0xb3: {  	[dreg:$0x0] =	wrdreg $0x60  }
0xb4: {  	[dreg:$0x2] =	wrdreg s16  }
0xb5: {  	[dreg:$0x3] =	wrdreg s24  }
0xb6: {  	[dreg:$0x4] =	wrdreg $0x64000  }
0xb7: {  	[dreg:$0x5] =	wrdreg $0x9  }
0xb8: {  	_ =	task.clear_ibuf [dreg:s7], $0x6FFFF;
	_ =	strace $0x9000004C  }
0xb9: {  	s29 =	simm.s32 $0x9;
	_ =	strace $0x8000004E  }
0xba: {  	_ =	swait.ge [sflag:s29], $0x1  }
0xbb: {  	[sflag:s29] =	ssyncadd.s32 $0xFFFFFFFF  }
0xbc: {  	_ =	strace $0x9000004E  }
0xbd: {  	_ =	sfence  }
0xbe: {  	s30 =	sld [smem:$0x0];
	_ =	sdelay $0x2  }
0xbf: {  	s31 =	sshll.u32 s1, $0xD;
	s1 =	sshrl.u32 s1, $0x2  }
0xc0: {  	s3 =	sand.u32 $0x4000, s31;
	s1 =	sadd.s32 s1, s30  }
0xc1: {  	s0 =	sor.u32 s3, s0;
	s1 =	sshll.u32 s1, $0x11  }
0xc2: {  	s0 =	sor.u32 s1, s0  }
0xc3: {  	s0 =	sadd.s32 $0x8F2B, s0  }
0xc4: {  	[sflag:s0] =	ssyncadd.remote.s32 $0x1  }
0xc5: {  	_ =	sfence.sel $0xFFFF  }
0xc6: {  	[dreg:$0x0] =	wrdreg $0xFFFFFFFF;
	(pc) =	sbr.abs _section_cstart, $3  }
0xc7: {  	[dreg:$0x1] =	wrdreg $0xFFFFFFFF  }
0xc8: {  	_ =	task.clear_ibuf [dreg:s7], $0x2FFFF;
	_ =	strace $0x9FFFFFFF  }
0xc9: {  	(tm) =	ssettm $0x7FFFFFFF  }
tec
execute0_lowered:
.L_overlay_start_1:
0x0: {  	(tag) =	ssettag $0x1  }
0x1: {  	s1 =	rddreg [dreg:$0x0]  }
0x2: {  	s0 =	rddreg [dreg:$0x1]  }
0x3: {  	s2 =	rddreg [dreg:$0x2];
	s3 =	simm.s32 $0x0  }
0x4: {  	s4 =	srdreg.scid;
	s13 =	stileid.u32;
	s28 =	simm.s32 $0x4000  }
0x5: {  	s31 =	simm.s32 $0x5000;
	[smem:$0x7FF] =	sst s3;
	s7 =	smul.u32 $0x4E000, s13  }
0x6: {  	s4 =	sand.u32 $0x1, s4;
	s6 =	sadd.s32 $0x49A00, s0;
	s18 =	smul.u32 $0x13800, s13  }
0x7: {  	s8 =	sadd.s32 $0x17A00, s0;
	s0 =	sadd.s32 $0x7BA00, s0;
	s20 =	smul.u32 $0xC800, s13  }
0x8: {  	s24 =	sadd.s32 $0x138000, s2;
	s26 =	sadd.s32 $0x138400, s2;
	p0 =	sne.s32 s13, $0xF  }
0x9: {  	s29 =	simm.s32 $0x3;
	_ =	strace $0x8000004D;
	s16 =	smul.u32 $0x138800, s4  }
0xa: {  	s5 =	sshll.u32 s4, $0x4;
	s9 =	ssub.s32 $0x2, s4;
	s4 =	smul.u32 $0xC8000, s4  }
0xb: {  	[dreg:$0xc] =	wrdreg s26;
	s26 =	simm.s32 $0x100;
	s5 =	sor.u32 s13, s5  }
0xc: {  	[dreg:$0xa] =	wrdreg s24;
	s11 =	sshrl.u32 s9, $0x1;
	s10 =	smul.u32 $0x1900, s5  }
0xd: {  	s15 =	sshrl.u32 s7, $0x2;
	s13 =	simm.s32 $0x1700;
	s12 =	smul.u32 $0xC800, s5  }
0xe: {  	s9 =	ssub.s32 s9, s11;
	s5 =	sadd.s32 s15, s2;
	s21 =	sadd.s32 s18, s16  }
0xf: {  	s7 =	sshrl.u32 s16, $0x3;
	s4 =	sadd.s32 s20, s4;
	s18 =	simm.s32 $0x7  }
0x10: {  	s15 =	simm.s32 $0x1780;
	s16 =	simm.s32 $0x1E80;
	s7 =	sadd.s32 s0, s7  }
0x11: {  	s23 =	sadd.s32 $0x1000, s4;
	s25 =	smax.u32 s9, $0x1;
	s4 =	simm.s32 $0x5  }
0x12: {  	s17 =	sshrl.u32 s12, $0x3;
	s14 =	sadd.s32 s6, s10;
	[dreg:$0xb] =	wrdreg s25  }
0x13: {  	s10 =	sadd.s32 s8, s10;
	s22 =	sadd.s32 $0x27000, s7;
	[dreg:$0x4] =	wrdreg s14  }
0x14: {  	s25 =	simm.s32 $0x3000;
	s12 =	simm.s32 $0x1F80;
	[dreg:$0x5] =	wrdreg s10  }
0x15: {  	s11 =	sadd.s32 $0x100, s17;
	[dreg:$0x9] =	wrdreg s22;
	s17 =	simm.s32 $0x6000  }
0x16: {  	s22 =	simm.s32 $0x19;
	s19 =	sadd.s32 s6, s11;
	s11 =	sadd.s32 s8, s11  }
0x17: {  	s10 =	simm.s32 $0x1680;
	[dreg:$0x7] =	wrdreg s11;
	s11 =	sshrl.u32 s21, $0x3  }
.Ltmp0:
0x18: {  	[dreg:$0x6] =	wrdreg s19;
	s0 =	sadd.s32 s0, s11;
	(pc) =	sbr.rel .LBB2_1-.Ltmp0, $4  }
0x19: {  	s14 =	simm.s32 $0x1E00;
	[dreg:$0x8] =	wrdreg s0;
	s0 =	sshrl.u32 s23, $0x3  }
0x1a: {  	s21 =	simm.s32 $0x1800;
	s11 =	simm.s32 $0x1D80;
	s30 =	sadd.s32 s0, s8  }
0x1b: {  	s23 =	simm.s32 $0x2000;
	s0 =	sadd.s32 s0, s6;
	[dreg:$0xd] =	wrdreg s30  }
0x1c: {  	v0 =	vimm.f32 $0.0e+00;
	s8 =	simm.s32 $0x6;
	[dreg:$0xe] =	wrdreg s0;
	s0 =	simm.s32 $0x4  }
.LBB2_10:
0x1d: {  	s6 =	stileid.u32  }
0x1e: {  	[bflag:$0x0] =	sbarrier.arrive $0xFFFF;
	s6 =	sshll.u32 s6, $0x6  }
0x1f: {  	s7 =	sshrl.u32 s5, $0x3;
	s9 =	rddreg [dreg:$0x8];
	s6 =	sor.u32 $0x1C07, s6  }
0x20: {  	[hbm:s9], [sflag:s6] =	dma.local [spmem:s7], $0x2700  }
0x21: {  	_ =	swait.ge [sflag:s18], $0x2700  }
0x22: {  	[sflag:s18] =	ssyncset.done $0x0;
	s24 =	rddreg [dreg:$0xa]  }
0x23: {  	s9 =	rddreg [dreg:$0x9];
	[sflag:s18] =	ssyncadd.s32 $0xFFFFD900;
	s7 =	sshrl.u32 @!p0 s24, $0x3  }
0x24: {  	[hbm:s9], [sflag:s6] =	dma.local @!p0 [spmem:s7], $0x100  }
0x25: {  	s6 =	simm.s32 @!p0 $0x7  }
0x26: {  	_ =	swait.ge @!p0 [sflag:s6], $0x100  }
0x27: {  	s3 =	sadd.s32 $0x1, s3;
	s30 =	rddreg [dreg:$0xb]  }
0x28: {  	p1 =	sne.s32 s3, s30  }
.Ltmp1:
0x29: {  	_ = 	snop;
	(pc) =	sbr.rel @!p1 .LBB2_11-.Ltmp1, $3  }
0x2a: {  	_ =	sdelay $0x1  }
0x2b: {  	[sflag:s6] =	ssyncset.done @!p0 $0x0  }
0x2c: {  	[sflag:s6] =	ssyncadd.s32 @!p0 $0xFFFFFF00  }
.LBB2_1:
0x2d: {  	[tilespmem:$0x6000] =	vst v0  }
0x2e: {  	[tilespmem:$0x6010] =	vst v0  }
0x2f: {  	[tilespmem:$0x6020] =	vst v0  }
0x30: {  	[tilespmem:$0x6030] =	vst v0  }
0x31: {  	[tilespmem:$0x6040] =	vst v0  }
0x32: {  	[tilespmem:$0x6050] =	vst v0  }
0x33: {  	[tilespmem:$0x6060] =	vst v0  }
0x34: {  	[tilespmem:$0x6070] =	vst v0  }
0x35: {  	[tilespmem:$0x6080] =	vst v0  }
0x36: {  	[tilespmem:$0x6090] =	vst v0  }
0x37: {  	[tilespmem:$0x60A0] =	vst v0  }
0x38: {  	[tilespmem:$0x60B0] =	vst v0  }
0x39: {  	[tilespmem:$0x60C0] =	vst v0  }
0x3a: {  	[tilespmem:$0x60D0] =	vst v0  }
0x3b: {  	[tilespmem:$0x60E0] =	vst v0  }
0x3c: {  	[tilespmem:$0x60F0] =	vst v0  }
0x3d: {  	[tilespmem:$0x6100] =	vst v0  }
0x3e: {  	[tilespmem:$0x6110] =	vst v0  }
0x3f: {  	[tilespmem:$0x6120] =	vst v0  }
0x40: {  	[tilespmem:$0x6130] =	vst v0  }
0x41: {  	[tilespmem:$0x6140] =	vst v0  }
0x42: {  	[tilespmem:$0x6150] =	vst v0  }
0x43: {  	[tilespmem:$0x6160] =	vst v0  }
0x44: {  	[tilespmem:$0x6170] =	vst v0  }
0x45: {  	[tilespmem:$0x6180] =	vst v0  }
0x46: {  	[tilespmem:$0x6190] =	vst v0  }
0x47: {  	[tilespmem:$0x61A0] =	vst v0  }
0x48: {  	[tilespmem:$0x61B0] =	vst v0  }
0x49: {  	[tilespmem:$0x61C0] =	vst v0  }
0x4a: {  	[tilespmem:$0x61D0] =	vst v0  }
0x4b: {  	[tilespmem:$0x61E0] =	vst v0  }
0x4c: {  	[tilespmem:$0x61F0] =	vst v0  }
0x4d: {  	[tilespmem:$0x6200] =	vst v0  }
0x4e: {  	[tilespmem:$0x6210] =	vst v0  }
0x4f: {  	[tilespmem:$0x6220] =	vst v0  }
0x50: {  	[tilespmem:$0x6230] =	vst v0  }
0x51: {  	[tilespmem:$0x6240] =	vst v0  }
0x52: {  	[tilespmem:$0x6250] =	vst v0  }
0x53: {  	[tilespmem:$0x6260] =	vst v0  }
0x54: {  	[tilespmem:$0x6270] =	vst v0  }
0x55: {  	[tilespmem:$0x6280] =	vst v0  }
0x56: {  	[tilespmem:$0x6290] =	vst v0  }
0x57: {  	[tilespmem:$0x62A0] =	vst v0  }
0x58: {  	[tilespmem:$0x62B0] =	vst v0  }
0x59: {  	[tilespmem:$0x62C0] =	vst v0  }
0x5a: {  	[tilespmem:$0x62D0] =	vst v0  }
0x5b: {  	[tilespmem:$0x62E0] =	vst v0  }
0x5c: {  	[tilespmem:$0x62F0] =	vst v0  }
0x5d: {  	[tilespmem:$0x6300] =	vst v0  }
0x5e: {  	[tilespmem:$0x6310] =	vst v0  }
0x5f: {  	[tilespmem:$0x6320] =	vst v0  }
0x60: {  	[tilespmem:$0x6330] =	vst v0  }
0x61: {  	[tilespmem:$0x6340] =	vst v0  }
0x62: {  	[tilespmem:$0x6350] =	vst v0  }
0x63: {  	[tilespmem:$0x6360] =	vst v0  }
0x64: {  	[tilespmem:$0x6370] =	vst v0  }
0x65: {  	[tilespmem:$0x6380] =	vst v0  }
0x66: {  	[tilespmem:$0x6390] =	vst v0  }
0x67: {  	[tilespmem:$0x63A0] =	vst v0  }
0x68: {  	[tilespmem:$0x63B0] =	vst v0  }
0x69: {  	[tilespmem:$0x63C0] =	vst v0  }
0x6a: {  	[tilespmem:$0x63D0] =	vst v0  }
0x6b: {  	[tilespmem:$0x63E0] =	vst v0  }
0x6c: {  	[tilespmem:$0x63F0] =	vst v0;
	s19 =	sadd.s32 $0x0, s5  }
0x6d: {  	[spmem:s19] =	stream.linear.scatter [tilespmem:s17], [sflag:$0x7], $0x400, $0x38;
	[tilespmem:$0x19C80] =	vst v63  }
0x6e: {  	s19 =	simm.s32 $0x1000;
	_ =	swait.ge [sflag:s18], $0x400  }
.LBB2_2:
0x6f: {  	s20 =	sshra.s32 s19, $0x2;
	[sflag:s18] =	ssyncset.done $0x0;
	p1 =	sne.s32 s19, $0x4D000  }
.Ltmp2:
0x70: {  	s20 =	sadd.s32 s20, s5;
	[sflag:s18] =	ssyncadd.s32 $0xFFFFFC00;
	(pc) =	sbr.rel @p1 .LBB2_2-.Ltmp2, $3  }
0x71: {  	[spmem:s20] =	stream.linear.scatter [tilespmem:s17], [sflag:$0x7], $0x400, $0x38;
	[tilespmem:$0x19C80] =	vst v63  }
0x72: {  	s19 =	sadd.s32 $0x1000, s19;
	_ =	sdelay $0x1  }
0x73: {  	_ =	swait.ge [sflag:s18], $0x400  }
0x74: {  	[sflag:s18] =	ssyncset.done $0x0  }
0x75: {  	s19 =	simm.s32 @!p0 $0x6000;
	s20 =	simm.s32 @!p0 $0x7;
	[sflag:s18] =	ssyncadd.s32 $0xFFFFFC00  }
0x76: {  	[spmem:s24] =	stream.linear.scatter @!p0 [tilespmem:s19], [sflag:$0x7], $0x400, $0x38;
	[tilespmem:$0x19C80] =	vst v63  }
0x77: {  	_ =	swait.ge @!p0 [sflag:s20], $0x400  }
0x78: {  	[sflag:s20] =	ssyncset.done @!p0 $0x0  }
0x79: {  	s6 =	rddreg [dreg:$0xc];
	[sflag:s20] =	ssyncadd.s32 @!p0 $0xFFFFFC00  }
0x7a: {  	[spmem:s6] =	stream.linear.scatter @!p0 [tilespmem:s19], [sflag:$0x7], $0x400, $0x38;
	[tilespmem:$0x19C80] =	vst v63  }
0x7b: {  	_ =	swait.ge @!p0 [sflag:s20], $0x400  }
0x7c: {  	[sflag:s20] =	ssyncset.done @!p0 $0x0  }
0x7d: {  	[sflag:s20] =	ssyncadd.s32 @!p0 $0xFFFFFC00  }
0x7e: {  	[bflag:$0x0] =	sbarrier.arrive $0xFFFF  }
0x7f: {  	s19 =	simm.s32 $0x0;
	s20 =	rddreg [dreg:$0x4]  }
0x80: {  	[tilespmem:s19], [sflag:$0x7] =	stream.linear.gather [hbm4b:s20+s19], $0x800, $0x38;
	[tilespmem:$0x19C80] =	vst v63  }
0x81: {  	_ =	swait.ge [sflag:s18], $0x800  }
0x82: {  	[sflag:s18] =	ssyncset.done $0x0  }
0x83: {  	s7 =	simm.s32 $0x800;
	s24 =	rddreg [dreg:$0x5];
	[sflag:s18] =	ssyncadd.s32 $0xFFFFF800  }
0x84: {  	[tilespmem:s7], [sflag:$0x7] =	stream.linear.gather [hbm4b:s24+s19], $0x800, $0x38;
	[tilespmem:$0x19C80] =	vst v63  }
0x85: {  	_ =	swait.ge [sflag:s18], $0x800  }
0x86: {  	[sflag:s18] =	ssyncset.done $0x0  }
0x87: {  	s9 =	simm.s32 $0x1000;
	s7 =	rddreg [dreg:$0x6];
	[sflag:s18] =	ssyncadd.s32 $0xFFFFF800  }
0x88: {  	[tilespmem:s9], [sflag:$0x2] =	stream.linear.gather [hbm4b:s7+s19], $0x800, $0x38;
	[tilespmem:$0x19C80] =	vst v63  }
0x89: {  	s20 =	rddreg [dreg:$0x7]  }
0x8a: {  	[tilespmem:s21], [sflag:$0x2] =	stream.linear.gather [hbm4b:s20+s19], $0x800, $0x38;
	[tilespmem:$0x19C80] =	vst v63  }
0x8b: {  	_ = 	snop  }
0x8c: {  	[tilespmem:s23], [sflag:$0x3] =	stream.indirect.gather [hbm4b:s1+s22], $0x80, s19, s22, $0xb8;
	[tilespmem:$0x19C80] =	vst v63  }
.Ltmp3:
0x8d: {  	_ = 	snop;
	(pc) =	sbr.rel .LBB2_4-.Ltmp3, $4  }
0x8e: {  	s24 =	simm.s32 $0x80;
	s30 =	rddreg [dreg:$0xe]  }
0x8f: {  	[tilespmem:s25], [sflag:$0x4] =	stream.indirect.gather [hbm4b:s1+s22], $0x80, s24, s22, $0xb8;
	[tilespmem:$0x19C80] =	vst v63  }
0x90: {  	s20 =	rddreg [dreg:$0xd]  }
0x91: {  	[tilespmem:s28], [sflag:$0x5] =	stream.indirect.gather [hbm4b:s1+s22], $0x80, s26, s22, $0xb8;
	[tilespmem:$0x19C80] =	vst v63  }
.LBB2_9:
0x92: {  	s19 =	sadd.s32 $0x1, s19  }
0x93: {  	p1 =	sne.s32 s19, $0x19  }
.Ltmp4:
0x94: {  	_ = 	snop;
	(pc) =	sbr.rel @!p1 .LBB2_10-.Ltmp4, $2  }
0x95: {  	_ =	sdelay $0x2  }
0x96: {  	s20 =	sadd.s32 $0x100, s20;
	s30 =	sadd.s32 $0x100, s30  }
.LBB2_4:
0x97: {  	s24 =	sand.u32 $0x1, s19  }
0x98: {  	p1 =	seq.s32 s24, $0x1  }
.Ltmp5:
0x99: {  	_ = 	snop;
	(pc) =	sbr.rel @p1 .LBB2_7-.Ltmp5, $1  }
0x9a: {  	_ =	sdelay $0x3  }
0x9b: {  	_ =	swait.ge [sflag:s29], $0xC80  }
0x9c: {  	[sflag:s29] =	ssyncset.done $0x0  }
0x9d: {  	s6 =	simm.s32 $0x800;
	[sflag:s29] =	ssyncadd.s32 $0xFFFFF380  }
0x9e: {  	[spmem:s2] =	stream.indirect.scatter.add.f32 [tilespmem:s23], [sflag:$0x7], $0x80, s6, s22, $0xb8;
	[tilespmem:$0x19C80] =	vst v63  }
0x9f: {  	_ =	swait.ge [sflag:s18], $0xC80  }
0xa0: {  	[sflag:s18] =	ssyncset.done $0x0  }
0xa1: {  	s9 =	simm.s32 $0x180;
	[sflag:s18] =	ssyncadd.s32 $0xFFFFF380  }
0xa2: {  	[tilespmem:s31], [sflag:$0x6] =	stream.indirect.gather [hbm4b:s1+s22], $0x80, s9, s22, $0xb8;
	[tilespmem:$0x19C80] =	vst v63  }
0xa3: {  	_ =	swait.ge [sflag:s0], $0xC80  }
0xa4: {  	[sflag:s0] =	ssyncset.done $0x0  }
0xa5: {  	s7 =	simm.s32 $0x880;
	[sflag:s0] =	ssyncadd.s32 $0xFFFFF380  }
0xa6: {  	[spmem:s2] =	stream.indirect.scatter.add.f32 [tilespmem:s25], [sflag:$0x7], $0x80, s7, s22, $0xb8;
	[tilespmem:$0x19C80] =	vst v63  }
0xa7: {  	_ =	swait.ge [sflag:s18], $0xC80  }
0xa8: {  	[sflag:s18] =	ssyncset.done $0x0  }
0xa9: {  	s9 =	simm.s32 $0x200;
	[sflag:s18] =	ssyncadd.s32 $0xFFFFF380  }
0xaa: {  	[tilespmem:s23], [sflag:$0x3] =	stream.indirect.gather [hbm4b:s1+s22], $0x80, s9, s22, $0xb8;
	[tilespmem:$0x19C80] =	vst v63  }
0xab: {  	_ =	swait.ge [sflag:s4], $0xC80  }
0xac: {  	[sflag:s4] =	ssyncset.done $0x0  }
0xad: {  	s7 =	simm.s32 $0x900;
	[sflag:s4] =	ssyncadd.s32 $0xFFFFF380  }
0xae: {  	[spmem:s2] =	stream.indirect.scatter.add.f32 [tilespmem:s28], [sflag:$0x7], $0x80, s7, s22, $0xb8;
	[tilespmem:$0x19C80] =	vst v63  }
0xaf: {  	_ =	swait.ge [sflag:s18], $0xC80  }
0xb0: {  	[sflag:s18] =	ssyncset.done $0x0  }
0xb1: {  	s9 =	simm.s32 $0x280;
	[sflag:s18] =	ssyncadd.s32 $0xFFFFF380  }
0xb2: {  	[tilespmem:s25], [sflag:$0x4] =	stream.indirect.gather [hbm4b:s1+s22], $0x80, s9, s22, $0xb8;
	[tilespmem:$0x19C80] =	vst v63  }
0xb3: {  	_ =	swait.ge [sflag:s8], $0xC80  }
0xb4: {  	[sflag:s8] =	ssyncset.done $0x0  }
0xb5: {  	s7 =	simm.s32 $0x980;
	[sflag:s8] =	ssyncadd.s32 $0xFFFFF380  }
0xb6: {  	[spmem:s2] =	stream.indirect.scatter.add.f32 [tilespmem:s31], [sflag:$0x7], $0x80, s7, s22, $0xb8;
	[tilespmem:$0x19C80] =	vst v63  }
0xb7: {  	_ =	swait.ge [sflag:s18], $0xC80  }
0xb8: {  	[sflag:s18] =	ssyncset.done $0x0  }
0xb9: {  	s9 =	simm.s32 $0x300;
	[sflag:s18] =	ssyncadd.s32 $0xFFFFF380  }
0xba: {  	[tilespmem:s28], [sflag:$0x5] =	stream.indirect.gather [hbm4b:s1+s22], $0x80, s9, s22, $0xb8;
	[tilespmem:$0x19C80] =	vst v63  }
0xbb: {  	_ =	swait.ge [sflag:s29], $0xC80  }
0xbc: {  	[sflag:s29] =	ssyncset.done $0x0  }
0xbd: {  	s7 =	simm.s32 $0xA00;
	[sflag:s29] =	ssyncadd.s32 $0xFFFFF380  }
0xbe: {  	[spmem:s2] =	stream.indirect.scatter.add.f32 [tilespmem:s23], [sflag:$0x7], $0x80, s7, s22, $0xb8;
	[tilespmem:$0x19C80] =	vst v63  }
0xbf: {  	_ =	swait.ge [sflag:s18], $0xC80  }
0xc0: {  	[sflag:s18] =	ssyncset.done $0x0  }
0xc1: {  	s9 =	simm.s32 $0x380;
	[sflag:s18] =	ssyncadd.s32 $0xFFFFF380  }
0xc2: {  	[tilespmem:s31], [sflag:$0x6] =	stream.indirect.gather [hbm4b:s1+s22], $0x80, s9, s22, $0xb8;
	[tilespmem:$0x19C80] =	vst v63  }
0xc3: {  	_ =	swait.ge [sflag:s0], $0xC80  }
0xc4: {  	[sflag:s0] =	ssyncset.done $0x0  }
0xc5: {  	s7 =	simm.s32 $0xA80;
	[sflag:s0] =	ssyncadd.s32 $0xFFFFF380  }
0xc6: {  	[spmem:s2] =	stream.indirect.scatter.add.f32 [tilespmem:s25], [sflag:$0x7], $0x80, s7, s22, $0xb8;
	[tilespmem:$0x19C80] =	vst v63  }
0xc7: {  	_ =	swait.ge [sflag:s18], $0xC80  }
0xc8: {  	[sflag:s18] =	ssyncset.done $0x0  }
0xc9: {  	s9 =	simm.s32 $0x400;
	[sflag:s18] =	ssyncadd.s32 $0xFFFFF380  }
0xca: {  	[tilespmem:s23], [sflag:$0x3] =	stream.indirect.gather [hbm4b:s1+s22], $0x80, s9, s22, $0xb8;
	[tilespmem:$0x19C80] =	vst v63  }
0xcb: {  	_ =	swait.ge [sflag:s4], $0xC80  }
0xcc: {  	[sflag:s4] =	ssyncset.done $0x0  }
0xcd: {  	s7 =	simm.s32 $0xB00;
	[sflag:s4] =	ssyncadd.s32 $0xFFFFF380  }
0xce: {  	[spmem:s2] =	stream.indirect.scatter.add.f32 [tilespmem:s28], [sflag:$0x7], $0x80, s7, s22, $0xb8;
	[tilespmem:$0x19C80] =	vst v63  }
0xcf: {  	_ =	swait.ge [sflag:s18], $0xC80  }
0xd0: {  	[sflag:s18] =	ssyncset.done $0x0  }
0xd1: {  	s9 =	simm.s32 $0x480;
	[sflag:s18] =	ssyncadd.s32 $0xFFFFF380  }
0xd2: {  	[tilespmem:s25], [sflag:$0x4] =	stream.indirect.gather [hbm4b:s1+s22], $0x80, s9, s22, $0xb8;
	[tilespmem:$0x19C80] =	vst v63  }
0xd3: {  	_ =	swait.ge [sflag:s8], $0xC80  }
0xd4: {  	[sflag:s8] =	ssyncset.done $0x0  }
0xd5: {  	s7 =	simm.s32 $0xB80;
	[sflag:s8] =	ssyncadd.s32 $0xFFFFF380  }
0xd6: {  	[spmem:s2] =	stream.indirect.scatter.add.f32 [tilespmem:s31], [sflag:$0x7], $0x80, s7, s22, $0xb8;
	[tilespmem:$0x19C80] =	vst v63  }
0xd7: {  	_ =	swait.ge [sflag:s18], $0xC80  }
0xd8: {  	[sflag:s18] =	ssyncset.done $0x0  }
0xd9: {  	s9 =	simm.s32 $0x500;
	[sflag:s18] =	ssyncadd.s32 $0xFFFFF380  }
0xda: {  	[tilespmem:s28], [sflag:$0x5] =	stream.indirect.gather [hbm4b:s1+s22], $0x80, s9, s22, $0xb8;
	[tilespmem:$0x19C80] =	vst v63  }
0xdb: {  	_ =	swait.ge [sflag:s29], $0xC80  }
0xdc: {  	[sflag:s29] =	ssyncset.done $0x0  }
0xdd: {  	s7 =	simm.s32 $0xC00;
	[sflag:s29] =	ssyncadd.s32 $0xFFFFF380  }
0xde: {  	[spmem:s2] =	stream.indirect.scatter.add.f32 [tilespmem:s23], [sflag:$0x7], $0x80, s7, s22, $0xb8;
	[tilespmem:$0x19C80] =	vst v63  }
0xdf: {  	_ =	swait.ge [sflag:s18], $0xC80  }
0xe0: {  	[sflag:s18] =	ssyncset.done $0x0  }
0xe1: {  	s9 =	simm.s32 $0x580;
	[sflag:s18] =	ssyncadd.s32 $0xFFFFF380  }
0xe2: {  	[tilespmem:s31], [sflag:$0x6] =	stream.indirect.gather [hbm4b:s1+s22], $0x80, s9, s22, $0xb8;
	[tilespmem:$0x19C80] =	vst v63  }
0xe3: {  	_ =	swait.ge [sflag:s0], $0xC80  }
0xe4: {  	[sflag:s0] =	ssyncset.done $0x0  }
0xe5: {  	s7 =	simm.s32 $0xC80;
	[sflag:s0] =	ssyncadd.s32 $0xFFFFF380  }
0xe6: {  	[spmem:s2] =	stream.indirect.scatter.add.f32 [tilespmem:s25], [sflag:$0x7], $0x80, s7, s22, $0xb8;
	[tilespmem:$0x19C80] =	vst v63  }
0xe7: {  	_ =	swait.ge [sflag:s18], $0xC80  }
0xe8: {  	[sflag:s18] =	ssyncset.done $0x0  }
0xe9: {  	s9 =	simm.s32 $0x600;
	[sflag:s18] =	ssyncadd.s32 $0xFFFFF380  }
0xea: {  	[tilespmem:s23], [sflag:$0x3] =	stream.indirect.gather [hbm4b:s1+s22], $0x80, s9, s22, $0xb8;
	[tilespmem:$0x19C80] =	vst v63  }
0xeb: {  	_ =	swait.ge [sflag:s4], $0xC80  }
0xec: {  	[sflag:s4] =	ssyncset.done $0x0  }
0xed: {  	s7 =	simm.s32 $0xD00;
	[sflag:s4] =	ssyncadd.s32 $0xFFFFF380  }
0xee: {  	[spmem:s2] =	stream.indirect.scatter.add.f32 [tilespmem:s28], [sflag:$0x7], $0x80, s7, s22, $0xb8;
	[tilespmem:$0x19C80] =	vst v63  }
0xef: {  	_ =	swait.ge [sflag:s18], $0xC80  }
0xf0: {  	[sflag:s18] =	ssyncset.done $0x0  }
0xf1: {  	s9 =	simm.s32 $0x680;
	[sflag:s18] =	ssyncadd.s32 $0xFFFFF380  }
0xf2: {  	[tilespmem:s25], [sflag:$0x4] =	stream.indirect.gather [hbm4b:s1+s22], $0x80, s9, s22, $0xb8;
	[tilespmem:$0x19C80] =	vst v63  }
0xf3: {  	_ =	swait.ge [sflag:s8], $0xC80  }
0xf4: {  	[sflag:s8] =	ssyncset.done $0x0  }
0xf5: {  	s7 =	simm.s32 $0xD80;
	[sflag:s8] =	ssyncadd.s32 $0xFFFFF380  }
0xf6: {  	[spmem:s2] =	stream.indirect.scatter.add.f32 [tilespmem:s31], [sflag:$0x7], $0x80, s7, s22, $0xb8;
	[tilespmem:$0x19C80] =	vst v63  }
0xf7: {  	_ =	swait.ge [sflag:s18], $0xC80  }
0xf8: {  	[sflag:s18] =	ssyncset.done $0x0  }
0xf9: {  	s9 =	simm.s32 $0x700;
	[sflag:s18] =	ssyncadd.s32 $0xFFFFF380  }
0xfa: {  	[tilespmem:s28], [sflag:$0x5] =	stream.indirect.gather [hbm4b:s1+s22], $0x80, s9, s22, $0xb8;
	[tilespmem:$0x19C80] =	vst v63  }
0xfb: {  	_ =	swait.ge [sflag:s29], $0xC80  }
0xfc: {  	[sflag:s29] =	ssyncset.done $0x0  }
0xfd: {  	s7 =	simm.s32 $0xE00;
	[sflag:s29] =	ssyncadd.s32 $0xFFFFF380  }
0xfe: {  	[spmem:s2] =	stream.indirect.scatter.add.f32 [tilespmem:s23], [sflag:$0x7], $0x80, s7, s22, $0xb8;
	[tilespmem:$0x19C80] =	vst v63  }
0xff: {  	_ =	swait.ge [sflag:s18], $0xC80  }
0x100: {  	[sflag:s18] =	ssyncset.done $0x0  }
0x101: {  	s9 =	simm.s32 $0x780;
	[sflag:s18] =	ssyncadd.s32 $0xFFFFF380  }
0x102: {  	[tilespmem:s31], [sflag:$0x6] =	stream.indirect.gather [hbm4b:s1+s22], $0x80, s9, s22, $0xb8;
	[tilespmem:$0x19C80] =	vst v63  }
0x103: {  	_ =	swait.ge [sflag:s0], $0xC80  }
0x104: {  	[sflag:s0] =	ssyncset.done $0x0  }
0x105: {  	s7 =	simm.s32 $0xE80;
	[sflag:s0] =	ssyncadd.s32 $0xFFFFF380  }
0x106: {  	[spmem:s2] =	stream.indirect.scatter.add.f32 [tilespmem:s25], [sflag:$0x7], $0x80, s7, s22, $0xb8;
	[tilespmem:$0x19C80] =	vst v63  }
0x107: {  	_ =	swait.ge [sflag:s18], $0xC80  }
0x108: {  	p1 =	seq.s32 s19, $0x18;
	[sflag:s18] =	ssyncset.done $0x0  }
0x109: {  	s6 =	simm.s32 @p1 $0x5;
	[sflag:s18] =	ssyncadd.s32 $0xFFFFF380  }
0x10a: {  	_ =	swait.ge @p1 [sflag:s6], $0xC80  }
0x10b: {  	s9 =	simm.s32 @p1 $0x4000;
	[sflag:s6] =	ssyncset.done @p1 $0x0  }
0x10c: {  	s7 =	simm.s32 @p1 $0xF00;
	[sflag:s6] =	ssyncadd.s32 @p1 $0xFFFFF380;
	s6 =	simm.s32 @p1 $0x19  }
0x10d: {  	[spmem:s2] =	stream.indirect.scatter.add.f32 @p1 [tilespmem:s9], [sflag:$0x7], $0x80, s7, s6, $0xb8;
	[tilespmem:$0x19C80] =	vst v63  }
0x10e: {  	s6 =	simm.s32 @p1 $0x7  }
0x10f: {  	_ =	swait.ge @p1 [sflag:s6], $0xC80  }
0x110: {  	[sflag:s6] =	ssyncset.done @p1 $0x0  }
0x111: {  	[sflag:s6] =	ssyncadd.s32 @p1 $0xFFFFF380;
	s6 =	simm.s32 @!p1 $0x2  }
0x112: {  	_ =	swait.ge @!p1 [sflag:s6], $0x800  }
0x113: {  	[sflag:s6] =	ssyncset.done @!p1 $0x0  }
0x114: {  	[sflag:s6] =	ssyncadd.s32 @!p1 $0xFFFFF800  }
0x115: {  	_ =	swait.ge @!p1 [sflag:s6], $0x800  }
0x116: {  	s7 =	simm.s32 @!p1 $0x1000;
	[sflag:s6] =	ssyncset.done @!p1 $0x0  }
0x117: {  	s9 =	simm.s32 @!p1 $0x2000;
	[sflag:s6] =	ssyncadd.s32 @!p1 $0xFFFFF800;
	s6 =	simm.s32 @!p1 $0x19  }
0x118: {  	[tilespmem:s9], [sflag:$0x3] =	stream.indirect.gather @!p1 [hbm4b:s1+s6], $0x80, s7, s6, $0xb8;
	[tilespmem:$0x19C80] =	vst v63  }
0x119: {  	s7 =	simm.s32 @!p1 $0x5  }
0x11a: {  	_ =	swait.ge @!p1 [sflag:s7], $0xC80  }
0x11b: {  	[sflag:s7] =	ssyncset.done @!p1 $0x0  }
0x11c: {  	s9 =	simm.s32 @!p1 $0x4000;
	[sflag:s7] =	ssyncadd.s32 @!p1 $0xFFFFF380;
	s7 =	simm.s32 @!p1 $0xF00  }
0x11d: {  	[spmem:s2] =	stream.indirect.scatter.add.f32 @!p1 [tilespmem:s9], [sflag:$0x7], $0x80, s7, s6, $0xb8;
	[tilespmem:$0x19C80] =	vst v63  }
0x11e: {  	s7 =	simm.s32 @!p1 $0x7  }
0x11f: {  	_ =	swait.ge @!p1 [sflag:s7], $0xC80  }
0x120: {  	[sflag:s7] =	ssyncset.done @!p1 $0x0  }
0x121: {  	s9 =	simm.s32 @!p1 $0x3000;
	[sflag:s7] =	ssyncadd.s32 @!p1 $0xFFFFF380;
	s7 =	simm.s32 @!p1 $0x1080  }
0x122: {  	[tilespmem:s9], [sflag:$0x4] =	stream.indirect.gather @!p1 [hbm4b:s1+s6], $0x80, s7, s6, $0xb8;
	[tilespmem:$0x19C80] =	vst v63  }
0x123: {  	_ =	swait.ge [sflag:s8], $0xC80  }
0x124: {  	[sflag:s8] =	ssyncset.done $0x0  }
.Ltmp6:
0x125: {  	s9 =	simm.s32 $0xF80;
	[sflag:s8] =	ssyncadd.s32 $0xFFFFF380;
	(pc) =	sbr.rel @p1 .LBB2_10-.Ltmp6, $4  }
0x126: {  	[spmem:s2] =	stream.indirect.scatter.add.f32 [tilespmem:s31], [sflag:$0x7], $0x80, s9, s22, $0xb8;
	[tilespmem:$0x19C80] =	vst v63  }
0x127: {  	_ =	swait.ge [sflag:s18], $0xC80  }
0x128: {  	[sflag:s18] =	ssyncset.done $0x0  }
0x129: {  	[sflag:s18] =	ssyncadd.s32 $0xFFFFF380  }
0x12a: {  	s6 =	simm.s32 $0x1100;
	p1 =	sgt.u32 s19, $0x16  }
0x12b: {  	[tilespmem:s28], [sflag:$0x5] =	stream.indirect.gather [hbm4b:s1+s22], $0x80, s6, s22, $0xb8;
	[tilespmem:$0x19C80] =	vst v63  }
0x12c: {  	s6 =	simm.s32 @!p1 $0x0  }
0x12d: {  	[tilespmem:s6], [sflag:$0x1] =	stream.linear.gather @!p1 [hbm4b:s30+s6], $0x800, $0x38;
	[tilespmem:$0x19C80] =	vst v63  }
0x12e: {  	s7 =	simm.s32 @!p1 $0x800  }
0x12f: {  	[tilespmem:s7], [sflag:$0x1] =	stream.linear.gather @!p1 [hbm4b:s20+s6], $0x800, $0x38;
	[tilespmem:$0x19C80] =	vst v63  }
0x130: {  	p1 =	seq.s32 s24, $0x0  }
.Ltmp7:
0x131: {  	_ = 	snop;
	(pc) =	sbr.rel @p1 .LBB2_9-.Ltmp7, $1  }
0x132: {  	_ =	sdelay $0x3  }
.LBB2_7:
0x133: {  	_ =	swait.ge [sflag:s29], $0xC80  }
0x134: {  	[sflag:s29] =	ssyncset.done $0x0  }
0x135: {  	[sflag:s29] =	ssyncadd.s32 $0xFFFFF380  }
0x136: {  	[spmem:s2] =	stream.indirect.scatter.add.f32 [tilespmem:s23], [sflag:$0x7], $0x80, s21, s22, $0xb8;
	[tilespmem:$0x19C80] =	vst v63  }
0x137: {  	_ =	swait.ge [sflag:s18], $0xC80  }
0x138: {  	[sflag:s18] =	ssyncset.done $0x0  }
0x139: {  	s6 =	simm.s32 $0x1180;
	[sflag:s18] =	ssyncadd.s32 $0xFFFFF380  }
0x13a: {  	[tilespmem:s31], [sflag:$0x6] =	stream.indirect.gather [hbm4b:s1+s22], $0x80, s6, s22, $0xb8;
	[tilespmem:$0x19C80] =	vst v63  }
0x13b: {  	_ =	swait.ge [sflag:s0], $0xC80  }
0x13c: {  	[sflag:s0] =	ssyncset.done $0x0  }
0x13d: {  	s24 =	simm.s32 $0x1880;
	[sflag:s0] =	ssyncadd.s32 $0xFFFFF380  }
0x13e: {  	[spmem:s2] =	stream.indirect.scatter.add.f32 [tilespmem:s25], [sflag:$0x7], $0x80, s24, s22, $0xb8;
	[tilespmem:$0x19C80] =	vst v63  }
0x13f: {  	_ =	swait.ge [sflag:s18], $0xC80  }
0x140: {  	[sflag:s18] =	ssyncset.done $0x0  }
0x141: {  	s7 =	simm.s32 $0x1200;
	[sflag:s18] =	ssyncadd.s32 $0xFFFFF380  }
0x142: {  	[tilespmem:s23], [sflag:$0x3] =	stream.indirect.gather [hbm4b:s1+s22], $0x80, s7, s22, $0xb8;
	[tilespmem:$0x19C80] =	vst v63  }
0x143: {  	_ =	swait.ge [sflag:s4], $0xC80  }
0x144: {  	[sflag:s4] =	ssyncset.done $0x0  }
0x145: {  	s9 =	simm.s32 $0x1900;
	[sflag:s4] =	ssyncadd.s32 $0xFFFFF380  }
0x146: {  	[spmem:s2] =	stream.indirect.scatter.add.f32 [tilespmem:s28], [sflag:$0x7], $0x80, s9, s22, $0xb8;
	[tilespmem:$0x19C80] =	vst v63  }
0x147: {  	_ =	swait.ge [sflag:s18], $0xC80  }
0x148: {  	[sflag:s18] =	ssyncset.done $0x0  }
0x149: {  	s24 =	simm.s32 $0x1280;
	[sflag:s18] =	ssyncadd.s32 $0xFFFFF380  }
0x14a: {  	[tilespmem:s25], [sflag:$0x4] =	stream.indirect.gather [hbm4b:s1+s22], $0x80, s24, s22, $0xb8;
	[tilespmem:$0x19C80] =	vst v63  }
0x14b: {  	_ =	swait.ge [sflag:s8], $0xC80  }
0x14c: {  	[sflag:s8] =	ssyncset.done $0x0  }
0x14d: {  	s7 =	simm.s32 $0x1980;
	[sflag:s8] =	ssyncadd.s32 $0xFFFFF380  }
0x14e: {  	[spmem:s2] =	stream.indirect.scatter.add.f32 [tilespmem:s31], [sflag:$0x7], $0x80, s7, s22, $0xb8;
	[tilespmem:$0x19C80] =	vst v63  }
0x14f: {  	_ =	swait.ge [sflag:s18], $0xC80  }
0x150: {  	[sflag:s18] =	ssyncset.done $0x0  }
0x151: {  	s9 =	simm.s32 $0x1300;
	[sflag:s18] =	ssyncadd.s32 $0xFFFFF380  }
0x152: {  	[tilespmem:s28], [sflag:$0x5] =	stream.indirect.gather [hbm4b:s1+s22], $0x80, s9, s22, $0xb8;
	[tilespmem:$0x19C80] =	vst v63  }
0x153: {  	_ =	swait.ge [sflag:s29], $0xC80  }
0x154: {  	[sflag:s29] =	ssyncset.done $0x0  }
0x155: {  	s24 =	simm.s32 $0x1A00;
	[sflag:s29] =	ssyncadd.s32 $0xFFFFF380  }
0x156: {  	[spmem:s2] =	stream.indirect.scatter.add.f32 [tilespmem:s23], [sflag:$0x7], $0x80, s24, s22, $0xb8;
	[tilespmem:$0x19C80] =	vst v63  }
0x157: {  	_ =	swait.ge [sflag:s18], $0xC80  }
0x158: {  	[sflag:s18] =	ssyncset.done $0x0  }
0x159: {  	s7 =	simm.s32 $0x1380;
	[sflag:s18] =	ssyncadd.s32 $0xFFFFF380  }
0x15a: {  	[tilespmem:s31], [sflag:$0x6] =	stream.indirect.gather [hbm4b:s1+s22], $0x80, s7, s22, $0xb8;
	[tilespmem:$0x19C80] =	vst v63  }
0x15b: {  	_ =	swait.ge [sflag:s0], $0xC80  }
0x15c: {  	[sflag:s0] =	ssyncset.done $0x0  }
0x15d: {  	s9 =	simm.s32 $0x1A80;
	[sflag:s0] =	ssyncadd.s32 $0xFFFFF380  }
0x15e: {  	[spmem:s2] =	stream.indirect.scatter.add.f32 [tilespmem:s25], [sflag:$0x7], $0x80, s9, s22, $0xb8;
	[tilespmem:$0x19C80] =	vst v63  }
0x15f: {  	_ =	swait.ge [sflag:s18], $0xC80  }
0x160: {  	[sflag:s18] =	ssyncset.done $0x0  }
0x161: {  	s24 =	simm.s32 $0x1400;
	[sflag:s18] =	ssyncadd.s32 $0xFFFFF380  }
0x162: {  	[tilespmem:s23], [sflag:$0x3] =	stream.indirect.gather [hbm4b:s1+s22], $0x80, s24, s22, $0xb8;
	[tilespmem:$0x19C80] =	vst v63  }
0x163: {  	_ =	swait.ge [sflag:s4], $0xC80  }
0x164: {  	[sflag:s4] =	ssyncset.done $0x0  }
0x165: {  	s7 =	simm.s32 $0x1B00;
	[sflag:s4] =	ssyncadd.s32 $0xFFFFF380  }
0x166: {  	[spmem:s2] =	stream.indirect.scatter.add.f32 [tilespmem:s28], [sflag:$0x7], $0x80, s7, s22, $0xb8;
	[tilespmem:$0x19C80] =	vst v63  }
0x167: {  	_ =	swait.ge [sflag:s18], $0xC80  }
0x168: {  	[sflag:s18] =	ssyncset.done $0x0  }
0x169: {  	s9 =	simm.s32 $0x1480;
	[sflag:s18] =	ssyncadd.s32 $0xFFFFF380  }
0x16a: {  	[tilespmem:s25], [sflag:$0x4] =	stream.indirect.gather [hbm4b:s1+s22], $0x80, s9, s22, $0xb8;
	[tilespmem:$0x19C80] =	vst v63  }
0x16b: {  	_ =	swait.ge [sflag:s8], $0xC80  }
0x16c: {  	[sflag:s8] =	ssyncset.done $0x0  }
0x16d: {  	s24 =	simm.s32 $0x1B80;
	[sflag:s8] =	ssyncadd.s32 $0xFFFFF380  }
0x16e: {  	[spmem:s2] =	stream.indirect.scatter.add.f32 [tilespmem:s31], [sflag:$0x7], $0x80, s24, s22, $0xb8;
	[tilespmem:$0x19C80] =	vst v63  }
0x16f: {  	_ =	swait.ge [sflag:s18], $0xC80  }
0x170: {  	[sflag:s18] =	ssyncset.done $0x0  }
0x171: {  	s7 =	simm.s32 $0x1500;
	[sflag:s18] =	ssyncadd.s32 $0xFFFFF380  }
0x172: {  	[tilespmem:s28], [sflag:$0x5] =	stream.indirect.gather [hbm4b:s1+s22], $0x80, s7, s22, $0xb8;
	[tilespmem:$0x19C80] =	vst v63  }
0x173: {  	_ =	swait.ge [sflag:s29], $0xC80  }
0x174: {  	[sflag:s29] =	ssyncset.done $0x0  }
0x175: {  	s9 =	simm.s32 $0x1C00;
	[sflag:s29] =	ssyncadd.s32 $0xFFFFF380  }
0x176: {  	[spmem:s2] =	stream.indirect.scatter.add.f32 [tilespmem:s23], [sflag:$0x7], $0x80, s9, s22, $0xb8;
	[tilespmem:$0x19C80] =	vst v63  }
0x177: {  	_ =	swait.ge [sflag:s18], $0xC80  }
0x178: {  	[sflag:s18] =	ssyncset.done $0x0  }
0x179: {  	s24 =	simm.s32 $0x1580;
	[sflag:s18] =	ssyncadd.s32 $0xFFFFF380  }
0x17a: {  	[tilespmem:s31], [sflag:$0x6] =	stream.indirect.gather [hbm4b:s1+s22], $0x80, s24, s22, $0xb8;
	[tilespmem:$0x19C80] =	vst v63  }
0x17b: {  	_ =	swait.ge [sflag:s0], $0xC80  }
0x17c: {  	[sflag:s0] =	ssyncset.done $0x0  }
0x17d: {  	s7 =	simm.s32 $0x1C80;
	[sflag:s0] =	ssyncadd.s32 $0xFFFFF380  }
0x17e: {  	[spmem:s2] =	stream.indirect.scatter.add.f32 [tilespmem:s25], [sflag:$0x7], $0x80, s7, s22, $0xb8;
	[tilespmem:$0x19C80] =	vst v63  }
0x17f: {  	_ =	swait.ge [sflag:s18], $0xC80  }
0x180: {  	[sflag:s18] =	ssyncset.done $0x0  }
0x181: {  	s9 =	simm.s32 $0x1600;
	[sflag:s18] =	ssyncadd.s32 $0xFFFFF380  }
0x182: {  	[tilespmem:s23], [sflag:$0x3] =	stream.indirect.gather [hbm4b:s1+s22], $0x80, s9, s22, $0xb8;
	[tilespmem:$0x19C80] =	vst v63  }
0x183: {  	_ =	swait.ge [sflag:s4], $0xC80  }
0x184: {  	[sflag:s4] =	ssyncset.done $0x0  }
0x185: {  	s24 =	simm.s32 $0x1D00;
	[sflag:s4] =	ssyncadd.s32 $0xFFFFF380  }
0x186: {  	[spmem:s2] =	stream.indirect.scatter.add.f32 [tilespmem:s28], [sflag:$0x7], $0x80, s24, s22, $0xb8;
	[tilespmem:$0x19C80] =	vst v63  }
0x187: {  	_ =	swait.ge [sflag:s18], $0xC80  }
0x188: {  	[sflag:s18] =	ssyncset.done $0x0  }
0x189: {  	[sflag:s18] =	ssyncadd.s32 $0xFFFFF380  }
0x18a: {  	[tilespmem:s25], [sflag:$0x4] =	stream.indirect.gather [hbm4b:s1+s22], $0x80, s10, s22, $0xb8;
	[tilespmem:$0x19C80] =	vst v63  }
0x18b: {  	_ =	swait.ge [sflag:s8], $0xC80  }
0x18c: {  	[sflag:s8] =	ssyncset.done $0x0  }
0x18d: {  	[sflag:s8] =	ssyncadd.s32 $0xFFFFF380  }
0x18e: {  	[spmem:s2] =	stream.indirect.scatter.add.f32 [tilespmem:s31], [sflag:$0x7], $0x80, s11, s22, $0xb8;
	[tilespmem:$0x19C80] =	vst v63  }
0x18f: {  	_ =	swait.ge [sflag:s18], $0xC80  }
0x190: {  	[sflag:s18] =	ssyncset.done $0x0  }
0x191: {  	[sflag:s18] =	ssyncadd.s32 $0xFFFFF380  }
0x192: {  	[tilespmem:s28], [sflag:$0x5] =	stream.indirect.gather [hbm4b:s1+s22], $0x80, s13, s22, $0xb8;
	[tilespmem:$0x19C80] =	vst v63  }
0x193: {  	_ =	swait.ge [sflag:s29], $0xC80  }
0x194: {  	[sflag:s29] =	ssyncset.done $0x0  }
0x195: {  	[sflag:s29] =	ssyncadd.s32 $0xFFFFF380  }
0x196: {  	[spmem:s2] =	stream.indirect.scatter.add.f32 [tilespmem:s23], [sflag:$0x7], $0x80, s14, s22, $0xb8;
	[tilespmem:$0x19C80] =	vst v63  }
0x197: {  	_ =	swait.ge [sflag:s18], $0xC80  }
0x198: {  	[sflag:s18] =	ssyncset.done $0x0  }
0x199: {  	[sflag:s18] =	ssyncadd.s32 $0xFFFFF380  }
0x19a: {  	[tilespmem:s31], [sflag:$0x6] =	stream.indirect.gather [hbm4b:s1+s22], $0x80, s15, s22, $0xb8;
	[tilespmem:$0x19C80] =	vst v63  }
0x19b: {  	_ =	swait.ge [sflag:s0], $0xC80  }
0x19c: {  	[sflag:s0] =	ssyncset.done $0x0  }
0x19d: {  	[sflag:s0] =	ssyncadd.s32 $0xFFFFF380  }
0x19e: {  	[spmem:s2] =	stream.indirect.scatter.add.f32 [tilespmem:s25], [sflag:$0x7], $0x80, s16, s22, $0xb8;
	[tilespmem:$0x19C80] =	vst v63  }
0x19f: {  	_ =	swait.ge [sflag:s18], $0xC80  }
0x1a0: {  	p1 =	seq.s32 s19, $0x18;
	[sflag:s18] =	ssyncset.done $0x0  }
0x1a1: {  	s6 =	simm.s32 @p1 $0x5;
	[sflag:s18] =	ssyncadd.s32 $0xFFFFF380  }
0x1a2: {  	_ =	swait.ge @p1 [sflag:s6], $0xC80  }
0x1a3: {  	s7 =	simm.s32 @p1 $0x1F00;
	[sflag:s6] =	ssyncset.done @p1 $0x0  }
0x1a4: {  	s9 =	simm.s32 @p1 $0x4000;
	[sflag:s6] =	ssyncadd.s32 @p1 $0xFFFFF380;
	s6 =	simm.s32 @p1 $0x19  }
0x1a5: {  	[spmem:s2] =	stream.indirect.scatter.add.f32 @p1 [tilespmem:s9], [sflag:$0x7], $0x80, s7, s6, $0xb8;
	[tilespmem:$0x19C80] =	vst v63  }
0x1a6: {  	s6 =	simm.s32 @p1 $0x7  }
0x1a7: {  	_ =	swait.ge @p1 [sflag:s6], $0xC80  }
0x1a8: {  	[sflag:s6] =	ssyncset.done @p1 $0x0  }
0x1a9: {  	[sflag:s6] =	ssyncadd.s32 @p1 $0xFFFFF380;
	s6 =	simm.s32 @!p1 $0x1  }
0x1aa: {  	_ =	swait.ge @!p1 [sflag:s6], $0x800  }
0x1ab: {  	[sflag:s6] =	ssyncset.done @!p1 $0x0  }
0x1ac: {  	[sflag:s6] =	ssyncadd.s32 @!p1 $0xFFFFF800  }
0x1ad: {  	_ =	swait.ge @!p1 [sflag:s6], $0x800  }
0x1ae: {  	s7 =	simm.s32 @!p1 $0x0;
	[sflag:s6] =	ssyncset.done @!p1 $0x0  }
0x1af: {  	s9 =	simm.s32 @!p1 $0x2000;
	[sflag:s6] =	ssyncadd.s32 @!p1 $0xFFFFF800;
	s6 =	simm.s32 @!p1 $0x19  }
0x1b0: {  	[tilespmem:s9], [sflag:$0x3] =	stream.indirect.gather @!p1 [hbm4b:s1+s6], $0x80, s7, s6, $0xb8;
	[tilespmem:$0x19C80] =	vst v63  }
0x1b1: {  	s7 =	simm.s32 @!p1 $0x5  }
0x1b2: {  	_ =	swait.ge @!p1 [sflag:s7], $0xC80  }
0x1b3: {  	[sflag:s7] =	ssyncset.done @!p1 $0x0  }
0x1b4: {  	s9 =	simm.s32 @!p1 $0x4000;
	[sflag:s7] =	ssyncadd.s32 @!p1 $0xFFFFF380;
	s7 =	simm.s32 @!p1 $0x1F00  }
0x1b5: {  	[spmem:s2] =	stream.indirect.scatter.add.f32 @!p1 [tilespmem:s9], [sflag:$0x7], $0x80, s7, s6, $0xb8;
	[tilespmem:$0x19C80] =	vst v63  }
0x1b6: {  	s7 =	simm.s32 @!p1 $0x7  }
0x1b7: {  	_ =	swait.ge @!p1 [sflag:s7], $0xC80  }
0x1b8: {  	[sflag:s7] =	ssyncset.done @!p1 $0x0  }
0x1b9: {  	s9 =	simm.s32 @!p1 $0x3000;
	[sflag:s7] =	ssyncadd.s32 @!p1 $0xFFFFF380;
	s7 =	simm.s32 @!p1 $0x80  }
0x1ba: {  	[tilespmem:s9], [sflag:$0x4] =	stream.indirect.gather @!p1 [hbm4b:s1+s6], $0x80, s7, s6, $0xb8;
	[tilespmem:$0x19C80] =	vst v63  }
0x1bb: {  	_ =	swait.ge [sflag:s8], $0xC80  }
0x1bc: {  	[sflag:s8] =	ssyncset.done $0x0  }
.Ltmp8:
0x1bd: {  	[sflag:s8] =	ssyncadd.s32 $0xFFFFF380;
	(pc) =	sbr.rel @p1 .LBB2_10-.Ltmp8, $4  }
0x1be: {  	[spmem:s2] =	stream.indirect.scatter.add.f32 [tilespmem:s31], [sflag:$0x7], $0x80, s12, s22, $0xb8;
	[tilespmem:$0x19C80] =	vst v63  }
0x1bf: {  	_ =	swait.ge [sflag:s18], $0xC80  }
0x1c0: {  	[sflag:s18] =	ssyncset.done $0x0  }
0x1c1: {  	[sflag:s18] =	ssyncadd.s32 $0xFFFFF380  }
0x1c2: {  	[tilespmem:s28], [sflag:$0x5] =	stream.indirect.gather [hbm4b:s1+s22], $0x80, s26, s22, $0xb8;
	[tilespmem:$0x19C80] =	vst v63  }
.Ltmp9:
0x1c3: {  	p1 =	sgt.u32 s19, $0x16;
	(pc) =	sbr.rel .LBB2_9-.Ltmp9, $4  }
0x1c4: {  	s6 =	simm.s32 @!p1 $0x0;
	s7 =	simm.s32 @!p1 $0x1000  }
0x1c5: {  	[tilespmem:s7], [sflag:$0x2] =	stream.linear.gather @!p1 [hbm4b:s30+s6], $0x800, $0x38;
	[tilespmem:$0x19C80] =	vst v63  }
0x1c6: {  	s7 =	simm.s32 @!p1 $0x1800  }
0x1c7: {  	[tilespmem:s7], [sflag:$0x2] =	stream.linear.gather @!p1 [hbm4b:s20+s6], $0x800, $0x38;
	[tilespmem:$0x19C80] =	vst v63  }
.LBB2_11:
0x1c8: {  	_ =	sfence.sel $0x180000  }
0x1c9: {  	[bflag:$0x0] =	sbarrier.arrive $0xFFFF  }
0x1ca: {  	_ =	strace $0x9000004D  }
0x1cb: {  	s0 =	stileid.u32;
	[bflag:$0x2] =	sbarrier.arrive $0xFFFF  }
0x1cc: {  	p0 =	sne.s32 s0, $0x0;
	s0 =	rddreg [dreg:$0x3]  }
0x1cd: {  	s0 =	sadd.s32 @!p0 $0x100000, s0  }
0x1ce: {  	[sflag:s0] =	ssyncadd.tile.s32 @!p0 $0x1;
	_ =	shalt  }
.Lfunc_end2:
_tile_overlayer_lowered:
.L_overlay_start_2:
0x1cf: {  	(tag) =	ssettag $0x2  }
0x1d0: {  	s0 =	rddreg [dreg:$0x0];
	s2 =	stileid.u32  }
0x1d1: {  	s1 =	rddreg [dreg:$0x1];
	p0 =	sne.s32 s2, $0x0  }
0x1d2: {  	s3 =	rddreg [dreg:$0x2];
	[bflag:$0x3] =	sbarrier.arrive $0xFFFF;
	s2 =	simm.s32 @!p0 $0x1C07  }
0x1d3: {  	[timem:s3], [sflag:s2] =	dma.local @!p0 [hbm:s0], s1  }
0x1d4: {  	s0 =	simm.s32 @!p0 $0x7  }
0x1d5: {  	_ =	swait.ge @!p0 [sflag:s0], s1  }
0x1d6: {  	s1 =	ssub.s32 @!p0 $0x0, s1;
	[sflag:s0] =	ssyncset.done @!p0 $0x0  }
0x1d7: {  	[sflag:s0] =	ssyncadd.s32 @!p0 s1  }
0x1d8: {  	[bflag:$0x3] =	sbarrier.arrive $0xFFFF  }
0x1d9: {  	_ =	shalt  }

// kernel: kernel.8.cloned.1.call-start
scs
__scs_entry_jumppad:
0x0: {  	(pc) =	sbr.rel $0x88, $3  }
0x1: {  	(tag) =	ssettag $0x0;
	lr =	simm.s32 $0x1  }
0x2: {  	[smem:$0x3F92] =	sst lr;
	_ =	strace $0xD0000000  }
0x3: {  	_ = 	snop  }
0x4: {  	_ = 	snop  }
0x5: {  	_ = 	snop  }
0x6: {  	_ = 	snop  }
0x7: {  	_ = 	snop  }
__scs_overlays_trampoline_lowered:
0x8: {  	[smem:$0x3FA1] =	sst s0  }
0x9: {  	[smem:$0x3FA2] =	sst s1  }
0xa: {  	[smem:$0x3FA3] =	sst s2  }
0xb: {  	[smem:$0x3FA4] =	sst s3  }
0xc: {  	[smem:$0x3FA5] =	sst s4  }
0xd: {  	[smem:$0x3FA6] =	sst s5  }
0xe: {  	[smem:$0x3FA7] =	sst s6  }
0xf: {  	[smem:$0x3FA8] =	sst s7  }
0x10: {  	[smem:$0x3FA9] =	sst s8  }
0x11: {  	[smem:$0x3FAA] =	sst s9;
	s0 =	simm.s32 @!p0 $0x0  }
0x12: {  	s1 =	sld [smem:$0x3F90];
	s0 =	simm.s32 @p0 $0x1  }
0x13: {  	[smem:$0x3FAB] =	sst s0;
	s0 =	simm.s32 @!p1 $0x0  }
0x14: {  	s2 =	sld [smem:$0x3F8F];
	s0 =	simm.s32 @p1 $0x1  }
0x15: {  	[smem:$0x3FAC] =	sst s0;
	s0 =	simm.s32 @!p2 $0x0  }
0x16: {  	s3 =	sld [smem:$0x3FDB];
	s0 =	simm.s32 @p2 $0x1  }
0x17: {  	s4 =	simm.s32 $0x1BF5;
	[smem:$0x3FAE] =	sst s0  }
0x18: {  	s0 =	sld [smem:$0x3F91];
	_ =	swait.ge [sflag:s4], $0x0  }
0x19: {  	s7 =	sld [smem:$0x3F92]  }
0x1a: {  	s8 =	sadd.s32 $0xFFFFE003, lr  }
0x1b: {  	s9 =	sadd.s32 $0xFFFFFEF7, lr;
	s5 =	simm.s32 $0xFFFFFFFF;
	p2 =	slt.u32 s8, $0xFFFFF086  }
0x1c: {  	p1 =	slt.u32 s9, $0xF7A;
	s5 =	simm.s32 @!p2 $0x0  }
0x1d: {  	s5 =	simm.s32 @p1 $0x1;
	p0 =	seq.s32 s7, s2  }
0x1e: {  	s7 =	smul.u32 @!p0 $0xF7A, s2;
	p2 =	seq.s32 @!p0 s5, $0x0  }
0x1f: {  	s9 =	smul.u32 $0xF7A, s1;
	s8 =	simm.s32 @!p0 $0x1BF5;
	p2 =	por !p2, p0  }
0x20: {  	[sflag:s8] =	ssyncset.s32 @!p0 $0xFFFFF086;
	s6 =	sadd.s32 @!p0 s3, s7;
	s7 =	simm.s32 @!p0 $0x108  }
0x21: {  	s3 =	sadd.s32 s3, s9;
	s6 =	sadd.s32 @!p0 $0x88, s6;
	s7 =	simm.s32 @p2 $0x1082  }
0x22: {  	[simem:s7], [sflag:s8] =	dma.local @!p0 [hbm:s6], $0xF7A  }
0x23: {  	s9 =	sor.u32 $0xD0000000, s2;
	s6 =	simm.s32 $0x108;
	_ =	swait.ge @!p0 [sflag:s8], $0x0  }
0x24: {  	s3 =	sadd.s32 $0x88, s3;
	s6 =	simm.s32 @!p1 $0x1082;
	[sflag:s4] =	ssyncset.s32 $0xFFFFF086  }
0x25: {  	[simem:s6], [sflag:s4] =	dma.local [hbm:s3], $0xF7A  }
0x26: {  	[smem:$0x3F92] =	sst s1;
	(tag) =	ssettag s2;
	_ =	strace s9  }
0x27: {  	s1 =	sld [smem:$0x3FA2]  }
0x28: {  	s2 =	sld [smem:$0x3FA3]  }
0x29: {  	s4 =	sld [smem:$0x3FA5]  }
0x2a: {  	p0 =	seq.s32 s5, $0x0;
	s5 =	sld [smem:$0x3FA6]  }
0x2b: {  	s6 =	sld [smem:$0x3FA7]  }
0x2c: {  	s7 =	sld [smem:$0x3FA8]  }
0x2d: {  	s3 =	simm.s32 $0x108;
	s8 =	sld [smem:$0x3FA9]  }
0x2e: {  	s3 =	simm.s32 @!p0 $0x1082;
	s9 =	sld [smem:$0x3FAA]  }
0x2f: {  	lr =	sadd.s32 s0, s3;
	s0 =	sld [smem:$0x3FA1]  }
0x30: {  	s3 =	sld [smem:$0x3FA4]  }
0x31: {  	[smem:$0x3FAD] =	sst s10  }
0x32: {  	s10 =	sld [smem:$0x3FAB];
	_ =	sdelay $0x3  }
0x33: {  	p0 =	seq.s32 s10, $0x1;
	s10 =	sld [smem:$0x3FAD];
	_ =	sdelay $0x3  }
0x34: {  	[smem:$0x3FAD] =	sst s10  }
0x35: {  	s10 =	sld [smem:$0x3FAC];
	_ =	sdelay $0x3  }
0x36: {  	p1 =	seq.s32 s10, $0x1;
	s10 =	sld [smem:$0x3FAD];
	_ =	sdelay $0x3  }
0x37: {  	[smem:$0x3FAD] =	sst s10  }
0x38: {  	s10 =	sld [smem:$0x3FAE]  }
0x39: {  	_ = 	snop;
	(pc) =	sbr.ind lr, $3  }
0x3a: {  	_ = 	snop  }
0x3b: {  	_ = 	snop  }
0x3c: {  	p2 =	seq.s32 s10, $0x1;
	s10 =	sld [smem:$0x3FAD]  }
0x3d: {  	_ =	shalt  }
0x3e: {  	_ =	shalt  }
0x3f: {  	_ =	shalt  }
0x40: {  	_ =	shalt  }
0x41: {  	_ =	shalt  }
0x42: {  	_ =	shalt  }
0x43: {  	_ =	shalt  }
0x44: {  	_ =	shalt  }
0x45: {  	_ =	shalt  }
0x46: {  	_ =	shalt  }
0x47: {  	_ =	shalt  }
0x48: {  	_ =	shalt  }
0x49: {  	_ =	shalt  }
0x4a: {  	_ =	shalt  }
0x4b: {  	_ =	shalt  }
0x4c: {  	_ =	shalt  }
0x4d: {  	_ =	shalt  }
0x4e: {  	_ =	shalt  }
0x4f: {  	_ =	shalt  }
0x50: {  	_ =	shalt  }
0x51: {  	_ =	shalt  }
0x52: {  	_ =	shalt  }
0x53: {  	_ =	shalt  }
0x54: {  	_ =	shalt  }
0x55: {  	_ =	shalt  }
0x56: {  	_ =	shalt  }
0x57: {  	_ =	shalt  }
0x58: {  	_ =	shalt  }
0x59: {  	_ =	shalt  }
0x5a: {  	_ =	shalt  }
0x5b: {  	_ =	shalt  }
0x5c: {  	_ =	shalt  }
0x5d: {  	_ =	shalt  }
0x5e: {  	_ =	shalt  }
0x5f: {  	_ =	shalt  }
0x60: {  	_ =	shalt  }
0x61: {  	_ =	shalt  }
0x62: {  	_ =	shalt  }
0x63: {  	_ =	shalt  }
0x64: {  	_ =	shalt  }
0x65: {  	_ =	shalt  }
0x66: {  	_ =	shalt  }
0x67: {  	_ =	shalt  }
0x68: {  	_ =	shalt  }
0x69: {  	_ =	shalt  }
0x6a: {  	_ =	shalt  }
0x6b: {  	_ =	shalt  }
0x6c: {  	_ =	shalt  }
0x6d: {  	_ =	shalt  }
0x6e: {  	_ =	shalt  }
0x6f: {  	_ =	shalt  }
0x70: {  	_ =	shalt  }
0x71: {  	_ =	shalt  }
0x72: {  	_ =	shalt  }
0x73: {  	_ =	shalt  }
0x74: {  	_ =	shalt  }
0x75: {  	_ =	shalt  }
0x76: {  	_ =	shalt  }
0x77: {  	_ =	shalt  }
0x78: {  	_ =	shalt  }
0x79: {  	_ =	shalt  }
0x7a: {  	_ =	shalt  }
0x7b: {  	_ =	shalt  }
0x7c: {  	_ =	shalt  }
0x7d: {  	_ =	shalt  }
0x7e: {  	_ =	shalt  }
0x7f: {  	_ =	shalt  }
0x80: {  	_ =	shalt  }
0x81: {  	_ =	shalt  }
0x82: {  	_ =	shalt  }
0x83: {  	_ =	shalt  }
0x84: {  	_ =	shalt  }
0x85: {  	_ =	shalt  }
0x86: {  	_ =	shalt  }
0x87: {  	_ =	shalt  }
.Lfunc_end0:
.L_simem_size_0:
called_computation_lowered:
.L_overlay_start_0:
0x88: {  	s2 =	sld [smem:$0x3FD9]  }
0x89: {  	s3 =	sld [smem:$0x3FFE];
	_ =	sdelay $0x1  }
0x8a: {  	s1 =	srdreg.scid  }
0x8b: {  	s0 =	sand.u32 $0x1, s1  }
0x8c: {  	s16 =	sshll.u32 s0, $0xA;
	s2 =	sadd.s32 s3, s2  }
0x8d: {  	s2 =	sadd.s32 s2, s16  }
0x8e: {  	[smem:$0x3FB9] =	sst s2  }
0x8f: {  	_ = 	snop  }
0x90: {  	(tm) =	ssettm $0x1  }
0x91: {  	s17 =	sld [smem:$0x3FFB];
	_ =	sdelay $0x3  }
0x92: {  	_ =	strace s17  }
0x93: {  	s2 =	sld [smem:$0x3FFC];
	_ =	sdelay $0x3  }
0x94: {  	_ =	strace s2  }
0x95: {  	s2 =	sld [smem:$0x3FFD];
	_ =	sdelay $0x3  }
0x96: {  	_ =	strace s2  }
0x97: {  	_ =	strace $0x8FFFFFFF  }
0x98: {  	s18 =	sld [smem:$0x3FDB];
	_ =	sdelay $0x1  }
0x99: {  	s19 =	simm.s32 $_scs_section_size  }
0x9a: {  	s4 =	simm.s32 $_size__tile_overlayer_lowered;
	s5 =	simm.s32 $_tile_overlayer_lowered  }
0x9b: {  	s22 =	simm.s32 $0x1BFF;
	s21 =	sshll.u32 s5, $0x1;
	s2 =	sadd.s32 s19, s18  }
0x9c: {  	s6 =	simm.s32 $0x0;
	s20 =	sshll.u32 s4, $0x1;
	s4 =	sadd.s32 s21, s2  }
0x9d: {  	[timem:s6], [sflag:s22] =	dma.local [hbm:s4], s20  }
0x9e: {  	_ =	swait.ge [sflag:s22], s20  }
0x9f: {  	s3 =	ssub.s32 $0x0, s20;
	[sflag:s22] =	ssyncset.done $0x0  }
0xa0: {  	[sflag:s22] =	ssyncadd.s32 s3;
	_ =	sdelay $0x1  }
0xa1: {  	s23 =	simm.s32 $0x1B8B  }
0xa2: {  	_ =	swait.ge [sflag:s23], $0x1  }
0xa3: {  	[sflag:s23] =	ssyncset.done $0x0  }
0xa4: {  	s25 =	simm.s32 $0x1B8E;
	s24 =	sld [smem:$0x3FFE];
	[sflag:s23] =	ssyncadd.s32 $0xFFFFFFFF  }
0xa5: {  	s26 =	simm.s32 $execute0_lowered;
	[smem:$0x3FD2] =	sst s25  }
0xa6: {  	s4 =	sshll.u32 s26, $0x1;
	_ =	strace $0x80000046;
	[dreg:$0x1] =	wrdreg $0xFFFFFFFF  }
0xa7: {  	s28 =	simm.s32 $_size_execute0_lowered;
	s2 =	sadd.s32 s2, s4;
	[dreg:$0x0] =	wrdreg $0x0  }
0xa8: {  	s4 =	sshll.u32 s28, $0x1;
	[dreg:$0x2] =	wrdreg s2  }
0xa9: {  	[dreg:$0x3] =	wrdreg s4  }
0xaa: {  	[dreg:$0x4] =	wrdreg $0xC0  }
0xab: {  	_ =	task [dreg:s6], $0x5FFFF  }
0xac: {  	[dreg:$0x1] =	wrdreg $0xFFFFFFFF  }
0xad: {  	[dreg:$0x0] =	wrdreg $0x60  }
0xae: {  	[dreg:$0x2] =	wrdreg s24  }
0xaf: {  	[dreg:$0x3] =	wrdreg $0x9  }
0xb0: {  	_ =	task.clear_ibuf [dreg:s6], $0x4FFFF;
	_ =	strace $0x90000046  }
0xb1: {  	s29 =	simm.s32 $0x9;
	_ =	strace $0x80000048  }
0xb2: {  	_ =	swait.ge [sflag:s29], $0x1  }
0xb3: {  	[sflag:s29] =	ssyncadd.s32 $0xFFFFFFFF  }
0xb4: {  	_ =	strace $0x90000048  }
0xb5: {  	_ =	sfence  }
0xb6: {  	s30 =	sld [smem:$0x0];
	_ =	sdelay $0x2  }
0xb7: {  	s31 =	sshll.u32 s1, $0xD;
	s1 =	sshrl.u32 s1, $0x2  }
0xb8: {  	s3 =	sand.u32 $0x4000, s31;
	s1 =	sadd.s32 s1, s30  }
0xb9: {  	s0 =	sor.u32 s3, s0;
	s1 =	sshll.u32 s1, $0x11  }
0xba: {  	s0 =	sor.u32 s1, s0  }
0xbb: {  	s0 =	sadd.s32 $0x8F2B, s0  }
0xbc: {  	[sflag:s0] =	ssyncadd.remote.s32 $0x1  }
0xbd: {  	_ =	sfence.sel $0xFFFF  }
0xbe: {  	[dreg:$0x0] =	wrdreg $0xFFFFFFFF;
	(pc) =	sbr.abs _section_cstart, $3  }
0xbf: {  	[dreg:$0x1] =	wrdreg $0xFFFFFFFF  }
0xc0: {  	_ =	task.clear_ibuf [dreg:s6], $0x2FFFF;
	_ =	strace $0x9FFFFFFF  }
0xc1: {  	(tm) =	ssettm $0x7FFFFFFF  }
tec
execute0_lowered:
.L_overlay_start_1:
0x0: {  	(tag) =	ssettag $0x1  }
0x1: {  	s0 =	srdreg.scid;
	s4 =	rddreg [dreg:$0x0];
	s9 =	simm.s32 $0x400  }
0x2: {  	s10 =	simm.s32 $0x0;
	s3 =	sand.u32 $0x1, s0;
	s0 =	stileid.u32  }
0x3: {  	s1 =	sshll.u32 s3, $0x4;
	s5 =	smul.u32 $0x27100, s3;
	s7 =	sshll.u32 s0, $0x7  }
0x4: {  	s8 =	smul.u32 $0x2710, s0;
	s3 =	ssub.s32 $0x2, s3;
	s2 =	sor.u32 s0, s1  }
0x5: {  	s1 =	rddreg [dreg:$0x1];
	s7 =	sand.u32 $0x380, s7;
	s6 =	sshrl.u32 s2, $0x3  }
0x6: {  	s31 =	sshrl.u32 s3, $0x1;
	s2 =	simm.s32 $0x0;
	s6 =	smul.u32 $0x13C00, s6  }
0x7: {  	s5 =	sadd.s32 s8, s5;
	s8 =	simm.s32 $0x80;
	[smem:$0x7FF] =	sst s2  }
0x8: {  	s5 =	sshrl.u32 s5, $0x3;
	_ =	strace $0x80000047;
	s6 =	sor.u32 s7, s6  }
0x9: {  	s5 =	sadd.s32 s5, s4;
	s7 =	ssub.s32 s3, s31;
	s6 =	sshrl.u32 s6, $0x3  }
0xa: {  	s5 =	sadd.s32 $0x3E00, s5;
	s6 =	sadd.s32 s6, s4;
	s4 =	smax.u32 s7, $0x1  }
0xb: {  	v0 =	vimm.f32 $0.0e+00;
	v1 =	vimm.f32 $1.000000000e+00;
	s7 =	simm.s32 $0x200;
	s3 =	sadd.s32 $0xDC00, s6;
	s6 =	simm.s32 $0x1  }
.LBB2_1:
0xc: {  	s11 =	simm.s32 $0x0  }
.LBB2_2:
0xd: {  	p0 =	sne.s32 s11, $0x9C00  }
.Ltmp0:
0xe: {  	_ = 	snop;
	(pc) =	sbr.rel @p0 .LBB2_2-.Ltmp0, $3  }
0xf: {  	_ =	sdelay $0x1  }
0x10: {  	s12 =	sshra.s32 s11, $0x2  }
0x11: {  	s11 =	sadd.s32 $0x40, s11;
	[tilespmem:s12+$0x200] =	vst v0  }
0x12: {  	s11 =	simm.s32 $0x0  }
.LBB2_4:
0x13: {  	s12 =	sadd.s32 s11, s5  }
0x14: {  	[tilespmem:s2], [sflag:$0x1] =	stream.linear.gather [hbm4b:s12+s2], $0x190, $0x38;
	[tilespmem:$0x2980] =	vst v63  }
0x15: {  	_ =	swait.ge [sflag:s6], $0x190  }
0x16: {  	[sflag:s6] =	ssyncset.done $0x0  }
0x17: {  	[sflag:s6] =	ssyncadd.s32 $0xFFFFFE70  }
0x18: {  	v2 =	vld [tilespmem:$0x0];
	_ =	sdelay $0x7  }
0x19: {  	[tilespmem:v2+s7+$0x0] =	vst.idx.add.f32.msk $0xffff, v1  }
0x1a: {  	v2 =	vld [tilespmem:$0x10];
	_ =	sdelay $0x7  }
0x1b: {  	[tilespmem:v2+s7+$0x0] =	vst.idx.add.f32.msk $0xffff, v1  }
0x1c: {  	v2 =	vld [tilespmem:$0x20];
	_ =	sdelay $0x7  }
0x1d: {  	[tilespmem:v2+s7+$0x0] =	vst.idx.add.f32.msk $0xffff, v1  }
0x1e: {  	v2 =	vld [tilespmem:$0x30];
	_ =	sdelay $0x7  }
0x1f: {  	[tilespmem:v2+s7+$0x0] =	vst.idx.add.f32.msk $0xffff, v1  }
0x20: {  	v2 =	vld [tilespmem:$0x40];
	_ =	sdelay $0x7  }
0x21: {  	[tilespmem:v2+s7+$0x0] =	vst.idx.add.f32.msk $0xffff, v1  }
0x22: {  	v2 =	vld [tilespmem:$0x50];
	_ =	sdelay $0x7  }
0x23: {  	[tilespmem:v2+s7+$0x0] =	vst.idx.add.f32.msk $0xffff, v1  }
0x24: {  	v2 =	vld [tilespmem:$0x60];
	_ =	sdelay $0x7  }
0x25: {  	[tilespmem:v2+s7+$0x0] =	vst.idx.add.f32.msk $0xffff, v1  }
0x26: {  	v2 =	vld [tilespmem:$0x70];
	_ =	sdelay $0x7  }
0x27: {  	[tilespmem:v2+s7+$0x0] =	vst.idx.add.f32.msk $0xffff, v1  }
0x28: {  	v2 =	vld [tilespmem:$0x80];
	_ =	sdelay $0x7  }
0x29: {  	[tilespmem:v2+s7+$0x0] =	vst.idx.add.f32.msk $0xffff, v1  }
0x2a: {  	v2 =	vld [tilespmem:$0x90];
	_ =	sdelay $0x7  }
0x2b: {  	[tilespmem:v2+s7+$0x0] =	vst.idx.add.f32.msk $0xffff, v1  }
0x2c: {  	v2 =	vld [tilespmem:$0xA0];
	_ =	sdelay $0x7  }
0x2d: {  	[tilespmem:v2+s7+$0x0] =	vst.idx.add.f32.msk $0xffff, v1  }
0x2e: {  	v2 =	vld [tilespmem:$0xB0];
	_ =	sdelay $0x7  }
0x2f: {  	[tilespmem:v2+s7+$0x0] =	vst.idx.add.f32.msk $0xffff, v1  }
0x30: {  	v2 =	vld [tilespmem:$0xC0];
	_ =	sdelay $0x7  }
0x31: {  	[tilespmem:v2+s7+$0x0] =	vst.idx.add.f32.msk $0xffff, v1  }
0x32: {  	v2 =	vld [tilespmem:$0xD0];
	_ =	sdelay $0x7  }
0x33: {  	[tilespmem:v2+s7+$0x0] =	vst.idx.add.f32.msk $0xffff, v1  }
0x34: {  	v2 =	vld [tilespmem:$0xE0];
	_ =	sdelay $0x7  }
0x35: {  	[tilespmem:v2+s7+$0x0] =	vst.idx.add.f32.msk $0xffff, v1  }
0x36: {  	v2 =	vld [tilespmem:$0xF0];
	_ =	sdelay $0x7  }
0x37: {  	[tilespmem:v2+s7+$0x0] =	vst.idx.add.f32.msk $0xffff, v1  }
0x38: {  	v2 =	vld [tilespmem:$0x100];
	_ =	sdelay $0x7  }
0x39: {  	[tilespmem:v2+s7+$0x0] =	vst.idx.add.f32.msk $0xffff, v1  }
0x3a: {  	v2 =	vld [tilespmem:$0x110];
	_ =	sdelay $0x7  }
0x3b: {  	[tilespmem:v2+s7+$0x0] =	vst.idx.add.f32.msk $0xffff, v1  }
0x3c: {  	v2 =	vld [tilespmem:$0x120];
	_ =	sdelay $0x7  }
0x3d: {  	[tilespmem:v2+s7+$0x0] =	vst.idx.add.f32.msk $0xffff, v1  }
0x3e: {  	v2 =	vld [tilespmem:$0x130];
	_ =	sdelay $0x7  }
0x3f: {  	[tilespmem:v2+s7+$0x0] =	vst.idx.add.f32.msk $0xffff, v1  }
0x40: {  	v2 =	vld [tilespmem:$0x140];
	_ =	sdelay $0x7  }
0x41: {  	[tilespmem:v2+s7+$0x0] =	vst.idx.add.f32.msk $0xffff, v1  }
0x42: {  	v2 =	vld [tilespmem:$0x150];
	_ =	sdelay $0x7  }
0x43: {  	[tilespmem:v2+s7+$0x0] =	vst.idx.add.f32.msk $0xffff, v1  }
0x44: {  	v2 =	vld [tilespmem:$0x160];
	_ =	sdelay $0x7  }
0x45: {  	[tilespmem:v2+s7+$0x0] =	vst.idx.add.f32.msk $0xffff, v1  }
0x46: {  	v2 =	vld [tilespmem:$0x170];
	_ =	sdelay $0x7  }
0x47: {  	[tilespmem:v2+s7+$0x0] =	vst.idx.add.f32.msk $0xffff, v1  }
0x48: {  	v2 =	vld [tilespmem:$0x180];
	_ =	sdelay $0x2  }
0x49: {  	p0 =	sne.s32 s11, $0x4B0  }
.Ltmp1:
0x4a: {  	_ = 	snop;
	(pc) =	sbr.rel @p0 .LBB2_4-.Ltmp1, $2  }
0x4b: {  	_ =	sdelay $0x2  }
0x4c: {  	s11 =	sadd.s32 $0x32, s11;
	[tilespmem:v2+s7+$0x0] =	vst.idx.add.f32.msk $0xffff, v1  }
0x4d: {  	s10 =	sadd.s32 $0x1, s10  }
0x4e: {  	p0 =	sne.s32 s10, s4  }
.Ltmp2:
0x4f: {  	_ = 	snop;
	(pc) =	sbr.rel @p0 .LBB2_1-.Ltmp2, $4  }
0x50: {  	[hbm4b:s3+s8] =	stream.strided.scatter [tilespmem:s7], [sflag:$0x1], $0x2780, s9, s8, $0x38;
	[tilespmem:$0x2980] =	vst v63  }
0x51: {  	_ =	swait.ge [sflag:s6], $0x2780  }
0x52: {  	[sflag:s6] =	ssyncset.done $0x0  }
0x53: {  	[sflag:s6] =	ssyncadd.s32 $0xFFFFD880  }
0x54: {  	_ =	sfence.sel $0x180000  }
0x55: {  	[bflag:$0x0] =	sbarrier.arrive $0xFFFF  }
0x56: {  	p0 =	sne.s32 s0, $0x0;
	_ =	strace $0x90000047  }
0x57: {  	s0 =	sadd.s32 @!p0 $0x100000, s1;
	[bflag:$0x2] =	sbarrier.arrive $0xFFFF  }
0x58: {  	[sflag:s0] =	ssyncadd.tile.s32 @!p0 $0x1;
	_ =	shalt  }
.Lfunc_end2:
_tile_overlayer_lowered:
.L_overlay_start_2:
0x59: {  	(tag) =	ssettag $0x2  }
0x5a: {  	s0 =	rddreg [dreg:$0x0];
	s2 =	stileid.u32  }
0x5b: {  	s1 =	rddreg [dreg:$0x1];
	p0 =	sne.s32 s2, $0x0  }
0x5c: {  	s3 =	rddreg [dreg:$0x2];
	[bflag:$0x3] =	sbarrier.arrive $0xFFFF;
	s2 =	simm.s32 @!p0 $0x1C01  }
0x5d: {  	[timem:s3], [sflag:s2] =	dma.local @!p0 [hbm:s0], s1  }
0x5e: {  	s0 =	simm.s32 @!p0 $0x1  }
0x5f: {  	_ =	swait.ge @!p0 [sflag:s0], s1  }
0x60: {  	s1 =	ssub.s32 @!p0 $0x0, s1;
	[sflag:s0] =	ssyncset.done @!p0 $0x0  }
0x61: {  	[sflag:s0] =	ssyncadd.s32 @!p0 s1  }
0x62: {  	[bflag:$0x3] =	sbarrier.arrive $0xFFFF  }
0x63: {  	_ =	shalt  }

</sc_bundles>
